<compile_context>
chip_gen: v7x
topology: tpu7x:2x2x1
jax: 0.10.2.dev20260603
libtpu: 0.0.44.dev20260713+nightly
codegen_flags: <defaults>
</compile_context>

<pallas_src>
import math

import jax
import jax.numpy as jnp
from jax import lax
from jax.experimental import pallas as pl
from jax.experimental.pallas import tpu as pltpu
from jax.experimental.pallas import tpu_sc as plsc

NUM_INPUT = 2048
NUM_HIDDEN = 32768
NUM_OUTPUT = 512
N = NUM_INPUT + NUM_HIDDEN + NUM_OUTPUT
FAN_OUT = 32
TAU = 20.0
THRESHOLD = 0.3
HID_START = NUM_INPUT
OUT_START = NUM_INPUT + NUM_HIDDEN
CHK = N - HID_START
OUT_CHK = OUT_START - HID_START
MAX_STEPS = 20
L = 16
NSH = 16
SHARD = CHK // NSH
SH_VECS = SHARD // L
ECH = 32
NSTR = ECH * FAN_OUT // 128
IN_PER = NUM_INPUT // NSH

_INV_DECAY = float(math.exp(1.0 / TAU))


def _snn_body(spk_hbm, tgt_hbm, w_hbm, times_hbm, pots_hbm,
              shard_p, fired_f, front_v, spk_v, idx_v, idx1_v,
              trows_v, trows1_v, wrows_v, wrows1_v,
              eidx_v, eval_v, eidx1_v, eval1_v,
              times_v, cnt_v, counts_all,
              p_sh, counts_sh, sem_g, sem_gw, sem_g1, sem_g1w, sem_s, sem_s1, sem_p, sem_c):
    cid = lax.axis_index("c")
    sid = lax.axis_index("s")

    @pl.when(cid == 0)
    def _():
        my_base = sid * SHARD

        def init_body(i, _):
            sl = pl.ds(i * L, L)
            shard_p[sl] = jnp.zeros((L,), jnp.float32)
            fired_f[sl] = jnp.zeros((L,), jnp.int32)
            front_v[sl] = jnp.zeros((L,), jnp.int32)
            return 0
        lax.fori_loop(0, SH_VECS, init_body, 0)

        def tinit_body(i, _):
            times_v[pl.ds(i * L, L)] = jnp.full((L,), -1, jnp.int32)
            return 0
        lax.fori_loop(0, NUM_OUTPUT // L, tinit_body, 0)

        pltpu.sync_copy(shard_p, p_sh.at[pl.ds(my_base, SHARD)])

        pltpu.sync_copy(spk_hbm.at[pl.ds(sid * IN_PER, IN_PER)], spk_v)

        def in_body(i, off):
            m = spk_v[pl.ds(i * L, L)] > 0
            ids = jax.lax.iota(jnp.int32, L) + (sid * IN_PER + i * L)
            mi = jnp.where(m, jnp.int32(1), jnp.int32(0))
            cs = plsc.cumsum(mi)
            plsc.store_scatter(front_v, [off + cs - 1], ids, mask=m)
            return off + cs[L - 1]
        cnt0 = lax.fori_loop(0, IN_PER // L, in_body, jnp.int32(0))

        def publish_count(my_cnt):
            cnt_v[pl.ds(0, L)] = jnp.full((L,), my_cnt, jnp.int32)
            return pltpu.async_copy(cnt_v, counts_sh.at[sid], sem_c)

        def read_total():
            pltpu.sync_copy(counts_sh, counts_all)
            tot = jnp.zeros((L,), jnp.int32)
            for j in range(NSH):
                tot = tot + counts_all[j, pl.ds(0, L)]
            return tot[0]

        publish_count(cnt0).wait()
        plsc.subcore_barrier()
        tot0 = read_total()

        def step_cond(carry):
            t, my_cnt, total, g = carry
            return (t < MAX_STEPS) & (total > 0)

        def step_body(carry):
            t, my_cnt, total, g = carry
            amp = jnp.where(t == 0, jnp.float32(2.0) * g, g)
            thr = jnp.float32(THRESHOLD) * g

            def fill_idx(idx_ref, base):
                b = jnp.minimum(base, jnp.maximum(my_cnt - 1, 0))
                b = jnp.minimum(b, jnp.int32(SHARD - ECH))

                def cp_body(j, _):
                    idx_ref[pl.ds(j * L, L)] = front_v[pl.ds(b + j * L, L)]
                    return 0
                lax.fori_loop(0, ECH // L, cp_body, 0)

            def stage_fire(trows_ref, wrows_ref, base, eidx, evals, sem):
                nrows = jnp.maximum(
                    jnp.minimum(jnp.int32(ECH), my_cnt - base), jnp.int32(0))
                rup = ((nrows + 3) // 4) * 4

                def row_body(r, _):
                    valid = r < nrows
                    j = r // 4
                    col = (r % 4) * (2 * L)
                    for h in range(FAN_OUT // L):
                        tv = trows_ref[r, pl.ds(h * L, L)] - HID_START
                        wv = wrows_ref[r, pl.ds(h * L, L)] * amp
                        tv = jnp.where(valid, tv, jnp.int32(0))
                        wv = jnp.where(valid, wv, jnp.float32(0.0))
                        eidx[j, pl.ds(col + h * L, L)] = tv
                        evals[j, pl.ds(col + h * L, L)] = wv
                    return 0
                lax.fori_loop(0, rup, row_body, 0)

                for j in range(NSTR):
                    @pl.when(j * 4 < rup)
                    def _(j=j):
                        pltpu.async_copy(
                            evals.at[j], p_sh.at[eidx.at[j]], sem, add=True)
                return rup

            def drain(eidx, evals, sem, rup):
                for j in range(NSTR):
                    @pl.when(j * 4 < rup)
                    def _(j=j):
                        pltpu.make_async_copy(
                            evals.at[j], p_sh.at[eidx.at[j]], sem).wait()

            nchunks = (my_cnt + (ECH - 1)) // ECH
            nhalf = (nchunks + 1) // 2

            @pl.when(my_cnt > 0)
            def _():
                fill_idx(idx_v, jnp.int32(0))
                pltpu.async_copy(tgt_hbm.at[idx_v], trows_v, sem_g)
                pltpu.async_copy(w_hbm.at[idx_v], wrows_v, sem_gw)

            def pair_body(k, carry):
                rup0p, rup1p = carry
                b0 = (2 * k) * ECH
                b1 = b0 + ECH
                b2 = b1 + ECH
                pltpu.make_async_copy(tgt_hbm.at[idx_v], trows_v, sem_g).wait()
                pltpu.make_async_copy(w_hbm.at[idx_v], wrows_v, sem_gw).wait()

                @pl.when(b1 < my_cnt)
                def _():
                    fill_idx(idx1_v, b1)
                    pltpu.async_copy(tgt_hbm.at[idx1_v], trows1_v, sem_g1)
                    pltpu.async_copy(w_hbm.at[idx1_v], wrows1_v, sem_g1w)
                drain(eidx_v, eval_v, sem_s, rup0p)
                rup0 = stage_fire(trows_v, wrows_v, b0, eidx_v, eval_v, sem_s)

                @pl.when(b2 < my_cnt)
                def _():
                    fill_idx(idx_v, b2)
                    pltpu.async_copy(tgt_hbm.at[idx_v], trows_v, sem_g)
                    pltpu.async_copy(w_hbm.at[idx_v], wrows_v, sem_gw)

                @pl.when(b1 < my_cnt)
                def _():
                    pltpu.make_async_copy(
                        tgt_hbm.at[idx1_v], trows1_v, sem_g1).wait()
                    pltpu.make_async_copy(
                        w_hbm.at[idx1_v], wrows1_v, sem_g1w).wait()
                drain(eidx1_v, eval1_v, sem_s1, rup1p)
                rup1 = stage_fire(trows1_v, wrows1_v, b1,
                                  eidx1_v, eval1_v, sem_s1)
                return rup0, rup1
            rup0f, rup1f = lax.fori_loop(
                0, nhalf, pair_body, (jnp.int32(0), jnp.int32(0)))
            drain(eidx_v, eval_v, sem_s, rup0f)
            drain(eidx1_v, eval1_v, sem_s1, rup1f)
            plsc.subcore_barrier()

            pltpu.sync_copy(p_sh.at[pl.ds(my_base, SHARD)], shard_p)

            UNR = 2

            def sw_body(i2, off):
                for u in range(UNR):
                    i = i2 * UNR + u
                    co = my_base + i * L
                    sl = pl.ds(i * L, L)
                    v = shard_p[sl]
                    f = fired_f[sl]
                    m = (v >= thr) & (f == 0)
                    mi = jnp.where(m, jnp.int32(1), jnp.int32(0))
                    fired_f[sl] = f | mi
                    keep = m & (co < OUT_CHK)
                    shard_p[sl] = jnp.where(keep, jnp.float32(0.0), v)

                    @pl.when(co >= OUT_CHK)
                    def _():
                        osl = pl.ds(co - OUT_CHK, L)
                        times_v[osl] = jnp.where(m, t, times_v[osl])

                    ids = jax.lax.iota(jnp.int32, L) + (co + HID_START)
                    cs = plsc.cumsum(mi)
                    plsc.store_scatter(front_v, [off + cs - 1], ids, mask=m)
                    off = off + cs[L - 1]
                return off
            my_new = lax.fori_loop(0, SH_VECS // UNR, sw_body, jnp.int32(0))

            wb = pltpu.async_copy(
                shard_p, p_sh.at[pl.ds(my_base, SHARD)], sem_p)
            pc = publish_count(my_new)
            wb.wait()
            pc.wait()
            plsc.subcore_barrier()
            new_total = read_total()
            return t + 1, my_new, new_total, g * jnp.float32(_INV_DECAY)

        lax.while_loop(step_cond, step_body,
                       (jnp.int32(0), cnt0, tot0, jnp.float32(1.0)))

        @pl.when(sid == NSH - 1)
        def _():
            pltpu.sync_copy(times_v, times_hbm)
            pltpu.sync_copy(
                shard_p.at[pl.ds(OUT_CHK - (NSH - 1) * SHARD, NUM_OUTPUT)],
                pots_hbm)


_snn = pl.kernel(
    _snn_body,
    out_type=(jax.ShapeDtypeStruct((NUM_OUTPUT,), jnp.int32),
              jax.ShapeDtypeStruct((NUM_OUTPUT,), jnp.float32)),
    mesh=plsc.VectorSubcoreMesh(core_axis_name="c", subcore_axis_name="s"),
    compiler_params=pltpu.CompilerParams(needs_layout_passes=False, use_tc_tiling_on_sc=False),
    scratch_types=[
        pltpu.VMEM((SHARD,), jnp.float32),
        pltpu.VMEM((SHARD,), jnp.int32),
        pltpu.VMEM((SHARD,), jnp.int32),
        pltpu.VMEM((IN_PER,), jnp.int32),
        pltpu.VMEM((ECH,), jnp.int32),
        pltpu.VMEM((ECH,), jnp.int32),
        pltpu.VMEM((ECH, FAN_OUT), jnp.int32),
        pltpu.VMEM((ECH, FAN_OUT), jnp.int32),
        pltpu.VMEM((ECH, FAN_OUT), jnp.float32),
        pltpu.VMEM((ECH, FAN_OUT), jnp.float32),
        pltpu.VMEM((NSTR, 128), jnp.int32),
        pltpu.VMEM((NSTR, 128), jnp.float32),
        pltpu.VMEM((NSTR, 128), jnp.int32),
        pltpu.VMEM((NSTR, 128), jnp.float32),
        pltpu.VMEM((NUM_OUTPUT,), jnp.int32),
        pltpu.VMEM((L,), jnp.int32),
        pltpu.VMEM((NSH, L), jnp.int32),
        pltpu.VMEM_SHARED((CHK,), jnp.float32),
        pltpu.VMEM_SHARED((NSH, L), jnp.int32),
        pltpu.SemaphoreType.DMA,
        pltpu.SemaphoreType.DMA,
        pltpu.SemaphoreType.DMA,
        pltpu.SemaphoreType.DMA,
        pltpu.SemaphoreType.DMA,
        pltpu.SemaphoreType.DMA,
        pltpu.SemaphoreType.DMA,
        pltpu.SemaphoreType.DMA,
    ],
)


def kernel(input_spikes, max_timesteps, weights, targets):
    spk = input_spikes.astype(jnp.int32)
    times, pots_scaled = _snn(spk, targets, weights)
    decay_base = jnp.exp(jnp.array(-1.0 / TAU, dtype=jnp.float32))
    scale = decay_base ** jnp.asarray(max_timesteps, jnp.float32)
    return times, pots_scaled * scale

# --- scband reference (transcript-rebuilt; emitter-appended) ---
"""Pipeline reference for scband-lazy-graph-snn-54589034332195 (READ-ONLY COPY).

The authoritative reference and input builder live on the scoring server;
editing this copy changes nothing except your own understanding.
"""

import jax, jax.numpy as jnp
import numpy as np

NUM_INPUT = 2048
NUM_HIDDEN = 32768
NUM_OUTPUT = 512
N = NUM_INPUT + NUM_HIDDEN + NUM_OUTPUT
FAN_OUT = 32
TAU = 20.0
THRESHOLD = 0.3
SCALE = 25.0
HID_START = NUM_INPUT
HID_END = NUM_INPUT + NUM_HIDDEN
OUT_START = HID_END
OUT_END = N

@jax.custom_vjp
def surrogate_spike(v):
    return (v >= THRESHOLD).astype(jnp.float32)

def _ss_fwd(v):
    return (v >= THRESHOLD).astype(jnp.float32), v

def _ss_bwd(v, g):
    x = SCALE * (v - THRESHOLD)
    s = jax.nn.sigmoid(x)
    return (g * SCALE * s * (1.0 - s),)

surrogate_spike.defvjp(_ss_fwd, _ss_bwd)

def setup_inputs(seed: int = 0):
    key = jax.random.key(seed)
    k1, k2, k3, k4, k5 = jax.random.split(key, 5)
    weights = jax.random.normal(k1, (N, FAN_OUT), dtype=jnp.float32) * 0.3
    t_in = jax.random.randint(k2, (NUM_INPUT, FAN_OUT), HID_START, HID_END)
    r = jax.random.randint(k3, (NUM_HIDDEN, FAN_OUT), HID_START, OUT_END - 1)
    src = jnp.arange(HID_START, HID_END)[:, None]
    t_hid = r + (r >= src).astype(r.dtype)
    t_out = jax.random.randint(k4, (NUM_OUTPUT, FAN_OUT), HID_START, HID_END)
    targets = jnp.concatenate([t_in, t_hid, t_out], axis=0).astype(jnp.int32)
    input_spikes = jax.random.randint(k5, (NUM_INPUT,), 0, 2).astype(bool)
    return {"input_spikes": input_spikes, "max_timesteps": 20, "weights": weights, "targets": targets}

def reference(input_spikes, max_timesteps, weights, targets):
    decay_base = jnp.exp(jnp.array(-1.0 / TAU, dtype=jnp.float32))
    hidden_mask = (jnp.arange(N) < OUT_START).astype(jnp.float32)
    potentials = jnp.zeros(N, jnp.float32)
    last_update = jnp.zeros(N, jnp.int32)
    has_fired = jnp.zeros(N, bool).at[:NUM_INPUT].set(input_spikes)
    output_spike_times = jnp.full((NUM_OUTPUT,), -1, jnp.int32)
    current_spikes = jnp.zeros(N, jnp.float32).at[:NUM_INPUT].set(input_spikes.astype(jnp.float32) * 2.0)
    flat_targets = targets.reshape(-1)
    MAX_TIMESTEPS = 20
    def body(t, carry):
        potentials, last_update, has_fired, output_spike_times, current_spikes = carry
        spiking_mask = current_spikes > 0.1
        contributions = jnp.where(spiking_mask, current_spikes, 0.0)[:, None] * weights
        flat_contribs = contributions.reshape(-1)
        flat_mask = jnp.repeat(spiking_mask, FAN_OUT)
        is_target = (jnp.zeros(N, jnp.int32).at[flat_targets].max(flat_mask.astype(jnp.int32))) > 0
        dt = t - last_update
        decay = decay_base ** dt.astype(jnp.float32)
        potentials = jnp.where(is_target, potentials * decay, potentials)
        last_update = jnp.where(is_target, t, last_update)
        potentials = potentials.at[flat_targets].add(jnp.where(flat_mask, flat_contribs, 0.0))
        can_spike = (~has_fired).astype(jnp.float32)
        spike_probs = surrogate_spike(potentials) * can_spike
        new_fired = spike_probs > 0.5
        has_fired = has_fired | new_fired
        out_fired = new_fired[OUT_START:]
        output_spike_times = jnp.where(out_fired & (output_spike_times < 0), t, output_spike_times)
        reset_mask = spike_probs * hidden_mask
        potentials = potentials * (1.0 - reset_mask)
        current_spikes = spike_probs
        return (potentials, last_update, has_fired, output_spike_times, current_spikes)
    carry = (potentials, last_update, has_fired, output_spike_times, current_spikes)
    carry = jax.lax.fori_loop(0, MAX_TIMESTEPS, body, carry)
    potentials, last_update, has_fired, output_spike_times, current_spikes = carry
    final_dt = max_timesteps - last_update
    potentials = potentials * decay_base ** final_dt.astype(jnp.float32)
    output_potentials = potentials[OUT_START:]
    return output_spike_times, output_potentials

if __name__ == "__main__":
    import jax
    _d = setup_inputs()
    print(jax.jit(kernel)(*tuple(_d.values())))

</pallas_src>

<mosaic_0001>
#map = affine_map<(d0, d1) -> (0)>
#map1 = affine_map<(d0, d1) -> (0, 0)>
module attributes {stable_mosaic.version = 14 : i64} {
  func.func @_snn_body(%arg0: i32, %arg1: i32, %arg2: memref<2048xi32, #tpu.memory_space<hbm>>, %arg3: memref<35328x32xi32, #tpu.memory_space<hbm>>, %arg4: memref<35328x32xf32, #tpu.memory_space<hbm>>, %arg5: memref<512xi32, #tpu.memory_space<hbm>>, %arg6: memref<512xf32, #tpu.memory_space<hbm>>, %arg7: memref<2080xf32, #tpu.memory_space<vmem>>, %arg8: memref<2080xi32, #tpu.memory_space<vmem>>, %arg9: memref<2080xi32, #tpu.memory_space<vmem>>, %arg10: memref<128xi32, #tpu.memory_space<vmem>>, %arg11: memref<32xi32, #tpu.memory_space<vmem>>, %arg12: memref<32xi32, #tpu.memory_space<vmem>>, %arg13: memref<32x32xi32, #tpu.memory_space<vmem>>, %arg14: memref<32x32xi32, #tpu.memory_space<vmem>>, %arg15: memref<32x32xf32, #tpu.memory_space<vmem>>, %arg16: memref<32x32xf32, #tpu.memory_space<vmem>>, %arg17: memref<8x128xi32, #tpu.memory_space<vmem>>, %arg18: memref<8x128xf32, #tpu.memory_space<vmem>>, %arg19: memref<8x128xi32, #tpu.memory_space<vmem>>, %arg20: memref<8x128xf32, #tpu.memory_space<vmem>>, %arg21: memref<512xi32, #tpu.memory_space<vmem>>, %arg22: memref<16xi32, #tpu.memory_space<vmem>>, %arg23: memref<16x16xi32, #tpu.memory_space<vmem>>, %arg24: memref<33280xf32, #tpu.memory_space<vmem_shared>>, %arg25: memref<16x16xi32, #tpu.memory_space<vmem_shared>>, %arg26: memref<!tpu.dma_semaphore, #tpu.memory_space<semaphore_mem>>, %arg27: memref<!tpu.dma_semaphore, #tpu.memory_space<semaphore_mem>>, %arg28: memref<!tpu.dma_semaphore, #tpu.memory_space<semaphore_mem>>, %arg29: memref<!tpu.dma_semaphore, #tpu.memory_space<semaphore_mem>>, %arg30: memref<!tpu.dma_semaphore, #tpu.memory_space<semaphore_mem>>, %arg31: memref<!tpu.dma_semaphore, #tpu.memory_space<semaphore_mem>>, %arg32: memref<!tpu.dma_semaphore, #tpu.memory_space<semaphore_mem>>, %arg33: memref<!tpu.dma_semaphore, #tpu.memory_space<semaphore_mem>>) attributes {dimension_semantics = [#tpu.dimension_semantics<core_parallel>, #tpu.dimension_semantics<subcore_parallel>], iteration_bounds = array<i64: 2, 16>, scalar_prefetch = 0 : i64, scratch_operands = 27 : i64, tpu.core_type = #tpu.core_type<sc_vector_subcore>, window_params = [{transform_indices = #map}, {transform_indices = #map1}, {transform_indices = #map1}, {transform_indices = #map}, {transform_indices = #map}]} {
    %eq3A = arith.constant 0 : i32
    %eq3A_0 = arith.cmpi eq, %arg0, %eq3A : i32
    %convert_element_type3A = arith.extui %eq3A_0 : i1 to i32
    %cond3A = arith.constant 0 : i32
    %cond3A_1 = arith.cmpi ne, %convert_element_type3A, %cond3A : i32
    scf.if %cond3A_1 {
      %mul3A = arith.constant 2080 : i32
      %mul3A_2 = arith.muli %arg1, %mul3A : i32
      %scan3A = arith.constant 0 : i32
      %scan3A_3 = arith.constant 0 : i32
      %scan3A_4 = arith.constant 130 : i32
      %scan3A_5 = arith.addi %scan3A_3, %scan3A_4 : i32
      %scan3A_6 = arith.constant 1 : i32
      %scan3A_7 = scf.for %scan3A_123 = %scan3A_3 to %scan3A_5 step %scan3A_6 iter_args(%scan3A_124 = %scan3A) -> (i32)  : i32 {
        %mul3A_125 = arith.constant 16 : i32
        %mul3A_126 = arith.muli %scan3A_123, %mul3A_125 : i32
        %broadcast_in_dim3A_127 = arith.constant 0.000000e+00 : f32
        %broadcast_in_dim3A_128 = vector.broadcast %broadcast_in_dim3A_127 : f32 to vector<16xf32>
        %swap3A_129 = arith.index_cast %mul3A_126 : i32 to index
        %swap3A_130 = tpu.vector_load %arg7[%swap3A_129] {strides = array<i32>} : memref<2080xf32, #tpu.memory_space<vmem>>, vector<16xf32>,
        tpu.vector_store %arg7[%swap3A_129], %broadcast_in_dim3A_128 {strides = array<i32>} : memref<2080xf32, #tpu.memory_space<vmem>>, vector<16xf32>,
        %broadcast_in_dim3A_131 = arith.constant 0 : i32
        %broadcast_in_dim3A_132 = vector.broadcast %broadcast_in_dim3A_131 : i32 to vector<16xi32>
        %swap3A_133 = arith.index_cast %mul3A_126 : i32 to index
        %swap3A_134 = tpu.vector_load %arg8[%swap3A_133] {strides = array<i32>} : memref<2080xi32, #tpu.memory_space<vmem>>, vector<16xi32>,
        tpu.vector_store %arg8[%swap3A_133], %broadcast_in_dim3A_132 {strides = array<i32>} : memref<2080xi32, #tpu.memory_space<vmem>>, vector<16xi32>,
        %broadcast_in_dim3A_135 = arith.constant 0 : i32
        %broadcast_in_dim3A_136 = vector.broadcast %broadcast_in_dim3A_135 : i32 to vector<16xi32>
        %swap3A_137 = arith.index_cast %mul3A_126 : i32 to index
        %swap3A_138 = tpu.vector_load %arg9[%swap3A_137] {strides = array<i32>} : memref<2080xi32, #tpu.memory_space<vmem>>, vector<16xi32>,
        tpu.vector_store %arg9[%swap3A_137], %broadcast_in_dim3A_136 {strides = array<i32>} : memref<2080xi32, #tpu.memory_space<vmem>>, vector<16xi32>,
        %scan3A_139 = arith.constant 0 : i32
        scf.yield %scan3A_139 : i32
      }
      %scan3A_8 = arith.constant 130 : i32
      %scan3A_9 = arith.constant 0 : i32
      %scan3A_10 = arith.constant 0 : i32
      %scan3A_11 = arith.constant 32 : i32
      %scan3A_12 = arith.addi %scan3A_10, %scan3A_11 : i32
      %scan3A_13 = arith.constant 1 : i32
      %scan3A_14 = scf.for %scan3A_123 = %scan3A_10 to %scan3A_12 step %scan3A_13 iter_args(%scan3A_124 = %scan3A_9) -> (i32)  : i32 {
        %broadcast_in_dim3A_125 = arith.constant -1 : i32
        %broadcast_in_dim3A_126 = vector.broadcast %broadcast_in_dim3A_125 : i32 to vector<16xi32>
        %mul3A_127 = arith.constant 16 : i32
        %mul3A_128 = arith.muli %scan3A_123, %mul3A_127 : i32
        %swap3A_129 = arith.index_cast %mul3A_128 : i32 to index
        %swap3A_130 = tpu.vector_load %arg21[%swap3A_129] {strides = array<i32>} : memref<512xi32, #tpu.memory_space<vmem>>, vector<16xi32>,
        tpu.vector_store %arg21[%swap3A_129], %broadcast_in_dim3A_126 {strides = array<i32>} : memref<512xi32, #tpu.memory_space<vmem>>, vector<16xi32>,
        %scan3A_131 = arith.constant 0 : i32
        scf.yield %scan3A_131 : i32
      }
      %scan3A_15 = arith.constant 32 : i32
      "tpu.region"() ({
        %run_scoped3A = tpu.sem_alloc : memref<!tpu.dma_semaphore, #tpu.memory_space<semaphore_mem>>
        %dma_start3A_123 = tpu.memref_slice %arg24[%mul3A_2] : memref<33280xf32, #tpu.memory_space<vmem_shared>> -> memref<2080xf32, #tpu.memory_space<vmem_shared>>
        %dma_start3A_124 = tpu.memref_slice %arg24[%mul3A_2] : memref<33280xf32, #tpu.memory_space<vmem_shared>> -> memref<2080xf32, #tpu.memory_space<vmem_shared>>
        tpu.enqueue_dma source(%arg7 : memref<2080xf32, #tpu.memory_space<vmem>>) target(%dma_start3A_124 : memref<2080xf32, #tpu.memory_space<vmem_shared>>) target_semaphore(%run_scoped3A : memref<!tpu.dma_semaphore, #tpu.memory_space<semaphore_mem>>)
        %dma_wait3A_125 = tpu.memref_slice %arg24[%mul3A_2] : memref<33280xf32, #tpu.memory_space<vmem_shared>> -> memref<2080xf32, #tpu.memory_space<vmem_shared>>
        %dma_wait3A_126 = tpu.memref_slice %arg24[%mul3A_2] : memref<33280xf32, #tpu.memory_space<vmem_shared>> -> memref<2080xf32, #tpu.memory_space<vmem_shared>>
        tpu.wait_dma2 semaphore(%run_scoped3A : memref<!tpu.dma_semaphore, #tpu.memory_space<semaphore_mem>>) src(%arg7 : memref<2080xf32, #tpu.memory_space<vmem>>) dst(%dma_wait3A_126 : memref<2080xf32, #tpu.memory_space<vmem_shared>>)
        tpu.yield
      }) : () -> ()
      %mul3A_16 = arith.constant 128 : i32
      %mul3A_17 = arith.muli %arg1, %mul3A_16 : i32
      "tpu.region"() ({
        %run_scoped3A = tpu.sem_alloc : memref<!tpu.dma_semaphore, #tpu.memory_space<semaphore_mem>>
        %dma_start3A_123 = tpu.memref_slice %arg2[%mul3A_17] : memref<2048xi32, #tpu.memory_space<hbm>> -> memref<128xi32, #tpu.memory_space<hbm>>
        %dma_start3A_124 = tpu.memref_slice %arg2[%mul3A_17] : memref<2048xi32, #tpu.memory_space<hbm>> -> memref<128xi32, #tpu.memory_space<hbm>>
        tpu.enqueue_dma source(%dma_start3A_124 : memref<128xi32, #tpu.memory_space<hbm>>) target(%arg10 : memref<128xi32, #tpu.memory_space<vmem>>) target_semaphore(%run_scoped3A : memref<!tpu.dma_semaphore, #tpu.memory_space<semaphore_mem>>)
        %dma_wait3A_125 = tpu.memref_slice %arg2[%mul3A_17] : memref<2048xi32, #tpu.memory_space<hbm>> -> memref<128xi32, #tpu.memory_space<hbm>>
        %dma_wait3A_126 = tpu.memref_slice %arg2[%mul3A_17] : memref<2048xi32, #tpu.memory_space<hbm>> -> memref<128xi32, #tpu.memory_space<hbm>>
        tpu.wait_dma2 semaphore(%run_scoped3A : memref<!tpu.dma_semaphore, #tpu.memory_space<semaphore_mem>>) src(%dma_wait3A_126 : memref<128xi32, #tpu.memory_space<hbm>>) dst(%arg10 : memref<128xi32, #tpu.memory_space<vmem>>)
        tpu.yield
      }) : () -> ()
      %scan3A_18 = arith.constant 0 : i32
      %scan3A_19 = arith.constant 0 : i32
      %scan3A_20 = arith.constant 8 : i32
      %scan3A_21 = arith.addi %scan3A_19, %scan3A_20 : i32
      %scan3A_22 = arith.constant 1 : i32
      %scan3A_23 = scf.for %scan3A_123 = %scan3A_19 to %scan3A_21 step %scan3A_22 iter_args(%scan3A_124 = %scan3A_18) -> (i32)  : i32 {
        %mul3A_125 = arith.constant 16 : i32
        %mul3A_126 = arith.muli %scan3A_123, %mul3A_125 : i32
        %get3A_127 = arith.index_cast %mul3A_126 : i32 to index
        %get3A_128 = tpu.vector_load %arg10[%get3A_127] {strides = array<i32>} : memref<128xi32, #tpu.memory_space<vmem>>, vector<16xi32>,
        %gt3A = arith.constant 0 : i32
        %gt3A_129 = vector.broadcast %gt3A : i32 to vector<16xi32>
        %gt3A_130 = arith.cmpi sgt, %get3A_128, %gt3A_129 : vector<16xi32>
        %iota3A = tpu.iota {dimensions = array<i32: 0>} : vector<16xi32>
        %mul3A_131 = arith.constant 128 : i32
        %mul3A_132 = arith.muli %arg1, %mul3A_131 : i32
        %mul3A_133 = arith.constant 16 : i32
        %mul3A_134 = arith.muli %scan3A_123, %mul3A_133 : i32
        %add3A_135 = arith.addi %mul3A_132, %mul3A_134 : i32
        %add3A_136 = vector.broadcast %add3A_135 : i32 to vector<16xi32>
        %add3A_137 = arith.addi %iota3A, %add3A_136 : vector<16xi32>
        %jit3A = arith.constant 1 : i32
        %jit3A_138 = arith.constant 0 : i32
        %broadcast_in_dim3A_139 = vector.broadcast %jit3A : i32 to vector<16xi32>
        %broadcast_in_dim3A_140 = vector.broadcast %jit3A_138 : i32 to vector<16xi32>
        %select_n3A = arith.select %gt3A_130, %broadcast_in_dim3A_139, %broadcast_in_dim3A_140 : vector<16xi1>, vector<16xi32>
        %broadcast_in_dim3A_141 = arith.constant true
        %broadcast_in_dim3A_142 = vector.broadcast %broadcast_in_dim3A_141 : i1 to vector<16xi1>
        %masked_cumsum3A = tpu.scan <sum>, %select_n3A masked %broadcast_in_dim3A_142 : vector<16xi32>, vector<16xi1> -> vector<16xi32>
        %add3A_143 = vector.broadcast %scan3A_124 : i32 to vector<16xi32>
        %add3A_144 = arith.addi %add3A_143, %masked_cumsum3A : vector<16xi32>
        %sub3A = arith.constant 1 : i32
        %sub3A_145 = vector.broadcast %sub3A : i32 to vector<16xi32>
        %sub3A_146 = arith.subi %add3A_144, %sub3A_145 : vector<16xi32>
        tpu.vector_store_idx %arg9[%sub3A_146], %add3A_137 masked %gt3A_130 : memref<2080xi32, #tpu.memory_space<vmem>>[vector<16xi32>], vector<16xi32>, vector<16xi1>
        %slice3A_147 = vector.extract_strided_slice %masked_cumsum3A {offsets = [15], sizes = [1], strides = [1]} : vector<16xi32> to vector<1xi32>
        %squeeze3A_148 = vector.extract %slice3A_147[0] : i32 from vector<1xi32>
        %add3A_149 = arith.addi %scan3A_124, %squeeze3A_148 : i32
        scf.yield %add3A_149 : i32
      }
      %scan3A_24 = arith.constant 8 : i32
      %broadcast_in_dim3A = vector.broadcast %scan3A_23 : i32 to vector<16xi32>
      %swap3A = arith.constant 0 : index
      %swap3A_25 = tpu.vector_load %arg22[%swap3A] {strides = array<i32>} : memref<16xi32, #tpu.memory_space<vmem>>, vector<16xi32>,
      tpu.vector_store %arg22[%swap3A], %broadcast_in_dim3A {strides = array<i32>} : memref<16xi32, #tpu.memory_space<vmem>>, vector<16xi32>,
      %dma_start3A = arith.constant 0 : i32
      %dma_start3A_26 = tpu.memref_slice %arg25[%arg1, %dma_start3A] : memref<16x16xi32, #tpu.memory_space<vmem_shared>> -> memref<1x16xi32, #tpu.memory_space<vmem_shared>>
      %dma_start3A_27 = tpu.memref_squeeze %dma_start3A_26 : memref<1x16xi32, #tpu.memory_space<vmem_shared>> -> memref<16xi32, #tpu.memory_space<vmem_shared>>
      %dma_start3A_28 = arith.constant 0 : i32
      %dma_start3A_29 = tpu.memref_slice %arg25[%arg1, %dma_start3A_28] : memref<16x16xi32, #tpu.memory_space<vmem_shared>> -> memref<1x16xi32, #tpu.memory_space<vmem_shared>>
      %dma_start3A_30 = tpu.memref_squeeze %dma_start3A_29 : memref<1x16xi32, #tpu.memory_space<vmem_shared>> -> memref<16xi32, #tpu.memory_space<vmem_shared>>
      tpu.enqueue_dma source(%arg22 : memref<16xi32, #tpu.memory_space<vmem>>) target(%dma_start3A_30 : memref<16xi32, #tpu.memory_space<vmem_shared>>) target_semaphore(%arg33 : memref<!tpu.dma_semaphore, #tpu.memory_space<semaphore_mem>>)
      %dma_wait3A = arith.constant 0 : i32
      %dma_wait3A_31 = tpu.memref_slice %arg25[%arg1, %dma_wait3A] : memref<16x16xi32, #tpu.memory_space<vmem_shared>> -> memref<1x16xi32, #tpu.memory_space<vmem_shared>>
      %dma_wait3A_32 = tpu.memref_squeeze %dma_wait3A_31 : memref<1x16xi32, #tpu.memory_space<vmem_shared>> -> memref<16xi32, #tpu.memory_space<vmem_shared>>
      %dma_wait3A_33 = arith.constant 0 : i32
      %dma_wait3A_34 = tpu.memref_slice %arg25[%arg1, %dma_wait3A_33] : memref<16x16xi32, #tpu.memory_space<vmem_shared>> -> memref<1x16xi32, #tpu.memory_space<vmem_shared>>
      %dma_wait3A_35 = tpu.memref_squeeze %dma_wait3A_34 : memref<1x16xi32, #tpu.memory_space<vmem_shared>> -> memref<16xi32, #tpu.memory_space<vmem_shared>>
      tpu.wait_dma2 semaphore(%arg33 : memref<!tpu.dma_semaphore, #tpu.memory_space<semaphore_mem>>) src(%arg22 : memref<16xi32, #tpu.memory_space<vmem>>) dst(%dma_wait3A_35 : memref<16xi32, #tpu.memory_space<vmem_shared>>)
      %barrier3A = arith.constant 0 : index
      tpu.barrier barrier_id(%barrier3A)
      "tpu.region"() ({
        %run_scoped3A = tpu.sem_alloc : memref<!tpu.dma_semaphore, #tpu.memory_space<semaphore_mem>>
        tpu.enqueue_dma source(%arg25 : memref<16x16xi32, #tpu.memory_space<vmem_shared>>) target(%arg23 : memref<16x16xi32, #tpu.memory_space<vmem>>) target_semaphore(%run_scoped3A : memref<!tpu.dma_semaphore, #tpu.memory_space<semaphore_mem>>)
        tpu.wait_dma2 semaphore(%run_scoped3A : memref<!tpu.dma_semaphore, #tpu.memory_space<semaphore_mem>>) src(%arg25 : memref<16x16xi32, #tpu.memory_space<vmem_shared>>) dst(%arg23 : memref<16x16xi32, #tpu.memory_space<vmem>>)
        tpu.yield
      }) : () -> ()
      %broadcast_in_dim3A_36 = arith.constant 0 : i32
      %broadcast_in_dim3A_37 = vector.broadcast %broadcast_in_dim3A_36 : i32 to vector<16xi32>
      %get3A = arith.constant 0 : i32
      %get3A_38 = arith.index_cast %get3A : i32 to index
      %get3A_39 = arith.constant 0 : index
      %get3A_40 = tpu.vector_load %arg23[%get3A_38, %get3A_39] {strides = array<i32>} : memref<16x16xi32, #tpu.memory_space<vmem>>, vector<16xi32>,
      %add3A = arith.addi %broadcast_in_dim3A_37, %get3A_40 : vector<16xi32>
      %get3A_41 = arith.constant 1 : i32
      %get3A_42 = arith.index_cast %get3A_41 : i32 to index
      %get3A_43 = arith.constant 0 : index
      %get3A_44 = tpu.vector_load %arg23[%get3A_42, %get3A_43] {strides = array<i32>} : memref<16x16xi32, #tpu.memory_space<vmem>>, vector<16xi32>,
      %add3A_45 = arith.addi %add3A, %get3A_44 : vector<16xi32>
      %get3A_46 = arith.constant 2 : i32
      %get3A_47 = arith.index_cast %get3A_46 : i32 to index
      %get3A_48 = arith.constant 0 : index
      %get3A_49 = tpu.vector_load %arg23[%get3A_47, %get3A_48] {strides = array<i32>} : memref<16x16xi32, #tpu.memory_space<vmem>>, vector<16xi32>,
      %add3A_50 = arith.addi %add3A_45, %get3A_49 : vector<16xi32>
      %get3A_51 = arith.constant 3 : i32
      %get3A_52 = arith.index_cast %get3A_51 : i32 to index
      %get3A_53 = arith.constant 0 : index
      %get3A_54 = tpu.vector_load %arg23[%get3A_52, %get3A_53] {strides = array<i32>} : memref<16x16xi32, #tpu.memory_space<vmem>>, vector<16xi32>,
      %add3A_55 = arith.addi %add3A_50, %get3A_54 : vector<16xi32>
      %get3A_56 = arith.constant 4 : i32
      %get3A_57 = arith.index_cast %get3A_56 : i32 to index
      %get3A_58 = arith.constant 0 : index
      %get3A_59 = tpu.vector_load %arg23[%get3A_57, %get3A_58] {strides = array<i32>} : memref<16x16xi32, #tpu.memory_space<vmem>>, vector<16xi32>,
      %add3A_60 = arith.addi %add3A_55, %get3A_59 : vector<16xi32>
      %get3A_61 = arith.constant 5 : i32
      %get3A_62 = arith.index_cast %get3A_61 : i32 to index
      %get3A_63 = arith.constant 0 : index
      %get3A_64 = tpu.vector_load %arg23[%get3A_62, %get3A_63] {strides = array<i32>} : memref<16x16xi32, #tpu.memory_space<vmem>>, vector<16xi32>,
      %add3A_65 = arith.addi %add3A_60, %get3A_64 : vector<16xi32>
      %get3A_66 = arith.constant 6 : i32
      %get3A_67 = arith.index_cast %get3A_66 : i32 to index
      %get3A_68 = arith.constant 0 : index
      %get3A_69 = tpu.vector_load %arg23[%get3A_67, %get3A_68] {strides = array<i32>} : memref<16x16xi32, #tpu.memory_space<vmem>>, vector<16xi32>,
      %add3A_70 = arith.addi %add3A_65, %get3A_69 : vector<16xi32>
      %get3A_71 = arith.constant 7 : i32
      %get3A_72 = arith.index_cast %get3A_71 : i32 to index
      %get3A_73 = arith.constant 0 : index
      %get3A_74 = tpu.vector_load %arg23[%get3A_72, %get3A_73] {strides = array<i32>} : memref<16x16xi32, #tpu.memory_space<vmem>>, vector<16xi32>,
      %add3A_75 = arith.addi %add3A_70, %get3A_74 : vector<16xi32>
      %get3A_76 = arith.constant 8 : i32
      %get3A_77 = arith.index_cast %get3A_76 : i32 to index
      %get3A_78 = arith.constant 0 : index
      %get3A_79 = tpu.vector_load %arg23[%get3A_77, %get3A_78] {strides = array<i32>} : memref<16x16xi32, #tpu.memory_space<vmem>>, vector<16xi32>,
      %add3A_80 = arith.addi %add3A_75, %get3A_79 : vector<16xi32>
      %get3A_81 = arith.constant 9 : i32
      %get3A_82 = arith.index_cast %get3A_81 : i32 to index
      %get3A_83 = arith.constant 0 : index
      %get3A_84 = tpu.vector_load %arg23[%get3A_82, %get3A_83] {strides = array<i32>} : memref<16x16xi32, #tpu.memory_space<vmem>>, vector<16xi32>,
      %add3A_85 = arith.addi %add3A_80, %get3A_84 : vector<16xi32>
      %get3A_86 = arith.constant 10 : i32
      %get3A_87 = arith.index_cast %get3A_86 : i32 to index
      %get3A_88 = arith.constant 0 : index
      %get3A_89 = tpu.vector_load %arg23[%get3A_87, %get3A_88] {strides = array<i32>} : memref<16x16xi32, #tpu.memory_space<vmem>>, vector<16xi32>,
      %add3A_90 = arith.addi %add3A_85, %get3A_89 : vector<16xi32>
      %get3A_91 = arith.constant 11 : i32
      %get3A_92 = arith.index_cast %get3A_91 : i32 to index
      %get3A_93 = arith.constant 0 : index
      %get3A_94 = tpu.vector_load %arg23[%get3A_92, %get3A_93] {strides = array<i32>} : memref<16x16xi32, #tpu.memory_space<vmem>>, vector<16xi32>,
      %add3A_95 = arith.addi %add3A_90, %get3A_94 : vector<16xi32>
      %get3A_96 = arith.constant 12 : i32
      %get3A_97 = arith.index_cast %get3A_96 : i32 to index
      %get3A_98 = arith.constant 0 : index
      %get3A_99 = tpu.vector_load %arg23[%get3A_97, %get3A_98] {strides = array<i32>} : memref<16x16xi32, #tpu.memory_space<vmem>>, vector<16xi32>,
      %add3A_100 = arith.addi %add3A_95, %get3A_99 : vector<16xi32>
      %get3A_101 = arith.constant 13 : i32
      %get3A_102 = arith.index_cast %get3A_101 : i32 to index
      %get3A_103 = arith.constant 0 : index
      %get3A_104 = tpu.vector_load %arg23[%get3A_102, %get3A_103] {strides = array<i32>} : memref<16x16xi32, #tpu.memory_space<vmem>>, vector<16xi32>,
      %add3A_105 = arith.addi %add3A_100, %get3A_104 : vector<16xi32>
      %get3A_106 = arith.constant 14 : i32
      %get3A_107 = arith.index_cast %get3A_106 : i32 to index
      %get3A_108 = arith.constant 0 : index
      %get3A_109 = tpu.vector_load %arg23[%get3A_107, %get3A_108] {strides = array<i32>} : memref<16x16xi32, #tpu.memory_space<vmem>>, vector<16xi32>,
      %add3A_110 = arith.addi %add3A_105, %get3A_109 : vector<16xi32>
      %get3A_111 = arith.constant 15 : i32
      %get3A_112 = arith.index_cast %get3A_111 : i32 to index
      %get3A_113 = arith.constant 0 : index
      %get3A_114 = tpu.vector_load %arg23[%get3A_112, %get3A_113] {strides = array<i32>} : memref<16x16xi32, #tpu.memory_space<vmem>>, vector<16xi32>,
      %add3A_115 = arith.addi %add3A_110, %get3A_114 : vector<16xi32>
      %slice3A = vector.extract_strided_slice %add3A_115 {offsets = [0], sizes = [1], strides = [1]} : vector<16xi32> to vector<1xi32>
      %squeeze3A = vector.extract %slice3A[0] : i32 from vector<1xi32>
      %while3A = arith.constant 0 : i32
      %while3A_116 = arith.constant 1.000000e+00 : f32
      %while3A_117:4 = scf.while (%while3A_123 = %while3A, %while3A_124 = %scan3A_23, %while3A_125 = %squeeze3A, %while3A_126 = %while3A_116) : (i32, i32, i32, f32) -> (i32, i32, i32, f32) {
        %lt3A = arith.constant 20 : i32
        %lt3A_127 = arith.cmpi slt, %while3A_123, %lt3A : i32
        %gt3A = arith.constant 0 : i32
        %gt3A_128 = arith.cmpi sgt, %while3A_125, %gt3A : i32
        %and3A = arith.andi %lt3A_127, %gt3A_128 : i1
        scf.condition(%and3A) %while3A_123, %while3A_124, %while3A_125, %while3A_126 : i32, i32, i32, f32
      } do {
      ^bb0(%while3A_123: i32, %while3A_124: i32, %while3A_125: i32, %while3A_126: f32):
        %eq3A_127 = arith.constant 0 : i32
        %eq3A_128 = arith.cmpi eq, %while3A_123, %eq3A_127 : i32
        %mul3A_129 = arith.constant 2.000000e+00 : f32
        %mul3A_130 = arith.mulf %mul3A_129, %while3A_126 : f32
        %select_n3A = arith.select %eq3A_128, %mul3A_130, %while3A_126 : f32
        %mul3A_131 = arith.constant 3.000000e-01 : f32
        %mul3A_132 = arith.mulf %mul3A_131, %while3A_126 : f32
        %add3A_133 = arith.constant 31 : i32
        %add3A_134 = arith.addi %while3A_124, %add3A_133 : i32
        %jit3A = arith.constant 32 : i32
        %div3A = arith.divsi %add3A_134, %jit3A : i32
        %sign3A = arith.constant 0 : i32
        %sign3A_135 = arith.cmpi sgt, %add3A_134, %sign3A : i32
        %sign3A_136 = arith.extui %sign3A_135 : i1 to i32
        %sign3A_137 = arith.constant 0 : i32
        %sign3A_138 = arith.cmpi slt, %add3A_134, %sign3A_137 : i32
        %sign3A_139 = arith.extui %sign3A_138 : i1 to i32
        %sign3A_140 = arith.subi %sign3A_136, %sign3A_139 : i32
        %sign3A_141 = arith.constant 0 : i32
        %sign3A_142 = arith.cmpi sgt, %jit3A, %sign3A_141 : i32
        %sign3A_143 = arith.extui %sign3A_142 : i1 to i32
        %sign3A_144 = arith.constant 0 : i32
        %sign3A_145 = arith.cmpi slt, %jit3A, %sign3A_144 : i32
        %sign3A_146 = arith.extui %sign3A_145 : i1 to i32
        %sign3A_147 = arith.subi %sign3A_143, %sign3A_146 : i32
        %ne3A = arith.cmpi ne, %sign3A_140, %sign3A_147 : i32
        %rem3A = arith.remsi %add3A_134, %jit3A : i32
        %ne3A_148 = arith.constant 0 : i32
        %ne3A_149 = arith.cmpi ne, %rem3A, %ne3A_148 : i32
        %and3A = arith.andi %ne3A, %ne3A_149 : i1
        %sub3A = arith.constant 1 : i32
        %sub3A_150 = arith.subi %div3A, %sub3A : i32
        %select_n3A_151 = arith.select %and3A, %sub3A_150, %div3A : i32
        %add3A_152 = arith.constant 1 : i32
        %add3A_153 = arith.addi %select_n3A_151, %add3A_152 : i32
        %jit3A_154 = arith.constant 2 : i32
        %div3A_155 = arith.divsi %add3A_153, %jit3A_154 : i32
        %sign3A_156 = arith.constant 0 : i32
        %sign3A_157 = arith.cmpi sgt, %add3A_153, %sign3A_156 : i32
        %sign3A_158 = arith.extui %sign3A_157 : i1 to i32
        %sign3A_159 = arith.constant 0 : i32
        %sign3A_160 = arith.cmpi slt, %add3A_153, %sign3A_159 : i32
        %sign3A_161 = arith.extui %sign3A_160 : i1 to i32
        %sign3A_162 = arith.subi %sign3A_158, %sign3A_161 : i32
        %sign3A_163 = arith.constant 0 : i32
        %sign3A_164 = arith.cmpi sgt, %jit3A_154, %sign3A_163 : i32
        %sign3A_165 = arith.extui %sign3A_164 : i1 to i32
        %sign3A_166 = arith.constant 0 : i32
        %sign3A_167 = arith.cmpi slt, %jit3A_154, %sign3A_166 : i32
        %sign3A_168 = arith.extui %sign3A_167 : i1 to i32
        %sign3A_169 = arith.subi %sign3A_165, %sign3A_168 : i32
        %ne3A_170 = arith.cmpi ne, %sign3A_162, %sign3A_169 : i32
        %rem3A_171 = arith.remsi %add3A_153, %jit3A_154 : i32
        %ne3A_172 = arith.constant 0 : i32
        %ne3A_173 = arith.cmpi ne, %rem3A_171, %ne3A_172 : i32
        %and3A_174 = arith.andi %ne3A_170, %ne3A_173 : i1
        %sub3A_175 = arith.constant 1 : i32
        %sub3A_176 = arith.subi %div3A_155, %sub3A_175 : i32
        %select_n3A_177 = arith.select %and3A_174, %sub3A_176, %div3A_155 : i32
        %gt3A = arith.constant 0 : i32
        %gt3A_178 = arith.cmpi sgt, %while3A_124, %gt3A : i32
        %convert_element_type3A_179 = arith.extui %gt3A_178 : i1 to i32
        %cond3A_180 = arith.constant 0 : i32
        %cond3A_181 = arith.cmpi ne, %convert_element_type3A_179, %cond3A_180 : i32
        scf.if %cond3A_181 {
          %sub3A_391 = arith.constant 1 : i32
          %sub3A_392 = arith.subi %while3A_124, %sub3A_391 : i32
          %max3A = arith.constant 0 : i32
          %max3A_393 = arith.maxsi %sub3A_392, %max3A : i32
          %min3A = arith.constant 0 : i32
          %min3A_394 = arith.minsi %min3A, %max3A_393 : i32
          %min3A_395 = arith.constant 2048 : i32
          %min3A_396 = arith.minsi %min3A_394, %min3A_395 : i32
          %scan3A_397 = arith.constant 0 : i32
          %scan3A_398 = arith.constant 0 : i32
          %scan3A_399 = arith.constant 2 : i32
          %scan3A_400 = arith.addi %scan3A_398, %scan3A_399 : i32
          %scan3A_401 = arith.constant 1 : i32
          %scan3A_402 = scf.for %scan3A_410 = %scan3A_398 to %scan3A_400 step %scan3A_401 iter_args(%scan3A_411 = %scan3A_397) -> (i32)  : i32 {
            %mul3A_412 = arith.constant 16 : i32
            %mul3A_413 = arith.muli %scan3A_410, %mul3A_412 : i32
            %add3A_414 = arith.addi %min3A_396, %mul3A_413 : i32
            %get3A_415 = arith.index_cast %add3A_414 : i32 to index
            %get3A_416 = tpu.vector_load %arg9[%get3A_415] {strides = array<i32>} : memref<2080xi32, #tpu.memory_space<vmem>>, vector<16xi32>,
            %mul3A_417 = arith.constant 16 : i32
            %mul3A_418 = arith.muli %scan3A_410, %mul3A_417 : i32
            %swap3A_419 = arith.index_cast %mul3A_418 : i32 to index
            %swap3A_420 = tpu.vector_load %arg11[%swap3A_419] {strides = array<i32>} : memref<32xi32, #tpu.memory_space<vmem>>, vector<16xi32>,
            tpu.vector_store %arg11[%swap3A_419], %get3A_416 {strides = array<i32>} : memref<32xi32, #tpu.memory_space<vmem>>, vector<16xi32>,
            %scan3A_421 = arith.constant 0 : i32
            scf.yield %scan3A_421 : i32
          }
          %scan3A_403 = arith.constant 2 : i32
          %dma_start3A_404 = arith.constant 0 : i32
          %dma_start3A_405 = arith.constant 0 : i32
          %dma_start3A_406 = tpu.memref_slice %arg3[%dma_start3A_404, %dma_start3A_405] : memref<35328x32xi32, #tpu.memory_space<hbm>> -> memref<35328x32xi32, #tpu.memory_space<hbm>>
          tpu.enqueue_indirect_dma source(%dma_start3A_406 : memref<35328x32xi32, #tpu.memory_space<hbm>>) target(%arg13 : memref<32x32xi32, #tpu.memory_space<vmem>>) offsets(%arg11 : memref<32xi32, #tpu.memory_space<vmem>>) semaphore(%arg26 : memref<!tpu.dma_semaphore, #tpu.memory_space<semaphore_mem>>)
          %dma_start3A_407 = arith.constant 0 : i32
          %dma_start3A_408 = arith.constant 0 : i32
          %dma_start3A_409 = tpu.memref_slice %arg4[%dma_start3A_407, %dma_start3A_408] : memref<35328x32xf32, #tpu.memory_space<hbm>> -> memref<35328x32xf32, #tpu.memory_space<hbm>>
          tpu.enqueue_indirect_dma source(%dma_start3A_409 : memref<35328x32xf32, #tpu.memory_space<hbm>>) target(%arg15 : memref<32x32xf32, #tpu.memory_space<vmem>>) offsets(%arg11 : memref<32xi32, #tpu.memory_space<vmem>>) semaphore(%arg27 : memref<!tpu.dma_semaphore, #tpu.memory_space<semaphore_mem>>)
        } else {
        }
        %while3A_182 = arith.constant 0 : i32
        %while3A_183 = arith.constant 0 : i32
        %while3A_184 = arith.constant 0 : i32
        %while3A_185 = arith.subi %select_n3A_177, %while3A_182 : i32
        %while3A_186 = arith.addi %while3A_182, %while3A_185 : i32
        %while3A_187 = arith.constant 1 : i32
        %while3A_188 = arith.divsi %while3A_185, %while3A_187 : i32
        %while3A_189 = arith.muli %while3A_188, %while3A_187 : i32
        %while3A_190 = arith.addi %while3A_182, %while3A_189 : i32
        %while3A_191 = arith.constant 1 : i32
        %while3A_192:2 = scf.for %while3A_391 = %while3A_182 to %while3A_190 step %while3A_191 iter_args(%while3A_392 = %while3A_183, %while3A_393 = %while3A_184) -> (i32, i32)  : i32 {
          %mul3A_394 = arith.constant 2 : i32
          %mul3A_395 = arith.muli %mul3A_394, %while3A_391 : i32
          %mul3A_396 = arith.constant 32 : i32
          %mul3A_397 = arith.muli %mul3A_395, %mul3A_396 : i32
          %add3A_398 = arith.constant 32 : i32
          %add3A_399 = arith.addi %mul3A_397, %add3A_398 : i32
          %add3A_400 = arith.constant 32 : i32
          %add3A_401 = arith.addi %add3A_399, %add3A_400 : i32
          %dma_wait3A_402 = arith.constant 0 : i32
          %dma_wait3A_403 = arith.constant 0 : i32
          %dma_wait3A_404 = tpu.memref_slice %arg3[%dma_wait3A_402, %dma_wait3A_403] : memref<35328x32xi32, #tpu.memory_space<hbm>> -> memref<35328x32xi32, #tpu.memory_space<hbm>>
          tpu.wait_indirect_dma semaphore(%arg26 : memref<!tpu.dma_semaphore, #tpu.memory_space<semaphore_mem>>) src(%dma_wait3A_404 : memref<35328x32xi32, #tpu.memory_space<hbm>>) dst(%arg13 : memref<32x32xi32, #tpu.memory_space<vmem>>)
          %dma_wait3A_405 = arith.constant 0 : i32
          %dma_wait3A_406 = arith.constant 0 : i32
          %dma_wait3A_407 = tpu.memref_slice %arg4[%dma_wait3A_405, %dma_wait3A_406] : memref<35328x32xf32, #tpu.memory_space<hbm>> -> memref<35328x32xf32, #tpu.memory_space<hbm>>
          tpu.wait_indirect_dma semaphore(%arg27 : memref<!tpu.dma_semaphore, #tpu.memory_space<semaphore_mem>>) src(%dma_wait3A_407 : memref<35328x32xf32, #tpu.memory_space<hbm>>) dst(%arg15 : memref<32x32xf32, #tpu.memory_space<vmem>>)
          %lt3A = arith.cmpi slt, %add3A_399, %while3A_124 : i32
          %convert_element_type3A_408 = arith.extui %lt3A : i1 to i32
          %cond3A_409 = arith.constant 0 : i32
          %cond3A_410 = arith.cmpi ne, %convert_element_type3A_408, %cond3A_409 : i32
          scf.if %cond3A_410 {
            %sub3A_667 = arith.constant 1 : i32
            %sub3A_668 = arith.subi %while3A_124, %sub3A_667 : i32
            %max3A_669 = arith.constant 0 : i32
            %max3A_670 = arith.maxsi %sub3A_668, %max3A_669 : i32
            %min3A_671 = arith.minsi %add3A_399, %max3A_670 : i32
            %min3A_672 = arith.constant 2048 : i32
            %min3A_673 = arith.minsi %min3A_671, %min3A_672 : i32
            %scan3A_674 = arith.constant 0 : i32
            %scan3A_675 = arith.constant 0 : i32
            %scan3A_676 = arith.constant 2 : i32
            %scan3A_677 = arith.addi %scan3A_675, %scan3A_676 : i32
            %scan3A_678 = arith.constant 1 : i32
            %scan3A_679 = scf.for %scan3A_687 = %scan3A_675 to %scan3A_677 step %scan3A_678 iter_args(%scan3A_688 = %scan3A_674) -> (i32)  : i32 {
              %mul3A_689 = arith.constant 16 : i32
              %mul3A_690 = arith.muli %scan3A_687, %mul3A_689 : i32
              %add3A_691 = arith.addi %min3A_673, %mul3A_690 : i32
              %get3A_692 = arith.index_cast %add3A_691 : i32 to index
              %get3A_693 = tpu.vector_load %arg9[%get3A_692] {strides = array<i32>} : memref<2080xi32, #tpu.memory_space<vmem>>, vector<16xi32>,
              %mul3A_694 = arith.constant 16 : i32
              %mul3A_695 = arith.muli %scan3A_687, %mul3A_694 : i32
              %swap3A_696 = arith.index_cast %mul3A_695 : i32 to index
              %swap3A_697 = tpu.vector_load %arg12[%swap3A_696] {strides = array<i32>} : memref<32xi32, #tpu.memory_space<vmem>>, vector<16xi32>,
              tpu.vector_store %arg12[%swap3A_696], %get3A_693 {strides = array<i32>} : memref<32xi32, #tpu.memory_space<vmem>>, vector<16xi32>,
              %scan3A_698 = arith.constant 0 : i32
              scf.yield %scan3A_698 : i32
            }
            %scan3A_680 = arith.constant 2 : i32
            %dma_start3A_681 = arith.constant 0 : i32
            %dma_start3A_682 = arith.constant 0 : i32
            %dma_start3A_683 = tpu.memref_slice %arg3[%dma_start3A_681, %dma_start3A_682] : memref<35328x32xi32, #tpu.memory_space<hbm>> -> memref<35328x32xi32, #tpu.memory_space<hbm>>
            tpu.enqueue_indirect_dma source(%dma_start3A_683 : memref<35328x32xi32, #tpu.memory_space<hbm>>) target(%arg14 : memref<32x32xi32, #tpu.memory_space<vmem>>) offsets(%arg12 : memref<32xi32, #tpu.memory_space<vmem>>) semaphore(%arg28 : memref<!tpu.dma_semaphore, #tpu.memory_space<semaphore_mem>>)
            %dma_start3A_684 = arith.constant 0 : i32
            %dma_start3A_685 = arith.constant 0 : i32
            %dma_start3A_686 = tpu.memref_slice %arg4[%dma_start3A_684, %dma_start3A_685] : memref<35328x32xf32, #tpu.memory_space<hbm>> -> memref<35328x32xf32, #tpu.memory_space<hbm>>
            tpu.enqueue_indirect_dma source(%dma_start3A_686 : memref<35328x32xf32, #tpu.memory_space<hbm>>) target(%arg16 : memref<32x32xf32, #tpu.memory_space<vmem>>) offsets(%arg12 : memref<32xi32, #tpu.memory_space<vmem>>) semaphore(%arg29 : memref<!tpu.dma_semaphore, #tpu.memory_space<semaphore_mem>>)
          } else {
          }
          %gt3A_411 = arith.constant 0 : i32
          %gt3A_412 = arith.cmpi sgt, %while3A_392, %gt3A_411 : i32
          %convert_element_type3A_413 = arith.extui %gt3A_412 : i1 to i32
          %cond3A_414 = arith.constant 0 : i32
          %cond3A_415 = arith.cmpi ne, %convert_element_type3A_413, %cond3A_414 : i32
          scf.if %cond3A_415 {
            %dma_wait3A_667 = arith.constant 0 : i32
            %dma_wait3A_668 = arith.constant 0 : i32
            %dma_wait3A_669 = arith.constant 0 : i32
            %dma_wait3A_670 = tpu.memref_slice %arg18[%dma_wait3A_667, %dma_wait3A_669] : memref<8x128xf32, #tpu.memory_space<vmem>> -> memref<1x128xf32, #tpu.memory_space<vmem>>
            %dma_wait3A_671 = tpu.memref_squeeze %dma_wait3A_670 : memref<1x128xf32, #tpu.memory_space<vmem>> -> memref<128xf32, #tpu.memory_space<vmem>>
            %dma_wait3A_672 = arith.constant 0 : i32
            %dma_wait3A_673 = tpu.memref_slice %arg17[%dma_wait3A_668, %dma_wait3A_672] : memref<8x128xi32, #tpu.memory_space<vmem>> -> memref<1x128xi32, #tpu.memory_space<vmem>>
            %dma_wait3A_674 = tpu.memref_squeeze %dma_wait3A_673 : memref<1x128xi32, #tpu.memory_space<vmem>> -> memref<128xi32, #tpu.memory_space<vmem>>
            %dma_wait3A_675 = arith.constant 0 : i32
            %dma_wait3A_676 = tpu.memref_slice %arg24[%dma_wait3A_675] : memref<33280xf32, #tpu.memory_space<vmem_shared>> -> memref<33280xf32, #tpu.memory_space<vmem_shared>>
            tpu.wait_indirect_dma semaphore(%arg30 : memref<!tpu.dma_semaphore, #tpu.memory_space<semaphore_mem>>) src(%dma_wait3A_671 : memref<128xf32, #tpu.memory_space<vmem>>) dst(%dma_wait3A_676 : memref<33280xf32, #tpu.memory_space<vmem_shared>>)
          } else {
          }
          %gt3A_416 = arith.constant 4 : i32
          %gt3A_417 = arith.cmpi sgt, %while3A_392, %gt3A_416 : i32
          %convert_element_type3A_418 = arith.extui %gt3A_417 : i1 to i32
          %cond3A_419 = arith.constant 0 : i32
          %cond3A_420 = arith.cmpi ne, %convert_element_type3A_418, %cond3A_419 : i32
          scf.if %cond3A_420 {
            %dma_wait3A_667 = arith.constant 1 : i32
            %dma_wait3A_668 = arith.constant 1 : i32
            %dma_wait3A_669 = arith.constant 0 : i32
            %dma_wait3A_670 = tpu.memref_slice %arg18[%dma_wait3A_667, %dma_wait3A_669] : memref<8x128xf32, #tpu.memory_space<vmem>> -> memref<1x128xf32, #tpu.memory_space<vmem>>
            %dma_wait3A_671 = tpu.memref_squeeze %dma_wait3A_670 : memref<1x128xf32, #tpu.memory_space<vmem>> -> memref<128xf32, #tpu.memory_space<vmem>>
            %dma_wait3A_672 = arith.constant 0 : i32
            %dma_wait3A_673 = tpu.memref_slice %arg17[%dma_wait3A_668, %dma_wait3A_672] : memref<8x128xi32, #tpu.memory_space<vmem>> -> memref<1x128xi32, #tpu.memory_space<vmem>>
            %dma_wait3A_674 = tpu.memref_squeeze %dma_wait3A_673 : memref<1x128xi32, #tpu.memory_space<vmem>> -> memref<128xi32, #tpu.memory_space<vmem>>
            %dma_wait3A_675 = arith.constant 0 : i32
            %dma_wait3A_676 = tpu.memref_slice %arg24[%dma_wait3A_675] : memref<33280xf32, #tpu.memory_space<vmem_shared>> -> memref<33280xf32, #tpu.memory_space<vmem_shared>>
            tpu.wait_indirect_dma semaphore(%arg30 : memref<!tpu.dma_semaphore, #tpu.memory_space<semaphore_mem>>) src(%dma_wait3A_671 : memref<128xf32, #tpu.memory_space<vmem>>) dst(%dma_wait3A_676 : memref<33280xf32, #tpu.memory_space<vmem_shared>>)
          } else {
          }
          %gt3A_421 = arith.constant 8 : i32
          %gt3A_422 = arith.cmpi sgt, %while3A_392, %gt3A_421 : i32
          %convert_element_type3A_423 = arith.extui %gt3A_422 : i1 to i32
          %cond3A_424 = arith.constant 0 : i32
          %cond3A_425 = arith.cmpi ne, %convert_element_type3A_423, %cond3A_424 : i32
          scf.if %cond3A_425 {
            %dma_wait3A_667 = arith.constant 2 : i32
            %dma_wait3A_668 = arith.constant 2 : i32
            %dma_wait3A_669 = arith.constant 0 : i32
            %dma_wait3A_670 = tpu.memref_slice %arg18[%dma_wait3A_667, %dma_wait3A_669] : memref<8x128xf32, #tpu.memory_space<vmem>> -> memref<1x128xf32, #tpu.memory_space<vmem>>
            %dma_wait3A_671 = tpu.memref_squeeze %dma_wait3A_670 : memref<1x128xf32, #tpu.memory_space<vmem>> -> memref<128xf32, #tpu.memory_space<vmem>>
            %dma_wait3A_672 = arith.constant 0 : i32
            %dma_wait3A_673 = tpu.memref_slice %arg17[%dma_wait3A_668, %dma_wait3A_672] : memref<8x128xi32, #tpu.memory_space<vmem>> -> memref<1x128xi32, #tpu.memory_space<vmem>>
            %dma_wait3A_674 = tpu.memref_squeeze %dma_wait3A_673 : memref<1x128xi32, #tpu.memory_space<vmem>> -> memref<128xi32, #tpu.memory_space<vmem>>
            %dma_wait3A_675 = arith.constant 0 : i32
            %dma_wait3A_676 = tpu.memref_slice %arg24[%dma_wait3A_675] : memref<33280xf32, #tpu.memory_space<vmem_shared>> -> memref<33280xf32, #tpu.memory_space<vmem_shared>>
            tpu.wait_indirect_dma semaphore(%arg30 : memref<!tpu.dma_semaphore, #tpu.memory_space<semaphore_mem>>) src(%dma_wait3A_671 : memref<128xf32, #tpu.memory_space<vmem>>) dst(%dma_wait3A_676 : memref<33280xf32, #tpu.memory_space<vmem_shared>>)
          } else {
          }
          %gt3A_426 = arith.constant 12 : i32
          %gt3A_427 = arith.cmpi sgt, %while3A_392, %gt3A_426 : i32
          %convert_element_type3A_428 = arith.extui %gt3A_427 : i1 to i32
          %cond3A_429 = arith.constant 0 : i32
          %cond3A_430 = arith.cmpi ne, %convert_element_type3A_428, %cond3A_429 : i32
          scf.if %cond3A_430 {
            %dma_wait3A_667 = arith.constant 3 : i32
            %dma_wait3A_668 = arith.constant 3 : i32
            %dma_wait3A_669 = arith.constant 0 : i32
            %dma_wait3A_670 = tpu.memref_slice %arg18[%dma_wait3A_667, %dma_wait3A_669] : memref<8x128xf32, #tpu.memory_space<vmem>> -> memref<1x128xf32, #tpu.memory_space<vmem>>
            %dma_wait3A_671 = tpu.memref_squeeze %dma_wait3A_670 : memref<1x128xf32, #tpu.memory_space<vmem>> -> memref<128xf32, #tpu.memory_space<vmem>>
            %dma_wait3A_672 = arith.constant 0 : i32
            %dma_wait3A_673 = tpu.memref_slice %arg17[%dma_wait3A_668, %dma_wait3A_672] : memref<8x128xi32, #tpu.memory_space<vmem>> -> memref<1x128xi32, #tpu.memory_space<vmem>>
            %dma_wait3A_674 = tpu.memref_squeeze %dma_wait3A_673 : memref<1x128xi32, #tpu.memory_space<vmem>> -> memref<128xi32, #tpu.memory_space<vmem>>
            %dma_wait3A_675 = arith.constant 0 : i32
            %dma_wait3A_676 = tpu.memref_slice %arg24[%dma_wait3A_675] : memref<33280xf32, #tpu.memory_space<vmem_shared>> -> memref<33280xf32, #tpu.memory_space<vmem_shared>>
            tpu.wait_indirect_dma semaphore(%arg30 : memref<!tpu.dma_semaphore, #tpu.memory_space<semaphore_mem>>) src(%dma_wait3A_671 : memref<128xf32, #tpu.memory_space<vmem>>) dst(%dma_wait3A_676 : memref<33280xf32, #tpu.memory_space<vmem_shared>>)
          } else {
          }
          %gt3A_431 = arith.constant 16 : i32
          %gt3A_432 = arith.cmpi sgt, %while3A_392, %gt3A_431 : i32
          %convert_element_type3A_433 = arith.extui %gt3A_432 : i1 to i32
          %cond3A_434 = arith.constant 0 : i32
          %cond3A_435 = arith.cmpi ne, %convert_element_type3A_433, %cond3A_434 : i32
          scf.if %cond3A_435 {
            %dma_wait3A_667 = arith.constant 4 : i32
            %dma_wait3A_668 = arith.constant 4 : i32
            %dma_wait3A_669 = arith.constant 0 : i32
            %dma_wait3A_670 = tpu.memref_slice %arg18[%dma_wait3A_667, %dma_wait3A_669] : memref<8x128xf32, #tpu.memory_space<vmem>> -> memref<1x128xf32, #tpu.memory_space<vmem>>
            %dma_wait3A_671 = tpu.memref_squeeze %dma_wait3A_670 : memref<1x128xf32, #tpu.memory_space<vmem>> -> memref<128xf32, #tpu.memory_space<vmem>>
            %dma_wait3A_672 = arith.constant 0 : i32
            %dma_wait3A_673 = tpu.memref_slice %arg17[%dma_wait3A_668, %dma_wait3A_672] : memref<8x128xi32, #tpu.memory_space<vmem>> -> memref<1x128xi32, #tpu.memory_space<vmem>>
            %dma_wait3A_674 = tpu.memref_squeeze %dma_wait3A_673 : memref<1x128xi32, #tpu.memory_space<vmem>> -> memref<128xi32, #tpu.memory_space<vmem>>
            %dma_wait3A_675 = arith.constant 0 : i32
            %dma_wait3A_676 = tpu.memref_slice %arg24[%dma_wait3A_675] : memref<33280xf32, #tpu.memory_space<vmem_shared>> -> memref<33280xf32, #tpu.memory_space<vmem_shared>>
            tpu.wait_indirect_dma semaphore(%arg30 : memref<!tpu.dma_semaphore, #tpu.memory_space<semaphore_mem>>) src(%dma_wait3A_671 : memref<128xf32, #tpu.memory_space<vmem>>) dst(%dma_wait3A_676 : memref<33280xf32, #tpu.memory_space<vmem_shared>>)
          } else {
          }
          %gt3A_436 = arith.constant 20 : i32
          %gt3A_437 = arith.cmpi sgt, %while3A_392, %gt3A_436 : i32
          %convert_element_type3A_438 = arith.extui %gt3A_437 : i1 to i32
          %cond3A_439 = arith.constant 0 : i32
          %cond3A_440 = arith.cmpi ne, %convert_element_type3A_438, %cond3A_439 : i32
          scf.if %cond3A_440 {
            %dma_wait3A_667 = arith.constant 5 : i32
            %dma_wait3A_668 = arith.constant 5 : i32
            %dma_wait3A_669 = arith.constant 0 : i32
            %dma_wait3A_670 = tpu.memref_slice %arg18[%dma_wait3A_667, %dma_wait3A_669] : memref<8x128xf32, #tpu.memory_space<vmem>> -> memref<1x128xf32, #tpu.memory_space<vmem>>
            %dma_wait3A_671 = tpu.memref_squeeze %dma_wait3A_670 : memref<1x128xf32, #tpu.memory_space<vmem>> -> memref<128xf32, #tpu.memory_space<vmem>>
            %dma_wait3A_672 = arith.constant 0 : i32
            %dma_wait3A_673 = tpu.memref_slice %arg17[%dma_wait3A_668, %dma_wait3A_672] : memref<8x128xi32, #tpu.memory_space<vmem>> -> memref<1x128xi32, #tpu.memory_space<vmem>>
            %dma_wait3A_674 = tpu.memref_squeeze %dma_wait3A_673 : memref<1x128xi32, #tpu.memory_space<vmem>> -> memref<128xi32, #tpu.memory_space<vmem>>
            %dma_wait3A_675 = arith.constant 0 : i32
            %dma_wait3A_676 = tpu.memref_slice %arg24[%dma_wait3A_675] : memref<33280xf32, #tpu.memory_space<vmem_shared>> -> memref<33280xf32, #tpu.memory_space<vmem_shared>>
            tpu.wait_indirect_dma semaphore(%arg30 : memref<!tpu.dma_semaphore, #tpu.memory_space<semaphore_mem>>) src(%dma_wait3A_671 : memref<128xf32, #tpu.memory_space<vmem>>) dst(%dma_wait3A_676 : memref<33280xf32, #tpu.memory_space<vmem_shared>>)
          } else {
          }
          %gt3A_441 = arith.constant 24 : i32
          %gt3A_442 = arith.cmpi sgt, %while3A_392, %gt3A_441 : i32
          %convert_element_type3A_443 = arith.extui %gt3A_442 : i1 to i32
          %cond3A_444 = arith.constant 0 : i32
          %cond3A_445 = arith.cmpi ne, %convert_element_type3A_443, %cond3A_444 : i32
          scf.if %cond3A_445 {
            %dma_wait3A_667 = arith.constant 6 : i32
            %dma_wait3A_668 = arith.constant 6 : i32
            %dma_wait3A_669 = arith.constant 0 : i32
            %dma_wait3A_670 = tpu.memref_slice %arg18[%dma_wait3A_667, %dma_wait3A_669] : memref<8x128xf32, #tpu.memory_space<vmem>> -> memref<1x128xf32, #tpu.memory_space<vmem>>
            %dma_wait3A_671 = tpu.memref_squeeze %dma_wait3A_670 : memref<1x128xf32, #tpu.memory_space<vmem>> -> memref<128xf32, #tpu.memory_space<vmem>>
            %dma_wait3A_672 = arith.constant 0 : i32
            %dma_wait3A_673 = tpu.memref_slice %arg17[%dma_wait3A_668, %dma_wait3A_672] : memref<8x128xi32, #tpu.memory_space<vmem>> -> memref<1x128xi32, #tpu.memory_space<vmem>>
            %dma_wait3A_674 = tpu.memref_squeeze %dma_wait3A_673 : memref<1x128xi32, #tpu.memory_space<vmem>> -> memref<128xi32, #tpu.memory_space<vmem>>
            %dma_wait3A_675 = arith.constant 0 : i32
            %dma_wait3A_676 = tpu.memref_slice %arg24[%dma_wait3A_675] : memref<33280xf32, #tpu.memory_space<vmem_shared>> -> memref<33280xf32, #tpu.memory_space<vmem_shared>>
            tpu.wait_indirect_dma semaphore(%arg30 : memref<!tpu.dma_semaphore, #tpu.memory_space<semaphore_mem>>) src(%dma_wait3A_671 : memref<128xf32, #tpu.memory_space<vmem>>) dst(%dma_wait3A_676 : memref<33280xf32, #tpu.memory_space<vmem_shared>>)
          } else {
          }
          %gt3A_446 = arith.constant 28 : i32
          %gt3A_447 = arith.cmpi sgt, %while3A_392, %gt3A_446 : i32
          %convert_element_type3A_448 = arith.extui %gt3A_447 : i1 to i32
          %cond3A_449 = arith.constant 0 : i32
          %cond3A_450 = arith.cmpi ne, %convert_element_type3A_448, %cond3A_449 : i32
          scf.if %cond3A_450 {
            %dma_wait3A_667 = arith.constant 7 : i32
            %dma_wait3A_668 = arith.constant 7 : i32
            %dma_wait3A_669 = arith.constant 0 : i32
            %dma_wait3A_670 = tpu.memref_slice %arg18[%dma_wait3A_667, %dma_wait3A_669] : memref<8x128xf32, #tpu.memory_space<vmem>> -> memref<1x128xf32, #tpu.memory_space<vmem>>
            %dma_wait3A_671 = tpu.memref_squeeze %dma_wait3A_670 : memref<1x128xf32, #tpu.memory_space<vmem>> -> memref<128xf32, #tpu.memory_space<vmem>>
            %dma_wait3A_672 = arith.constant 0 : i32
            %dma_wait3A_673 = tpu.memref_slice %arg17[%dma_wait3A_668, %dma_wait3A_672] : memref<8x128xi32, #tpu.memory_space<vmem>> -> memref<1x128xi32, #tpu.memory_space<vmem>>
            %dma_wait3A_674 = tpu.memref_squeeze %dma_wait3A_673 : memref<1x128xi32, #tpu.memory_space<vmem>> -> memref<128xi32, #tpu.memory_space<vmem>>
            %dma_wait3A_675 = arith.constant 0 : i32
            %dma_wait3A_676 = tpu.memref_slice %arg24[%dma_wait3A_675] : memref<33280xf32, #tpu.memory_space<vmem_shared>> -> memref<33280xf32, #tpu.memory_space<vmem_shared>>
            tpu.wait_indirect_dma semaphore(%arg30 : memref<!tpu.dma_semaphore, #tpu.memory_space<semaphore_mem>>) src(%dma_wait3A_671 : memref<128xf32, #tpu.memory_space<vmem>>) dst(%dma_wait3A_676 : memref<33280xf32, #tpu.memory_space<vmem_shared>>)
          } else {
          }
          %sub3A_451 = arith.subi %while3A_124, %mul3A_397 : i32
          %min3A = arith.constant 32 : i32
          %min3A_452 = arith.minsi %min3A, %sub3A_451 : i32
          %max3A = arith.constant 0 : i32
          %max3A_453 = arith.maxsi %min3A_452, %max3A : i32
          %add3A_454 = arith.constant 3 : i32
          %add3A_455 = arith.addi %max3A_453, %add3A_454 : i32
          %jit3A_456 = arith.constant 4 : i32
          %div3A_457 = arith.divsi %add3A_455, %jit3A_456 : i32
          %sign3A_458 = arith.constant 0 : i32
          %sign3A_459 = arith.cmpi sgt, %add3A_455, %sign3A_458 : i32
          %sign3A_460 = arith.extui %sign3A_459 : i1 to i32
          %sign3A_461 = arith.constant 0 : i32
          %sign3A_462 = arith.cmpi slt, %add3A_455, %sign3A_461 : i32
          %sign3A_463 = arith.extui %sign3A_462 : i1 to i32
          %sign3A_464 = arith.subi %sign3A_460, %sign3A_463 : i32
          %sign3A_465 = arith.constant 0 : i32
          %sign3A_466 = arith.cmpi sgt, %jit3A_456, %sign3A_465 : i32
          %sign3A_467 = arith.extui %sign3A_466 : i1 to i32
          %sign3A_468 = arith.constant 0 : i32
          %sign3A_469 = arith.cmpi slt, %jit3A_456, %sign3A_468 : i32
          %sign3A_470 = arith.extui %sign3A_469 : i1 to i32
          %sign3A_471 = arith.subi %sign3A_467, %sign3A_470 : i32
          %ne3A_472 = arith.cmpi ne, %sign3A_464, %sign3A_471 : i32
          %rem3A_473 = arith.remsi %add3A_455, %jit3A_456 : i32
          %ne3A_474 = arith.constant 0 : i32
          %ne3A_475 = arith.cmpi ne, %rem3A_473, %ne3A_474 : i32
          %and3A_476 = arith.andi %ne3A_472, %ne3A_475 : i1
          %sub3A_477 = arith.constant 1 : i32
          %sub3A_478 = arith.subi %div3A_457, %sub3A_477 : i32
          %select_n3A_479 = arith.select %and3A_476, %sub3A_478, %div3A_457 : i32
          %mul3A_480 = arith.constant 4 : i32
          %mul3A_481 = arith.muli %select_n3A_479, %mul3A_480 : i32
          %while3A_482 = arith.constant 0 : i32
          %while3A_483 = arith.constant 0 : i32
          %while3A_484 = arith.subi %mul3A_481, %while3A_482 : i32
          %while3A_485 = arith.addi %while3A_482, %while3A_484 : i32
          %while3A_486 = arith.constant 1 : i32
          %while3A_487 = arith.divsi %while3A_484, %while3A_486 : i32
          %while3A_488 = arith.muli %while3A_487, %while3A_486 : i32
          %while3A_489 = arith.addi %while3A_482, %while3A_488 : i32
          %while3A_490 = arith.constant 1 : i32
          %while3A_491 = scf.for %while3A_667 = %while3A_482 to %while3A_489 step %while3A_490 iter_args(%while3A_668 = %while3A_483) -> (i32)  : i32 {
            %lt3A_669 = arith.cmpi slt, %while3A_667, %max3A_453 : i32
            %jit3A_670 = arith.constant 4 : i32
            %div3A_671 = arith.divsi %while3A_667, %jit3A_670 : i32
            %sign3A_672 = arith.constant 0 : i32
            %sign3A_673 = arith.cmpi sgt, %while3A_667, %sign3A_672 : i32
            %sign3A_674 = arith.extui %sign3A_673 : i1 to i32
            %sign3A_675 = arith.constant 0 : i32
            %sign3A_676 = arith.cmpi slt, %while3A_667, %sign3A_675 : i32
            %sign3A_677 = arith.extui %sign3A_676 : i1 to i32
            %sign3A_678 = arith.subi %sign3A_674, %sign3A_677 : i32
            %sign3A_679 = arith.constant 0 : i32
            %sign3A_680 = arith.cmpi sgt, %jit3A_670, %sign3A_679 : i32
            %sign3A_681 = arith.extui %sign3A_680 : i1 to i32
            %sign3A_682 = arith.constant 0 : i32
            %sign3A_683 = arith.cmpi slt, %jit3A_670, %sign3A_682 : i32
            %sign3A_684 = arith.extui %sign3A_683 : i1 to i32
            %sign3A_685 = arith.subi %sign3A_681, %sign3A_684 : i32
            %ne3A_686 = arith.cmpi ne, %sign3A_678, %sign3A_685 : i32
            %rem3A_687 = arith.remsi %while3A_667, %jit3A_670 : i32
            %ne3A_688 = arith.constant 0 : i32
            %ne3A_689 = arith.cmpi ne, %rem3A_687, %ne3A_688 : i32
            %and3A_690 = arith.andi %ne3A_686, %ne3A_689 : i1
            %sub3A_691 = arith.constant 1 : i32
            %sub3A_692 = arith.subi %div3A_671, %sub3A_691 : i32
            %select_n3A_693 = arith.select %and3A_690, %sub3A_692, %div3A_671 : i32
            %jit3A_694 = arith.constant 4 : i32
            %eq3A_695 = arith.constant 0 : i32
            %eq3A_696 = arith.cmpi eq, %jit3A_694, %eq3A_695 : i32
            %jit3A_697 = arith.constant 1 : i32
            %select_n3A_698 = arith.select %eq3A_696, %jit3A_697, %jit3A_694 : i32
            %rem3A_699 = arith.remsi %while3A_667, %select_n3A_698 : i32
            %ne3A_700 = arith.constant 0 : i32
            %ne3A_701 = arith.cmpi ne, %rem3A_699, %ne3A_700 : i32
            %lt3A_702 = arith.constant 0 : i32
            %lt3A_703 = arith.cmpi slt, %rem3A_699, %lt3A_702 : i32
            %lt3A_704 = arith.constant 0 : i32
            %lt3A_705 = arith.cmpi slt, %select_n3A_698, %lt3A_704 : i32
            %ne3A_706 = arith.xori %lt3A_703, %lt3A_705 : i1
            %and3A_707 = arith.andi %ne3A_706, %ne3A_701 : i1
            %add3A_708 = arith.addi %rem3A_699, %select_n3A_698 : i32
            %select_n3A_709 = arith.select %and3A_707, %add3A_708, %rem3A_699 : i32
            %mul3A_710 = arith.constant 32 : i32
            %mul3A_711 = arith.muli %select_n3A_709, %mul3A_710 : i32
            %get3A_712 = arith.index_cast %while3A_667 : i32 to index
            %get3A_713 = arith.constant 0 : index
            %get3A_714 = tpu.vector_load %arg13[%get3A_712, %get3A_713] {strides = array<i32>} : memref<32x32xi32, #tpu.memory_space<vmem>>, vector<16xi32>,
            %sub3A_715 = arith.constant 2048 : i32
            %sub3A_716 = vector.broadcast %sub3A_715 : i32 to vector<16xi32>
            %sub3A_717 = arith.subi %get3A_714, %sub3A_716 : vector<16xi32>
            %get3A_718 = arith.index_cast %while3A_667 : i32 to index
            %get3A_719 = arith.constant 0 : index
            %get3A_720 = tpu.vector_load %arg15[%get3A_718, %get3A_719] {strides = array<i32>} : memref<32x32xf32, #tpu.memory_space<vmem>>, vector<16xf32>,
            %mul3A_721 = vector.broadcast %select_n3A : f32 to vector<16xf32>
            %mul3A_722 = arith.mulf %get3A_720, %mul3A_721 : vector<16xf32>
            %jit3A_723 = arith.constant 0 : i32
            %broadcast_in_dim3A_724 = vector.broadcast %jit3A_723 : i32 to vector<16xi32>
            %select_n3A_725 = arith.select %lt3A_669, %sub3A_717, %broadcast_in_dim3A_724 : vector<16xi32>
            %jit3A_726 = arith.constant 0.000000e+00 : f32
            %broadcast_in_dim3A_727 = vector.broadcast %jit3A_726 : f32 to vector<16xf32>
            %select_n3A_728 = arith.select %lt3A_669, %mul3A_722, %broadcast_in_dim3A_727 : vector<16xf32>
            %add3A_729 = arith.constant 0 : i32
            %add3A_730 = arith.addi %mul3A_711, %add3A_729 : i32
            %swap3A_731 = arith.index_cast %select_n3A_693 : i32 to index
            %swap3A_732 = arith.index_cast %add3A_730 : i32 to index
            %swap3A_733 = tpu.vector_load %arg17[%swap3A_731, %swap3A_732] {strides = array<i32>} : memref<8x128xi32, #tpu.memory_space<vmem>>, vector<16xi32>,
            tpu.vector_store %arg17[%swap3A_731, %swap3A_732], %select_n3A_725 {strides = array<i32>} : memref<8x128xi32, #tpu.memory_space<vmem>>, vector<16xi32>,
            %add3A_734 = arith.constant 0 : i32
            %add3A_735 = arith.addi %mul3A_711, %add3A_734 : i32
            %swap3A_736 = arith.index_cast %select_n3A_693 : i32 to index
            %swap3A_737 = arith.index_cast %add3A_735 : i32 to index
            %swap3A_738 = tpu.vector_load %arg18[%swap3A_736, %swap3A_737] {strides = array<i32>} : memref<8x128xf32, #tpu.memory_space<vmem>>, vector<16xf32>,
            tpu.vector_store %arg18[%swap3A_736, %swap3A_737], %select_n3A_728 {strides = array<i32>} : memref<8x128xf32, #tpu.memory_space<vmem>>, vector<16xf32>,
            %get3A_739 = arith.index_cast %while3A_667 : i32 to index
            %get3A_740 = arith.constant 16 : index
            %get3A_741 = tpu.vector_load %arg13[%get3A_739, %get3A_740] {strides = array<i32>} : memref<32x32xi32, #tpu.memory_space<vmem>>, vector<16xi32>,
            %sub3A_742 = arith.constant 2048 : i32
            %sub3A_743 = vector.broadcast %sub3A_742 : i32 to vector<16xi32>
            %sub3A_744 = arith.subi %get3A_741, %sub3A_743 : vector<16xi32>
            %get3A_745 = arith.index_cast %while3A_667 : i32 to index
            %get3A_746 = arith.constant 16 : index
            %get3A_747 = tpu.vector_load %arg15[%get3A_745, %get3A_746] {strides = array<i32>} : memref<32x32xf32, #tpu.memory_space<vmem>>, vector<16xf32>,
            %mul3A_748 = vector.broadcast %select_n3A : f32 to vector<16xf32>
            %mul3A_749 = arith.mulf %get3A_747, %mul3A_748 : vector<16xf32>
            %jit3A_750 = arith.constant 0 : i32
            %broadcast_in_dim3A_751 = vector.broadcast %jit3A_750 : i32 to vector<16xi32>
            %select_n3A_752 = arith.select %lt3A_669, %sub3A_744, %broadcast_in_dim3A_751 : vector<16xi32>
            %jit3A_753 = arith.constant 0.000000e+00 : f32
            %broadcast_in_dim3A_754 = vector.broadcast %jit3A_753 : f32 to vector<16xf32>
            %select_n3A_755 = arith.select %lt3A_669, %mul3A_749, %broadcast_in_dim3A_754 : vector<16xf32>
            %add3A_756 = arith.constant 16 : i32
            %add3A_757 = arith.addi %mul3A_711, %add3A_756 : i32
            %swap3A_758 = arith.index_cast %select_n3A_693 : i32 to index
            %swap3A_759 = arith.index_cast %add3A_757 : i32 to index
            %swap3A_760 = tpu.vector_load %arg17[%swap3A_758, %swap3A_759] {strides = array<i32>} : memref<8x128xi32, #tpu.memory_space<vmem>>, vector<16xi32>,
            tpu.vector_store %arg17[%swap3A_758, %swap3A_759], %select_n3A_752 {strides = array<i32>} : memref<8x128xi32, #tpu.memory_space<vmem>>, vector<16xi32>,
            %add3A_761 = arith.constant 16 : i32
            %add3A_762 = arith.addi %mul3A_711, %add3A_761 : i32
            %swap3A_763 = arith.index_cast %select_n3A_693 : i32 to index
            %swap3A_764 = arith.index_cast %add3A_762 : i32 to index
            %swap3A_765 = tpu.vector_load %arg18[%swap3A_763, %swap3A_764] {strides = array<i32>} : memref<8x128xf32, #tpu.memory_space<vmem>>, vector<16xf32>,
            tpu.vector_store %arg18[%swap3A_763, %swap3A_764], %select_n3A_755 {strides = array<i32>} : memref<8x128xf32, #tpu.memory_space<vmem>>, vector<16xf32>,
            %while3A_766 = arith.constant 0 : i32
            scf.yield %while3A_766 : i32
          }
          %while3A_492 = arith.constant 1 : i32
          %while3A_493 = scf.for %while3A_667 = %while3A_489 to %while3A_485 step %while3A_492 iter_args(%while3A_668 = %while3A_491) -> (i32)  : i32 {
            %lt3A_669 = arith.cmpi slt, %while3A_667, %max3A_453 : i32
            %jit3A_670 = arith.constant 4 : i32
            %div3A_671 = arith.divsi %while3A_667, %jit3A_670 : i32
            %sign3A_672 = arith.constant 0 : i32
            %sign3A_673 = arith.cmpi sgt, %while3A_667, %sign3A_672 : i32
            %sign3A_674 = arith.extui %sign3A_673 : i1 to i32
            %sign3A_675 = arith.constant 0 : i32
            %sign3A_676 = arith.cmpi slt, %while3A_667, %sign3A_675 : i32
            %sign3A_677 = arith.extui %sign3A_676 : i1 to i32
            %sign3A_678 = arith.subi %sign3A_674, %sign3A_677 : i32
            %sign3A_679 = arith.constant 0 : i32
            %sign3A_680 = arith.cmpi sgt, %jit3A_670, %sign3A_679 : i32
            %sign3A_681 = arith.extui %sign3A_680 : i1 to i32
            %sign3A_682 = arith.constant 0 : i32
            %sign3A_683 = arith.cmpi slt, %jit3A_670, %sign3A_682 : i32
            %sign3A_684 = arith.extui %sign3A_683 : i1 to i32
            %sign3A_685 = arith.subi %sign3A_681, %sign3A_684 : i32
            %ne3A_686 = arith.cmpi ne, %sign3A_678, %sign3A_685 : i32
            %rem3A_687 = arith.remsi %while3A_667, %jit3A_670 : i32
            %ne3A_688 = arith.constant 0 : i32
            %ne3A_689 = arith.cmpi ne, %rem3A_687, %ne3A_688 : i32
            %and3A_690 = arith.andi %ne3A_686, %ne3A_689 : i1
            %sub3A_691 = arith.constant 1 : i32
            %sub3A_692 = arith.subi %div3A_671, %sub3A_691 : i32
            %select_n3A_693 = arith.select %and3A_690, %sub3A_692, %div3A_671 : i32
            %jit3A_694 = arith.constant 4 : i32
            %eq3A_695 = arith.constant 0 : i32
            %eq3A_696 = arith.cmpi eq, %jit3A_694, %eq3A_695 : i32
            %jit3A_697 = arith.constant 1 : i32
            %select_n3A_698 = arith.select %eq3A_696, %jit3A_697, %jit3A_694 : i32
            %rem3A_699 = arith.remsi %while3A_667, %select_n3A_698 : i32
            %ne3A_700 = arith.constant 0 : i32
            %ne3A_701 = arith.cmpi ne, %rem3A_699, %ne3A_700 : i32
            %lt3A_702 = arith.constant 0 : i32
            %lt3A_703 = arith.cmpi slt, %rem3A_699, %lt3A_702 : i32
            %lt3A_704 = arith.constant 0 : i32
            %lt3A_705 = arith.cmpi slt, %select_n3A_698, %lt3A_704 : i32
            %ne3A_706 = arith.xori %lt3A_703, %lt3A_705 : i1
            %and3A_707 = arith.andi %ne3A_706, %ne3A_701 : i1
            %add3A_708 = arith.addi %rem3A_699, %select_n3A_698 : i32
            %select_n3A_709 = arith.select %and3A_707, %add3A_708, %rem3A_699 : i32
            %mul3A_710 = arith.constant 32 : i32
            %mul3A_711 = arith.muli %select_n3A_709, %mul3A_710 : i32
            %get3A_712 = arith.index_cast %while3A_667 : i32 to index
            %get3A_713 = arith.constant 0 : index
            %get3A_714 = tpu.vector_load %arg13[%get3A_712, %get3A_713] {strides = array<i32>} : memref<32x32xi32, #tpu.memory_space<vmem>>, vector<16xi32>,
            %sub3A_715 = arith.constant 2048 : i32
            %sub3A_716 = vector.broadcast %sub3A_715 : i32 to vector<16xi32>
            %sub3A_717 = arith.subi %get3A_714, %sub3A_716 : vector<16xi32>
            %get3A_718 = arith.index_cast %while3A_667 : i32 to index
            %get3A_719 = arith.constant 0 : index
            %get3A_720 = tpu.vector_load %arg15[%get3A_718, %get3A_719] {strides = array<i32>} : memref<32x32xf32, #tpu.memory_space<vmem>>, vector<16xf32>,
            %mul3A_721 = vector.broadcast %select_n3A : f32 to vector<16xf32>
            %mul3A_722 = arith.mulf %get3A_720, %mul3A_721 : vector<16xf32>
            %jit3A_723 = arith.constant 0 : i32
            %broadcast_in_dim3A_724 = vector.broadcast %jit3A_723 : i32 to vector<16xi32>
            %select_n3A_725 = arith.select %lt3A_669, %sub3A_717, %broadcast_in_dim3A_724 : vector<16xi32>
            %jit3A_726 = arith.constant 0.000000e+00 : f32
            %broadcast_in_dim3A_727 = vector.broadcast %jit3A_726 : f32 to vector<16xf32>
            %select_n3A_728 = arith.select %lt3A_669, %mul3A_722, %broadcast_in_dim3A_727 : vector<16xf32>
            %add3A_729 = arith.constant 0 : i32
            %add3A_730 = arith.addi %mul3A_711, %add3A_729 : i32
            %swap3A_731 = arith.index_cast %select_n3A_693 : i32 to index
            %swap3A_732 = arith.index_cast %add3A_730 : i32 to index
            %swap3A_733 = tpu.vector_load %arg17[%swap3A_731, %swap3A_732] {strides = array<i32>} : memref<8x128xi32, #tpu.memory_space<vmem>>, vector<16xi32>,
            tpu.vector_store %arg17[%swap3A_731, %swap3A_732], %select_n3A_725 {strides = array<i32>} : memref<8x128xi32, #tpu.memory_space<vmem>>, vector<16xi32>,
            %add3A_734 = arith.constant 0 : i32
            %add3A_735 = arith.addi %mul3A_711, %add3A_734 : i32
            %swap3A_736 = arith.index_cast %select_n3A_693 : i32 to index
            %swap3A_737 = arith.index_cast %add3A_735 : i32 to index
            %swap3A_738 = tpu.vector_load %arg18[%swap3A_736, %swap3A_737] {strides = array<i32>} : memref<8x128xf32, #tpu.memory_space<vmem>>, vector<16xf32>,
            tpu.vector_store %arg18[%swap3A_736, %swap3A_737], %select_n3A_728 {strides = array<i32>} : memref<8x128xf32, #tpu.memory_space<vmem>>, vector<16xf32>,
            %get3A_739 = arith.index_cast %while3A_667 : i32 to index
            %get3A_740 = arith.constant 16 : index
            %get3A_741 = tpu.vector_load %arg13[%get3A_739, %get3A_740] {strides = array<i32>} : memref<32x32xi32, #tpu.memory_space<vmem>>, vector<16xi32>,
            %sub3A_742 = arith.constant 2048 : i32
            %sub3A_743 = vector.broadcast %sub3A_742 : i32 to vector<16xi32>
            %sub3A_744 = arith.subi %get3A_741, %sub3A_743 : vector<16xi32>
            %get3A_745 = arith.index_cast %while3A_667 : i32 to index
            %get3A_746 = arith.constant 16 : index
            %get3A_747 = tpu.vector_load %arg15[%get3A_745, %get3A_746] {strides = array<i32>} : memref<32x32xf32, #tpu.memory_space<vmem>>, vector<16xf32>,
            %mul3A_748 = vector.broadcast %select_n3A : f32 to vector<16xf32>
            %mul3A_749 = arith.mulf %get3A_747, %mul3A_748 : vector<16xf32>
            %jit3A_750 = arith.constant 0 : i32
            %broadcast_in_dim3A_751 = vector.broadcast %jit3A_750 : i32 to vector<16xi32>
            %select_n3A_752 = arith.select %lt3A_669, %sub3A_744, %broadcast_in_dim3A_751 : vector<16xi32>
            %jit3A_753 = arith.constant 0.000000e+00 : f32
            %broadcast_in_dim3A_754 = vector.broadcast %jit3A_753 : f32 to vector<16xf32>
            %select_n3A_755 = arith.select %lt3A_669, %mul3A_749, %broadcast_in_dim3A_754 : vector<16xf32>
            %add3A_756 = arith.constant 16 : i32
            %add3A_757 = arith.addi %mul3A_711, %add3A_756 : i32
            %swap3A_758 = arith.index_cast %select_n3A_693 : i32 to index
            %swap3A_759 = arith.index_cast %add3A_757 : i32 to index
            %swap3A_760 = tpu.vector_load %arg17[%swap3A_758, %swap3A_759] {strides = array<i32>} : memref<8x128xi32, #tpu.memory_space<vmem>>, vector<16xi32>,
            tpu.vector_store %arg17[%swap3A_758, %swap3A_759], %select_n3A_752 {strides = array<i32>} : memref<8x128xi32, #tpu.memory_space<vmem>>, vector<16xi32>,
            %add3A_761 = arith.constant 16 : i32
            %add3A_762 = arith.addi %mul3A_711, %add3A_761 : i32
            %swap3A_763 = arith.index_cast %select_n3A_693 : i32 to index
            %swap3A_764 = arith.index_cast %add3A_762 : i32 to index
            %swap3A_765 = tpu.vector_load %arg18[%swap3A_763, %swap3A_764] {strides = array<i32>} : memref<8x128xf32, #tpu.memory_space<vmem>>, vector<16xf32>,
            tpu.vector_store %arg18[%swap3A_763, %swap3A_764], %select_n3A_755 {strides = array<i32>} : memref<8x128xf32, #tpu.memory_space<vmem>>, vector<16xf32>,
            %while3A_766 = arith.constant 0 : i32
            scf.yield %while3A_766 : i32
          }
          %gt3A_494 = arith.constant 0 : i32
          %gt3A_495 = arith.cmpi sgt, %mul3A_481, %gt3A_494 : i32
          %convert_element_type3A_496 = arith.extui %gt3A_495 : i1 to i32
          %cond3A_497 = arith.constant 0 : i32
          %cond3A_498 = arith.cmpi ne, %convert_element_type3A_496, %cond3A_497 : i32
          scf.if %cond3A_498 {
            %dma_start3A_667 = arith.constant 0 : i32
            %dma_start3A_668 = arith.constant 0 : i32
            %dma_start3A_669 = arith.constant 0 : i32
            %dma_start3A_670 = tpu.memref_slice %arg18[%dma_start3A_667, %dma_start3A_669] : memref<8x128xf32, #tpu.memory_space<vmem>> -> memref<1x128xf32, #tpu.memory_space<vmem>>
            %dma_start3A_671 = tpu.memref_squeeze %dma_start3A_670 : memref<1x128xf32, #tpu.memory_space<vmem>> -> memref<128xf32, #tpu.memory_space<vmem>>
            %dma_start3A_672 = arith.constant 0 : i32
            %dma_start3A_673 = tpu.memref_slice %arg17[%dma_start3A_668, %dma_start3A_672] : memref<8x128xi32, #tpu.memory_space<vmem>> -> memref<1x128xi32, #tpu.memory_space<vmem>>
            %dma_start3A_674 = tpu.memref_squeeze %dma_start3A_673 : memref<1x128xi32, #tpu.memory_space<vmem>> -> memref<128xi32, #tpu.memory_space<vmem>>
            %dma_start3A_675 = arith.constant 0 : i32
            %dma_start3A_676 = tpu.memref_slice %arg24[%dma_start3A_675] : memref<33280xf32, #tpu.memory_space<vmem_shared>> -> memref<33280xf32, #tpu.memory_space<vmem_shared>>
            tpu.enqueue_indirect_dma source(%dma_start3A_671 : memref<128xf32, #tpu.memory_space<vmem>>) target(%dma_start3A_676 : memref<33280xf32, #tpu.memory_space<vmem_shared>>) offsets(%dma_start3A_674 : memref<128xi32, #tpu.memory_space<vmem>>) semaphore(%arg30 : memref<!tpu.dma_semaphore, #tpu.memory_space<semaphore_mem>>) {add = true}
          } else {
          }
          %gt3A_499 = arith.constant 4 : i32
          %gt3A_500 = arith.cmpi sgt, %mul3A_481, %gt3A_499 : i32
          %convert_element_type3A_501 = arith.extui %gt3A_500 : i1 to i32
          %cond3A_502 = arith.constant 0 : i32
          %cond3A_503 = arith.cmpi ne, %convert_element_type3A_501, %cond3A_502 : i32
          scf.if %cond3A_503 {
            %dma_start3A_667 = arith.constant 1 : i32
            %dma_start3A_668 = arith.constant 1 : i32
            %dma_start3A_669 = arith.constant 0 : i32
            %dma_start3A_670 = tpu.memref_slice %arg18[%dma_start3A_667, %dma_start3A_669] : memref<8x128xf32, #tpu.memory_space<vmem>> -> memref<1x128xf32, #tpu.memory_space<vmem>>
            %dma_start3A_671 = tpu.memref_squeeze %dma_start3A_670 : memref<1x128xf32, #tpu.memory_space<vmem>> -> memref<128xf32, #tpu.memory_space<vmem>>
            %dma_start3A_672 = arith.constant 0 : i32
            %dma_start3A_673 = tpu.memref_slice %arg17[%dma_start3A_668, %dma_start3A_672] : memref<8x128xi32, #tpu.memory_space<vmem>> -> memref<1x128xi32, #tpu.memory_space<vmem>>
            %dma_start3A_674 = tpu.memref_squeeze %dma_start3A_673 : memref<1x128xi32, #tpu.memory_space<vmem>> -> memref<128xi32, #tpu.memory_space<vmem>>
            %dma_start3A_675 = arith.constant 0 : i32
            %dma_start3A_676 = tpu.memref_slice %arg24[%dma_start3A_675] : memref<33280xf32, #tpu.memory_space<vmem_shared>> -> memref<33280xf32, #tpu.memory_space<vmem_shared>>
            tpu.enqueue_indirect_dma source(%dma_start3A_671 : memref<128xf32, #tpu.memory_space<vmem>>) target(%dma_start3A_676 : memref<33280xf32, #tpu.memory_space<vmem_shared>>) offsets(%dma_start3A_674 : memref<128xi32, #tpu.memory_space<vmem>>) semaphore(%arg30 : memref<!tpu.dma_semaphore, #tpu.memory_space<semaphore_mem>>) {add = true}
          } else {
          }
          %gt3A_504 = arith.constant 8 : i32
          %gt3A_505 = arith.cmpi sgt, %mul3A_481, %gt3A_504 : i32
          %convert_element_type3A_506 = arith.extui %gt3A_505 : i1 to i32
          %cond3A_507 = arith.constant 0 : i32
          %cond3A_508 = arith.cmpi ne, %convert_element_type3A_506, %cond3A_507 : i32
          scf.if %cond3A_508 {
            %dma_start3A_667 = arith.constant 2 : i32
            %dma_start3A_668 = arith.constant 2 : i32
            %dma_start3A_669 = arith.constant 0 : i32
            %dma_start3A_670 = tpu.memref_slice %arg18[%dma_start3A_667, %dma_start3A_669] : memref<8x128xf32, #tpu.memory_space<vmem>> -> memref<1x128xf32, #tpu.memory_space<vmem>>
            %dma_start3A_671 = tpu.memref_squeeze %dma_start3A_670 : memref<1x128xf32, #tpu.memory_space<vmem>> -> memref<128xf32, #tpu.memory_space<vmem>>
            %dma_start3A_672 = arith.constant 0 : i32
            %dma_start3A_673 = tpu.memref_slice %arg17[%dma_start3A_668, %dma_start3A_672] : memref<8x128xi32, #tpu.memory_space<vmem>> -> memref<1x128xi32, #tpu.memory_space<vmem>>
            %dma_start3A_674 = tpu.memref_squeeze %dma_start3A_673 : memref<1x128xi32, #tpu.memory_space<vmem>> -> memref<128xi32, #tpu.memory_space<vmem>>
            %dma_start3A_675 = arith.constant 0 : i32
            %dma_start3A_676 = tpu.memref_slice %arg24[%dma_start3A_675] : memref<33280xf32, #tpu.memory_space<vmem_shared>> -> memref<33280xf32, #tpu.memory_space<vmem_shared>>
            tpu.enqueue_indirect_dma source(%dma_start3A_671 : memref<128xf32, #tpu.memory_space<vmem>>) target(%dma_start3A_676 : memref<33280xf32, #tpu.memory_space<vmem_shared>>) offsets(%dma_start3A_674 : memref<128xi32, #tpu.memory_space<vmem>>) semaphore(%arg30 : memref<!tpu.dma_semaphore, #tpu.memory_space<semaphore_mem>>) {add = true}
          } else {
          }
          %gt3A_509 = arith.constant 12 : i32
          %gt3A_510 = arith.cmpi sgt, %mul3A_481, %gt3A_509 : i32
          %convert_element_type3A_511 = arith.extui %gt3A_510 : i1 to i32
          %cond3A_512 = arith.constant 0 : i32
          %cond3A_513 = arith.cmpi ne, %convert_element_type3A_511, %cond3A_512 : i32
          scf.if %cond3A_513 {
            %dma_start3A_667 = arith.constant 3 : i32
            %dma_start3A_668 = arith.constant 3 : i32
            %dma_start3A_669 = arith.constant 0 : i32
            %dma_start3A_670 = tpu.memref_slice %arg18[%dma_start3A_667, %dma_start3A_669] : memref<8x128xf32, #tpu.memory_space<vmem>> -> memref<1x128xf32, #tpu.memory_space<vmem>>
            %dma_start3A_671 = tpu.memref_squeeze %dma_start3A_670 : memref<1x128xf32, #tpu.memory_space<vmem>> -> memref<128xf32, #tpu.memory_space<vmem>>
            %dma_start3A_672 = arith.constant 0 : i32
            %dma_start3A_673 = tpu.memref_slice %arg17[%dma_start3A_668, %dma_start3A_672] : memref<8x128xi32, #tpu.memory_space<vmem>> -> memref<1x128xi32, #tpu.memory_space<vmem>>
            %dma_start3A_674 = tpu.memref_squeeze %dma_start3A_673 : memref<1x128xi32, #tpu.memory_space<vmem>> -> memref<128xi32, #tpu.memory_space<vmem>>
            %dma_start3A_675 = arith.constant 0 : i32
            %dma_start3A_676 = tpu.memref_slice %arg24[%dma_start3A_675] : memref<33280xf32, #tpu.memory_space<vmem_shared>> -> memref<33280xf32, #tpu.memory_space<vmem_shared>>
            tpu.enqueue_indirect_dma source(%dma_start3A_671 : memref<128xf32, #tpu.memory_space<vmem>>) target(%dma_start3A_676 : memref<33280xf32, #tpu.memory_space<vmem_shared>>) offsets(%dma_start3A_674 : memref<128xi32, #tpu.memory_space<vmem>>) semaphore(%arg30 : memref<!tpu.dma_semaphore, #tpu.memory_space<semaphore_mem>>) {add = true}
          } else {
          }
          %gt3A_514 = arith.constant 16 : i32
          %gt3A_515 = arith.cmpi sgt, %mul3A_481, %gt3A_514 : i32
          %convert_element_type3A_516 = arith.extui %gt3A_515 : i1 to i32
          %cond3A_517 = arith.constant 0 : i32
          %cond3A_518 = arith.cmpi ne, %convert_element_type3A_516, %cond3A_517 : i32
          scf.if %cond3A_518 {
            %dma_start3A_667 = arith.constant 4 : i32
            %dma_start3A_668 = arith.constant 4 : i32
            %dma_start3A_669 = arith.constant 0 : i32
            %dma_start3A_670 = tpu.memref_slice %arg18[%dma_start3A_667, %dma_start3A_669] : memref<8x128xf32, #tpu.memory_space<vmem>> -> memref<1x128xf32, #tpu.memory_space<vmem>>
            %dma_start3A_671 = tpu.memref_squeeze %dma_start3A_670 : memref<1x128xf32, #tpu.memory_space<vmem>> -> memref<128xf32, #tpu.memory_space<vmem>>
            %dma_start3A_672 = arith.constant 0 : i32
            %dma_start3A_673 = tpu.memref_slice %arg17[%dma_start3A_668, %dma_start3A_672] : memref<8x128xi32, #tpu.memory_space<vmem>> -> memref<1x128xi32, #tpu.memory_space<vmem>>
            %dma_start3A_674 = tpu.memref_squeeze %dma_start3A_673 : memref<1x128xi32, #tpu.memory_space<vmem>> -> memref<128xi32, #tpu.memory_space<vmem>>
            %dma_start3A_675 = arith.constant 0 : i32
            %dma_start3A_676 = tpu.memref_slice %arg24[%dma_start3A_675] : memref<33280xf32, #tpu.memory_space<vmem_shared>> -> memref<33280xf32, #tpu.memory_space<vmem_shared>>
            tpu.enqueue_indirect_dma source(%dma_start3A_671 : memref<128xf32, #tpu.memory_space<vmem>>) target(%dma_start3A_676 : memref<33280xf32, #tpu.memory_space<vmem_shared>>) offsets(%dma_start3A_674 : memref<128xi32, #tpu.memory_space<vmem>>) semaphore(%arg30 : memref<!tpu.dma_semaphore, #tpu.memory_space<semaphore_mem>>) {add = true}
          } else {
          }
          %gt3A_519 = arith.constant 20 : i32
          %gt3A_520 = arith.cmpi sgt, %mul3A_481, %gt3A_519 : i32
          %convert_element_type3A_521 = arith.extui %gt3A_520 : i1 to i32
          %cond3A_522 = arith.constant 0 : i32
          %cond3A_523 = arith.cmpi ne, %convert_element_type3A_521, %cond3A_522 : i32
          scf.if %cond3A_523 {
            %dma_start3A_667 = arith.constant 5 : i32
            %dma_start3A_668 = arith.constant 5 : i32
            %dma_start3A_669 = arith.constant 0 : i32
            %dma_start3A_670 = tpu.memref_slice %arg18[%dma_start3A_667, %dma_start3A_669] : memref<8x128xf32, #tpu.memory_space<vmem>> -> memref<1x128xf32, #tpu.memory_space<vmem>>
            %dma_start3A_671 = tpu.memref_squeeze %dma_start3A_670 : memref<1x128xf32, #tpu.memory_space<vmem>> -> memref<128xf32, #tpu.memory_space<vmem>>
            %dma_start3A_672 = arith.constant 0 : i32
            %dma_start3A_673 = tpu.memref_slice %arg17[%dma_start3A_668, %dma_start3A_672] : memref<8x128xi32, #tpu.memory_space<vmem>> -> memref<1x128xi32, #tpu.memory_space<vmem>>
            %dma_start3A_674 = tpu.memref_squeeze %dma_start3A_673 : memref<1x128xi32, #tpu.memory_space<vmem>> -> memref<128xi32, #tpu.memory_space<vmem>>
            %dma_start3A_675 = arith.constant 0 : i32
            %dma_start3A_676 = tpu.memref_slice %arg24[%dma_start3A_675] : memref<33280xf32, #tpu.memory_space<vmem_shared>> -> memref<33280xf32, #tpu.memory_space<vmem_shared>>
            tpu.enqueue_indirect_dma source(%dma_start3A_671 : memref<128xf32, #tpu.memory_space<vmem>>) target(%dma_start3A_676 : memref<33280xf32, #tpu.memory_space<vmem_shared>>) offsets(%dma_start3A_674 : memref<128xi32, #tpu.memory_space<vmem>>) semaphore(%arg30 : memref<!tpu.dma_semaphore, #tpu.memory_space<semaphore_mem>>) {add = true}
          } else {
          }
          %gt3A_524 = arith.constant 24 : i32
          %gt3A_525 = arith.cmpi sgt, %mul3A_481, %gt3A_524 : i32
          %convert_element_type3A_526 = arith.extui %gt3A_525 : i1 to i32
          %cond3A_527 = arith.constant 0 : i32
          %cond3A_528 = arith.cmpi ne, %convert_element_type3A_526, %cond3A_527 : i32
          scf.if %cond3A_528 {
            %dma_start3A_667 = arith.constant 6 : i32
            %dma_start3A_668 = arith.constant 6 : i32
            %dma_start3A_669 = arith.constant 0 : i32
            %dma_start3A_670 = tpu.memref_slice %arg18[%dma_start3A_667, %dma_start3A_669] : memref<8x128xf32, #tpu.memory_space<vmem>> -> memref<1x128xf32, #tpu.memory_space<vmem>>
            %dma_start3A_671 = tpu.memref_squeeze %dma_start3A_670 : memref<1x128xf32, #tpu.memory_space<vmem>> -> memref<128xf32, #tpu.memory_space<vmem>>
            %dma_start3A_672 = arith.constant 0 : i32
            %dma_start3A_673 = tpu.memref_slice %arg17[%dma_start3A_668, %dma_start3A_672] : memref<8x128xi32, #tpu.memory_space<vmem>> -> memref<1x128xi32, #tpu.memory_space<vmem>>
            %dma_start3A_674 = tpu.memref_squeeze %dma_start3A_673 : memref<1x128xi32, #tpu.memory_space<vmem>> -> memref<128xi32, #tpu.memory_space<vmem>>
            %dma_start3A_675 = arith.constant 0 : i32
            %dma_start3A_676 = tpu.memref_slice %arg24[%dma_start3A_675] : memref<33280xf32, #tpu.memory_space<vmem_shared>> -> memref<33280xf32, #tpu.memory_space<vmem_shared>>
            tpu.enqueue_indirect_dma source(%dma_start3A_671 : memref<128xf32, #tpu.memory_space<vmem>>) target(%dma_start3A_676 : memref<33280xf32, #tpu.memory_space<vmem_shared>>) offsets(%dma_start3A_674 : memref<128xi32, #tpu.memory_space<vmem>>) semaphore(%arg30 : memref<!tpu.dma_semaphore, #tpu.memory_space<semaphore_mem>>) {add = true}
          } else {
          }
          %gt3A_529 = arith.constant 28 : i32
          %gt3A_530 = arith.cmpi sgt, %mul3A_481, %gt3A_529 : i32
          %convert_element_type3A_531 = arith.extui %gt3A_530 : i1 to i32
          %cond3A_532 = arith.constant 0 : i32
          %cond3A_533 = arith.cmpi ne, %convert_element_type3A_531, %cond3A_532 : i32
          scf.if %cond3A_533 {
            %dma_start3A_667 = arith.constant 7 : i32
            %dma_start3A_668 = arith.constant 7 : i32
            %dma_start3A_669 = arith.constant 0 : i32
            %dma_start3A_670 = tpu.memref_slice %arg18[%dma_start3A_667, %dma_start3A_669] : memref<8x128xf32, #tpu.memory_space<vmem>> -> memref<1x128xf32, #tpu.memory_space<vmem>>
            %dma_start3A_671 = tpu.memref_squeeze %dma_start3A_670 : memref<1x128xf32, #tpu.memory_space<vmem>> -> memref<128xf32, #tpu.memory_space<vmem>>
            %dma_start3A_672 = arith.constant 0 : i32
            %dma_start3A_673 = tpu.memref_slice %arg17[%dma_start3A_668, %dma_start3A_672] : memref<8x128xi32, #tpu.memory_space<vmem>> -> memref<1x128xi32, #tpu.memory_space<vmem>>
            %dma_start3A_674 = tpu.memref_squeeze %dma_start3A_673 : memref<1x128xi32, #tpu.memory_space<vmem>> -> memref<128xi32, #tpu.memory_space<vmem>>
            %dma_start3A_675 = arith.constant 0 : i32
            %dma_start3A_676 = tpu.memref_slice %arg24[%dma_start3A_675] : memref<33280xf32, #tpu.memory_space<vmem_shared>> -> memref<33280xf32, #tpu.memory_space<vmem_shared>>
            tpu.enqueue_indirect_dma source(%dma_start3A_671 : memref<128xf32, #tpu.memory_space<vmem>>) target(%dma_start3A_676 : memref<33280xf32, #tpu.memory_space<vmem_shared>>) offsets(%dma_start3A_674 : memref<128xi32, #tpu.memory_space<vmem>>) semaphore(%arg30 : memref<!tpu.dma_semaphore, #tpu.memory_space<semaphore_mem>>) {add = true}
          } else {
          }
          %lt3A_534 = arith.cmpi slt, %add3A_401, %while3A_124 : i32
          %convert_element_type3A_535 = arith.extui %lt3A_534 : i1 to i32
          %cond3A_536 = arith.constant 0 : i32
          %cond3A_537 = arith.cmpi ne, %convert_element_type3A_535, %cond3A_536 : i32
          scf.if %cond3A_537 {
            %sub3A_667 = arith.constant 1 : i32
            %sub3A_668 = arith.subi %while3A_124, %sub3A_667 : i32
            %max3A_669 = arith.constant 0 : i32
            %max3A_670 = arith.maxsi %sub3A_668, %max3A_669 : i32
            %min3A_671 = arith.minsi %add3A_401, %max3A_670 : i32
            %min3A_672 = arith.constant 2048 : i32
            %min3A_673 = arith.minsi %min3A_671, %min3A_672 : i32
            %scan3A_674 = arith.constant 0 : i32
            %scan3A_675 = arith.constant 0 : i32
            %scan3A_676 = arith.constant 2 : i32
            %scan3A_677 = arith.addi %scan3A_675, %scan3A_676 : i32
            %scan3A_678 = arith.constant 1 : i32
            %scan3A_679 = scf.for %scan3A_687 = %scan3A_675 to %scan3A_677 step %scan3A_678 iter_args(%scan3A_688 = %scan3A_674) -> (i32)  : i32 {
              %mul3A_689 = arith.constant 16 : i32
              %mul3A_690 = arith.muli %scan3A_687, %mul3A_689 : i32
              %add3A_691 = arith.addi %min3A_673, %mul3A_690 : i32
              %get3A_692 = arith.index_cast %add3A_691 : i32 to index
              %get3A_693 = tpu.vector_load %arg9[%get3A_692] {strides = array<i32>} : memref<2080xi32, #tpu.memory_space<vmem>>, vector<16xi32>,
              %mul3A_694 = arith.constant 16 : i32
              %mul3A_695 = arith.muli %scan3A_687, %mul3A_694 : i32
              %swap3A_696 = arith.index_cast %mul3A_695 : i32 to index
              %swap3A_697 = tpu.vector_load %arg11[%swap3A_696] {strides = array<i32>} : memref<32xi32, #tpu.memory_space<vmem>>, vector<16xi32>,
              tpu.vector_store %arg11[%swap3A_696], %get3A_693 {strides = array<i32>} : memref<32xi32, #tpu.memory_space<vmem>>, vector<16xi32>,
              %scan3A_698 = arith.constant 0 : i32
              scf.yield %scan3A_698 : i32
            }
            %scan3A_680 = arith.constant 2 : i32
            %dma_start3A_681 = arith.constant 0 : i32
            %dma_start3A_682 = arith.constant 0 : i32
            %dma_start3A_683 = tpu.memref_slice %arg3[%dma_start3A_681, %dma_start3A_682] : memref<35328x32xi32, #tpu.memory_space<hbm>> -> memref<35328x32xi32, #tpu.memory_space<hbm>>
            tpu.enqueue_indirect_dma source(%dma_start3A_683 : memref<35328x32xi32, #tpu.memory_space<hbm>>) target(%arg13 : memref<32x32xi32, #tpu.memory_space<vmem>>) offsets(%arg11 : memref<32xi32, #tpu.memory_space<vmem>>) semaphore(%arg26 : memref<!tpu.dma_semaphore, #tpu.memory_space<semaphore_mem>>)
            %dma_start3A_684 = arith.constant 0 : i32
            %dma_start3A_685 = arith.constant 0 : i32
            %dma_start3A_686 = tpu.memref_slice %arg4[%dma_start3A_684, %dma_start3A_685] : memref<35328x32xf32, #tpu.memory_space<hbm>> -> memref<35328x32xf32, #tpu.memory_space<hbm>>
            tpu.enqueue_indirect_dma source(%dma_start3A_686 : memref<35328x32xf32, #tpu.memory_space<hbm>>) target(%arg15 : memref<32x32xf32, #tpu.memory_space<vmem>>) offsets(%arg11 : memref<32xi32, #tpu.memory_space<vmem>>) semaphore(%arg27 : memref<!tpu.dma_semaphore, #tpu.memory_space<semaphore_mem>>)
          } else {
          }
          %lt3A_538 = arith.cmpi slt, %add3A_399, %while3A_124 : i32
          %convert_element_type3A_539 = arith.extui %lt3A_538 : i1 to i32
          %cond3A_540 = arith.constant 0 : i32
          %cond3A_541 = arith.cmpi ne, %convert_element_type3A_539, %cond3A_540 : i32
          scf.if %cond3A_541 {
            %dma_wait3A_667 = arith.constant 0 : i32
            %dma_wait3A_668 = arith.constant 0 : i32
            %dma_wait3A_669 = tpu.memref_slice %arg3[%dma_wait3A_667, %dma_wait3A_668] : memref<35328x32xi32, #tpu.memory_space<hbm>> -> memref<35328x32xi32, #tpu.memory_space<hbm>>
            tpu.wait_indirect_dma semaphore(%arg28 : memref<!tpu.dma_semaphore, #tpu.memory_space<semaphore_mem>>) src(%dma_wait3A_669 : memref<35328x32xi32, #tpu.memory_space<hbm>>) dst(%arg14 : memref<32x32xi32, #tpu.memory_space<vmem>>)
            %dma_wait3A_670 = arith.constant 0 : i32
            %dma_wait3A_671 = arith.constant 0 : i32
            %dma_wait3A_672 = tpu.memref_slice %arg4[%dma_wait3A_670, %dma_wait3A_671] : memref<35328x32xf32, #tpu.memory_space<hbm>> -> memref<35328x32xf32, #tpu.memory_space<hbm>>
            tpu.wait_indirect_dma semaphore(%arg29 : memref<!tpu.dma_semaphore, #tpu.memory_space<semaphore_mem>>) src(%dma_wait3A_672 : memref<35328x32xf32, #tpu.memory_space<hbm>>) dst(%arg16 : memref<32x32xf32, #tpu.memory_space<vmem>>)
          } else {
          }
          %gt3A_542 = arith.constant 0 : i32
          %gt3A_543 = arith.cmpi sgt, %while3A_393, %gt3A_542 : i32
          %convert_element_type3A_544 = arith.extui %gt3A_543 : i1 to i32
          %cond3A_545 = arith.constant 0 : i32
          %cond3A_546 = arith.cmpi ne, %convert_element_type3A_544, %cond3A_545 : i32
          scf.if %cond3A_546 {
            %dma_wait3A_667 = arith.constant 0 : i32
            %dma_wait3A_668 = arith.constant 0 : i32
            %dma_wait3A_669 = arith.constant 0 : i32
            %dma_wait3A_670 = tpu.memref_slice %arg20[%dma_wait3A_667, %dma_wait3A_669] : memref<8x128xf32, #tpu.memory_space<vmem>> -> memref<1x128xf32, #tpu.memory_space<vmem>>
            %dma_wait3A_671 = tpu.memref_squeeze %dma_wait3A_670 : memref<1x128xf32, #tpu.memory_space<vmem>> -> memref<128xf32, #tpu.memory_space<vmem>>
            %dma_wait3A_672 = arith.constant 0 : i32
            %dma_wait3A_673 = tpu.memref_slice %arg19[%dma_wait3A_668, %dma_wait3A_672] : memref<8x128xi32, #tpu.memory_space<vmem>> -> memref<1x128xi32, #tpu.memory_space<vmem>>
            %dma_wait3A_674 = tpu.memref_squeeze %dma_wait3A_673 : memref<1x128xi32, #tpu.memory_space<vmem>> -> memref<128xi32, #tpu.memory_space<vmem>>
            %dma_wait3A_675 = arith.constant 0 : i32
            %dma_wait3A_676 = tpu.memref_slice %arg24[%dma_wait3A_675] : memref<33280xf32, #tpu.memory_space<vmem_shared>> -> memref<33280xf32, #tpu.memory_space<vmem_shared>>
            tpu.wait_indirect_dma semaphore(%arg31 : memref<!tpu.dma_semaphore, #tpu.memory_space<semaphore_mem>>) src(%dma_wait3A_671 : memref<128xf32, #tpu.memory_space<vmem>>) dst(%dma_wait3A_676 : memref<33280xf32, #tpu.memory_space<vmem_shared>>)
          } else {
          }
          %gt3A_547 = arith.constant 4 : i32
          %gt3A_548 = arith.cmpi sgt, %while3A_393, %gt3A_547 : i32
          %convert_element_type3A_549 = arith.extui %gt3A_548 : i1 to i32
          %cond3A_550 = arith.constant 0 : i32
          %cond3A_551 = arith.cmpi ne, %convert_element_type3A_549, %cond3A_550 : i32
          scf.if %cond3A_551 {
            %dma_wait3A_667 = arith.constant 1 : i32
            %dma_wait3A_668 = arith.constant 1 : i32
            %dma_wait3A_669 = arith.constant 0 : i32
            %dma_wait3A_670 = tpu.memref_slice %arg20[%dma_wait3A_667, %dma_wait3A_669] : memref<8x128xf32, #tpu.memory_space<vmem>> -> memref<1x128xf32, #tpu.memory_space<vmem>>
            %dma_wait3A_671 = tpu.memref_squeeze %dma_wait3A_670 : memref<1x128xf32, #tpu.memory_space<vmem>> -> memref<128xf32, #tpu.memory_space<vmem>>
            %dma_wait3A_672 = arith.constant 0 : i32
            %dma_wait3A_673 = tpu.memref_slice %arg19[%dma_wait3A_668, %dma_wait3A_672] : memref<8x128xi32, #tpu.memory_space<vmem>> -> memref<1x128xi32, #tpu.memory_space<vmem>>
            %dma_wait3A_674 = tpu.memref_squeeze %dma_wait3A_673 : memref<1x128xi32, #tpu.memory_space<vmem>> -> memref<128xi32, #tpu.memory_space<vmem>>
            %dma_wait3A_675 = arith.constant 0 : i32
            %dma_wait3A_676 = tpu.memref_slice %arg24[%dma_wait3A_675] : memref<33280xf32, #tpu.memory_space<vmem_shared>> -> memref<33280xf32, #tpu.memory_space<vmem_shared>>
            tpu.wait_indirect_dma semaphore(%arg31 : memref<!tpu.dma_semaphore, #tpu.memory_space<semaphore_mem>>) src(%dma_wait3A_671 : memref<128xf32, #tpu.memory_space<vmem>>) dst(%dma_wait3A_676 : memref<33280xf32, #tpu.memory_space<vmem_shared>>)
          } else {
          }
          %gt3A_552 = arith.constant 8 : i32
          %gt3A_553 = arith.cmpi sgt, %while3A_393, %gt3A_552 : i32
          %convert_element_type3A_554 = arith.extui %gt3A_553 : i1 to i32
          %cond3A_555 = arith.constant 0 : i32
          %cond3A_556 = arith.cmpi ne, %convert_element_type3A_554, %cond3A_555 : i32
          scf.if %cond3A_556 {
            %dma_wait3A_667 = arith.constant 2 : i32
            %dma_wait3A_668 = arith.constant 2 : i32
            %dma_wait3A_669 = arith.constant 0 : i32
            %dma_wait3A_670 = tpu.memref_slice %arg20[%dma_wait3A_667, %dma_wait3A_669] : memref<8x128xf32, #tpu.memory_space<vmem>> -> memref<1x128xf32, #tpu.memory_space<vmem>>
            %dma_wait3A_671 = tpu.memref_squeeze %dma_wait3A_670 : memref<1x128xf32, #tpu.memory_space<vmem>> -> memref<128xf32, #tpu.memory_space<vmem>>
            %dma_wait3A_672 = arith.constant 0 : i32
            %dma_wait3A_673 = tpu.memref_slice %arg19[%dma_wait3A_668, %dma_wait3A_672] : memref<8x128xi32, #tpu.memory_space<vmem>> -> memref<1x128xi32, #tpu.memory_space<vmem>>
            %dma_wait3A_674 = tpu.memref_squeeze %dma_wait3A_673 : memref<1x128xi32, #tpu.memory_space<vmem>> -> memref<128xi32, #tpu.memory_space<vmem>>
            %dma_wait3A_675 = arith.constant 0 : i32
            %dma_wait3A_676 = tpu.memref_slice %arg24[%dma_wait3A_675] : memref<33280xf32, #tpu.memory_space<vmem_shared>> -> memref<33280xf32, #tpu.memory_space<vmem_shared>>
            tpu.wait_indirect_dma semaphore(%arg31 : memref<!tpu.dma_semaphore, #tpu.memory_space<semaphore_mem>>) src(%dma_wait3A_671 : memref<128xf32, #tpu.memory_space<vmem>>) dst(%dma_wait3A_676 : memref<33280xf32, #tpu.memory_space<vmem_shared>>)
          } else {
          }
          %gt3A_557 = arith.constant 12 : i32
          %gt3A_558 = arith.cmpi sgt, %while3A_393, %gt3A_557 : i32
          %convert_element_type3A_559 = arith.extui %gt3A_558 : i1 to i32
          %cond3A_560 = arith.constant 0 : i32
          %cond3A_561 = arith.cmpi ne, %convert_element_type3A_559, %cond3A_560 : i32
          scf.if %cond3A_561 {
            %dma_wait3A_667 = arith.constant 3 : i32
            %dma_wait3A_668 = arith.constant 3 : i32
            %dma_wait3A_669 = arith.constant 0 : i32
            %dma_wait3A_670 = tpu.memref_slice %arg20[%dma_wait3A_667, %dma_wait3A_669] : memref<8x128xf32, #tpu.memory_space<vmem>> -> memref<1x128xf32, #tpu.memory_space<vmem>>
            %dma_wait3A_671 = tpu.memref_squeeze %dma_wait3A_670 : memref<1x128xf32, #tpu.memory_space<vmem>> -> memref<128xf32, #tpu.memory_space<vmem>>
            %dma_wait3A_672 = arith.constant 0 : i32
            %dma_wait3A_673 = tpu.memref_slice %arg19[%dma_wait3A_668, %dma_wait3A_672] : memref<8x128xi32, #tpu.memory_space<vmem>> -> memref<1x128xi32, #tpu.memory_space<vmem>>
            %dma_wait3A_674 = tpu.memref_squeeze %dma_wait3A_673 : memref<1x128xi32, #tpu.memory_space<vmem>> -> memref<128xi32, #tpu.memory_space<vmem>>
            %dma_wait3A_675 = arith.constant 0 : i32
            %dma_wait3A_676 = tpu.memref_slice %arg24[%dma_wait3A_675] : memref<33280xf32, #tpu.memory_space<vmem_shared>> -> memref<33280xf32, #tpu.memory_space<vmem_shared>>
            tpu.wait_indirect_dma semaphore(%arg31 : memref<!tpu.dma_semaphore, #tpu.memory_space<semaphore_mem>>) src(%dma_wait3A_671 : memref<128xf32, #tpu.memory_space<vmem>>) dst(%dma_wait3A_676 : memref<33280xf32, #tpu.memory_space<vmem_shared>>)
          } else {
          }
          %gt3A_562 = arith.constant 16 : i32
          %gt3A_563 = arith.cmpi sgt, %while3A_393, %gt3A_562 : i32
          %convert_element_type3A_564 = arith.extui %gt3A_563 : i1 to i32
          %cond3A_565 = arith.constant 0 : i32
          %cond3A_566 = arith.cmpi ne, %convert_element_type3A_564, %cond3A_565 : i32
          scf.if %cond3A_566 {
            %dma_wait3A_667 = arith.constant 4 : i32
            %dma_wait3A_668 = arith.constant 4 : i32
            %dma_wait3A_669 = arith.constant 0 : i32
            %dma_wait3A_670 = tpu.memref_slice %arg20[%dma_wait3A_667, %dma_wait3A_669] : memref<8x128xf32, #tpu.memory_space<vmem>> -> memref<1x128xf32, #tpu.memory_space<vmem>>
            %dma_wait3A_671 = tpu.memref_squeeze %dma_wait3A_670 : memref<1x128xf32, #tpu.memory_space<vmem>> -> memref<128xf32, #tpu.memory_space<vmem>>
            %dma_wait3A_672 = arith.constant 0 : i32
            %dma_wait3A_673 = tpu.memref_slice %arg19[%dma_wait3A_668, %dma_wait3A_672] : memref<8x128xi32, #tpu.memory_space<vmem>> -> memref<1x128xi32, #tpu.memory_space<vmem>>
            %dma_wait3A_674 = tpu.memref_squeeze %dma_wait3A_673 : memref<1x128xi32, #tpu.memory_space<vmem>> -> memref<128xi32, #tpu.memory_space<vmem>>
            %dma_wait3A_675 = arith.constant 0 : i32
            %dma_wait3A_676 = tpu.memref_slice %arg24[%dma_wait3A_675] : memref<33280xf32, #tpu.memory_space<vmem_shared>> -> memref<33280xf32, #tpu.memory_space<vmem_shared>>
            tpu.wait_indirect_dma semaphore(%arg31 : memref<!tpu.dma_semaphore, #tpu.memory_space<semaphore_mem>>) src(%dma_wait3A_671 : memref<128xf32, #tpu.memory_space<vmem>>) dst(%dma_wait3A_676 : memref<33280xf32, #tpu.memory_space<vmem_shared>>)
          } else {
          }
          %gt3A_567 = arith.constant 20 : i32
          %gt3A_568 = arith.cmpi sgt, %while3A_393, %gt3A_567 : i32
          %convert_element_type3A_569 = arith.extui %gt3A_568 : i1 to i32
          %cond3A_570 = arith.constant 0 : i32
          %cond3A_571 = arith.cmpi ne, %convert_element_type3A_569, %cond3A_570 : i32
          scf.if %cond3A_571 {
            %dma_wait3A_667 = arith.constant 5 : i32
            %dma_wait3A_668 = arith.constant 5 : i32
            %dma_wait3A_669 = arith.constant 0 : i32
            %dma_wait3A_670 = tpu.memref_slice %arg20[%dma_wait3A_667, %dma_wait3A_669] : memref<8x128xf32, #tpu.memory_space<vmem>> -> memref<1x128xf32, #tpu.memory_space<vmem>>
            %dma_wait3A_671 = tpu.memref_squeeze %dma_wait3A_670 : memref<1x128xf32, #tpu.memory_space<vmem>> -> memref<128xf32, #tpu.memory_space<vmem>>
            %dma_wait3A_672 = arith.constant 0 : i32
            %dma_wait3A_673 = tpu.memref_slice %arg19[%dma_wait3A_668, %dma_wait3A_672] : memref<8x128xi32, #tpu.memory_space<vmem>> -> memref<1x128xi32, #tpu.memory_space<vmem>>
            %dma_wait3A_674 = tpu.memref_squeeze %dma_wait3A_673 : memref<1x128xi32, #tpu.memory_space<vmem>> -> memref<128xi32, #tpu.memory_space<vmem>>
            %dma_wait3A_675 = arith.constant 0 : i32
            %dma_wait3A_676 = tpu.memref_slice %arg24[%dma_wait3A_675] : memref<33280xf32, #tpu.memory_space<vmem_shared>> -> memref<33280xf32, #tpu.memory_space<vmem_shared>>
            tpu.wait_indirect_dma semaphore(%arg31 : memref<!tpu.dma_semaphore, #tpu.memory_space<semaphore_mem>>) src(%dma_wait3A_671 : memref<128xf32, #tpu.memory_space<vmem>>) dst(%dma_wait3A_676 : memref<33280xf32, #tpu.memory_space<vmem_shared>>)
          } else {
          }
          %gt3A_572 = arith.constant 24 : i32
          %gt3A_573 = arith.cmpi sgt, %while3A_393, %gt3A_572 : i32
          %convert_element_type3A_574 = arith.extui %gt3A_573 : i1 to i32
          %cond3A_575 = arith.constant 0 : i32
          %cond3A_576 = arith.cmpi ne, %convert_element_type3A_574, %cond3A_575 : i32
          scf.if %cond3A_576 {
            %dma_wait3A_667 = arith.constant 6 : i32
            %dma_wait3A_668 = arith.constant 6 : i32
            %dma_wait3A_669 = arith.constant 0 : i32
            %dma_wait3A_670 = tpu.memref_slice %arg20[%dma_wait3A_667, %dma_wait3A_669] : memref<8x128xf32, #tpu.memory_space<vmem>> -> memref<1x128xf32, #tpu.memory_space<vmem>>
            %dma_wait3A_671 = tpu.memref_squeeze %dma_wait3A_670 : memref<1x128xf32, #tpu.memory_space<vmem>> -> memref<128xf32, #tpu.memory_space<vmem>>
            %dma_wait3A_672 = arith.constant 0 : i32
            %dma_wait3A_673 = tpu.memref_slice %arg19[%dma_wait3A_668, %dma_wait3A_672] : memref<8x128xi32, #tpu.memory_space<vmem>> -> memref<1x128xi32, #tpu.memory_space<vmem>>
            %dma_wait3A_674 = tpu.memref_squeeze %dma_wait3A_673 : memref<1x128xi32, #tpu.memory_space<vmem>> -> memref<128xi32, #tpu.memory_space<vmem>>
            %dma_wait3A_675 = arith.constant 0 : i32
            %dma_wait3A_676 = tpu.memref_slice %arg24[%dma_wait3A_675] : memref<33280xf32, #tpu.memory_space<vmem_shared>> -> memref<33280xf32, #tpu.memory_space<vmem_shared>>
            tpu.wait_indirect_dma semaphore(%arg31 : memref<!tpu.dma_semaphore, #tpu.memory_space<semaphore_mem>>) src(%dma_wait3A_671 : memref<128xf32, #tpu.memory_space<vmem>>) dst(%dma_wait3A_676 : memref<33280xf32, #tpu.memory_space<vmem_shared>>)
          } else {
          }
          %gt3A_577 = arith.constant 28 : i32
          %gt3A_578 = arith.cmpi sgt, %while3A_393, %gt3A_577 : i32
          %convert_element_type3A_579 = arith.extui %gt3A_578 : i1 to i32
          %cond3A_580 = arith.constant 0 : i32
          %cond3A_581 = arith.cmpi ne, %convert_element_type3A_579, %cond3A_580 : i32
          scf.if %cond3A_581 {
            %dma_wait3A_667 = arith.constant 7 : i32
            %dma_wait3A_668 = arith.constant 7 : i32
            %dma_wait3A_669 = arith.constant 0 : i32
            %dma_wait3A_670 = tpu.memref_slice %arg20[%dma_wait3A_667, %dma_wait3A_669] : memref<8x128xf32, #tpu.memory_space<vmem>> -> memref<1x128xf32, #tpu.memory_space<vmem>>
            %dma_wait3A_671 = tpu.memref_squeeze %dma_wait3A_670 : memref<1x128xf32, #tpu.memory_space<vmem>> -> memref<128xf32, #tpu.memory_space<vmem>>
            %dma_wait3A_672 = arith.constant 0 : i32
            %dma_wait3A_673 = tpu.memref_slice %arg19[%dma_wait3A_668, %dma_wait3A_672] : memref<8x128xi32, #tpu.memory_space<vmem>> -> memref<1x128xi32, #tpu.memory_space<vmem>>
            %dma_wait3A_674 = tpu.memref_squeeze %dma_wait3A_673 : memref<1x128xi32, #tpu.memory_space<vmem>> -> memref<128xi32, #tpu.memory_space<vmem>>
            %dma_wait3A_675 = arith.constant 0 : i32
            %dma_wait3A_676 = tpu.memref_slice %arg24[%dma_wait3A_675] : memref<33280xf32, #tpu.memory_space<vmem_shared>> -> memref<33280xf32, #tpu.memory_space<vmem_shared>>
            tpu.wait_indirect_dma semaphore(%arg31 : memref<!tpu.dma_semaphore, #tpu.memory_space<semaphore_mem>>) src(%dma_wait3A_671 : memref<128xf32, #tpu.memory_space<vmem>>) dst(%dma_wait3A_676 : memref<33280xf32, #tpu.memory_space<vmem_shared>>)
          } else {
          }
          %sub3A_582 = arith.subi %while3A_124, %add3A_399 : i32
          %min3A_583 = arith.constant 32 : i32
          %min3A_584 = arith.minsi %min3A_583, %sub3A_582 : i32
          %max3A_585 = arith.constant 0 : i32
          %max3A_586 = arith.maxsi %min3A_584, %max3A_585 : i32
          %add3A_587 = arith.constant 3 : i32
          %add3A_588 = arith.addi %max3A_586, %add3A_587 : i32
          %jit3A_589 = arith.constant 4 : i32
          %div3A_590 = arith.divsi %add3A_588, %jit3A_589 : i32
          %sign3A_591 = arith.constant 0 : i32
          %sign3A_592 = arith.cmpi sgt, %add3A_588, %sign3A_591 : i32
          %sign3A_593 = arith.extui %sign3A_592 : i1 to i32
          %sign3A_594 = arith.constant 0 : i32
          %sign3A_595 = arith.cmpi slt, %add3A_588, %sign3A_594 : i32
          %sign3A_596 = arith.extui %sign3A_595 : i1 to i32
          %sign3A_597 = arith.subi %sign3A_593, %sign3A_596 : i32
          %sign3A_598 = arith.constant 0 : i32
          %sign3A_599 = arith.cmpi sgt, %jit3A_589, %sign3A_598 : i32
          %sign3A_600 = arith.extui %sign3A_599 : i1 to i32
          %sign3A_601 = arith.constant 0 : i32
          %sign3A_602 = arith.cmpi slt, %jit3A_589, %sign3A_601 : i32
          %sign3A_603 = arith.extui %sign3A_602 : i1 to i32
          %sign3A_604 = arith.subi %sign3A_600, %sign3A_603 : i32
          %ne3A_605 = arith.cmpi ne, %sign3A_597, %sign3A_604 : i32
          %rem3A_606 = arith.remsi %add3A_588, %jit3A_589 : i32
          %ne3A_607 = arith.constant 0 : i32
          %ne3A_608 = arith.cmpi ne, %rem3A_606, %ne3A_607 : i32
          %and3A_609 = arith.andi %ne3A_605, %ne3A_608 : i1
          %sub3A_610 = arith.constant 1 : i32
          %sub3A_611 = arith.subi %div3A_590, %sub3A_610 : i32
          %select_n3A_612 = arith.select %and3A_609, %sub3A_611, %div3A_590 : i32
          %mul3A_613 = arith.constant 4 : i32
          %mul3A_614 = arith.muli %select_n3A_612, %mul3A_613 : i32
          %while3A_615 = arith.constant 0 : i32
          %while3A_616 = arith.constant 0 : i32
          %while3A_617 = arith.subi %mul3A_614, %while3A_615 : i32
          %while3A_618 = arith.addi %while3A_615, %while3A_617 : i32
          %while3A_619 = arith.constant 1 : i32
          %while3A_620 = arith.divsi %while3A_617, %while3A_619 : i32
          %while3A_621 = arith.muli %while3A_620, %while3A_619 : i32
          %while3A_622 = arith.addi %while3A_615, %while3A_621 : i32
          %while3A_623 = arith.constant 1 : i32
          %while3A_624 = scf.for %while3A_667 = %while3A_615 to %while3A_622 step %while3A_623 iter_args(%while3A_668 = %while3A_616) -> (i32)  : i32 {
            %lt3A_669 = arith.cmpi slt, %while3A_667, %max3A_586 : i32
            %jit3A_670 = arith.constant 4 : i32
            %div3A_671 = arith.divsi %while3A_667, %jit3A_670 : i32
            %sign3A_672 = arith.constant 0 : i32
            %sign3A_673 = arith.cmpi sgt, %while3A_667, %sign3A_672 : i32
            %sign3A_674 = arith.extui %sign3A_673 : i1 to i32
            %sign3A_675 = arith.constant 0 : i32
            %sign3A_676 = arith.cmpi slt, %while3A_667, %sign3A_675 : i32
            %sign3A_677 = arith.extui %sign3A_676 : i1 to i32
            %sign3A_678 = arith.subi %sign3A_674, %sign3A_677 : i32
            %sign3A_679 = arith.constant 0 : i32
            %sign3A_680 = arith.cmpi sgt, %jit3A_670, %sign3A_679 : i32
            %sign3A_681 = arith.extui %sign3A_680 : i1 to i32
            %sign3A_682 = arith.constant 0 : i32
            %sign3A_683 = arith.cmpi slt, %jit3A_670, %sign3A_682 : i32
            %sign3A_684 = arith.extui %sign3A_683 : i1 to i32
            %sign3A_685 = arith.subi %sign3A_681, %sign3A_684 : i32
            %ne3A_686 = arith.cmpi ne, %sign3A_678, %sign3A_685 : i32
            %rem3A_687 = arith.remsi %while3A_667, %jit3A_670 : i32
            %ne3A_688 = arith.constant 0 : i32
            %ne3A_689 = arith.cmpi ne, %rem3A_687, %ne3A_688 : i32
            %and3A_690 = arith.andi %ne3A_686, %ne3A_689 : i1
            %sub3A_691 = arith.constant 1 : i32
            %sub3A_692 = arith.subi %div3A_671, %sub3A_691 : i32
            %select_n3A_693 = arith.select %and3A_690, %sub3A_692, %div3A_671 : i32
            %jit3A_694 = arith.constant 4 : i32
            %eq3A_695 = arith.constant 0 : i32
            %eq3A_696 = arith.cmpi eq, %jit3A_694, %eq3A_695 : i32
            %jit3A_697 = arith.constant 1 : i32
            %select_n3A_698 = arith.select %eq3A_696, %jit3A_697, %jit3A_694 : i32
            %rem3A_699 = arith.remsi %while3A_667, %select_n3A_698 : i32
            %ne3A_700 = arith.constant 0 : i32
            %ne3A_701 = arith.cmpi ne, %rem3A_699, %ne3A_700 : i32
            %lt3A_702 = arith.constant 0 : i32
            %lt3A_703 = arith.cmpi slt, %rem3A_699, %lt3A_702 : i32
            %lt3A_704 = arith.constant 0 : i32
            %lt3A_705 = arith.cmpi slt, %select_n3A_698, %lt3A_704 : i32
            %ne3A_706 = arith.xori %lt3A_703, %lt3A_705 : i1
            %and3A_707 = arith.andi %ne3A_706, %ne3A_701 : i1
            %add3A_708 = arith.addi %rem3A_699, %select_n3A_698 : i32
            %select_n3A_709 = arith.select %and3A_707, %add3A_708, %rem3A_699 : i32
            %mul3A_710 = arith.constant 32 : i32
            %mul3A_711 = arith.muli %select_n3A_709, %mul3A_710 : i32
            %get3A_712 = arith.index_cast %while3A_667 : i32 to index
            %get3A_713 = arith.constant 0 : index
            %get3A_714 = tpu.vector_load %arg14[%get3A_712, %get3A_713] {strides = array<i32>} : memref<32x32xi32, #tpu.memory_space<vmem>>, vector<16xi32>,
            %sub3A_715 = arith.constant 2048 : i32
            %sub3A_716 = vector.broadcast %sub3A_715 : i32 to vector<16xi32>
            %sub3A_717 = arith.subi %get3A_714, %sub3A_716 : vector<16xi32>
            %get3A_718 = arith.index_cast %while3A_667 : i32 to index
            %get3A_719 = arith.constant 0 : index
            %get3A_720 = tpu.vector_load %arg16[%get3A_718, %get3A_719] {strides = array<i32>} : memref<32x32xf32, #tpu.memory_space<vmem>>, vector<16xf32>,
            %mul3A_721 = vector.broadcast %select_n3A : f32 to vector<16xf32>
            %mul3A_722 = arith.mulf %get3A_720, %mul3A_721 : vector<16xf32>
            %jit3A_723 = arith.constant 0 : i32
            %broadcast_in_dim3A_724 = vector.broadcast %jit3A_723 : i32 to vector<16xi32>
            %select_n3A_725 = arith.select %lt3A_669, %sub3A_717, %broadcast_in_dim3A_724 : vector<16xi32>
            %jit3A_726 = arith.constant 0.000000e+00 : f32
            %broadcast_in_dim3A_727 = vector.broadcast %jit3A_726 : f32 to vector<16xf32>
            %select_n3A_728 = arith.select %lt3A_669, %mul3A_722, %broadcast_in_dim3A_727 : vector<16xf32>
            %add3A_729 = arith.constant 0 : i32
            %add3A_730 = arith.addi %mul3A_711, %add3A_729 : i32
            %swap3A_731 = arith.index_cast %select_n3A_693 : i32 to index
            %swap3A_732 = arith.index_cast %add3A_730 : i32 to index
            %swap3A_733 = tpu.vector_load %arg19[%swap3A_731, %swap3A_732] {strides = array<i32>} : memref<8x128xi32, #tpu.memory_space<vmem>>, vector<16xi32>,
            tpu.vector_store %arg19[%swap3A_731, %swap3A_732], %select_n3A_725 {strides = array<i32>} : memref<8x128xi32, #tpu.memory_space<vmem>>, vector<16xi32>,
            %add3A_734 = arith.constant 0 : i32
            %add3A_735 = arith.addi %mul3A_711, %add3A_734 : i32
            %swap3A_736 = arith.index_cast %select_n3A_693 : i32 to index
            %swap3A_737 = arith.index_cast %add3A_735 : i32 to index
            %swap3A_738 = tpu.vector_load %arg20[%swap3A_736, %swap3A_737] {strides = array<i32>} : memref<8x128xf32, #tpu.memory_space<vmem>>, vector<16xf32>,
            tpu.vector_store %arg20[%swap3A_736, %swap3A_737], %select_n3A_728 {strides = array<i32>} : memref<8x128xf32, #tpu.memory_space<vmem>>, vector<16xf32>,
            %get3A_739 = arith.index_cast %while3A_667 : i32 to index
            %get3A_740 = arith.constant 16 : index
            %get3A_741 = tpu.vector_load %arg14[%get3A_739, %get3A_740] {strides = array<i32>} : memref<32x32xi32, #tpu.memory_space<vmem>>, vector<16xi32>,
            %sub3A_742 = arith.constant 2048 : i32
            %sub3A_743 = vector.broadcast %sub3A_742 : i32 to vector<16xi32>
            %sub3A_744 = arith.subi %get3A_741, %sub3A_743 : vector<16xi32>
            %get3A_745 = arith.index_cast %while3A_667 : i32 to index
            %get3A_746 = arith.constant 16 : index
            %get3A_747 = tpu.vector_load %arg16[%get3A_745, %get3A_746] {strides = array<i32>} : memref<32x32xf32, #tpu.memory_space<vmem>>, vector<16xf32>,
            %mul3A_748 = vector.broadcast %select_n3A : f32 to vector<16xf32>
            %mul3A_749 = arith.mulf %get3A_747, %mul3A_748 : vector<16xf32>
            %jit3A_750 = arith.constant 0 : i32
            %broadcast_in_dim3A_751 = vector.broadcast %jit3A_750 : i32 to vector<16xi32>
            %select_n3A_752 = arith.select %lt3A_669, %sub3A_744, %broadcast_in_dim3A_751 : vector<16xi32>
            %jit3A_753 = arith.constant 0.000000e+00 : f32
            %broadcast_in_dim3A_754 = vector.broadcast %jit3A_753 : f32 to vector<16xf32>
            %select_n3A_755 = arith.select %lt3A_669, %mul3A_749, %broadcast_in_dim3A_754 : vector<16xf32>
            %add3A_756 = arith.constant 16 : i32
            %add3A_757 = arith.addi %mul3A_711, %add3A_756 : i32
            %swap3A_758 = arith.index_cast %select_n3A_693 : i32 to index
            %swap3A_759 = arith.index_cast %add3A_757 : i32 to index
            %swap3A_760 = tpu.vector_load %arg19[%swap3A_758, %swap3A_759] {strides = array<i32>} : memref<8x128xi32, #tpu.memory_space<vmem>>, vector<16xi32>,
            tpu.vector_store %arg19[%swap3A_758, %swap3A_759], %select_n3A_752 {strides = array<i32>} : memref<8x128xi32, #tpu.memory_space<vmem>>, vector<16xi32>,
            %add3A_761 = arith.constant 16 : i32
            %add3A_762 = arith.addi %mul3A_711, %add3A_761 : i32
            %swap3A_763 = arith.index_cast %select_n3A_693 : i32 to index
            %swap3A_764 = arith.index_cast %add3A_762 : i32 to index
            %swap3A_765 = tpu.vector_load %arg20[%swap3A_763, %swap3A_764] {strides = array<i32>} : memref<8x128xf32, #tpu.memory_space<vmem>>, vector<16xf32>,
            tpu.vector_store %arg20[%swap3A_763, %swap3A_764], %select_n3A_755 {strides = array<i32>} : memref<8x128xf32, #tpu.memory_space<vmem>>, vector<16xf32>,
            %while3A_766 = arith.constant 0 : i32
            scf.yield %while3A_766 : i32
          }
          %while3A_625 = arith.constant 1 : i32
          %while3A_626 = scf.for %while3A_667 = %while3A_622 to %while3A_618 step %while3A_625 iter_args(%while3A_668 = %while3A_624) -> (i32)  : i32 {
            %lt3A_669 = arith.cmpi slt, %while3A_667, %max3A_586 : i32
            %jit3A_670 = arith.constant 4 : i32
            %div3A_671 = arith.divsi %while3A_667, %jit3A_670 : i32
            %sign3A_672 = arith.constant 0 : i32
            %sign3A_673 = arith.cmpi sgt, %while3A_667, %sign3A_672 : i32
            %sign3A_674 = arith.extui %sign3A_673 : i1 to i32
            %sign3A_675 = arith.constant 0 : i32
            %sign3A_676 = arith.cmpi slt, %while3A_667, %sign3A_675 : i32
            %sign3A_677 = arith.extui %sign3A_676 : i1 to i32
            %sign3A_678 = arith.subi %sign3A_674, %sign3A_677 : i32
            %sign3A_679 = arith.constant 0 : i32
            %sign3A_680 = arith.cmpi sgt, %jit3A_670, %sign3A_679 : i32
            %sign3A_681 = arith.extui %sign3A_680 : i1 to i32
            %sign3A_682 = arith.constant 0 : i32
            %sign3A_683 = arith.cmpi slt, %jit3A_670, %sign3A_682 : i32
            %sign3A_684 = arith.extui %sign3A_683 : i1 to i32
            %sign3A_685 = arith.subi %sign3A_681, %sign3A_684 : i32
            %ne3A_686 = arith.cmpi ne, %sign3A_678, %sign3A_685 : i32
            %rem3A_687 = arith.remsi %while3A_667, %jit3A_670 : i32
            %ne3A_688 = arith.constant 0 : i32
            %ne3A_689 = arith.cmpi ne, %rem3A_687, %ne3A_688 : i32
            %and3A_690 = arith.andi %ne3A_686, %ne3A_689 : i1
            %sub3A_691 = arith.constant 1 : i32
            %sub3A_692 = arith.subi %div3A_671, %sub3A_691 : i32
            %select_n3A_693 = arith.select %and3A_690, %sub3A_692, %div3A_671 : i32
            %jit3A_694 = arith.constant 4 : i32
            %eq3A_695 = arith.constant 0 : i32
            %eq3A_696 = arith.cmpi eq, %jit3A_694, %eq3A_695 : i32
            %jit3A_697 = arith.constant 1 : i32
            %select_n3A_698 = arith.select %eq3A_696, %jit3A_697, %jit3A_694 : i32
            %rem3A_699 = arith.remsi %while3A_667, %select_n3A_698 : i32
            %ne3A_700 = arith.constant 0 : i32
            %ne3A_701 = arith.cmpi ne, %rem3A_699, %ne3A_700 : i32
            %lt3A_702 = arith.constant 0 : i32
            %lt3A_703 = arith.cmpi slt, %rem3A_699, %lt3A_702 : i32
            %lt3A_704 = arith.constant 0 : i32
            %lt3A_705 = arith.cmpi slt, %select_n3A_698, %lt3A_704 : i32
            %ne3A_706 = arith.xori %lt3A_703, %lt3A_705 : i1
            %and3A_707 = arith.andi %ne3A_706, %ne3A_701 : i1
            %add3A_708 = arith.addi %rem3A_699, %select_n3A_698 : i32
            %select_n3A_709 = arith.select %and3A_707, %add3A_708, %rem3A_699 : i32
            %mul3A_710 = arith.constant 32 : i32
            %mul3A_711 = arith.muli %select_n3A_709, %mul3A_710 : i32
            %get3A_712 = arith.index_cast %while3A_667 : i32 to index
            %get3A_713 = arith.constant 0 : index
            %get3A_714 = tpu.vector_load %arg14[%get3A_712, %get3A_713] {strides = array<i32>} : memref<32x32xi32, #tpu.memory_space<vmem>>, vector<16xi32>,
            %sub3A_715 = arith.constant 2048 : i32
            %sub3A_716 = vector.broadcast %sub3A_715 : i32 to vector<16xi32>
            %sub3A_717 = arith.subi %get3A_714, %sub3A_716 : vector<16xi32>
            %get3A_718 = arith.index_cast %while3A_667 : i32 to index
            %get3A_719 = arith.constant 0 : index
            %get3A_720 = tpu.vector_load %arg16[%get3A_718, %get3A_719] {strides = array<i32>} : memref<32x32xf32, #tpu.memory_space<vmem>>, vector<16xf32>,
            %mul3A_721 = vector.broadcast %select_n3A : f32 to vector<16xf32>
            %mul3A_722 = arith.mulf %get3A_720, %mul3A_721 : vector<16xf32>
            %jit3A_723 = arith.constant 0 : i32
            %broadcast_in_dim3A_724 = vector.broadcast %jit3A_723 : i32 to vector<16xi32>
            %select_n3A_725 = arith.select %lt3A_669, %sub3A_717, %broadcast_in_dim3A_724 : vector<16xi32>
            %jit3A_726 = arith.constant 0.000000e+00 : f32
            %broadcast_in_dim3A_727 = vector.broadcast %jit3A_726 : f32 to vector<16xf32>
            %select_n3A_728 = arith.select %lt3A_669, %mul3A_722, %broadcast_in_dim3A_727 : vector<16xf32>
            %add3A_729 = arith.constant 0 : i32
            %add3A_730 = arith.addi %mul3A_711, %add3A_729 : i32
            %swap3A_731 = arith.index_cast %select_n3A_693 : i32 to index
            %swap3A_732 = arith.index_cast %add3A_730 : i32 to index
            %swap3A_733 = tpu.vector_load %arg19[%swap3A_731, %swap3A_732] {strides = array<i32>} : memref<8x128xi32, #tpu.memory_space<vmem>>, vector<16xi32>,
            tpu.vector_store %arg19[%swap3A_731, %swap3A_732], %select_n3A_725 {strides = array<i32>} : memref<8x128xi32, #tpu.memory_space<vmem>>, vector<16xi32>,
            %add3A_734 = arith.constant 0 : i32
            %add3A_735 = arith.addi %mul3A_711, %add3A_734 : i32
            %swap3A_736 = arith.index_cast %select_n3A_693 : i32 to index
            %swap3A_737 = arith.index_cast %add3A_735 : i32 to index
            %swap3A_738 = tpu.vector_load %arg20[%swap3A_736, %swap3A_737] {strides = array<i32>} : memref<8x128xf32, #tpu.memory_space<vmem>>, vector<16xf32>,
            tpu.vector_store %arg20[%swap3A_736, %swap3A_737], %select_n3A_728 {strides = array<i32>} : memref<8x128xf32, #tpu.memory_space<vmem>>, vector<16xf32>,
            %get3A_739 = arith.index_cast %while3A_667 : i32 to index
            %get3A_740 = arith.constant 16 : index
            %get3A_741 = tpu.vector_load %arg14[%get3A_739, %get3A_740] {strides = array<i32>} : memref<32x32xi32, #tpu.memory_space<vmem>>, vector<16xi32>,
            %sub3A_742 = arith.constant 2048 : i32
            %sub3A_743 = vector.broadcast %sub3A_742 : i32 to vector<16xi32>
            %sub3A_744 = arith.subi %get3A_741, %sub3A_743 : vector<16xi32>
            %get3A_745 = arith.index_cast %while3A_667 : i32 to index
            %get3A_746 = arith.constant 16 : index
            %get3A_747 = tpu.vector_load %arg16[%get3A_745, %get3A_746] {strides = array<i32>} : memref<32x32xf32, #tpu.memory_space<vmem>>, vector<16xf32>,
            %mul3A_748 = vector.broadcast %select_n3A : f32 to vector<16xf32>
            %mul3A_749 = arith.mulf %get3A_747, %mul3A_748 : vector<16xf32>
            %jit3A_750 = arith.constant 0 : i32
            %broadcast_in_dim3A_751 = vector.broadcast %jit3A_750 : i32 to vector<16xi32>
            %select_n3A_752 = arith.select %lt3A_669, %sub3A_744, %broadcast_in_dim3A_751 : vector<16xi32>
            %jit3A_753 = arith.constant 0.000000e+00 : f32
            %broadcast_in_dim3A_754 = vector.broadcast %jit3A_753 : f32 to vector<16xf32>
            %select_n3A_755 = arith.select %lt3A_669, %mul3A_749, %broadcast_in_dim3A_754 : vector<16xf32>
            %add3A_756 = arith.constant 16 : i32
            %add3A_757 = arith.addi %mul3A_711, %add3A_756 : i32
            %swap3A_758 = arith.index_cast %select_n3A_693 : i32 to index
            %swap3A_759 = arith.index_cast %add3A_757 : i32 to index
            %swap3A_760 = tpu.vector_load %arg19[%swap3A_758, %swap3A_759] {strides = array<i32>} : memref<8x128xi32, #tpu.memory_space<vmem>>, vector<16xi32>,
            tpu.vector_store %arg19[%swap3A_758, %swap3A_759], %select_n3A_752 {strides = array<i32>} : memref<8x128xi32, #tpu.memory_space<vmem>>, vector<16xi32>,
            %add3A_761 = arith.constant 16 : i32
            %add3A_762 = arith.addi %mul3A_711, %add3A_761 : i32
            %swap3A_763 = arith.index_cast %select_n3A_693 : i32 to index
            %swap3A_764 = arith.index_cast %add3A_762 : i32 to index
            %swap3A_765 = tpu.vector_load %arg20[%swap3A_763, %swap3A_764] {strides = array<i32>} : memref<8x128xf32, #tpu.memory_space<vmem>>, vector<16xf32>,
            tpu.vector_store %arg20[%swap3A_763, %swap3A_764], %select_n3A_755 {strides = array<i32>} : memref<8x128xf32, #tpu.memory_space<vmem>>, vector<16xf32>,
            %while3A_766 = arith.constant 0 : i32
            scf.yield %while3A_766 : i32
          }
          %gt3A_627 = arith.constant 0 : i32
          %gt3A_628 = arith.cmpi sgt, %mul3A_614, %gt3A_627 : i32
          %convert_element_type3A_629 = arith.extui %gt3A_628 : i1 to i32
          %cond3A_630 = arith.constant 0 : i32
          %cond3A_631 = arith.cmpi ne, %convert_element_type3A_629, %cond3A_630 : i32
          scf.if %cond3A_631 {
            %dma_start3A_667 = arith.constant 0 : i32
            %dma_start3A_668 = arith.constant 0 : i32
            %dma_start3A_669 = arith.constant 0 : i32
            %dma_start3A_670 = tpu.memref_slice %arg20[%dma_start3A_667, %dma_start3A_669] : memref<8x128xf32, #tpu.memory_space<vmem>> -> memref<1x128xf32, #tpu.memory_space<vmem>>
            %dma_start3A_671 = tpu.memref_squeeze %dma_start3A_670 : memref<1x128xf32, #tpu.memory_space<vmem>> -> memref<128xf32, #tpu.memory_space<vmem>>
            %dma_start3A_672 = arith.constant 0 : i32
            %dma_start3A_673 = tpu.memref_slice %arg19[%dma_start3A_668, %dma_start3A_672] : memref<8x128xi32, #tpu.memory_space<vmem>> -> memref<1x128xi32, #tpu.memory_space<vmem>>
            %dma_start3A_674 = tpu.memref_squeeze %dma_start3A_673 : memref<1x128xi32, #tpu.memory_space<vmem>> -> memref<128xi32, #tpu.memory_space<vmem>>
            %dma_start3A_675 = arith.constant 0 : i32
            %dma_start3A_676 = tpu.memref_slice %arg24[%dma_start3A_675] : memref<33280xf32, #tpu.memory_space<vmem_shared>> -> memref<33280xf32, #tpu.memory_space<vmem_shared>>
            tpu.enqueue_indirect_dma source(%dma_start3A_671 : memref<128xf32, #tpu.memory_space<vmem>>) target(%dma_start3A_676 : memref<33280xf32, #tpu.memory_space<vmem_shared>>) offsets(%dma_start3A_674 : memref<128xi32, #tpu.memory_space<vmem>>) semaphore(%arg31 : memref<!tpu.dma_semaphore, #tpu.memory_space<semaphore_mem>>) {add = true}
          } else {
          }
          %gt3A_632 = arith.constant 4 : i32
          %gt3A_633 = arith.cmpi sgt, %mul3A_614, %gt3A_632 : i32
          %convert_element_type3A_634 = arith.extui %gt3A_633 : i1 to i32
          %cond3A_635 = arith.constant 0 : i32
          %cond3A_636 = arith.cmpi ne, %convert_element_type3A_634, %cond3A_635 : i32
          scf.if %cond3A_636 {
            %dma_start3A_667 = arith.constant 1 : i32
            %dma_start3A_668 = arith.constant 1 : i32
            %dma_start3A_669 = arith.constant 0 : i32
            %dma_start3A_670 = tpu.memref_slice %arg20[%dma_start3A_667, %dma_start3A_669] : memref<8x128xf32, #tpu.memory_space<vmem>> -> memref<1x128xf32, #tpu.memory_space<vmem>>
            %dma_start3A_671 = tpu.memref_squeeze %dma_start3A_670 : memref<1x128xf32, #tpu.memory_space<vmem>> -> memref<128xf32, #tpu.memory_space<vmem>>
            %dma_start3A_672 = arith.constant 0 : i32
            %dma_start3A_673 = tpu.memref_slice %arg19[%dma_start3A_668, %dma_start3A_672] : memref<8x128xi32, #tpu.memory_space<vmem>> -> memref<1x128xi32, #tpu.memory_space<vmem>>
            %dma_start3A_674 = tpu.memref_squeeze %dma_start3A_673 : memref<1x128xi32, #tpu.memory_space<vmem>> -> memref<128xi32, #tpu.memory_space<vmem>>
            %dma_start3A_675 = arith.constant 0 : i32
            %dma_start3A_676 = tpu.memref_slice %arg24[%dma_start3A_675] : memref<33280xf32, #tpu.memory_space<vmem_shared>> -> memref<33280xf32, #tpu.memory_space<vmem_shared>>
            tpu.enqueue_indirect_dma source(%dma_start3A_671 : memref<128xf32, #tpu.memory_space<vmem>>) target(%dma_start3A_676 : memref<33280xf32, #tpu.memory_space<vmem_shared>>) offsets(%dma_start3A_674 : memref<128xi32, #tpu.memory_space<vmem>>) semaphore(%arg31 : memref<!tpu.dma_semaphore, #tpu.memory_space<semaphore_mem>>) {add = true}
          } else {
          }
          %gt3A_637 = arith.constant 8 : i32
          %gt3A_638 = arith.cmpi sgt, %mul3A_614, %gt3A_637 : i32
          %convert_element_type3A_639 = arith.extui %gt3A_638 : i1 to i32
          %cond3A_640 = arith.constant 0 : i32
          %cond3A_641 = arith.cmpi ne, %convert_element_type3A_639, %cond3A_640 : i32
          scf.if %cond3A_641 {
            %dma_start3A_667 = arith.constant 2 : i32
            %dma_start3A_668 = arith.constant 2 : i32
            %dma_start3A_669 = arith.constant 0 : i32
            %dma_start3A_670 = tpu.memref_slice %arg20[%dma_start3A_667, %dma_start3A_669] : memref<8x128xf32, #tpu.memory_space<vmem>> -> memref<1x128xf32, #tpu.memory_space<vmem>>
            %dma_start3A_671 = tpu.memref_squeeze %dma_start3A_670 : memref<1x128xf32, #tpu.memory_space<vmem>> -> memref<128xf32, #tpu.memory_space<vmem>>
            %dma_start3A_672 = arith.constant 0 : i32
            %dma_start3A_673 = tpu.memref_slice %arg19[%dma_start3A_668, %dma_start3A_672] : memref<8x128xi32, #tpu.memory_space<vmem>> -> memref<1x128xi32, #tpu.memory_space<vmem>>
            %dma_start3A_674 = tpu.memref_squeeze %dma_start3A_673 : memref<1x128xi32, #tpu.memory_space<vmem>> -> memref<128xi32, #tpu.memory_space<vmem>>
            %dma_start3A_675 = arith.constant 0 : i32
            %dma_start3A_676 = tpu.memref_slice %arg24[%dma_start3A_675] : memref<33280xf32, #tpu.memory_space<vmem_shared>> -> memref<33280xf32, #tpu.memory_space<vmem_shared>>
            tpu.enqueue_indirect_dma source(%dma_start3A_671 : memref<128xf32, #tpu.memory_space<vmem>>) target(%dma_start3A_676 : memref<33280xf32, #tpu.memory_space<vmem_shared>>) offsets(%dma_start3A_674 : memref<128xi32, #tpu.memory_space<vmem>>) semaphore(%arg31 : memref<!tpu.dma_semaphore, #tpu.memory_space<semaphore_mem>>) {add = true}
          } else {
          }
          %gt3A_642 = arith.constant 12 : i32
          %gt3A_643 = arith.cmpi sgt, %mul3A_614, %gt3A_642 : i32
          %convert_element_type3A_644 = arith.extui %gt3A_643 : i1 to i32
          %cond3A_645 = arith.constant 0 : i32
          %cond3A_646 = arith.cmpi ne, %convert_element_type3A_644, %cond3A_645 : i32
          scf.if %cond3A_646 {
            %dma_start3A_667 = arith.constant 3 : i32
            %dma_start3A_668 = arith.constant 3 : i32
            %dma_start3A_669 = arith.constant 0 : i32
            %dma_start3A_670 = tpu.memref_slice %arg20[%dma_start3A_667, %dma_start3A_669] : memref<8x128xf32, #tpu.memory_space<vmem>> -> memref<1x128xf32, #tpu.memory_space<vmem>>
            %dma_start3A_671 = tpu.memref_squeeze %dma_start3A_670 : memref<1x128xf32, #tpu.memory_space<vmem>> -> memref<128xf32, #tpu.memory_space<vmem>>
            %dma_start3A_672 = arith.constant 0 : i32
            %dma_start3A_673 = tpu.memref_slice %arg19[%dma_start3A_668, %dma_start3A_672] : memref<8x128xi32, #tpu.memory_space<vmem>> -> memref<1x128xi32, #tpu.memory_space<vmem>>
            %dma_start3A_674 = tpu.memref_squeeze %dma_start3A_673 : memref<1x128xi32, #tpu.memory_space<vmem>> -> memref<128xi32, #tpu.memory_space<vmem>>
            %dma_start3A_675 = arith.constant 0 : i32
            %dma_start3A_676 = tpu.memref_slice %arg24[%dma_start3A_675] : memref<33280xf32, #tpu.memory_space<vmem_shared>> -> memref<33280xf32, #tpu.memory_space<vmem_shared>>
            tpu.enqueue_indirect_dma source(%dma_start3A_671 : memref<128xf32, #tpu.memory_space<vmem>>) target(%dma_start3A_676 : memref<33280xf32, #tpu.memory_space<vmem_shared>>) offsets(%dma_start3A_674 : memref<128xi32, #tpu.memory_space<vmem>>) semaphore(%arg31 : memref<!tpu.dma_semaphore, #tpu.memory_space<semaphore_mem>>) {add = true}
          } else {
          }
          %gt3A_647 = arith.constant 16 : i32
          %gt3A_648 = arith.cmpi sgt, %mul3A_614, %gt3A_647 : i32
          %convert_element_type3A_649 = arith.extui %gt3A_648 : i1 to i32
          %cond3A_650 = arith.constant 0 : i32
          %cond3A_651 = arith.cmpi ne, %convert_element_type3A_649, %cond3A_650 : i32
          scf.if %cond3A_651 {
            %dma_start3A_667 = arith.constant 4 : i32
            %dma_start3A_668 = arith.constant 4 : i32
            %dma_start3A_669 = arith.constant 0 : i32
            %dma_start3A_670 = tpu.memref_slice %arg20[%dma_start3A_667, %dma_start3A_669] : memref<8x128xf32, #tpu.memory_space<vmem>> -> memref<1x128xf32, #tpu.memory_space<vmem>>
            %dma_start3A_671 = tpu.memref_squeeze %dma_start3A_670 : memref<1x128xf32, #tpu.memory_space<vmem>> -> memref<128xf32, #tpu.memory_space<vmem>>
            %dma_start3A_672 = arith.constant 0 : i32
            %dma_start3A_673 = tpu.memref_slice %arg19[%dma_start3A_668, %dma_start3A_672] : memref<8x128xi32, #tpu.memory_space<vmem>> -> memref<1x128xi32, #tpu.memory_space<vmem>>
            %dma_start3A_674 = tpu.memref_squeeze %dma_start3A_673 : memref<1x128xi32, #tpu.memory_space<vmem>> -> memref<128xi32, #tpu.memory_space<vmem>>
            %dma_start3A_675 = arith.constant 0 : i32
            %dma_start3A_676 = tpu.memref_slice %arg24[%dma_start3A_675] : memref<33280xf32, #tpu.memory_space<vmem_shared>> -> memref<33280xf32, #tpu.memory_space<vmem_shared>>
            tpu.enqueue_indirect_dma source(%dma_start3A_671 : memref<128xf32, #tpu.memory_space<vmem>>) target(%dma_start3A_676 : memref<33280xf32, #tpu.memory_space<vmem_shared>>) offsets(%dma_start3A_674 : memref<128xi32, #tpu.memory_space<vmem>>) semaphore(%arg31 : memref<!tpu.dma_semaphore, #tpu.memory_space<semaphore_mem>>) {add = true}
          } else {
          }
          %gt3A_652 = arith.constant 20 : i32
          %gt3A_653 = arith.cmpi sgt, %mul3A_614, %gt3A_652 : i32
          %convert_element_type3A_654 = arith.extui %gt3A_653 : i1 to i32
          %cond3A_655 = arith.constant 0 : i32
          %cond3A_656 = arith.cmpi ne, %convert_element_type3A_654, %cond3A_655 : i32
          scf.if %cond3A_656 {
            %dma_start3A_667 = arith.constant 5 : i32
            %dma_start3A_668 = arith.constant 5 : i32
            %dma_start3A_669 = arith.constant 0 : i32
            %dma_start3A_670 = tpu.memref_slice %arg20[%dma_start3A_667, %dma_start3A_669] : memref<8x128xf32, #tpu.memory_space<vmem>> -> memref<1x128xf32, #tpu.memory_space<vmem>>
            %dma_start3A_671 = tpu.memref_squeeze %dma_start3A_670 : memref<1x128xf32, #tpu.memory_space<vmem>> -> memref<128xf32, #tpu.memory_space<vmem>>
            %dma_start3A_672 = arith.constant 0 : i32
            %dma_start3A_673 = tpu.memref_slice %arg19[%dma_start3A_668, %dma_start3A_672] : memref<8x128xi32, #tpu.memory_space<vmem>> -> memref<1x128xi32, #tpu.memory_space<vmem>>
            %dma_start3A_674 = tpu.memref_squeeze %dma_start3A_673 : memref<1x128xi32, #tpu.memory_space<vmem>> -> memref<128xi32, #tpu.memory_space<vmem>>
            %dma_start3A_675 = arith.constant 0 : i32
            %dma_start3A_676 = tpu.memref_slice %arg24[%dma_start3A_675] : memref<33280xf32, #tpu.memory_space<vmem_shared>> -> memref<33280xf32, #tpu.memory_space<vmem_shared>>
            tpu.enqueue_indirect_dma source(%dma_start3A_671 : memref<128xf32, #tpu.memory_space<vmem>>) target(%dma_start3A_676 : memref<33280xf32, #tpu.memory_space<vmem_shared>>) offsets(%dma_start3A_674 : memref<128xi32, #tpu.memory_space<vmem>>) semaphore(%arg31 : memref<!tpu.dma_semaphore, #tpu.memory_space<semaphore_mem>>) {add = true}
          } else {
          }
          %gt3A_657 = arith.constant 24 : i32
          %gt3A_658 = arith.cmpi sgt, %mul3A_614, %gt3A_657 : i32
          %convert_element_type3A_659 = arith.extui %gt3A_658 : i1 to i32
          %cond3A_660 = arith.constant 0 : i32
          %cond3A_661 = arith.cmpi ne, %convert_element_type3A_659, %cond3A_660 : i32
          scf.if %cond3A_661 {
            %dma_start3A_667 = arith.constant 6 : i32
            %dma_start3A_668 = arith.constant 6 : i32
            %dma_start3A_669 = arith.constant 0 : i32
            %dma_start3A_670 = tpu.memref_slice %arg20[%dma_start3A_667, %dma_start3A_669] : memref<8x128xf32, #tpu.memory_space<vmem>> -> memref<1x128xf32, #tpu.memory_space<vmem>>
            %dma_start3A_671 = tpu.memref_squeeze %dma_start3A_670 : memref<1x128xf32, #tpu.memory_space<vmem>> -> memref<128xf32, #tpu.memory_space<vmem>>
            %dma_start3A_672 = arith.constant 0 : i32
            %dma_start3A_673 = tpu.memref_slice %arg19[%dma_start3A_668, %dma_start3A_672] : memref<8x128xi32, #tpu.memory_space<vmem>> -> memref<1x128xi32, #tpu.memory_space<vmem>>
            %dma_start3A_674 = tpu.memref_squeeze %dma_start3A_673 : memref<1x128xi32, #tpu.memory_space<vmem>> -> memref<128xi32, #tpu.memory_space<vmem>>
            %dma_start3A_675 = arith.constant 0 : i32
            %dma_start3A_676 = tpu.memref_slice %arg24[%dma_start3A_675] : memref<33280xf32, #tpu.memory_space<vmem_shared>> -> memref<33280xf32, #tpu.memory_space<vmem_shared>>
            tpu.enqueue_indirect_dma source(%dma_start3A_671 : memref<128xf32, #tpu.memory_space<vmem>>) target(%dma_start3A_676 : memref<33280xf32, #tpu.memory_space<vmem_shared>>) offsets(%dma_start3A_674 : memref<128xi32, #tpu.memory_space<vmem>>) semaphore(%arg31 : memref<!tpu.dma_semaphore, #tpu.memory_space<semaphore_mem>>) {add = true}
          } else {
          }
          %gt3A_662 = arith.constant 28 : i32
          %gt3A_663 = arith.cmpi sgt, %mul3A_614, %gt3A_662 : i32
          %convert_element_type3A_664 = arith.extui %gt3A_663 : i1 to i32
          %cond3A_665 = arith.constant 0 : i32
          %cond3A_666 = arith.cmpi ne, %convert_element_type3A_664, %cond3A_665 : i32
          scf.if %cond3A_666 {
            %dma_start3A_667 = arith.constant 7 : i32
            %dma_start3A_668 = arith.constant 7 : i32
            %dma_start3A_669 = arith.constant 0 : i32
            %dma_start3A_670 = tpu.memref_slice %arg20[%dma_start3A_667, %dma_start3A_669] : memref<8x128xf32, #tpu.memory_space<vmem>> -> memref<1x128xf32, #tpu.memory_space<vmem>>
            %dma_start3A_671 = tpu.memref_squeeze %dma_start3A_670 : memref<1x128xf32, #tpu.memory_space<vmem>> -> memref<128xf32, #tpu.memory_space<vmem>>
            %dma_start3A_672 = arith.constant 0 : i32
            %dma_start3A_673 = tpu.memref_slice %arg19[%dma_start3A_668, %dma_start3A_672] : memref<8x128xi32, #tpu.memory_space<vmem>> -> memref<1x128xi32, #tpu.memory_space<vmem>>
            %dma_start3A_674 = tpu.memref_squeeze %dma_start3A_673 : memref<1x128xi32, #tpu.memory_space<vmem>> -> memref<128xi32, #tpu.memory_space<vmem>>
            %dma_start3A_675 = arith.constant 0 : i32
            %dma_start3A_676 = tpu.memref_slice %arg24[%dma_start3A_675] : memref<33280xf32, #tpu.memory_space<vmem_shared>> -> memref<33280xf32, #tpu.memory_space<vmem_shared>>
            tpu.enqueue_indirect_dma source(%dma_start3A_671 : memref<128xf32, #tpu.memory_space<vmem>>) target(%dma_start3A_676 : memref<33280xf32, #tpu.memory_space<vmem_shared>>) offsets(%dma_start3A_674 : memref<128xi32, #tpu.memory_space<vmem>>) semaphore(%arg31 : memref<!tpu.dma_semaphore, #tpu.memory_space<semaphore_mem>>) {add = true}
          } else {
          }
          scf.yield %mul3A_481, %mul3A_614 : i32, i32
        }
        %while3A_193 = arith.constant 1 : i32
        %while3A_194:2 = scf.for %while3A_391 = %while3A_190 to %while3A_186 step %while3A_193 iter_args(%while3A_392 = %while3A_192#0, %while3A_393 = %while3A_192#1) -> (i32, i32)  : i32 {
          %mul3A_394 = arith.constant 2 : i32
          %mul3A_395 = arith.muli %mul3A_394, %while3A_391 : i32
          %mul3A_396 = arith.constant 32 : i32
          %mul3A_397 = arith.muli %mul3A_395, %mul3A_396 : i32
          %add3A_398 = arith.constant 32 : i32
          %add3A_399 = arith.addi %mul3A_397, %add3A_398 : i32
          %add3A_400 = arith.constant 32 : i32
          %add3A_401 = arith.addi %add3A_399, %add3A_400 : i32
          %dma_wait3A_402 = arith.constant 0 : i32
          %dma_wait3A_403 = arith.constant 0 : i32
          %dma_wait3A_404 = tpu.memref_slice %arg3[%dma_wait3A_402, %dma_wait3A_403] : memref<35328x32xi32, #tpu.memory_space<hbm>> -> memref<35328x32xi32, #tpu.memory_space<hbm>>
          tpu.wait_indirect_dma semaphore(%arg26 : memref<!tpu.dma_semaphore, #tpu.memory_space<semaphore_mem>>) src(%dma_wait3A_404 : memref<35328x32xi32, #tpu.memory_space<hbm>>) dst(%arg13 : memref<32x32xi32, #tpu.memory_space<vmem>>)
          %dma_wait3A_405 = arith.constant 0 : i32
          %dma_wait3A_406 = arith.constant 0 : i32
          %dma_wait3A_407 = tpu.memref_slice %arg4[%dma_wait3A_405, %dma_wait3A_406] : memref<35328x32xf32, #tpu.memory_space<hbm>> -> memref<35328x32xf32, #tpu.memory_space<hbm>>
          tpu.wait_indirect_dma semaphore(%arg27 : memref<!tpu.dma_semaphore, #tpu.memory_space<semaphore_mem>>) src(%dma_wait3A_407 : memref<35328x32xf32, #tpu.memory_space<hbm>>) dst(%arg15 : memref<32x32xf32, #tpu.memory_space<vmem>>)
          %lt3A = arith.cmpi slt, %add3A_399, %while3A_124 : i32
          %convert_element_type3A_408 = arith.extui %lt3A : i1 to i32
          %cond3A_409 = arith.constant 0 : i32
          %cond3A_410 = arith.cmpi ne, %convert_element_type3A_408, %cond3A_409 : i32
          scf.if %cond3A_410 {
            %sub3A_667 = arith.constant 1 : i32
            %sub3A_668 = arith.subi %while3A_124, %sub3A_667 : i32
            %max3A_669 = arith.constant 0 : i32
            %max3A_670 = arith.maxsi %sub3A_668, %max3A_669 : i32
            %min3A_671 = arith.minsi %add3A_399, %max3A_670 : i32
            %min3A_672 = arith.constant 2048 : i32
            %min3A_673 = arith.minsi %min3A_671, %min3A_672 : i32
            %scan3A_674 = arith.constant 0 : i32
            %scan3A_675 = arith.constant 0 : i32
            %scan3A_676 = arith.constant 2 : i32
            %scan3A_677 = arith.addi %scan3A_675, %scan3A_676 : i32
            %scan3A_678 = arith.constant 1 : i32
            %scan3A_679 = scf.for %scan3A_687 = %scan3A_675 to %scan3A_677 step %scan3A_678 iter_args(%scan3A_688 = %scan3A_674) -> (i32)  : i32 {
              %mul3A_689 = arith.constant 16 : i32
              %mul3A_690 = arith.muli %scan3A_687, %mul3A_689 : i32
              %add3A_691 = arith.addi %min3A_673, %mul3A_690 : i32
              %get3A_692 = arith.index_cast %add3A_691 : i32 to index
              %get3A_693 = tpu.vector_load %arg9[%get3A_692] {strides = array<i32>} : memref<2080xi32, #tpu.memory_space<vmem>>, vector<16xi32>,
              %mul3A_694 = arith.constant 16 : i32
              %mul3A_695 = arith.muli %scan3A_687, %mul3A_694 : i32
              %swap3A_696 = arith.index_cast %mul3A_695 : i32 to index
              %swap3A_697 = tpu.vector_load %arg12[%swap3A_696] {strides = array<i32>} : memref<32xi32, #tpu.memory_space<vmem>>, vector<16xi32>,
              tpu.vector_store %arg12[%swap3A_696], %get3A_693 {strides = array<i32>} : memref<32xi32, #tpu.memory_space<vmem>>, vector<16xi32>,
              %scan3A_698 = arith.constant 0 : i32
              scf.yield %scan3A_698 : i32
            }
            %scan3A_680 = arith.constant 2 : i32
            %dma_start3A_681 = arith.constant 0 : i32
            %dma_start3A_682 = arith.constant 0 : i32
            %dma_start3A_683 = tpu.memref_slice %arg3[%dma_start3A_681, %dma_start3A_682] : memref<35328x32xi32, #tpu.memory_space<hbm>> -> memref<35328x32xi32, #tpu.memory_space<hbm>>
            tpu.enqueue_indirect_dma source(%dma_start3A_683 : memref<35328x32xi32, #tpu.memory_space<hbm>>) target(%arg14 : memref<32x32xi32, #tpu.memory_space<vmem>>) offsets(%arg12 : memref<32xi32, #tpu.memory_space<vmem>>) semaphore(%arg28 : memref<!tpu.dma_semaphore, #tpu.memory_space<semaphore_mem>>)
            %dma_start3A_684 = arith.constant 0 : i32
            %dma_start3A_685 = arith.constant 0 : i32
            %dma_start3A_686 = tpu.memref_slice %arg4[%dma_start3A_684, %dma_start3A_685] : memref<35328x32xf32, #tpu.memory_space<hbm>> -> memref<35328x32xf32, #tpu.memory_space<hbm>>
            tpu.enqueue_indirect_dma source(%dma_start3A_686 : memref<35328x32xf32, #tpu.memory_space<hbm>>) target(%arg16 : memref<32x32xf32, #tpu.memory_space<vmem>>) offsets(%arg12 : memref<32xi32, #tpu.memory_space<vmem>>) semaphore(%arg29 : memref<!tpu.dma_semaphore, #tpu.memory_space<semaphore_mem>>)
          } else {
          }
          %gt3A_411 = arith.constant 0 : i32
          %gt3A_412 = arith.cmpi sgt, %while3A_392, %gt3A_411 : i32
          %convert_element_type3A_413 = arith.extui %gt3A_412 : i1 to i32
          %cond3A_414 = arith.constant 0 : i32
          %cond3A_415 = arith.cmpi ne, %convert_element_type3A_413, %cond3A_414 : i32
          scf.if %cond3A_415 {
            %dma_wait3A_667 = arith.constant 0 : i32
            %dma_wait3A_668 = arith.constant 0 : i32
            %dma_wait3A_669 = arith.constant 0 : i32
            %dma_wait3A_670 = tpu.memref_slice %arg18[%dma_wait3A_667, %dma_wait3A_669] : memref<8x128xf32, #tpu.memory_space<vmem>> -> memref<1x128xf32, #tpu.memory_space<vmem>>
            %dma_wait3A_671 = tpu.memref_squeeze %dma_wait3A_670 : memref<1x128xf32, #tpu.memory_space<vmem>> -> memref<128xf32, #tpu.memory_space<vmem>>
            %dma_wait3A_672 = arith.constant 0 : i32
            %dma_wait3A_673 = tpu.memref_slice %arg17[%dma_wait3A_668, %dma_wait3A_672] : memref<8x128xi32, #tpu.memory_space<vmem>> -> memref<1x128xi32, #tpu.memory_space<vmem>>
            %dma_wait3A_674 = tpu.memref_squeeze %dma_wait3A_673 : memref<1x128xi32, #tpu.memory_space<vmem>> -> memref<128xi32, #tpu.memory_space<vmem>>
            %dma_wait3A_675 = arith.constant 0 : i32
            %dma_wait3A_676 = tpu.memref_slice %arg24[%dma_wait3A_675] : memref<33280xf32, #tpu.memory_space<vmem_shared>> -> memref<33280xf32, #tpu.memory_space<vmem_shared>>
            tpu.wait_indirect_dma semaphore(%arg30 : memref<!tpu.dma_semaphore, #tpu.memory_space<semaphore_mem>>) src(%dma_wait3A_671 : memref<128xf32, #tpu.memory_space<vmem>>) dst(%dma_wait3A_676 : memref<33280xf32, #tpu.memory_space<vmem_shared>>)
          } else {
          }
          %gt3A_416 = arith.constant 4 : i32
          %gt3A_417 = arith.cmpi sgt, %while3A_392, %gt3A_416 : i32
          %convert_element_type3A_418 = arith.extui %gt3A_417 : i1 to i32
          %cond3A_419 = arith.constant 0 : i32
          %cond3A_420 = arith.cmpi ne, %convert_element_type3A_418, %cond3A_419 : i32
          scf.if %cond3A_420 {
            %dma_wait3A_667 = arith.constant 1 : i32
            %dma_wait3A_668 = arith.constant 1 : i32
            %dma_wait3A_669 = arith.constant 0 : i32
            %dma_wait3A_670 = tpu.memref_slice %arg18[%dma_wait3A_667, %dma_wait3A_669] : memref<8x128xf32, #tpu.memory_space<vmem>> -> memref<1x128xf32, #tpu.memory_space<vmem>>
            %dma_wait3A_671 = tpu.memref_squeeze %dma_wait3A_670 : memref<1x128xf32, #tpu.memory_space<vmem>> -> memref<128xf32, #tpu.memory_space<vmem>>
            %dma_wait3A_672 = arith.constant 0 : i32
            %dma_wait3A_673 = tpu.memref_slice %arg17[%dma_wait3A_668, %dma_wait3A_672] : memref<8x128xi32, #tpu.memory_space<vmem>> -> memref<1x128xi32, #tpu.memory_space<vmem>>
            %dma_wait3A_674 = tpu.memref_squeeze %dma_wait3A_673 : memref<1x128xi32, #tpu.memory_space<vmem>> -> memref<128xi32, #tpu.memory_space<vmem>>
            %dma_wait3A_675 = arith.constant 0 : i32
            %dma_wait3A_676 = tpu.memref_slice %arg24[%dma_wait3A_675] : memref<33280xf32, #tpu.memory_space<vmem_shared>> -> memref<33280xf32, #tpu.memory_space<vmem_shared>>
            tpu.wait_indirect_dma semaphore(%arg30 : memref<!tpu.dma_semaphore, #tpu.memory_space<semaphore_mem>>) src(%dma_wait3A_671 : memref<128xf32, #tpu.memory_space<vmem>>) dst(%dma_wait3A_676 : memref<33280xf32, #tpu.memory_space<vmem_shared>>)
          } else {
          }
          %gt3A_421 = arith.constant 8 : i32
          %gt3A_422 = arith.cmpi sgt, %while3A_392, %gt3A_421 : i32
          %convert_element_type3A_423 = arith.extui %gt3A_422 : i1 to i32
          %cond3A_424 = arith.constant 0 : i32
          %cond3A_425 = arith.cmpi ne, %convert_element_type3A_423, %cond3A_424 : i32
          scf.if %cond3A_425 {
            %dma_wait3A_667 = arith.constant 2 : i32
            %dma_wait3A_668 = arith.constant 2 : i32
            %dma_wait3A_669 = arith.constant 0 : i32
            %dma_wait3A_670 = tpu.memref_slice %arg18[%dma_wait3A_667, %dma_wait3A_669] : memref<8x128xf32, #tpu.memory_space<vmem>> -> memref<1x128xf32, #tpu.memory_space<vmem>>
            %dma_wait3A_671 = tpu.memref_squeeze %dma_wait3A_670 : memref<1x128xf32, #tpu.memory_space<vmem>> -> memref<128xf32, #tpu.memory_space<vmem>>
            %dma_wait3A_672 = arith.constant 0 : i32
            %dma_wait3A_673 = tpu.memref_slice %arg17[%dma_wait3A_668, %dma_wait3A_672] : memref<8x128xi32, #tpu.memory_space<vmem>> -> memref<1x128xi32, #tpu.memory_space<vmem>>
            %dma_wait3A_674 = tpu.memref_squeeze %dma_wait3A_673 : memref<1x128xi32, #tpu.memory_space<vmem>> -> memref<128xi32, #tpu.memory_space<vmem>>
            %dma_wait3A_675 = arith.constant 0 : i32
            %dma_wait3A_676 = tpu.memref_slice %arg24[%dma_wait3A_675] : memref<33280xf32, #tpu.memory_space<vmem_shared>> -> memref<33280xf32, #tpu.memory_space<vmem_shared>>
            tpu.wait_indirect_dma semaphore(%arg30 : memref<!tpu.dma_semaphore, #tpu.memory_space<semaphore_mem>>) src(%dma_wait3A_671 : memref<128xf32, #tpu.memory_space<vmem>>) dst(%dma_wait3A_676 : memref<33280xf32, #tpu.memory_space<vmem_shared>>)
          } else {
          }
          %gt3A_426 = arith.constant 12 : i32
          %gt3A_427 = arith.cmpi sgt, %while3A_392, %gt3A_426 : i32
          %convert_element_type3A_428 = arith.extui %gt3A_427 : i1 to i32
          %cond3A_429 = arith.constant 0 : i32
          %cond3A_430 = arith.cmpi ne, %convert_element_type3A_428, %cond3A_429 : i32
          scf.if %cond3A_430 {
            %dma_wait3A_667 = arith.constant 3 : i32
            %dma_wait3A_668 = arith.constant 3 : i32
            %dma_wait3A_669 = arith.constant 0 : i32
            %dma_wait3A_670 = tpu.memref_slice %arg18[%dma_wait3A_667, %dma_wait3A_669] : memref<8x128xf32, #tpu.memory_space<vmem>> -> memref<1x128xf32, #tpu.memory_space<vmem>>
            %dma_wait3A_671 = tpu.memref_squeeze %dma_wait3A_670 : memref<1x128xf32, #tpu.memory_space<vmem>> -> memref<128xf32, #tpu.memory_space<vmem>>
            %dma_wait3A_672 = arith.constant 0 : i32
            %dma_wait3A_673 = tpu.memref_slice %arg17[%dma_wait3A_668, %dma_wait3A_672] : memref<8x128xi32, #tpu.memory_space<vmem>> -> memref<1x128xi32, #tpu.memory_space<vmem>>
            %dma_wait3A_674 = tpu.memref_squeeze %dma_wait3A_673 : memref<1x128xi32, #tpu.memory_space<vmem>> -> memref<128xi32, #tpu.memory_space<vmem>>
            %dma_wait3A_675 = arith.constant 0 : i32
            %dma_wait3A_676 = tpu.memref_slice %arg24[%dma_wait3A_675] : memref<33280xf32, #tpu.memory_space<vmem_shared>> -> memref<33280xf32, #tpu.memory_space<vmem_shared>>
            tpu.wait_indirect_dma semaphore(%arg30 : memref<!tpu.dma_semaphore, #tpu.memory_space<semaphore_mem>>) src(%dma_wait3A_671 : memref<128xf32, #tpu.memory_space<vmem>>) dst(%dma_wait3A_676 : memref<33280xf32, #tpu.memory_space<vmem_shared>>)
          } else {
          }
          %gt3A_431 = arith.constant 16 : i32
          %gt3A_432 = arith.cmpi sgt, %while3A_392, %gt3A_431 : i32
          %convert_element_type3A_433 = arith.extui %gt3A_432 : i1 to i32
          %cond3A_434 = arith.constant 0 : i32
          %cond3A_435 = arith.cmpi ne, %convert_element_type3A_433, %cond3A_434 : i32
          scf.if %cond3A_435 {
            %dma_wait3A_667 = arith.constant 4 : i32
            %dma_wait3A_668 = arith.constant 4 : i32
            %dma_wait3A_669 = arith.constant 0 : i32
            %dma_wait3A_670 = tpu.memref_slice %arg18[%dma_wait3A_667, %dma_wait3A_669] : memref<8x128xf32, #tpu.memory_space<vmem>> -> memref<1x128xf32, #tpu.memory_space<vmem>>
            %dma_wait3A_671 = tpu.memref_squeeze %dma_wait3A_670 : memref<1x128xf32, #tpu.memory_space<vmem>> -> memref<128xf32, #tpu.memory_space<vmem>>
            %dma_wait3A_672 = arith.constant 0 : i32
            %dma_wait3A_673 = tpu.memref_slice %arg17[%dma_wait3A_668, %dma_wait3A_672] : memref<8x128xi32, #tpu.memory_space<vmem>> -> memref<1x128xi32, #tpu.memory_space<vmem>>
            %dma_wait3A_674 = tpu.memref_squeeze %dma_wait3A_673 : memref<1x128xi32, #tpu.memory_space<vmem>> -> memref<128xi32, #tpu.memory_space<vmem>>
            %dma_wait3A_675 = arith.constant 0 : i32
            %dma_wait3A_676 = tpu.memref_slice %arg24[%dma_wait3A_675] : memref<33280xf32, #tpu.memory_space<vmem_shared>> -> memref<33280xf32, #tpu.memory_space<vmem_shared>>
            tpu.wait_indirect_dma semaphore(%arg30 : memref<!tpu.dma_semaphore, #tpu.memory_space<semaphore_mem>>) src(%dma_wait3A_671 : memref<128xf32, #tpu.memory_space<vmem>>) dst(%dma_wait3A_676 : memref<33280xf32, #tpu.memory_space<vmem_shared>>)
          } else {
          }
          %gt3A_436 = arith.constant 20 : i32
          %gt3A_437 = arith.cmpi sgt, %while3A_392, %gt3A_436 : i32
          %convert_element_type3A_438 = arith.extui %gt3A_437 : i1 to i32
          %cond3A_439 = arith.constant 0 : i32
          %cond3A_440 = arith.cmpi ne, %convert_element_type3A_438, %cond3A_439 : i32
          scf.if %cond3A_440 {
            %dma_wait3A_667 = arith.constant 5 : i32
            %dma_wait3A_668 = arith.constant 5 : i32
            %dma_wait3A_669 = arith.constant 0 : i32
            %dma_wait3A_670 = tpu.memref_slice %arg18[%dma_wait3A_667, %dma_wait3A_669] : memref<8x128xf32, #tpu.memory_space<vmem>> -> memref<1x128xf32, #tpu.memory_space<vmem>>
            %dma_wait3A_671 = tpu.memref_squeeze %dma_wait3A_670 : memref<1x128xf32, #tpu.memory_space<vmem>> -> memref<128xf32, #tpu.memory_space<vmem>>
            %dma_wait3A_672 = arith.constant 0 : i32
            %dma_wait3A_673 = tpu.memref_slice %arg17[%dma_wait3A_668, %dma_wait3A_672] : memref<8x128xi32, #tpu.memory_space<vmem>> -> memref<1x128xi32, #tpu.memory_space<vmem>>
            %dma_wait3A_674 = tpu.memref_squeeze %dma_wait3A_673 : memref<1x128xi32, #tpu.memory_space<vmem>> -> memref<128xi32, #tpu.memory_space<vmem>>
            %dma_wait3A_675 = arith.constant 0 : i32
            %dma_wait3A_676 = tpu.memref_slice %arg24[%dma_wait3A_675] : memref<33280xf32, #tpu.memory_space<vmem_shared>> -> memref<33280xf32, #tpu.memory_space<vmem_shared>>
            tpu.wait_indirect_dma semaphore(%arg30 : memref<!tpu.dma_semaphore, #tpu.memory_space<semaphore_mem>>) src(%dma_wait3A_671 : memref<128xf32, #tpu.memory_space<vmem>>) dst(%dma_wait3A_676 : memref<33280xf32, #tpu.memory_space<vmem_shared>>)
          } else {
          }
          %gt3A_441 = arith.constant 24 : i32
          %gt3A_442 = arith.cmpi sgt, %while3A_392, %gt3A_441 : i32
          %convert_element_type3A_443 = arith.extui %gt3A_442 : i1 to i32
          %cond3A_444 = arith.constant 0 : i32
          %cond3A_445 = arith.cmpi ne, %convert_element_type3A_443, %cond3A_444 : i32
          scf.if %cond3A_445 {
            %dma_wait3A_667 = arith.constant 6 : i32
            %dma_wait3A_668 = arith.constant 6 : i32
            %dma_wait3A_669 = arith.constant 0 : i32
            %dma_wait3A_670 = tpu.memref_slice %arg18[%dma_wait3A_667, %dma_wait3A_669] : memref<8x128xf32, #tpu.memory_space<vmem>> -> memref<1x128xf32, #tpu.memory_space<vmem>>
            %dma_wait3A_671 = tpu.memref_squeeze %dma_wait3A_670 : memref<1x128xf32, #tpu.memory_space<vmem>> -> memref<128xf32, #tpu.memory_space<vmem>>
            %dma_wait3A_672 = arith.constant 0 : i32
            %dma_wait3A_673 = tpu.memref_slice %arg17[%dma_wait3A_668, %dma_wait3A_672] : memref<8x128xi32, #tpu.memory_space<vmem>> -> memref<1x128xi32, #tpu.memory_space<vmem>>
            %dma_wait3A_674 = tpu.memref_squeeze %dma_wait3A_673 : memref<1x128xi32, #tpu.memory_space<vmem>> -> memref<128xi32, #tpu.memory_space<vmem>>
            %dma_wait3A_675 = arith.constant 0 : i32
            %dma_wait3A_676 = tpu.memref_slice %arg24[%dma_wait3A_675] : memref<33280xf32, #tpu.memory_space<vmem_shared>> -> memref<33280xf32, #tpu.memory_space<vmem_shared>>
            tpu.wait_indirect_dma semaphore(%arg30 : memref<!tpu.dma_semaphore, #tpu.memory_space<semaphore_mem>>) src(%dma_wait3A_671 : memref<128xf32, #tpu.memory_space<vmem>>) dst(%dma_wait3A_676 : memref<33280xf32, #tpu.memory_space<vmem_shared>>)
          } else {
          }
          %gt3A_446 = arith.constant 28 : i32
          %gt3A_447 = arith.cmpi sgt, %while3A_392, %gt3A_446 : i32
          %convert_element_type3A_448 = arith.extui %gt3A_447 : i1 to i32
          %cond3A_449 = arith.constant 0 : i32
          %cond3A_450 = arith.cmpi ne, %convert_element_type3A_448, %cond3A_449 : i32
          scf.if %cond3A_450 {
            %dma_wait3A_667 = arith.constant 7 : i32
            %dma_wait3A_668 = arith.constant 7 : i32
            %dma_wait3A_669 = arith.constant 0 : i32
            %dma_wait3A_670 = tpu.memref_slice %arg18[%dma_wait3A_667, %dma_wait3A_669] : memref<8x128xf32, #tpu.memory_space<vmem>> -> memref<1x128xf32, #tpu.memory_space<vmem>>
            %dma_wait3A_671 = tpu.memref_squeeze %dma_wait3A_670 : memref<1x128xf32, #tpu.memory_space<vmem>> -> memref<128xf32, #tpu.memory_space<vmem>>
            %dma_wait3A_672 = arith.constant 0 : i32
            %dma_wait3A_673 = tpu.memref_slice %arg17[%dma_wait3A_668, %dma_wait3A_672] : memref<8x128xi32, #tpu.memory_space<vmem>> -> memref<1x128xi32, #tpu.memory_space<vmem>>
            %dma_wait3A_674 = tpu.memref_squeeze %dma_wait3A_673 : memref<1x128xi32, #tpu.memory_space<vmem>> -> memref<128xi32, #tpu.memory_space<vmem>>
            %dma_wait3A_675 = arith.constant 0 : i32
            %dma_wait3A_676 = tpu.memref_slice %arg24[%dma_wait3A_675] : memref<33280xf32, #tpu.memory_space<vmem_shared>> -> memref<33280xf32, #tpu.memory_space<vmem_shared>>
            tpu.wait_indirect_dma semaphore(%arg30 : memref<!tpu.dma_semaphore, #tpu.memory_space<semaphore_mem>>) src(%dma_wait3A_671 : memref<128xf32, #tpu.memory_space<vmem>>) dst(%dma_wait3A_676 : memref<33280xf32, #tpu.memory_space<vmem_shared>>)
          } else {
          }
          %sub3A_451 = arith.subi %while3A_124, %mul3A_397 : i32
          %min3A = arith.constant 32 : i32
          %min3A_452 = arith.minsi %min3A, %sub3A_451 : i32
          %max3A = arith.constant 0 : i32
          %max3A_453 = arith.maxsi %min3A_452, %max3A : i32
          %add3A_454 = arith.constant 3 : i32
          %add3A_455 = arith.addi %max3A_453, %add3A_454 : i32
          %jit3A_456 = arith.constant 4 : i32
          %div3A_457 = arith.divsi %add3A_455, %jit3A_456 : i32
          %sign3A_458 = arith.constant 0 : i32
          %sign3A_459 = arith.cmpi sgt, %add3A_455, %sign3A_458 : i32
          %sign3A_460 = arith.extui %sign3A_459 : i1 to i32
          %sign3A_461 = arith.constant 0 : i32
          %sign3A_462 = arith.cmpi slt, %add3A_455, %sign3A_461 : i32
          %sign3A_463 = arith.extui %sign3A_462 : i1 to i32
          %sign3A_464 = arith.subi %sign3A_460, %sign3A_463 : i32
          %sign3A_465 = arith.constant 0 : i32
          %sign3A_466 = arith.cmpi sgt, %jit3A_456, %sign3A_465 : i32
          %sign3A_467 = arith.extui %sign3A_466 : i1 to i32
          %sign3A_468 = arith.constant 0 : i32
          %sign3A_469 = arith.cmpi slt, %jit3A_456, %sign3A_468 : i32
          %sign3A_470 = arith.extui %sign3A_469 : i1 to i32
          %sign3A_471 = arith.subi %sign3A_467, %sign3A_470 : i32
          %ne3A_472 = arith.cmpi ne, %sign3A_464, %sign3A_471 : i32
          %rem3A_473 = arith.remsi %add3A_455, %jit3A_456 : i32
          %ne3A_474 = arith.constant 0 : i32
          %ne3A_475 = arith.cmpi ne, %rem3A_473, %ne3A_474 : i32
          %and3A_476 = arith.andi %ne3A_472, %ne3A_475 : i1
          %sub3A_477 = arith.constant 1 : i32
          %sub3A_478 = arith.subi %div3A_457, %sub3A_477 : i32
          %select_n3A_479 = arith.select %and3A_476, %sub3A_478, %div3A_457 : i32
          %mul3A_480 = arith.constant 4 : i32
          %mul3A_481 = arith.muli %select_n3A_479, %mul3A_480 : i32
          %while3A_482 = arith.constant 0 : i32
          %while3A_483 = arith.constant 0 : i32
          %while3A_484 = arith.subi %mul3A_481, %while3A_482 : i32
          %while3A_485 = arith.addi %while3A_482, %while3A_484 : i32
          %while3A_486 = arith.constant 1 : i32
          %while3A_487 = arith.divsi %while3A_484, %while3A_486 : i32
          %while3A_488 = arith.muli %while3A_487, %while3A_486 : i32
          %while3A_489 = arith.addi %while3A_482, %while3A_488 : i32
          %while3A_490 = arith.constant 1 : i32
          %while3A_491 = scf.for %while3A_667 = %while3A_482 to %while3A_489 step %while3A_490 iter_args(%while3A_668 = %while3A_483) -> (i32)  : i32 {
            %lt3A_669 = arith.cmpi slt, %while3A_667, %max3A_453 : i32
            %jit3A_670 = arith.constant 4 : i32
            %div3A_671 = arith.divsi %while3A_667, %jit3A_670 : i32
            %sign3A_672 = arith.constant 0 : i32
            %sign3A_673 = arith.cmpi sgt, %while3A_667, %sign3A_672 : i32
            %sign3A_674 = arith.extui %sign3A_673 : i1 to i32
            %sign3A_675 = arith.constant 0 : i32
            %sign3A_676 = arith.cmpi slt, %while3A_667, %sign3A_675 : i32
            %sign3A_677 = arith.extui %sign3A_676 : i1 to i32
            %sign3A_678 = arith.subi %sign3A_674, %sign3A_677 : i32
            %sign3A_679 = arith.constant 0 : i32
            %sign3A_680 = arith.cmpi sgt, %jit3A_670, %sign3A_679 : i32
            %sign3A_681 = arith.extui %sign3A_680 : i1 to i32
            %sign3A_682 = arith.constant 0 : i32
            %sign3A_683 = arith.cmpi slt, %jit3A_670, %sign3A_682 : i32
            %sign3A_684 = arith.extui %sign3A_683 : i1 to i32
            %sign3A_685 = arith.subi %sign3A_681, %sign3A_684 : i32
            %ne3A_686 = arith.cmpi ne, %sign3A_678, %sign3A_685 : i32
            %rem3A_687 = arith.remsi %while3A_667, %jit3A_670 : i32
            %ne3A_688 = arith.constant 0 : i32
            %ne3A_689 = arith.cmpi ne, %rem3A_687, %ne3A_688 : i32
            %and3A_690 = arith.andi %ne3A_686, %ne3A_689 : i1
            %sub3A_691 = arith.constant 1 : i32
            %sub3A_692 = arith.subi %div3A_671, %sub3A_691 : i32
            %select_n3A_693 = arith.select %and3A_690, %sub3A_692, %div3A_671 : i32
            %jit3A_694 = arith.constant 4 : i32
            %eq3A_695 = arith.constant 0 : i32
            %eq3A_696 = arith.cmpi eq, %jit3A_694, %eq3A_695 : i32
            %jit3A_697 = arith.constant 1 : i32
            %select_n3A_698 = arith.select %eq3A_696, %jit3A_697, %jit3A_694 : i32
            %rem3A_699 = arith.remsi %while3A_667, %select_n3A_698 : i32
            %ne3A_700 = arith.constant 0 : i32
            %ne3A_701 = arith.cmpi ne, %rem3A_699, %ne3A_700 : i32
            %lt3A_702 = arith.constant 0 : i32
            %lt3A_703 = arith.cmpi slt, %rem3A_699, %lt3A_702 : i32
            %lt3A_704 = arith.constant 0 : i32
            %lt3A_705 = arith.cmpi slt, %select_n3A_698, %lt3A_704 : i32
            %ne3A_706 = arith.xori %lt3A_703, %lt3A_705 : i1
            %and3A_707 = arith.andi %ne3A_706, %ne3A_701 : i1
            %add3A_708 = arith.addi %rem3A_699, %select_n3A_698 : i32
            %select_n3A_709 = arith.select %and3A_707, %add3A_708, %rem3A_699 : i32
            %mul3A_710 = arith.constant 32 : i32
            %mul3A_711 = arith.muli %select_n3A_709, %mul3A_710 : i32
            %get3A_712 = arith.index_cast %while3A_667 : i32 to index
            %get3A_713 = arith.constant 0 : index
            %get3A_714 = tpu.vector_load %arg13[%get3A_712, %get3A_713] {strides = array<i32>} : memref<32x32xi32, #tpu.memory_space<vmem>>, vector<16xi32>,
            %sub3A_715 = arith.constant 2048 : i32
            %sub3A_716 = vector.broadcast %sub3A_715 : i32 to vector<16xi32>
            %sub3A_717 = arith.subi %get3A_714, %sub3A_716 : vector<16xi32>
            %get3A_718 = arith.index_cast %while3A_667 : i32 to index
            %get3A_719 = arith.constant 0 : index
            %get3A_720 = tpu.vector_load %arg15[%get3A_718, %get3A_719] {strides = array<i32>} : memref<32x32xf32, #tpu.memory_space<vmem>>, vector<16xf32>,
            %mul3A_721 = vector.broadcast %select_n3A : f32 to vector<16xf32>
            %mul3A_722 = arith.mulf %get3A_720, %mul3A_721 : vector<16xf32>
            %jit3A_723 = arith.constant 0 : i32
            %broadcast_in_dim3A_724 = vector.broadcast %jit3A_723 : i32 to vector<16xi32>
            %select_n3A_725 = arith.select %lt3A_669, %sub3A_717, %broadcast_in_dim3A_724 : vector<16xi32>
            %jit3A_726 = arith.constant 0.000000e+00 : f32
            %broadcast_in_dim3A_727 = vector.broadcast %jit3A_726 : f32 to vector<16xf32>
            %select_n3A_728 = arith.select %lt3A_669, %mul3A_722, %broadcast_in_dim3A_727 : vector<16xf32>
            %add3A_729 = arith.constant 0 : i32
            %add3A_730 = arith.addi %mul3A_711, %add3A_729 : i32
            %swap3A_731 = arith.index_cast %select_n3A_693 : i32 to index
            %swap3A_732 = arith.index_cast %add3A_730 : i32 to index
            %swap3A_733 = tpu.vector_load %arg17[%swap3A_731, %swap3A_732] {strides = array<i32>} : memref<8x128xi32, #tpu.memory_space<vmem>>, vector<16xi32>,
            tpu.vector_store %arg17[%swap3A_731, %swap3A_732], %select_n3A_725 {strides = array<i32>} : memref<8x128xi32, #tpu.memory_space<vmem>>, vector<16xi32>,
            %add3A_734 = arith.constant 0 : i32
            %add3A_735 = arith.addi %mul3A_711, %add3A_734 : i32
            %swap3A_736 = arith.index_cast %select_n3A_693 : i32 to index
            %swap3A_737 = arith.index_cast %add3A_735 : i32 to index
            %swap3A_738 = tpu.vector_load %arg18[%swap3A_736, %swap3A_737] {strides = array<i32>} : memref<8x128xf32, #tpu.memory_space<vmem>>, vector<16xf32>,
            tpu.vector_store %arg18[%swap3A_736, %swap3A_737], %select_n3A_728 {strides = array<i32>} : memref<8x128xf32, #tpu.memory_space<vmem>>, vector<16xf32>,
            %get3A_739 = arith.index_cast %while3A_667 : i32 to index
            %get3A_740 = arith.constant 16 : index
            %get3A_741 = tpu.vector_load %arg13[%get3A_739, %get3A_740] {strides = array<i32>} : memref<32x32xi32, #tpu.memory_space<vmem>>, vector<16xi32>,
            %sub3A_742 = arith.constant 2048 : i32
            %sub3A_743 = vector.broadcast %sub3A_742 : i32 to vector<16xi32>
            %sub3A_744 = arith.subi %get3A_741, %sub3A_743 : vector<16xi32>
            %get3A_745 = arith.index_cast %while3A_667 : i32 to index
            %get3A_746 = arith.constant 16 : index
            %get3A_747 = tpu.vector_load %arg15[%get3A_745, %get3A_746] {strides = array<i32>} : memref<32x32xf32, #tpu.memory_space<vmem>>, vector<16xf32>,
            %mul3A_748 = vector.broadcast %select_n3A : f32 to vector<16xf32>
            %mul3A_749 = arith.mulf %get3A_747, %mul3A_748 : vector<16xf32>
            %jit3A_750 = arith.constant 0 : i32
            %broadcast_in_dim3A_751 = vector.broadcast %jit3A_750 : i32 to vector<16xi32>
            %select_n3A_752 = arith.select %lt3A_669, %sub3A_744, %broadcast_in_dim3A_751 : vector<16xi32>
            %jit3A_753 = arith.constant 0.000000e+00 : f32
            %broadcast_in_dim3A_754 = vector.broadcast %jit3A_753 : f32 to vector<16xf32>
            %select_n3A_755 = arith.select %lt3A_669, %mul3A_749, %broadcast_in_dim3A_754 : vector<16xf32>
            %add3A_756 = arith.constant 16 : i32
            %add3A_757 = arith.addi %mul3A_711, %add3A_756 : i32
            %swap3A_758 = arith.index_cast %select_n3A_693 : i32 to index
            %swap3A_759 = arith.index_cast %add3A_757 : i32 to index
            %swap3A_760 = tpu.vector_load %arg17[%swap3A_758, %swap3A_759] {strides = array<i32>} : memref<8x128xi32, #tpu.memory_space<vmem>>, vector<16xi32>,
            tpu.vector_store %arg17[%swap3A_758, %swap3A_759], %select_n3A_752 {strides = array<i32>} : memref<8x128xi32, #tpu.memory_space<vmem>>, vector<16xi32>,
            %add3A_761 = arith.constant 16 : i32
            %add3A_762 = arith.addi %mul3A_711, %add3A_761 : i32
            %swap3A_763 = arith.index_cast %select_n3A_693 : i32 to index
            %swap3A_764 = arith.index_cast %add3A_762 : i32 to index
            %swap3A_765 = tpu.vector_load %arg18[%swap3A_763, %swap3A_764] {strides = array<i32>} : memref<8x128xf32, #tpu.memory_space<vmem>>, vector<16xf32>,
            tpu.vector_store %arg18[%swap3A_763, %swap3A_764], %select_n3A_755 {strides = array<i32>} : memref<8x128xf32, #tpu.memory_space<vmem>>, vector<16xf32>,
            %while3A_766 = arith.constant 0 : i32
            scf.yield %while3A_766 : i32
          }
          %while3A_492 = arith.constant 1 : i32
          %while3A_493 = scf.for %while3A_667 = %while3A_489 to %while3A_485 step %while3A_492 iter_args(%while3A_668 = %while3A_491) -> (i32)  : i32 {
            %lt3A_669 = arith.cmpi slt, %while3A_667, %max3A_453 : i32
            %jit3A_670 = arith.constant 4 : i32
            %div3A_671 = arith.divsi %while3A_667, %jit3A_670 : i32
            %sign3A_672 = arith.constant 0 : i32
            %sign3A_673 = arith.cmpi sgt, %while3A_667, %sign3A_672 : i32
            %sign3A_674 = arith.extui %sign3A_673 : i1 to i32
            %sign3A_675 = arith.constant 0 : i32
            %sign3A_676 = arith.cmpi slt, %while3A_667, %sign3A_675 : i32
            %sign3A_677 = arith.extui %sign3A_676 : i1 to i32
            %sign3A_678 = arith.subi %sign3A_674, %sign3A_677 : i32
            %sign3A_679 = arith.constant 0 : i32
            %sign3A_680 = arith.cmpi sgt, %jit3A_670, %sign3A_679 : i32
            %sign3A_681 = arith.extui %sign3A_680 : i1 to i32
            %sign3A_682 = arith.constant 0 : i32
            %sign3A_683 = arith.cmpi slt, %jit3A_670, %sign3A_682 : i32
            %sign3A_684 = arith.extui %sign3A_683 : i1 to i32
            %sign3A_685 = arith.subi %sign3A_681, %sign3A_684 : i32
            %ne3A_686 = arith.cmpi ne, %sign3A_678, %sign3A_685 : i32
            %rem3A_687 = arith.remsi %while3A_667, %jit3A_670 : i32
            %ne3A_688 = arith.constant 0 : i32
            %ne3A_689 = arith.cmpi ne, %rem3A_687, %ne3A_688 : i32
            %and3A_690 = arith.andi %ne3A_686, %ne3A_689 : i1
            %sub3A_691 = arith.constant 1 : i32
            %sub3A_692 = arith.subi %div3A_671, %sub3A_691 : i32
            %select_n3A_693 = arith.select %and3A_690, %sub3A_692, %div3A_671 : i32
            %jit3A_694 = arith.constant 4 : i32
            %eq3A_695 = arith.constant 0 : i32
            %eq3A_696 = arith.cmpi eq, %jit3A_694, %eq3A_695 : i32
            %jit3A_697 = arith.constant 1 : i32
            %select_n3A_698 = arith.select %eq3A_696, %jit3A_697, %jit3A_694 : i32
            %rem3A_699 = arith.remsi %while3A_667, %select_n3A_698 : i32
            %ne3A_700 = arith.constant 0 : i32
            %ne3A_701 = arith.cmpi ne, %rem3A_699, %ne3A_700 : i32
            %lt3A_702 = arith.constant 0 : i32
            %lt3A_703 = arith.cmpi slt, %rem3A_699, %lt3A_702 : i32
            %lt3A_704 = arith.constant 0 : i32
            %lt3A_705 = arith.cmpi slt, %select_n3A_698, %lt3A_704 : i32
            %ne3A_706 = arith.xori %lt3A_703, %lt3A_705 : i1
            %and3A_707 = arith.andi %ne3A_706, %ne3A_701 : i1
            %add3A_708 = arith.addi %rem3A_699, %select_n3A_698 : i32
            %select_n3A_709 = arith.select %and3A_707, %add3A_708, %rem3A_699 : i32
            %mul3A_710 = arith.constant 32 : i32
            %mul3A_711 = arith.muli %select_n3A_709, %mul3A_710 : i32
            %get3A_712 = arith.index_cast %while3A_667 : i32 to index
            %get3A_713 = arith.constant 0 : index
            %get3A_714 = tpu.vector_load %arg13[%get3A_712, %get3A_713] {strides = array<i32>} : memref<32x32xi32, #tpu.memory_space<vmem>>, vector<16xi32>,
            %sub3A_715 = arith.constant 2048 : i32
            %sub3A_716 = vector.broadcast %sub3A_715 : i32 to vector<16xi32>
            %sub3A_717 = arith.subi %get3A_714, %sub3A_716 : vector<16xi32>
            %get3A_718 = arith.index_cast %while3A_667 : i32 to index
            %get3A_719 = arith.constant 0 : index
            %get3A_720 = tpu.vector_load %arg15[%get3A_718, %get3A_719] {strides = array<i32>} : memref<32x32xf32, #tpu.memory_space<vmem>>, vector<16xf32>,
            %mul3A_721 = vector.broadcast %select_n3A : f32 to vector<16xf32>
            %mul3A_722 = arith.mulf %get3A_720, %mul3A_721 : vector<16xf32>
            %jit3A_723 = arith.constant 0 : i32
            %broadcast_in_dim3A_724 = vector.broadcast %jit3A_723 : i32 to vector<16xi32>
            %select_n3A_725 = arith.select %lt3A_669, %sub3A_717, %broadcast_in_dim3A_724 : vector<16xi32>
            %jit3A_726 = arith.constant 0.000000e+00 : f32
            %broadcast_in_dim3A_727 = vector.broadcast %jit3A_726 : f32 to vector<16xf32>
            %select_n3A_728 = arith.select %lt3A_669, %mul3A_722, %broadcast_in_dim3A_727 : vector<16xf32>
            %add3A_729 = arith.constant 0 : i32
            %add3A_730 = arith.addi %mul3A_711, %add3A_729 : i32
            %swap3A_731 = arith.index_cast %select_n3A_693 : i32 to index
            %swap3A_732 = arith.index_cast %add3A_730 : i32 to index
            %swap3A_733 = tpu.vector_load %arg17[%swap3A_731, %swap3A_732] {strides = array<i32>} : memref<8x128xi32, #tpu.memory_space<vmem>>, vector<16xi32>,
            tpu.vector_store %arg17[%swap3A_731, %swap3A_732], %select_n3A_725 {strides = array<i32>} : memref<8x128xi32, #tpu.memory_space<vmem>>, vector<16xi32>,
            %add3A_734 = arith.constant 0 : i32
            %add3A_735 = arith.addi %mul3A_711, %add3A_734 : i32
            %swap3A_736 = arith.index_cast %select_n3A_693 : i32 to index
            %swap3A_737 = arith.index_cast %add3A_735 : i32 to index
            %swap3A_738 = tpu.vector_load %arg18[%swap3A_736, %swap3A_737] {strides = array<i32>} : memref<8x128xf32, #tpu.memory_space<vmem>>, vector<16xf32>,
            tpu.vector_store %arg18[%swap3A_736, %swap3A_737], %select_n3A_728 {strides = array<i32>} : memref<8x128xf32, #tpu.memory_space<vmem>>, vector<16xf32>,
            %get3A_739 = arith.index_cast %while3A_667 : i32 to index
            %get3A_740 = arith.constant 16 : index
            %get3A_741 = tpu.vector_load %arg13[%get3A_739, %get3A_740] {strides = array<i32>} : memref<32x32xi32, #tpu.memory_space<vmem>>, vector<16xi32>,
            %sub3A_742 = arith.constant 2048 : i32
            %sub3A_743 = vector.broadcast %sub3A_742 : i32 to vector<16xi32>
            %sub3A_744 = arith.subi %get3A_741, %sub3A_743 : vector<16xi32>
            %get3A_745 = arith.index_cast %while3A_667 : i32 to index
            %get3A_746 = arith.constant 16 : index
            %get3A_747 = tpu.vector_load %arg15[%get3A_745, %get3A_746] {strides = array<i32>} : memref<32x32xf32, #tpu.memory_space<vmem>>, vector<16xf32>,
            %mul3A_748 = vector.broadcast %select_n3A : f32 to vector<16xf32>
            %mul3A_749 = arith.mulf %get3A_747, %mul3A_748 : vector<16xf32>
            %jit3A_750 = arith.constant 0 : i32
            %broadcast_in_dim3A_751 = vector.broadcast %jit3A_750 : i32 to vector<16xi32>
            %select_n3A_752 = arith.select %lt3A_669, %sub3A_744, %broadcast_in_dim3A_751 : vector<16xi32>
            %jit3A_753 = arith.constant 0.000000e+00 : f32
            %broadcast_in_dim3A_754 = vector.broadcast %jit3A_753 : f32 to vector<16xf32>
            %select_n3A_755 = arith.select %lt3A_669, %mul3A_749, %broadcast_in_dim3A_754 : vector<16xf32>
            %add3A_756 = arith.constant 16 : i32
            %add3A_757 = arith.addi %mul3A_711, %add3A_756 : i32
            %swap3A_758 = arith.index_cast %select_n3A_693 : i32 to index
            %swap3A_759 = arith.index_cast %add3A_757 : i32 to index
            %swap3A_760 = tpu.vector_load %arg17[%swap3A_758, %swap3A_759] {strides = array<i32>} : memref<8x128xi32, #tpu.memory_space<vmem>>, vector<16xi32>,
            tpu.vector_store %arg17[%swap3A_758, %swap3A_759], %select_n3A_752 {strides = array<i32>} : memref<8x128xi32, #tpu.memory_space<vmem>>, vector<16xi32>,
            %add3A_761 = arith.constant 16 : i32
            %add3A_762 = arith.addi %mul3A_711, %add3A_761 : i32
            %swap3A_763 = arith.index_cast %select_n3A_693 : i32 to index
            %swap3A_764 = arith.index_cast %add3A_762 : i32 to index
            %swap3A_765 = tpu.vector_load %arg18[%swap3A_763, %swap3A_764] {strides = array<i32>} : memref<8x128xf32, #tpu.memory_space<vmem>>, vector<16xf32>,
            tpu.vector_store %arg18[%swap3A_763, %swap3A_764], %select_n3A_755 {strides = array<i32>} : memref<8x128xf32, #tpu.memory_space<vmem>>, vector<16xf32>,
            %while3A_766 = arith.constant 0 : i32
            scf.yield %while3A_766 : i32
          }
          %gt3A_494 = arith.constant 0 : i32
          %gt3A_495 = arith.cmpi sgt, %mul3A_481, %gt3A_494 : i32
          %convert_element_type3A_496 = arith.extui %gt3A_495 : i1 to i32
          %cond3A_497 = arith.constant 0 : i32
          %cond3A_498 = arith.cmpi ne, %convert_element_type3A_496, %cond3A_497 : i32
          scf.if %cond3A_498 {
            %dma_start3A_667 = arith.constant 0 : i32
            %dma_start3A_668 = arith.constant 0 : i32
            %dma_start3A_669 = arith.constant 0 : i32
            %dma_start3A_670 = tpu.memref_slice %arg18[%dma_start3A_667, %dma_start3A_669] : memref<8x128xf32, #tpu.memory_space<vmem>> -> memref<1x128xf32, #tpu.memory_space<vmem>>
            %dma_start3A_671 = tpu.memref_squeeze %dma_start3A_670 : memref<1x128xf32, #tpu.memory_space<vmem>> -> memref<128xf32, #tpu.memory_space<vmem>>
            %dma_start3A_672 = arith.constant 0 : i32
            %dma_start3A_673 = tpu.memref_slice %arg17[%dma_start3A_668, %dma_start3A_672] : memref<8x128xi32, #tpu.memory_space<vmem>> -> memref<1x128xi32, #tpu.memory_space<vmem>>
            %dma_start3A_674 = tpu.memref_squeeze %dma_start3A_673 : memref<1x128xi32, #tpu.memory_space<vmem>> -> memref<128xi32, #tpu.memory_space<vmem>>
            %dma_start3A_675 = arith.constant 0 : i32
            %dma_start3A_676 = tpu.memref_slice %arg24[%dma_start3A_675] : memref<33280xf32, #tpu.memory_space<vmem_shared>> -> memref<33280xf32, #tpu.memory_space<vmem_shared>>
            tpu.enqueue_indirect_dma source(%dma_start3A_671 : memref<128xf32, #tpu.memory_space<vmem>>) target(%dma_start3A_676 : memref<33280xf32, #tpu.memory_space<vmem_shared>>) offsets(%dma_start3A_674 : memref<128xi32, #tpu.memory_space<vmem>>) semaphore(%arg30 : memref<!tpu.dma_semaphore, #tpu.memory_space<semaphore_mem>>) {add = true}
          } else {
          }
          %gt3A_499 = arith.constant 4 : i32
          %gt3A_500 = arith.cmpi sgt, %mul3A_481, %gt3A_499 : i32
          %convert_element_type3A_501 = arith.extui %gt3A_500 : i1 to i32
          %cond3A_502 = arith.constant 0 : i32
          %cond3A_503 = arith.cmpi ne, %convert_element_type3A_501, %cond3A_502 : i32
          scf.if %cond3A_503 {
            %dma_start3A_667 = arith.constant 1 : i32
            %dma_start3A_668 = arith.constant 1 : i32
            %dma_start3A_669 = arith.constant 0 : i32
            %dma_start3A_670 = tpu.memref_slice %arg18[%dma_start3A_667, %dma_start3A_669] : memref<8x128xf32, #tpu.memory_space<vmem>> -> memref<1x128xf32, #tpu.memory_space<vmem>>
            %dma_start3A_671 = tpu.memref_squeeze %dma_start3A_670 : memref<1x128xf32, #tpu.memory_space<vmem>> -> memref<128xf32, #tpu.memory_space<vmem>>
            %dma_start3A_672 = arith.constant 0 : i32
            %dma_start3A_673 = tpu.memref_slice %arg17[%dma_start3A_668, %dma_start3A_672] : memref<8x128xi32, #tpu.memory_space<vmem>> -> memref<1x128xi32, #tpu.memory_space<vmem>>
            %dma_start3A_674 = tpu.memref_squeeze %dma_start3A_673 : memref<1x128xi32, #tpu.memory_space<vmem>> -> memref<128xi32, #tpu.memory_space<vmem>>
            %dma_start3A_675 = arith.constant 0 : i32
            %dma_start3A_676 = tpu.memref_slice %arg24[%dma_start3A_675] : memref<33280xf32, #tpu.memory_space<vmem_shared>> -> memref<33280xf32, #tpu.memory_space<vmem_shared>>
            tpu.enqueue_indirect_dma source(%dma_start3A_671 : memref<128xf32, #tpu.memory_space<vmem>>) target(%dma_start3A_676 : memref<33280xf32, #tpu.memory_space<vmem_shared>>) offsets(%dma_start3A_674 : memref<128xi32, #tpu.memory_space<vmem>>) semaphore(%arg30 : memref<!tpu.dma_semaphore, #tpu.memory_space<semaphore_mem>>) {add = true}
          } else {
          }
          %gt3A_504 = arith.constant 8 : i32
          %gt3A_505 = arith.cmpi sgt, %mul3A_481, %gt3A_504 : i32
          %convert_element_type3A_506 = arith.extui %gt3A_505 : i1 to i32
          %cond3A_507 = arith.constant 0 : i32
          %cond3A_508 = arith.cmpi ne, %convert_element_type3A_506, %cond3A_507 : i32
          scf.if %cond3A_508 {
            %dma_start3A_667 = arith.constant 2 : i32
            %dma_start3A_668 = arith.constant 2 : i32
            %dma_start3A_669 = arith.constant 0 : i32
            %dma_start3A_670 = tpu.memref_slice %arg18[%dma_start3A_667, %dma_start3A_669] : memref<8x128xf32, #tpu.memory_space<vmem>> -> memref<1x128xf32, #tpu.memory_space<vmem>>
            %dma_start3A_671 = tpu.memref_squeeze %dma_start3A_670 : memref<1x128xf32, #tpu.memory_space<vmem>> -> memref<128xf32, #tpu.memory_space<vmem>>
            %dma_start3A_672 = arith.constant 0 : i32
            %dma_start3A_673 = tpu.memref_slice %arg17[%dma_start3A_668, %dma_start3A_672] : memref<8x128xi32, #tpu.memory_space<vmem>> -> memref<1x128xi32, #tpu.memory_space<vmem>>
            %dma_start3A_674 = tpu.memref_squeeze %dma_start3A_673 : memref<1x128xi32, #tpu.memory_space<vmem>> -> memref<128xi32, #tpu.memory_space<vmem>>
            %dma_start3A_675 = arith.constant 0 : i32
            %dma_start3A_676 = tpu.memref_slice %arg24[%dma_start3A_675] : memref<33280xf32, #tpu.memory_space<vmem_shared>> -> memref<33280xf32, #tpu.memory_space<vmem_shared>>
            tpu.enqueue_indirect_dma source(%dma_start3A_671 : memref<128xf32, #tpu.memory_space<vmem>>) target(%dma_start3A_676 : memref<33280xf32, #tpu.memory_space<vmem_shared>>) offsets(%dma_start3A_674 : memref<128xi32, #tpu.memory_space<vmem>>) semaphore(%arg30 : memref<!tpu.dma_semaphore, #tpu.memory_space<semaphore_mem>>) {add = true}
          } else {
          }
          %gt3A_509 = arith.constant 12 : i32
          %gt3A_510 = arith.cmpi sgt, %mul3A_481, %gt3A_509 : i32
          %convert_element_type3A_511 = arith.extui %gt3A_510 : i1 to i32
          %cond3A_512 = arith.constant 0 : i32
          %cond3A_513 = arith.cmpi ne, %convert_element_type3A_511, %cond3A_512 : i32
          scf.if %cond3A_513 {
            %dma_start3A_667 = arith.constant 3 : i32
            %dma_start3A_668 = arith.constant 3 : i32
            %dma_start3A_669 = arith.constant 0 : i32
            %dma_start3A_670 = tpu.memref_slice %arg18[%dma_start3A_667, %dma_start3A_669] : memref<8x128xf32, #tpu.memory_space<vmem>> -> memref<1x128xf32, #tpu.memory_space<vmem>>
            %dma_start3A_671 = tpu.memref_squeeze %dma_start3A_670 : memref<1x128xf32, #tpu.memory_space<vmem>> -> memref<128xf32, #tpu.memory_space<vmem>>
            %dma_start3A_672 = arith.constant 0 : i32
            %dma_start3A_673 = tpu.memref_slice %arg17[%dma_start3A_668, %dma_start3A_672] : memref<8x128xi32, #tpu.memory_space<vmem>> -> memref<1x128xi32, #tpu.memory_space<vmem>>
            %dma_start3A_674 = tpu.memref_squeeze %dma_start3A_673 : memref<1x128xi32, #tpu.memory_space<vmem>> -> memref<128xi32, #tpu.memory_space<vmem>>
            %dma_start3A_675 = arith.constant 0 : i32
            %dma_start3A_676 = tpu.memref_slice %arg24[%dma_start3A_675] : memref<33280xf32, #tpu.memory_space<vmem_shared>> -> memref<33280xf32, #tpu.memory_space<vmem_shared>>
            tpu.enqueue_indirect_dma source(%dma_start3A_671 : memref<128xf32, #tpu.memory_space<vmem>>) target(%dma_start3A_676 : memref<33280xf32, #tpu.memory_space<vmem_shared>>) offsets(%dma_start3A_674 : memref<128xi32, #tpu.memory_space<vmem>>) semaphore(%arg30 : memref<!tpu.dma_semaphore, #tpu.memory_space<semaphore_mem>>) {add = true}
          } else {
          }
          %gt3A_514 = arith.constant 16 : i32
          %gt3A_515 = arith.cmpi sgt, %mul3A_481, %gt3A_514 : i32
          %convert_element_type3A_516 = arith.extui %gt3A_515 : i1 to i32
          %cond3A_517 = arith.constant 0 : i32
          %cond3A_518 = arith.cmpi ne, %convert_element_type3A_516, %cond3A_517 : i32
          scf.if %cond3A_518 {
            %dma_start3A_667 = arith.constant 4 : i32
            %dma_start3A_668 = arith.constant 4 : i32
            %dma_start3A_669 = arith.constant 0 : i32
            %dma_start3A_670 = tpu.memref_slice %arg18[%dma_start3A_667, %dma_start3A_669] : memref<8x128xf32, #tpu.memory_space<vmem>> -> memref<1x128xf32, #tpu.memory_space<vmem>>
            %dma_start3A_671 = tpu.memref_squeeze %dma_start3A_670 : memref<1x128xf32, #tpu.memory_space<vmem>> -> memref<128xf32, #tpu.memory_space<vmem>>
            %dma_start3A_672 = arith.constant 0 : i32
            %dma_start3A_673 = tpu.memref_slice %arg17[%dma_start3A_668, %dma_start3A_672] : memref<8x128xi32, #tpu.memory_space<vmem>> -> memref<1x128xi32, #tpu.memory_space<vmem>>
            %dma_start3A_674 = tpu.memref_squeeze %dma_start3A_673 : memref<1x128xi32, #tpu.memory_space<vmem>> -> memref<128xi32, #tpu.memory_space<vmem>>
            %dma_start3A_675 = arith.constant 0 : i32
            %dma_start3A_676 = tpu.memref_slice %arg24[%dma_start3A_675] : memref<33280xf32, #tpu.memory_space<vmem_shared>> -> memref<33280xf32, #tpu.memory_space<vmem_shared>>
            tpu.enqueue_indirect_dma source(%dma_start3A_671 : memref<128xf32, #tpu.memory_space<vmem>>) target(%dma_start3A_676 : memref<33280xf32, #tpu.memory_space<vmem_shared>>) offsets(%dma_start3A_674 : memref<128xi32, #tpu.memory_space<vmem>>) semaphore(%arg30 : memref<!tpu.dma_semaphore, #tpu.memory_space<semaphore_mem>>) {add = true}
          } else {
          }
          %gt3A_519 = arith.constant 20 : i32
          %gt3A_520 = arith.cmpi sgt, %mul3A_481, %gt3A_519 : i32
          %convert_element_type3A_521 = arith.extui %gt3A_520 : i1 to i32
          %cond3A_522 = arith.constant 0 : i32
          %cond3A_523 = arith.cmpi ne, %convert_element_type3A_521, %cond3A_522 : i32
          scf.if %cond3A_523 {
            %dma_start3A_667 = arith.constant 5 : i32
            %dma_start3A_668 = arith.constant 5 : i32
            %dma_start3A_669 = arith.constant 0 : i32
            %dma_start3A_670 = tpu.memref_slice %arg18[%dma_start3A_667, %dma_start3A_669] : memref<8x128xf32, #tpu.memory_space<vmem>> -> memref<1x128xf32, #tpu.memory_space<vmem>>
            %dma_start3A_671 = tpu.memref_squeeze %dma_start3A_670 : memref<1x128xf32, #tpu.memory_space<vmem>> -> memref<128xf32, #tpu.memory_space<vmem>>
            %dma_start3A_672 = arith.constant 0 : i32
            %dma_start3A_673 = tpu.memref_slice %arg17[%dma_start3A_668, %dma_start3A_672] : memref<8x128xi32, #tpu.memory_space<vmem>> -> memref<1x128xi32, #tpu.memory_space<vmem>>
            %dma_start3A_674 = tpu.memref_squeeze %dma_start3A_673 : memref<1x128xi32, #tpu.memory_space<vmem>> -> memref<128xi32, #tpu.memory_space<vmem>>
            %dma_start3A_675 = arith.constant 0 : i32
            %dma_start3A_676 = tpu.memref_slice %arg24[%dma_start3A_675] : memref<33280xf32, #tpu.memory_space<vmem_shared>> -> memref<33280xf32, #tpu.memory_space<vmem_shared>>
            tpu.enqueue_indirect_dma source(%dma_start3A_671 : memref<128xf32, #tpu.memory_space<vmem>>) target(%dma_start3A_676 : memref<33280xf32, #tpu.memory_space<vmem_shared>>) offsets(%dma_start3A_674 : memref<128xi32, #tpu.memory_space<vmem>>) semaphore(%arg30 : memref<!tpu.dma_semaphore, #tpu.memory_space<semaphore_mem>>) {add = true}
          } else {
          }
          %gt3A_524 = arith.constant 24 : i32
          %gt3A_525 = arith.cmpi sgt, %mul3A_481, %gt3A_524 : i32
          %convert_element_type3A_526 = arith.extui %gt3A_525 : i1 to i32
          %cond3A_527 = arith.constant 0 : i32
          %cond3A_528 = arith.cmpi ne, %convert_element_type3A_526, %cond3A_527 : i32
          scf.if %cond3A_528 {
            %dma_start3A_667 = arith.constant 6 : i32
            %dma_start3A_668 = arith.constant 6 : i32
            %dma_start3A_669 = arith.constant 0 : i32
            %dma_start3A_670 = tpu.memref_slice %arg18[%dma_start3A_667, %dma_start3A_669] : memref<8x128xf32, #tpu.memory_space<vmem>> -> memref<1x128xf32, #tpu.memory_space<vmem>>
            %dma_start3A_671 = tpu.memref_squeeze %dma_start3A_670 : memref<1x128xf32, #tpu.memory_space<vmem>> -> memref<128xf32, #tpu.memory_space<vmem>>
            %dma_start3A_672 = arith.constant 0 : i32
            %dma_start3A_673 = tpu.memref_slice %arg17[%dma_start3A_668, %dma_start3A_672] : memref<8x128xi32, #tpu.memory_space<vmem>> -> memref<1x128xi32, #tpu.memory_space<vmem>>
            %dma_start3A_674 = tpu.memref_squeeze %dma_start3A_673 : memref<1x128xi32, #tpu.memory_space<vmem>> -> memref<128xi32, #tpu.memory_space<vmem>>
            %dma_start3A_675 = arith.constant 0 : i32
            %dma_start3A_676 = tpu.memref_slice %arg24[%dma_start3A_675] : memref<33280xf32, #tpu.memory_space<vmem_shared>> -> memref<33280xf32, #tpu.memory_space<vmem_shared>>
            tpu.enqueue_indirect_dma source(%dma_start3A_671 : memref<128xf32, #tpu.memory_space<vmem>>) target(%dma_start3A_676 : memref<33280xf32, #tpu.memory_space<vmem_shared>>) offsets(%dma_start3A_674 : memref<128xi32, #tpu.memory_space<vmem>>) semaphore(%arg30 : memref<!tpu.dma_semaphore, #tpu.memory_space<semaphore_mem>>) {add = true}
          } else {
          }
          %gt3A_529 = arith.constant 28 : i32
          %gt3A_530 = arith.cmpi sgt, %mul3A_481, %gt3A_529 : i32
          %convert_element_type3A_531 = arith.extui %gt3A_530 : i1 to i32
          %cond3A_532 = arith.constant 0 : i32
          %cond3A_533 = arith.cmpi ne, %convert_element_type3A_531, %cond3A_532 : i32
          scf.if %cond3A_533 {
            %dma_start3A_667 = arith.constant 7 : i32
            %dma_start3A_668 = arith.constant 7 : i32
            %dma_start3A_669 = arith.constant 0 : i32
            %dma_start3A_670 = tpu.memref_slice %arg18[%dma_start3A_667, %dma_start3A_669] : memref<8x128xf32, #tpu.memory_space<vmem>> -> memref<1x128xf32, #tpu.memory_space<vmem>>
            %dma_start3A_671 = tpu.memref_squeeze %dma_start3A_670 : memref<1x128xf32, #tpu.memory_space<vmem>> -> memref<128xf32, #tpu.memory_space<vmem>>
            %dma_start3A_672 = arith.constant 0 : i32
            %dma_start3A_673 = tpu.memref_slice %arg17[%dma_start3A_668, %dma_start3A_672] : memref<8x128xi32, #tpu.memory_space<vmem>> -> memref<1x128xi32, #tpu.memory_space<vmem>>
            %dma_start3A_674 = tpu.memref_squeeze %dma_start3A_673 : memref<1x128xi32, #tpu.memory_space<vmem>> -> memref<128xi32, #tpu.memory_space<vmem>>
            %dma_start3A_675 = arith.constant 0 : i32
            %dma_start3A_676 = tpu.memref_slice %arg24[%dma_start3A_675] : memref<33280xf32, #tpu.memory_space<vmem_shared>> -> memref<33280xf32, #tpu.memory_space<vmem_shared>>
            tpu.enqueue_indirect_dma source(%dma_start3A_671 : memref<128xf32, #tpu.memory_space<vmem>>) target(%dma_start3A_676 : memref<33280xf32, #tpu.memory_space<vmem_shared>>) offsets(%dma_start3A_674 : memref<128xi32, #tpu.memory_space<vmem>>) semaphore(%arg30 : memref<!tpu.dma_semaphore, #tpu.memory_space<semaphore_mem>>) {add = true}
          } else {
          }
          %lt3A_534 = arith.cmpi slt, %add3A_401, %while3A_124 : i32
          %convert_element_type3A_535 = arith.extui %lt3A_534 : i1 to i32
          %cond3A_536 = arith.constant 0 : i32
          %cond3A_537 = arith.cmpi ne, %convert_element_type3A_535, %cond3A_536 : i32
          scf.if %cond3A_537 {
            %sub3A_667 = arith.constant 1 : i32
            %sub3A_668 = arith.subi %while3A_124, %sub3A_667 : i32
            %max3A_669 = arith.constant 0 : i32
            %max3A_670 = arith.maxsi %sub3A_668, %max3A_669 : i32
            %min3A_671 = arith.minsi %add3A_401, %max3A_670 : i32
            %min3A_672 = arith.constant 2048 : i32
            %min3A_673 = arith.minsi %min3A_671, %min3A_672 : i32
            %scan3A_674 = arith.constant 0 : i32
            %scan3A_675 = arith.constant 0 : i32
            %scan3A_676 = arith.constant 2 : i32
            %scan3A_677 = arith.addi %scan3A_675, %scan3A_676 : i32
            %scan3A_678 = arith.constant 1 : i32
            %scan3A_679 = scf.for %scan3A_687 = %scan3A_675 to %scan3A_677 step %scan3A_678 iter_args(%scan3A_688 = %scan3A_674) -> (i32)  : i32 {
              %mul3A_689 = arith.constant 16 : i32
              %mul3A_690 = arith.muli %scan3A_687, %mul3A_689 : i32
              %add3A_691 = arith.addi %min3A_673, %mul3A_690 : i32
              %get3A_692 = arith.index_cast %add3A_691 : i32 to index
              %get3A_693 = tpu.vector_load %arg9[%get3A_692] {strides = array<i32>} : memref<2080xi32, #tpu.memory_space<vmem>>, vector<16xi32>,
              %mul3A_694 = arith.constant 16 : i32
              %mul3A_695 = arith.muli %scan3A_687, %mul3A_694 : i32
              %swap3A_696 = arith.index_cast %mul3A_695 : i32 to index
              %swap3A_697 = tpu.vector_load %arg11[%swap3A_696] {strides = array<i32>} : memref<32xi32, #tpu.memory_space<vmem>>, vector<16xi32>,
              tpu.vector_store %arg11[%swap3A_696], %get3A_693 {strides = array<i32>} : memref<32xi32, #tpu.memory_space<vmem>>, vector<16xi32>,
              %scan3A_698 = arith.constant 0 : i32
              scf.yield %scan3A_698 : i32
            }
            %scan3A_680 = arith.constant 2 : i32
            %dma_start3A_681 = arith.constant 0 : i32
            %dma_start3A_682 = arith.constant 0 : i32
            %dma_start3A_683 = tpu.memref_slice %arg3[%dma_start3A_681, %dma_start3A_682] : memref<35328x32xi32, #tpu.memory_space<hbm>> -> memref<35328x32xi32, #tpu.memory_space<hbm>>
            tpu.enqueue_indirect_dma source(%dma_start3A_683 : memref<35328x32xi32, #tpu.memory_space<hbm>>) target(%arg13 : memref<32x32xi32, #tpu.memory_space<vmem>>) offsets(%arg11 : memref<32xi32, #tpu.memory_space<vmem>>) semaphore(%arg26 : memref<!tpu.dma_semaphore, #tpu.memory_space<semaphore_mem>>)
            %dma_start3A_684 = arith.constant 0 : i32
            %dma_start3A_685 = arith.constant 0 : i32
            %dma_start3A_686 = tpu.memref_slice %arg4[%dma_start3A_684, %dma_start3A_685] : memref<35328x32xf32, #tpu.memory_space<hbm>> -> memref<35328x32xf32, #tpu.memory_space<hbm>>
            tpu.enqueue_indirect_dma source(%dma_start3A_686 : memref<35328x32xf32, #tpu.memory_space<hbm>>) target(%arg15 : memref<32x32xf32, #tpu.memory_space<vmem>>) offsets(%arg11 : memref<32xi32, #tpu.memory_space<vmem>>) semaphore(%arg27 : memref<!tpu.dma_semaphore, #tpu.memory_space<semaphore_mem>>)
          } else {
          }
          %lt3A_538 = arith.cmpi slt, %add3A_399, %while3A_124 : i32
          %convert_element_type3A_539 = arith.extui %lt3A_538 : i1 to i32
          %cond3A_540 = arith.constant 0 : i32
          %cond3A_541 = arith.cmpi ne, %convert_element_type3A_539, %cond3A_540 : i32
          scf.if %cond3A_541 {
            %dma_wait3A_667 = arith.constant 0 : i32
            %dma_wait3A_668 = arith.constant 0 : i32
            %dma_wait3A_669 = tpu.memref_slice %arg3[%dma_wait3A_667, %dma_wait3A_668] : memref<35328x32xi32, #tpu.memory_space<hbm>> -> memref<35328x32xi32, #tpu.memory_space<hbm>>
            tpu.wait_indirect_dma semaphore(%arg28 : memref<!tpu.dma_semaphore, #tpu.memory_space<semaphore_mem>>) src(%dma_wait3A_669 : memref<35328x32xi32, #tpu.memory_space<hbm>>) dst(%arg14 : memref<32x32xi32, #tpu.memory_space<vmem>>)
            %dma_wait3A_670 = arith.constant 0 : i32
            %dma_wait3A_671 = arith.constant 0 : i32
            %dma_wait3A_672 = tpu.memref_slice %arg4[%dma_wait3A_670, %dma_wait3A_671] : memref<35328x32xf32, #tpu.memory_space<hbm>> -> memref<35328x32xf32, #tpu.memory_space<hbm>>
            tpu.wait_indirect_dma semaphore(%arg29 : memref<!tpu.dma_semaphore, #tpu.memory_space<semaphore_mem>>) src(%dma_wait3A_672 : memref<35328x32xf32, #tpu.memory_space<hbm>>) dst(%arg16 : memref<32x32xf32, #tpu.memory_space<vmem>>)
          } else {
          }
          %gt3A_542 = arith.constant 0 : i32
          %gt3A_543 = arith.cmpi sgt, %while3A_393, %gt3A_542 : i32
          %convert_element_type3A_544 = arith.extui %gt3A_543 : i1 to i32
          %cond3A_545 = arith.constant 0 : i32
          %cond3A_546 = arith.cmpi ne, %convert_element_type3A_544, %cond3A_545 : i32
          scf.if %cond3A_546 {
            %dma_wait3A_667 = arith.constant 0 : i32
            %dma_wait3A_668 = arith.constant 0 : i32
            %dma_wait3A_669 = arith.constant 0 : i32
            %dma_wait3A_670 = tpu.memref_slice %arg20[%dma_wait3A_667, %dma_wait3A_669] : memref<8x128xf32, #tpu.memory_space<vmem>> -> memref<1x128xf32, #tpu.memory_space<vmem>>
            %dma_wait3A_671 = tpu.memref_squeeze %dma_wait3A_670 : memref<1x128xf32, #tpu.memory_space<vmem>> -> memref<128xf32, #tpu.memory_space<vmem>>
            %dma_wait3A_672 = arith.constant 0 : i32
            %dma_wait3A_673 = tpu.memref_slice %arg19[%dma_wait3A_668, %dma_wait3A_672] : memref<8x128xi32, #tpu.memory_space<vmem>> -> memref<1x128xi32, #tpu.memory_space<vmem>>
            %dma_wait3A_674 = tpu.memref_squeeze %dma_wait3A_673 : memref<1x128xi32, #tpu.memory_space<vmem>> -> memref<128xi32, #tpu.memory_space<vmem>>
            %dma_wait3A_675 = arith.constant 0 : i32
            %dma_wait3A_676 = tpu.memref_slice %arg24[%dma_wait3A_675] : memref<33280xf32, #tpu.memory_space<vmem_shared>> -> memref<33280xf32, #tpu.memory_space<vmem_shared>>
            tpu.wait_indirect_dma semaphore(%arg31 : memref<!tpu.dma_semaphore, #tpu.memory_space<semaphore_mem>>) src(%dma_wait3A_671 : memref<128xf32, #tpu.memory_space<vmem>>) dst(%dma_wait3A_676 : memref<33280xf32, #tpu.memory_space<vmem_shared>>)
          } else {
          }
          %gt3A_547 = arith.constant 4 : i32
          %gt3A_548 = arith.cmpi sgt, %while3A_393, %gt3A_547 : i32
          %convert_element_type3A_549 = arith.extui %gt3A_548 : i1 to i32
          %cond3A_550 = arith.constant 0 : i32
          %cond3A_551 = arith.cmpi ne, %convert_element_type3A_549, %cond3A_550 : i32
          scf.if %cond3A_551 {
            %dma_wait3A_667 = arith.constant 1 : i32
            %dma_wait3A_668 = arith.constant 1 : i32
            %dma_wait3A_669 = arith.constant 0 : i32
            %dma_wait3A_670 = tpu.memref_slice %arg20[%dma_wait3A_667, %dma_wait3A_669] : memref<8x128xf32, #tpu.memory_space<vmem>> -> memref<1x128xf32, #tpu.memory_space<vmem>>
            %dma_wait3A_671 = tpu.memref_squeeze %dma_wait3A_670 : memref<1x128xf32, #tpu.memory_space<vmem>> -> memref<128xf32, #tpu.memory_space<vmem>>
            %dma_wait3A_672 = arith.constant 0 : i32
            %dma_wait3A_673 = tpu.memref_slice %arg19[%dma_wait3A_668, %dma_wait3A_672] : memref<8x128xi32, #tpu.memory_space<vmem>> -> memref<1x128xi32, #tpu.memory_space<vmem>>
            %dma_wait3A_674 = tpu.memref_squeeze %dma_wait3A_673 : memref<1x128xi32, #tpu.memory_space<vmem>> -> memref<128xi32, #tpu.memory_space<vmem>>
            %dma_wait3A_675 = arith.constant 0 : i32
            %dma_wait3A_676 = tpu.memref_slice %arg24[%dma_wait3A_675] : memref<33280xf32, #tpu.memory_space<vmem_shared>> -> memref<33280xf32, #tpu.memory_space<vmem_shared>>
            tpu.wait_indirect_dma semaphore(%arg31 : memref<!tpu.dma_semaphore, #tpu.memory_space<semaphore_mem>>) src(%dma_wait3A_671 : memref<128xf32, #tpu.memory_space<vmem>>) dst(%dma_wait3A_676 : memref<33280xf32, #tpu.memory_space<vmem_shared>>)
          } else {
          }
          %gt3A_552 = arith.constant 8 : i32
          %gt3A_553 = arith.cmpi sgt, %while3A_393, %gt3A_552 : i32
          %convert_element_type3A_554 = arith.extui %gt3A_553 : i1 to i32
          %cond3A_555 = arith.constant 0 : i32
          %cond3A_556 = arith.cmpi ne, %convert_element_type3A_554, %cond3A_555 : i32
          scf.if %cond3A_556 {
            %dma_wait3A_667 = arith.constant 2 : i32
            %dma_wait3A_668 = arith.constant 2 : i32
            %dma_wait3A_669 = arith.constant 0 : i32
            %dma_wait3A_670 = tpu.memref_slice %arg20[%dma_wait3A_667, %dma_wait3A_669] : memref<8x128xf32, #tpu.memory_space<vmem>> -> memref<1x128xf32, #tpu.memory_space<vmem>>
            %dma_wait3A_671 = tpu.memref_squeeze %dma_wait3A_670 : memref<1x128xf32, #tpu.memory_space<vmem>> -> memref<128xf32, #tpu.memory_space<vmem>>
            %dma_wait3A_672 = arith.constant 0 : i32
            %dma_wait3A_673 = tpu.memref_slice %arg19[%dma_wait3A_668, %dma_wait3A_672] : memref<8x128xi32, #tpu.memory_space<vmem>> -> memref<1x128xi32, #tpu.memory_space<vmem>>
            %dma_wait3A_674 = tpu.memref_squeeze %dma_wait3A_673 : memref<1x128xi32, #tpu.memory_space<vmem>> -> memref<128xi32, #tpu.memory_space<vmem>>
            %dma_wait3A_675 = arith.constant 0 : i32
            %dma_wait3A_676 = tpu.memref_slice %arg24[%dma_wait3A_675] : memref<33280xf32, #tpu.memory_space<vmem_shared>> -> memref<33280xf32, #tpu.memory_space<vmem_shared>>
            tpu.wait_indirect_dma semaphore(%arg31 : memref<!tpu.dma_semaphore, #tpu.memory_space<semaphore_mem>>) src(%dma_wait3A_671 : memref<128xf32, #tpu.memory_space<vmem>>) dst(%dma_wait3A_676 : memref<33280xf32, #tpu.memory_space<vmem_shared>>)
          } else {
          }
          %gt3A_557 = arith.constant 12 : i32
          %gt3A_558 = arith.cmpi sgt, %while3A_393, %gt3A_557 : i32
          %convert_element_type3A_559 = arith.extui %gt3A_558 : i1 to i32
          %cond3A_560 = arith.constant 0 : i32
          %cond3A_561 = arith.cmpi ne, %convert_element_type3A_559, %cond3A_560 : i32
          scf.if %cond3A_561 {
            %dma_wait3A_667 = arith.constant 3 : i32
            %dma_wait3A_668 = arith.constant 3 : i32
            %dma_wait3A_669 = arith.constant 0 : i32
            %dma_wait3A_670 = tpu.memref_slice %arg20[%dma_wait3A_667, %dma_wait3A_669] : memref<8x128xf32, #tpu.memory_space<vmem>> -> memref<1x128xf32, #tpu.memory_space<vmem>>
            %dma_wait3A_671 = tpu.memref_squeeze %dma_wait3A_670 : memref<1x128xf32, #tpu.memory_space<vmem>> -> memref<128xf32, #tpu.memory_space<vmem>>
            %dma_wait3A_672 = arith.constant 0 : i32
            %dma_wait3A_673 = tpu.memref_slice %arg19[%dma_wait3A_668, %dma_wait3A_672] : memref<8x128xi32, #tpu.memory_space<vmem>> -> memref<1x128xi32, #tpu.memory_space<vmem>>
            %dma_wait3A_674 = tpu.memref_squeeze %dma_wait3A_673 : memref<1x128xi32, #tpu.memory_space<vmem>> -> memref<128xi32, #tpu.memory_space<vmem>>
            %dma_wait3A_675 = arith.constant 0 : i32
            %dma_wait3A_676 = tpu.memref_slice %arg24[%dma_wait3A_675] : memref<33280xf32, #tpu.memory_space<vmem_shared>> -> memref<33280xf32, #tpu.memory_space<vmem_shared>>
            tpu.wait_indirect_dma semaphore(%arg31 : memref<!tpu.dma_semaphore, #tpu.memory_space<semaphore_mem>>) src(%dma_wait3A_671 : memref<128xf32, #tpu.memory_space<vmem>>) dst(%dma_wait3A_676 : memref<33280xf32, #tpu.memory_space<vmem_shared>>)
          } else {
          }
          %gt3A_562 = arith.constant 16 : i32
          %gt3A_563 = arith.cmpi sgt, %while3A_393, %gt3A_562 : i32
          %convert_element_type3A_564 = arith.extui %gt3A_563 : i1 to i32
          %cond3A_565 = arith.constant 0 : i32
          %cond3A_566 = arith.cmpi ne, %convert_element_type3A_564, %cond3A_565 : i32
          scf.if %cond3A_566 {
            %dma_wait3A_667 = arith.constant 4 : i32
            %dma_wait3A_668 = arith.constant 4 : i32
            %dma_wait3A_669 = arith.constant 0 : i32
            %dma_wait3A_670 = tpu.memref_slice %arg20[%dma_wait3A_667, %dma_wait3A_669] : memref<8x128xf32, #tpu.memory_space<vmem>> -> memref<1x128xf32, #tpu.memory_space<vmem>>
            %dma_wait3A_671 = tpu.memref_squeeze %dma_wait3A_670 : memref<1x128xf32, #tpu.memory_space<vmem>> -> memref<128xf32, #tpu.memory_space<vmem>>
            %dma_wait3A_672 = arith.constant 0 : i32
            %dma_wait3A_673 = tpu.memref_slice %arg19[%dma_wait3A_668, %dma_wait3A_672] : memref<8x128xi32, #tpu.memory_space<vmem>> -> memref<1x128xi32, #tpu.memory_space<vmem>>
            %dma_wait3A_674 = tpu.memref_squeeze %dma_wait3A_673 : memref<1x128xi32, #tpu.memory_space<vmem>> -> memref<128xi32, #tpu.memory_space<vmem>>
            %dma_wait3A_675 = arith.constant 0 : i32
            %dma_wait3A_676 = tpu.memref_slice %arg24[%dma_wait3A_675] : memref<33280xf32, #tpu.memory_space<vmem_shared>> -> memref<33280xf32, #tpu.memory_space<vmem_shared>>
            tpu.wait_indirect_dma semaphore(%arg31 : memref<!tpu.dma_semaphore, #tpu.memory_space<semaphore_mem>>) src(%dma_wait3A_671 : memref<128xf32, #tpu.memory_space<vmem>>) dst(%dma_wait3A_676 : memref<33280xf32, #tpu.memory_space<vmem_shared>>)
          } else {
          }
          %gt3A_567 = arith.constant 20 : i32
          %gt3A_568 = arith.cmpi sgt, %while3A_393, %gt3A_567 : i32
          %convert_element_type3A_569 = arith.extui %gt3A_568 : i1 to i32
          %cond3A_570 = arith.constant 0 : i32
          %cond3A_571 = arith.cmpi ne, %convert_element_type3A_569, %cond3A_570 : i32
          scf.if %cond3A_571 {
            %dma_wait3A_667 = arith.constant 5 : i32
            %dma_wait3A_668 = arith.constant 5 : i32
            %dma_wait3A_669 = arith.constant 0 : i32
            %dma_wait3A_670 = tpu.memref_slice %arg20[%dma_wait3A_667, %dma_wait3A_669] : memref<8x128xf32, #tpu.memory_space<vmem>> -> memref<1x128xf32, #tpu.memory_space<vmem>>
            %dma_wait3A_671 = tpu.memref_squeeze %dma_wait3A_670 : memref<1x128xf32, #tpu.memory_space<vmem>> -> memref<128xf32, #tpu.memory_space<vmem>>
            %dma_wait3A_672 = arith.constant 0 : i32
            %dma_wait3A_673 = tpu.memref_slice %arg19[%dma_wait3A_668, %dma_wait3A_672] : memref<8x128xi32, #tpu.memory_space<vmem>> -> memref<1x128xi32, #tpu.memory_space<vmem>>
            %dma_wait3A_674 = tpu.memref_squeeze %dma_wait3A_673 : memref<1x128xi32, #tpu.memory_space<vmem>> -> memref<128xi32, #tpu.memory_space<vmem>>
            %dma_wait3A_675 = arith.constant 0 : i32
            %dma_wait3A_676 = tpu.memref_slice %arg24[%dma_wait3A_675] : memref<33280xf32, #tpu.memory_space<vmem_shared>> -> memref<33280xf32, #tpu.memory_space<vmem_shared>>
            tpu.wait_indirect_dma semaphore(%arg31 : memref<!tpu.dma_semaphore, #tpu.memory_space<semaphore_mem>>) src(%dma_wait3A_671 : memref<128xf32, #tpu.memory_space<vmem>>) dst(%dma_wait3A_676 : memref<33280xf32, #tpu.memory_space<vmem_shared>>)
          } else {
          }
          %gt3A_572 = arith.constant 24 : i32
          %gt3A_573 = arith.cmpi sgt, %while3A_393, %gt3A_572 : i32
          %convert_element_type3A_574 = arith.extui %gt3A_573 : i1 to i32
          %cond3A_575 = arith.constant 0 : i32
          %cond3A_576 = arith.cmpi ne, %convert_element_type3A_574, %cond3A_575 : i32
          scf.if %cond3A_576 {
            %dma_wait3A_667 = arith.constant 6 : i32
            %dma_wait3A_668 = arith.constant 6 : i32
            %dma_wait3A_669 = arith.constant 0 : i32
            %dma_wait3A_670 = tpu.memref_slice %arg20[%dma_wait3A_667, %dma_wait3A_669] : memref<8x128xf32, #tpu.memory_space<vmem>> -> memref<1x128xf32, #tpu.memory_space<vmem>>
            %dma_wait3A_671 = tpu.memref_squeeze %dma_wait3A_670 : memref<1x128xf32, #tpu.memory_space<vmem>> -> memref<128xf32, #tpu.memory_space<vmem>>
            %dma_wait3A_672 = arith.constant 0 : i32
            %dma_wait3A_673 = tpu.memref_slice %arg19[%dma_wait3A_668, %dma_wait3A_672] : memref<8x128xi32, #tpu.memory_space<vmem>> -> memref<1x128xi32, #tpu.memory_space<vmem>>
            %dma_wait3A_674 = tpu.memref_squeeze %dma_wait3A_673 : memref<1x128xi32, #tpu.memory_space<vmem>> -> memref<128xi32, #tpu.memory_space<vmem>>
            %dma_wait3A_675 = arith.constant 0 : i32
            %dma_wait3A_676 = tpu.memref_slice %arg24[%dma_wait3A_675] : memref<33280xf32, #tpu.memory_space<vmem_shared>> -> memref<33280xf32, #tpu.memory_space<vmem_shared>>
            tpu.wait_indirect_dma semaphore(%arg31 : memref<!tpu.dma_semaphore, #tpu.memory_space<semaphore_mem>>) src(%dma_wait3A_671 : memref<128xf32, #tpu.memory_space<vmem>>) dst(%dma_wait3A_676 : memref<33280xf32, #tpu.memory_space<vmem_shared>>)
          } else {
          }
          %gt3A_577 = arith.constant 28 : i32
          %gt3A_578 = arith.cmpi sgt, %while3A_393, %gt3A_577 : i32
          %convert_element_type3A_579 = arith.extui %gt3A_578 : i1 to i32
          %cond3A_580 = arith.constant 0 : i32
          %cond3A_581 = arith.cmpi ne, %convert_element_type3A_579, %cond3A_580 : i32
          scf.if %cond3A_581 {
            %dma_wait3A_667 = arith.constant 7 : i32
            %dma_wait3A_668 = arith.constant 7 : i32
            %dma_wait3A_669 = arith.constant 0 : i32
            %dma_wait3A_670 = tpu.memref_slice %arg20[%dma_wait3A_667, %dma_wait3A_669] : memref<8x128xf32, #tpu.memory_space<vmem>> -> memref<1x128xf32, #tpu.memory_space<vmem>>
            %dma_wait3A_671 = tpu.memref_squeeze %dma_wait3A_670 : memref<1x128xf32, #tpu.memory_space<vmem>> -> memref<128xf32, #tpu.memory_space<vmem>>
            %dma_wait3A_672 = arith.constant 0 : i32
            %dma_wait3A_673 = tpu.memref_slice %arg19[%dma_wait3A_668, %dma_wait3A_672] : memref<8x128xi32, #tpu.memory_space<vmem>> -> memref<1x128xi32, #tpu.memory_space<vmem>>
            %dma_wait3A_674 = tpu.memref_squeeze %dma_wait3A_673 : memref<1x128xi32, #tpu.memory_space<vmem>> -> memref<128xi32, #tpu.memory_space<vmem>>
            %dma_wait3A_675 = arith.constant 0 : i32
            %dma_wait3A_676 = tpu.memref_slice %arg24[%dma_wait3A_675] : memref<33280xf32, #tpu.memory_space<vmem_shared>> -> memref<33280xf32, #tpu.memory_space<vmem_shared>>
            tpu.wait_indirect_dma semaphore(%arg31 : memref<!tpu.dma_semaphore, #tpu.memory_space<semaphore_mem>>) src(%dma_wait3A_671 : memref<128xf32, #tpu.memory_space<vmem>>) dst(%dma_wait3A_676 : memref<33280xf32, #tpu.memory_space<vmem_shared>>)
          } else {
          }
          %sub3A_582 = arith.subi %while3A_124, %add3A_399 : i32
          %min3A_583 = arith.constant 32 : i32
          %min3A_584 = arith.minsi %min3A_583, %sub3A_582 : i32
          %max3A_585 = arith.constant 0 : i32
          %max3A_586 = arith.maxsi %min3A_584, %max3A_585 : i32
          %add3A_587 = arith.constant 3 : i32
          %add3A_588 = arith.addi %max3A_586, %add3A_587 : i32
          %jit3A_589 = arith.constant 4 : i32
          %div3A_590 = arith.divsi %add3A_588, %jit3A_589 : i32
          %sign3A_591 = arith.constant 0 : i32
          %sign3A_592 = arith.cmpi sgt, %add3A_588, %sign3A_591 : i32
          %sign3A_593 = arith.extui %sign3A_592 : i1 to i32
          %sign3A_594 = arith.constant 0 : i32
          %sign3A_595 = arith.cmpi slt, %add3A_588, %sign3A_594 : i32
          %sign3A_596 = arith.extui %sign3A_595 : i1 to i32
          %sign3A_597 = arith.subi %sign3A_593, %sign3A_596 : i32
          %sign3A_598 = arith.constant 0 : i32
          %sign3A_599 = arith.cmpi sgt, %jit3A_589, %sign3A_598 : i32
          %sign3A_600 = arith.extui %sign3A_599 : i1 to i32
          %sign3A_601 = arith.constant 0 : i32
          %sign3A_602 = arith.cmpi slt, %jit3A_589, %sign3A_601 : i32
          %sign3A_603 = arith.extui %sign3A_602 : i1 to i32
          %sign3A_604 = arith.subi %sign3A_600, %sign3A_603 : i32
          %ne3A_605 = arith.cmpi ne, %sign3A_597, %sign3A_604 : i32
          %rem3A_606 = arith.remsi %add3A_588, %jit3A_589 : i32
          %ne3A_607 = arith.constant 0 : i32
          %ne3A_608 = arith.cmpi ne, %rem3A_606, %ne3A_607 : i32
          %and3A_609 = arith.andi %ne3A_605, %ne3A_608 : i1
          %sub3A_610 = arith.constant 1 : i32
          %sub3A_611 = arith.subi %div3A_590, %sub3A_610 : i32
          %select_n3A_612 = arith.select %and3A_609, %sub3A_611, %div3A_590 : i32
          %mul3A_613 = arith.constant 4 : i32
          %mul3A_614 = arith.muli %select_n3A_612, %mul3A_613 : i32
          %while3A_615 = arith.constant 0 : i32
          %while3A_616 = arith.constant 0 : i32
          %while3A_617 = arith.subi %mul3A_614, %while3A_615 : i32
          %while3A_618 = arith.addi %while3A_615, %while3A_617 : i32
          %while3A_619 = arith.constant 1 : i32
          %while3A_620 = arith.divsi %while3A_617, %while3A_619 : i32
          %while3A_621 = arith.muli %while3A_620, %while3A_619 : i32
          %while3A_622 = arith.addi %while3A_615, %while3A_621 : i32
          %while3A_623 = arith.constant 1 : i32
          %while3A_624 = scf.for %while3A_667 = %while3A_615 to %while3A_622 step %while3A_623 iter_args(%while3A_668 = %while3A_616) -> (i32)  : i32 {
            %lt3A_669 = arith.cmpi slt, %while3A_667, %max3A_586 : i32
            %jit3A_670 = arith.constant 4 : i32
            %div3A_671 = arith.divsi %while3A_667, %jit3A_670 : i32
            %sign3A_672 = arith.constant 0 : i32
            %sign3A_673 = arith.cmpi sgt, %while3A_667, %sign3A_672 : i32
            %sign3A_674 = arith.extui %sign3A_673 : i1 to i32
            %sign3A_675 = arith.constant 0 : i32
            %sign3A_676 = arith.cmpi slt, %while3A_667, %sign3A_675 : i32
            %sign3A_677 = arith.extui %sign3A_676 : i1 to i32
            %sign3A_678 = arith.subi %sign3A_674, %sign3A_677 : i32
            %sign3A_679 = arith.constant 0 : i32
            %sign3A_680 = arith.cmpi sgt, %jit3A_670, %sign3A_679 : i32
            %sign3A_681 = arith.extui %sign3A_680 : i1 to i32
            %sign3A_682 = arith.constant 0 : i32
            %sign3A_683 = arith.cmpi slt, %jit3A_670, %sign3A_682 : i32
            %sign3A_684 = arith.extui %sign3A_683 : i1 to i32
            %sign3A_685 = arith.subi %sign3A_681, %sign3A_684 : i32
            %ne3A_686 = arith.cmpi ne, %sign3A_678, %sign3A_685 : i32
            %rem3A_687 = arith.remsi %while3A_667, %jit3A_670 : i32
            %ne3A_688 = arith.constant 0 : i32
            %ne3A_689 = arith.cmpi ne, %rem3A_687, %ne3A_688 : i32
            %and3A_690 = arith.andi %ne3A_686, %ne3A_689 : i1
            %sub3A_691 = arith.constant 1 : i32
            %sub3A_692 = arith.subi %div3A_671, %sub3A_691 : i32
            %select_n3A_693 = arith.select %and3A_690, %sub3A_692, %div3A_671 : i32
            %jit3A_694 = arith.constant 4 : i32
            %eq3A_695 = arith.constant 0 : i32
            %eq3A_696 = arith.cmpi eq, %jit3A_694, %eq3A_695 : i32
            %jit3A_697 = arith.constant 1 : i32
            %select_n3A_698 = arith.select %eq3A_696, %jit3A_697, %jit3A_694 : i32
            %rem3A_699 = arith.remsi %while3A_667, %select_n3A_698 : i32
            %ne3A_700 = arith.constant 0 : i32
            %ne3A_701 = arith.cmpi ne, %rem3A_699, %ne3A_700 : i32
            %lt3A_702 = arith.constant 0 : i32
            %lt3A_703 = arith.cmpi slt, %rem3A_699, %lt3A_702 : i32
            %lt3A_704 = arith.constant 0 : i32
            %lt3A_705 = arith.cmpi slt, %select_n3A_698, %lt3A_704 : i32
            %ne3A_706 = arith.xori %lt3A_703, %lt3A_705 : i1
            %and3A_707 = arith.andi %ne3A_706, %ne3A_701 : i1
            %add3A_708 = arith.addi %rem3A_699, %select_n3A_698 : i32
            %select_n3A_709 = arith.select %and3A_707, %add3A_708, %rem3A_699 : i32
            %mul3A_710 = arith.constant 32 : i32
            %mul3A_711 = arith.muli %select_n3A_709, %mul3A_710 : i32
            %get3A_712 = arith.index_cast %while3A_667 : i32 to index
            %get3A_713 = arith.constant 0 : index
            %get3A_714 = tpu.vector_load %arg14[%get3A_712, %get3A_713] {strides = array<i32>} : memref<32x32xi32, #tpu.memory_space<vmem>>, vector<16xi32>,
            %sub3A_715 = arith.constant 2048 : i32
            %sub3A_716 = vector.broadcast %sub3A_715 : i32 to vector<16xi32>
            %sub3A_717 = arith.subi %get3A_714, %sub3A_716 : vector<16xi32>
            %get3A_718 = arith.index_cast %while3A_667 : i32 to index
            %get3A_719 = arith.constant 0 : index
            %get3A_720 = tpu.vector_load %arg16[%get3A_718, %get3A_719] {strides = array<i32>} : memref<32x32xf32, #tpu.memory_space<vmem>>, vector<16xf32>,
            %mul3A_721 = vector.broadcast %select_n3A : f32 to vector<16xf32>
            %mul3A_722 = arith.mulf %get3A_720, %mul3A_721 : vector<16xf32>
            %jit3A_723 = arith.constant 0 : i32
            %broadcast_in_dim3A_724 = vector.broadcast %jit3A_723 : i32 to vector<16xi32>
            %select_n3A_725 = arith.select %lt3A_669, %sub3A_717, %broadcast_in_dim3A_724 : vector<16xi32>
            %jit3A_726 = arith.constant 0.000000e+00 : f32
            %broadcast_in_dim3A_727 = vector.broadcast %jit3A_726 : f32 to vector<16xf32>
            %select_n3A_728 = arith.select %lt3A_669, %mul3A_722, %broadcast_in_dim3A_727 : vector<16xf32>
            %add3A_729 = arith.constant 0 : i32
            %add3A_730 = arith.addi %mul3A_711, %add3A_729 : i32
            %swap3A_731 = arith.index_cast %select_n3A_693 : i32 to index
            %swap3A_732 = arith.index_cast %add3A_730 : i32 to index
            %swap3A_733 = tpu.vector_load %arg19[%swap3A_731, %swap3A_732] {strides = array<i32>} : memref<8x128xi32, #tpu.memory_space<vmem>>, vector<16xi32>,
            tpu.vector_store %arg19[%swap3A_731, %swap3A_732], %select_n3A_725 {strides = array<i32>} : memref<8x128xi32, #tpu.memory_space<vmem>>, vector<16xi32>,
            %add3A_734 = arith.constant 0 : i32
            %add3A_735 = arith.addi %mul3A_711, %add3A_734 : i32
            %swap3A_736 = arith.index_cast %select_n3A_693 : i32 to index
            %swap3A_737 = arith.index_cast %add3A_735 : i32 to index
            %swap3A_738 = tpu.vector_load %arg20[%swap3A_736, %swap3A_737] {strides = array<i32>} : memref<8x128xf32, #tpu.memory_space<vmem>>, vector<16xf32>,
            tpu.vector_store %arg20[%swap3A_736, %swap3A_737], %select_n3A_728 {strides = array<i32>} : memref<8x128xf32, #tpu.memory_space<vmem>>, vector<16xf32>,
            %get3A_739 = arith.index_cast %while3A_667 : i32 to index
            %get3A_740 = arith.constant 16 : index
            %get3A_741 = tpu.vector_load %arg14[%get3A_739, %get3A_740] {strides = array<i32>} : memref<32x32xi32, #tpu.memory_space<vmem>>, vector<16xi32>,
            %sub3A_742 = arith.constant 2048 : i32
            %sub3A_743 = vector.broadcast %sub3A_742 : i32 to vector<16xi32>
            %sub3A_744 = arith.subi %get3A_741, %sub3A_743 : vector<16xi32>
            %get3A_745 = arith.index_cast %while3A_667 : i32 to index
            %get3A_746 = arith.constant 16 : index
            %get3A_747 = tpu.vector_load %arg16[%get3A_745, %get3A_746] {strides = array<i32>} : memref<32x32xf32, #tpu.memory_space<vmem>>, vector<16xf32>,
            %mul3A_748 = vector.broadcast %select_n3A : f32 to vector<16xf32>
            %mul3A_749 = arith.mulf %get3A_747, %mul3A_748 : vector<16xf32>
            %jit3A_750 = arith.constant 0 : i32
            %broadcast_in_dim3A_751 = vector.broadcast %jit3A_750 : i32 to vector<16xi32>
            %select_n3A_752 = arith.select %lt3A_669, %sub3A_744, %broadcast_in_dim3A_751 : vector<16xi32>
            %jit3A_753 = arith.constant 0.000000e+00 : f32
            %broadcast_in_dim3A_754 = vector.broadcast %jit3A_753 : f32 to vector<16xf32>
            %select_n3A_755 = arith.select %lt3A_669, %mul3A_749, %broadcast_in_dim3A_754 : vector<16xf32>
            %add3A_756 = arith.constant 16 : i32
            %add3A_757 = arith.addi %mul3A_711, %add3A_756 : i32
            %swap3A_758 = arith.index_cast %select_n3A_693 : i32 to index
            %swap3A_759 = arith.index_cast %add3A_757 : i32 to index
            %swap3A_760 = tpu.vector_load %arg19[%swap3A_758, %swap3A_759] {strides = array<i32>} : memref<8x128xi32, #tpu.memory_space<vmem>>, vector<16xi32>,
            tpu.vector_store %arg19[%swap3A_758, %swap3A_759], %select_n3A_752 {strides = array<i32>} : memref<8x128xi32, #tpu.memory_space<vmem>>, vector<16xi32>,
            %add3A_761 = arith.constant 16 : i32
            %add3A_762 = arith.addi %mul3A_711, %add3A_761 : i32
            %swap3A_763 = arith.index_cast %select_n3A_693 : i32 to index
            %swap3A_764 = arith.index_cast %add3A_762 : i32 to index
            %swap3A_765 = tpu.vector_load %arg20[%swap3A_763, %swap3A_764] {strides = array<i32>} : memref<8x128xf32, #tpu.memory_space<vmem>>, vector<16xf32>,
            tpu.vector_store %arg20[%swap3A_763, %swap3A_764], %select_n3A_755 {strides = array<i32>} : memref<8x128xf32, #tpu.memory_space<vmem>>, vector<16xf32>,
            %while3A_766 = arith.constant 0 : i32
            scf.yield %while3A_766 : i32
          }
          %while3A_625 = arith.constant 1 : i32
          %while3A_626 = scf.for %while3A_667 = %while3A_622 to %while3A_618 step %while3A_625 iter_args(%while3A_668 = %while3A_624) -> (i32)  : i32 {
            %lt3A_669 = arith.cmpi slt, %while3A_667, %max3A_586 : i32
            %jit3A_670 = arith.constant 4 : i32
            %div3A_671 = arith.divsi %while3A_667, %jit3A_670 : i32
            %sign3A_672 = arith.constant 0 : i32
            %sign3A_673 = arith.cmpi sgt, %while3A_667, %sign3A_672 : i32
            %sign3A_674 = arith.extui %sign3A_673 : i1 to i32
            %sign3A_675 = arith.constant 0 : i32
            %sign3A_676 = arith.cmpi slt, %while3A_667, %sign3A_675 : i32
            %sign3A_677 = arith.extui %sign3A_676 : i1 to i32
            %sign3A_678 = arith.subi %sign3A_674, %sign3A_677 : i32
            %sign3A_679 = arith.constant 0 : i32
            %sign3A_680 = arith.cmpi sgt, %jit3A_670, %sign3A_679 : i32
            %sign3A_681 = arith.extui %sign3A_680 : i1 to i32
            %sign3A_682 = arith.constant 0 : i32
            %sign3A_683 = arith.cmpi slt, %jit3A_670, %sign3A_682 : i32
            %sign3A_684 = arith.extui %sign3A_683 : i1 to i32
            %sign3A_685 = arith.subi %sign3A_681, %sign3A_684 : i32
            %ne3A_686 = arith.cmpi ne, %sign3A_678, %sign3A_685 : i32
            %rem3A_687 = arith.remsi %while3A_667, %jit3A_670 : i32
            %ne3A_688 = arith.constant 0 : i32
            %ne3A_689 = arith.cmpi ne, %rem3A_687, %ne3A_688 : i32
            %and3A_690 = arith.andi %ne3A_686, %ne3A_689 : i1
            %sub3A_691 = arith.constant 1 : i32
            %sub3A_692 = arith.subi %div3A_671, %sub3A_691 : i32
            %select_n3A_693 = arith.select %and3A_690, %sub3A_692, %div3A_671 : i32
            %jit3A_694 = arith.constant 4 : i32
            %eq3A_695 = arith.constant 0 : i32
            %eq3A_696 = arith.cmpi eq, %jit3A_694, %eq3A_695 : i32
            %jit3A_697 = arith.constant 1 : i32
            %select_n3A_698 = arith.select %eq3A_696, %jit3A_697, %jit3A_694 : i32
            %rem3A_699 = arith.remsi %while3A_667, %select_n3A_698 : i32
            %ne3A_700 = arith.constant 0 : i32
            %ne3A_701 = arith.cmpi ne, %rem3A_699, %ne3A_700 : i32
            %lt3A_702 = arith.constant 0 : i32
            %lt3A_703 = arith.cmpi slt, %rem3A_699, %lt3A_702 : i32
            %lt3A_704 = arith.constant 0 : i32
            %lt3A_705 = arith.cmpi slt, %select_n3A_698, %lt3A_704 : i32
            %ne3A_706 = arith.xori %lt3A_703, %lt3A_705 : i1
            %and3A_707 = arith.andi %ne3A_706, %ne3A_701 : i1
            %add3A_708 = arith.addi %rem3A_699, %select_n3A_698 : i32
            %select_n3A_709 = arith.select %and3A_707, %add3A_708, %rem3A_699 : i32
            %mul3A_710 = arith.constant 32 : i32
            %mul3A_711 = arith.muli %select_n3A_709, %mul3A_710 : i32
            %get3A_712 = arith.index_cast %while3A_667 : i32 to index
            %get3A_713 = arith.constant 0 : index
            %get3A_714 = tpu.vector_load %arg14[%get3A_712, %get3A_713] {strides = array<i32>} : memref<32x32xi32, #tpu.memory_space<vmem>>, vector<16xi32>,
            %sub3A_715 = arith.constant 2048 : i32
            %sub3A_716 = vector.broadcast %sub3A_715 : i32 to vector<16xi32>
            %sub3A_717 = arith.subi %get3A_714, %sub3A_716 : vector<16xi32>
            %get3A_718 = arith.index_cast %while3A_667 : i32 to index
            %get3A_719 = arith.constant 0 : index
            %get3A_720 = tpu.vector_load %arg16[%get3A_718, %get3A_719] {strides = array<i32>} : memref<32x32xf32, #tpu.memory_space<vmem>>, vector<16xf32>,
            %mul3A_721 = vector.broadcast %select_n3A : f32 to vector<16xf32>
            %mul3A_722 = arith.mulf %get3A_720, %mul3A_721 : vector<16xf32>
            %jit3A_723 = arith.constant 0 : i32
            %broadcast_in_dim3A_724 = vector.broadcast %jit3A_723 : i32 to vector<16xi32>
            %select_n3A_725 = arith.select %lt3A_669, %sub3A_717, %broadcast_in_dim3A_724 : vector<16xi32>
            %jit3A_726 = arith.constant 0.000000e+00 : f32
            %broadcast_in_dim3A_727 = vector.broadcast %jit3A_726 : f32 to vector<16xf32>
            %select_n3A_728 = arith.select %lt3A_669, %mul3A_722, %broadcast_in_dim3A_727 : vector<16xf32>
            %add3A_729 = arith.constant 0 : i32
            %add3A_730 = arith.addi %mul3A_711, %add3A_729 : i32
            %swap3A_731 = arith.index_cast %select_n3A_693 : i32 to index
            %swap3A_732 = arith.index_cast %add3A_730 : i32 to index
            %swap3A_733 = tpu.vector_load %arg19[%swap3A_731, %swap3A_732] {strides = array<i32>} : memref<8x128xi32, #tpu.memory_space<vmem>>, vector<16xi32>,
            tpu.vector_store %arg19[%swap3A_731, %swap3A_732], %select_n3A_725 {strides = array<i32>} : memref<8x128xi32, #tpu.memory_space<vmem>>, vector<16xi32>,
            %add3A_734 = arith.constant 0 : i32
            %add3A_735 = arith.addi %mul3A_711, %add3A_734 : i32
            %swap3A_736 = arith.index_cast %select_n3A_693 : i32 to index
            %swap3A_737 = arith.index_cast %add3A_735 : i32 to index
            %swap3A_738 = tpu.vector_load %arg20[%swap3A_736, %swap3A_737] {strides = array<i32>} : memref<8x128xf32, #tpu.memory_space<vmem>>, vector<16xf32>,
            tpu.vector_store %arg20[%swap3A_736, %swap3A_737], %select_n3A_728 {strides = array<i32>} : memref<8x128xf32, #tpu.memory_space<vmem>>, vector<16xf32>,
            %get3A_739 = arith.index_cast %while3A_667 : i32 to index
            %get3A_740 = arith.constant 16 : index
            %get3A_741 = tpu.vector_load %arg14[%get3A_739, %get3A_740] {strides = array<i32>} : memref<32x32xi32, #tpu.memory_space<vmem>>, vector<16xi32>,
            %sub3A_742 = arith.constant 2048 : i32
            %sub3A_743 = vector.broadcast %sub3A_742 : i32 to vector<16xi32>
            %sub3A_744 = arith.subi %get3A_741, %sub3A_743 : vector<16xi32>
            %get3A_745 = arith.index_cast %while3A_667 : i32 to index
            %get3A_746 = arith.constant 16 : index
            %get3A_747 = tpu.vector_load %arg16[%get3A_745, %get3A_746] {strides = array<i32>} : memref<32x32xf32, #tpu.memory_space<vmem>>, vector<16xf32>,
            %mul3A_748 = vector.broadcast %select_n3A : f32 to vector<16xf32>
            %mul3A_749 = arith.mulf %get3A_747, %mul3A_748 : vector<16xf32>
            %jit3A_750 = arith.constant 0 : i32
            %broadcast_in_dim3A_751 = vector.broadcast %jit3A_750 : i32 to vector<16xi32>
            %select_n3A_752 = arith.select %lt3A_669, %sub3A_744, %broadcast_in_dim3A_751 : vector<16xi32>
            %jit3A_753 = arith.constant 0.000000e+00 : f32
            %broadcast_in_dim3A_754 = vector.broadcast %jit3A_753 : f32 to vector<16xf32>
            %select_n3A_755 = arith.select %lt3A_669, %mul3A_749, %broadcast_in_dim3A_754 : vector<16xf32>
            %add3A_756 = arith.constant 16 : i32
            %add3A_757 = arith.addi %mul3A_711, %add3A_756 : i32
            %swap3A_758 = arith.index_cast %select_n3A_693 : i32 to index
            %swap3A_759 = arith.index_cast %add3A_757 : i32 to index
            %swap3A_760 = tpu.vector_load %arg19[%swap3A_758, %swap3A_759] {strides = array<i32>} : memref<8x128xi32, #tpu.memory_space<vmem>>, vector<16xi32>,
            tpu.vector_store %arg19[%swap3A_758, %swap3A_759], %select_n3A_752 {strides = array<i32>} : memref<8x128xi32, #tpu.memory_space<vmem>>, vector<16xi32>,
            %add3A_761 = arith.constant 16 : i32
            %add3A_762 = arith.addi %mul3A_711, %add3A_761 : i32
            %swap3A_763 = arith.index_cast %select_n3A_693 : i32 to index
            %swap3A_764 = arith.index_cast %add3A_762 : i32 to index
            %swap3A_765 = tpu.vector_load %arg20[%swap3A_763, %swap3A_764] {strides = array<i32>} : memref<8x128xf32, #tpu.memory_space<vmem>>, vector<16xf32>,
            tpu.vector_store %arg20[%swap3A_763, %swap3A_764], %select_n3A_755 {strides = array<i32>} : memref<8x128xf32, #tpu.memory_space<vmem>>, vector<16xf32>,
            %while3A_766 = arith.constant 0 : i32
            scf.yield %while3A_766 : i32
          }
          %gt3A_627 = arith.constant 0 : i32
          %gt3A_628 = arith.cmpi sgt, %mul3A_614, %gt3A_627 : i32
          %convert_element_type3A_629 = arith.extui %gt3A_628 : i1 to i32
          %cond3A_630 = arith.constant 0 : i32
          %cond3A_631 = arith.cmpi ne, %convert_element_type3A_629, %cond3A_630 : i32
          scf.if %cond3A_631 {
            %dma_start3A_667 = arith.constant 0 : i32
            %dma_start3A_668 = arith.constant 0 : i32
            %dma_start3A_669 = arith.constant 0 : i32
            %dma_start3A_670 = tpu.memref_slice %arg20[%dma_start3A_667, %dma_start3A_669] : memref<8x128xf32, #tpu.memory_space<vmem>> -> memref<1x128xf32, #tpu.memory_space<vmem>>
            %dma_start3A_671 = tpu.memref_squeeze %dma_start3A_670 : memref<1x128xf32, #tpu.memory_space<vmem>> -> memref<128xf32, #tpu.memory_space<vmem>>
            %dma_start3A_672 = arith.constant 0 : i32
            %dma_start3A_673 = tpu.memref_slice %arg19[%dma_start3A_668, %dma_start3A_672] : memref<8x128xi32, #tpu.memory_space<vmem>> -> memref<1x128xi32, #tpu.memory_space<vmem>>
            %dma_start3A_674 = tpu.memref_squeeze %dma_start3A_673 : memref<1x128xi32, #tpu.memory_space<vmem>> -> memref<128xi32, #tpu.memory_space<vmem>>
            %dma_start3A_675 = arith.constant 0 : i32
            %dma_start3A_676 = tpu.memref_slice %arg24[%dma_start3A_675] : memref<33280xf32, #tpu.memory_space<vmem_shared>> -> memref<33280xf32, #tpu.memory_space<vmem_shared>>
            tpu.enqueue_indirect_dma source(%dma_start3A_671 : memref<128xf32, #tpu.memory_space<vmem>>) target(%dma_start3A_676 : memref<33280xf32, #tpu.memory_space<vmem_shared>>) offsets(%dma_start3A_674 : memref<128xi32, #tpu.memory_space<vmem>>) semaphore(%arg31 : memref<!tpu.dma_semaphore, #tpu.memory_space<semaphore_mem>>) {add = true}
          } else {
          }
          %gt3A_632 = arith.constant 4 : i32
          %gt3A_633 = arith.cmpi sgt, %mul3A_614, %gt3A_632 : i32
          %convert_element_type3A_634 = arith.extui %gt3A_633 : i1 to i32
          %cond3A_635 = arith.constant 0 : i32
          %cond3A_636 = arith.cmpi ne, %convert_element_type3A_634, %cond3A_635 : i32
          scf.if %cond3A_636 {
            %dma_start3A_667 = arith.constant 1 : i32
            %dma_start3A_668 = arith.constant 1 : i32
            %dma_start3A_669 = arith.constant 0 : i32
            %dma_start3A_670 = tpu.memref_slice %arg20[%dma_start3A_667, %dma_start3A_669] : memref<8x128xf32, #tpu.memory_space<vmem>> -> memref<1x128xf32, #tpu.memory_space<vmem>>
            %dma_start3A_671 = tpu.memref_squeeze %dma_start3A_670 : memref<1x128xf32, #tpu.memory_space<vmem>> -> memref<128xf32, #tpu.memory_space<vmem>>
            %dma_start3A_672 = arith.constant 0 : i32
            %dma_start3A_673 = tpu.memref_slice %arg19[%dma_start3A_668, %dma_start3A_672] : memref<8x128xi32, #tpu.memory_space<vmem>> -> memref<1x128xi32, #tpu.memory_space<vmem>>
            %dma_start3A_674 = tpu.memref_squeeze %dma_start3A_673 : memref<1x128xi32, #tpu.memory_space<vmem>> -> memref<128xi32, #tpu.memory_space<vmem>>
            %dma_start3A_675 = arith.constant 0 : i32
            %dma_start3A_676 = tpu.memref_slice %arg24[%dma_start3A_675] : memref<33280xf32, #tpu.memory_space<vmem_shared>> -> memref<33280xf32, #tpu.memory_space<vmem_shared>>
            tpu.enqueue_indirect_dma source(%dma_start3A_671 : memref<128xf32, #tpu.memory_space<vmem>>) target(%dma_start3A_676 : memref<33280xf32, #tpu.memory_space<vmem_shared>>) offsets(%dma_start3A_674 : memref<128xi32, #tpu.memory_space<vmem>>) semaphore(%arg31 : memref<!tpu.dma_semaphore, #tpu.memory_space<semaphore_mem>>) {add = true}
          } else {
          }
          %gt3A_637 = arith.constant 8 : i32
          %gt3A_638 = arith.cmpi sgt, %mul3A_614, %gt3A_637 : i32
          %convert_element_type3A_639 = arith.extui %gt3A_638 : i1 to i32
          %cond3A_640 = arith.constant 0 : i32
          %cond3A_641 = arith.cmpi ne, %convert_element_type3A_639, %cond3A_640 : i32
          scf.if %cond3A_641 {
            %dma_start3A_667 = arith.constant 2 : i32
            %dma_start3A_668 = arith.constant 2 : i32
            %dma_start3A_669 = arith.constant 0 : i32
            %dma_start3A_670 = tpu.memref_slice %arg20[%dma_start3A_667, %dma_start3A_669] : memref<8x128xf32, #tpu.memory_space<vmem>> -> memref<1x128xf32, #tpu.memory_space<vmem>>
            %dma_start3A_671 = tpu.memref_squeeze %dma_start3A_670 : memref<1x128xf32, #tpu.memory_space<vmem>> -> memref<128xf32, #tpu.memory_space<vmem>>
            %dma_start3A_672 = arith.constant 0 : i32
            %dma_start3A_673 = tpu.memref_slice %arg19[%dma_start3A_668, %dma_start3A_672] : memref<8x128xi32, #tpu.memory_space<vmem>> -> memref<1x128xi32, #tpu.memory_space<vmem>>
            %dma_start3A_674 = tpu.memref_squeeze %dma_start3A_673 : memref<1x128xi32, #tpu.memory_space<vmem>> -> memref<128xi32, #tpu.memory_space<vmem>>
            %dma_start3A_675 = arith.constant 0 : i32
            %dma_start3A_676 = tpu.memref_slice %arg24[%dma_start3A_675] : memref<33280xf32, #tpu.memory_space<vmem_shared>> -> memref<33280xf32, #tpu.memory_space<vmem_shared>>
            tpu.enqueue_indirect_dma source(%dma_start3A_671 : memref<128xf32, #tpu.memory_space<vmem>>) target(%dma_start3A_676 : memref<33280xf32, #tpu.memory_space<vmem_shared>>) offsets(%dma_start3A_674 : memref<128xi32, #tpu.memory_space<vmem>>) semaphore(%arg31 : memref<!tpu.dma_semaphore, #tpu.memory_space<semaphore_mem>>) {add = true}
          } else {
          }
          %gt3A_642 = arith.constant 12 : i32
          %gt3A_643 = arith.cmpi sgt, %mul3A_614, %gt3A_642 : i32
          %convert_element_type3A_644 = arith.extui %gt3A_643 : i1 to i32
          %cond3A_645 = arith.constant 0 : i32
          %cond3A_646 = arith.cmpi ne, %convert_element_type3A_644, %cond3A_645 : i32
          scf.if %cond3A_646 {
            %dma_start3A_667 = arith.constant 3 : i32
            %dma_start3A_668 = arith.constant 3 : i32
            %dma_start3A_669 = arith.constant 0 : i32
            %dma_start3A_670 = tpu.memref_slice %arg20[%dma_start3A_667, %dma_start3A_669] : memref<8x128xf32, #tpu.memory_space<vmem>> -> memref<1x128xf32, #tpu.memory_space<vmem>>
            %dma_start3A_671 = tpu.memref_squeeze %dma_start3A_670 : memref<1x128xf32, #tpu.memory_space<vmem>> -> memref<128xf32, #tpu.memory_space<vmem>>
            %dma_start3A_672 = arith.constant 0 : i32
            %dma_start3A_673 = tpu.memref_slice %arg19[%dma_start3A_668, %dma_start3A_672] : memref<8x128xi32, #tpu.memory_space<vmem>> -> memref<1x128xi32, #tpu.memory_space<vmem>>
            %dma_start3A_674 = tpu.memref_squeeze %dma_start3A_673 : memref<1x128xi32, #tpu.memory_space<vmem>> -> memref<128xi32, #tpu.memory_space<vmem>>
            %dma_start3A_675 = arith.constant 0 : i32
            %dma_start3A_676 = tpu.memref_slice %arg24[%dma_start3A_675] : memref<33280xf32, #tpu.memory_space<vmem_shared>> -> memref<33280xf32, #tpu.memory_space<vmem_shared>>
            tpu.enqueue_indirect_dma source(%dma_start3A_671 : memref<128xf32, #tpu.memory_space<vmem>>) target(%dma_start3A_676 : memref<33280xf32, #tpu.memory_space<vmem_shared>>) offsets(%dma_start3A_674 : memref<128xi32, #tpu.memory_space<vmem>>) semaphore(%arg31 : memref<!tpu.dma_semaphore, #tpu.memory_space<semaphore_mem>>) {add = true}
          } else {
          }
          %gt3A_647 = arith.constant 16 : i32
          %gt3A_648 = arith.cmpi sgt, %mul3A_614, %gt3A_647 : i32
          %convert_element_type3A_649 = arith.extui %gt3A_648 : i1 to i32
          %cond3A_650 = arith.constant 0 : i32
          %cond3A_651 = arith.cmpi ne, %convert_element_type3A_649, %cond3A_650 : i32
          scf.if %cond3A_651 {
            %dma_start3A_667 = arith.constant 4 : i32
            %dma_start3A_668 = arith.constant 4 : i32
            %dma_start3A_669 = arith.constant 0 : i32
            %dma_start3A_670 = tpu.memref_slice %arg20[%dma_start3A_667, %dma_start3A_669] : memref<8x128xf32, #tpu.memory_space<vmem>> -> memref<1x128xf32, #tpu.memory_space<vmem>>
            %dma_start3A_671 = tpu.memref_squeeze %dma_start3A_670 : memref<1x128xf32, #tpu.memory_space<vmem>> -> memref<128xf32, #tpu.memory_space<vmem>>
            %dma_start3A_672 = arith.constant 0 : i32
            %dma_start3A_673 = tpu.memref_slice %arg19[%dma_start3A_668, %dma_start3A_672] : memref<8x128xi32, #tpu.memory_space<vmem>> -> memref<1x128xi32, #tpu.memory_space<vmem>>
            %dma_start3A_674 = tpu.memref_squeeze %dma_start3A_673 : memref<1x128xi32, #tpu.memory_space<vmem>> -> memref<128xi32, #tpu.memory_space<vmem>>
            %dma_start3A_675 = arith.constant 0 : i32
            %dma_start3A_676 = tpu.memref_slice %arg24[%dma_start3A_675] : memref<33280xf32, #tpu.memory_space<vmem_shared>> -> memref<33280xf32, #tpu.memory_space<vmem_shared>>
            tpu.enqueue_indirect_dma source(%dma_start3A_671 : memref<128xf32, #tpu.memory_space<vmem>>) target(%dma_start3A_676 : memref<33280xf32, #tpu.memory_space<vmem_shared>>) offsets(%dma_start3A_674 : memref<128xi32, #tpu.memory_space<vmem>>) semaphore(%arg31 : memref<!tpu.dma_semaphore, #tpu.memory_space<semaphore_mem>>) {add = true}
          } else {
          }
          %gt3A_652 = arith.constant 20 : i32
          %gt3A_653 = arith.cmpi sgt, %mul3A_614, %gt3A_652 : i32
          %convert_element_type3A_654 = arith.extui %gt3A_653 : i1 to i32
          %cond3A_655 = arith.constant 0 : i32
          %cond3A_656 = arith.cmpi ne, %convert_element_type3A_654, %cond3A_655 : i32
          scf.if %cond3A_656 {
            %dma_start3A_667 = arith.constant 5 : i32
            %dma_start3A_668 = arith.constant 5 : i32
            %dma_start3A_669 = arith.constant 0 : i32
            %dma_start3A_670 = tpu.memref_slice %arg20[%dma_start3A_667, %dma_start3A_669] : memref<8x128xf32, #tpu.memory_space<vmem>> -> memref<1x128xf32, #tpu.memory_space<vmem>>
            %dma_start3A_671 = tpu.memref_squeeze %dma_start3A_670 : memref<1x128xf32, #tpu.memory_space<vmem>> -> memref<128xf32, #tpu.memory_space<vmem>>
            %dma_start3A_672 = arith.constant 0 : i32
            %dma_start3A_673 = tpu.memref_slice %arg19[%dma_start3A_668, %dma_start3A_672] : memref<8x128xi32, #tpu.memory_space<vmem>> -> memref<1x128xi32, #tpu.memory_space<vmem>>
            %dma_start3A_674 = tpu.memref_squeeze %dma_start3A_673 : memref<1x128xi32, #tpu.memory_space<vmem>> -> memref<128xi32, #tpu.memory_space<vmem>>
            %dma_start3A_675 = arith.constant 0 : i32
            %dma_start3A_676 = tpu.memref_slice %arg24[%dma_start3A_675] : memref<33280xf32, #tpu.memory_space<vmem_shared>> -> memref<33280xf32, #tpu.memory_space<vmem_shared>>
            tpu.enqueue_indirect_dma source(%dma_start3A_671 : memref<128xf32, #tpu.memory_space<vmem>>) target(%dma_start3A_676 : memref<33280xf32, #tpu.memory_space<vmem_shared>>) offsets(%dma_start3A_674 : memref<128xi32, #tpu.memory_space<vmem>>) semaphore(%arg31 : memref<!tpu.dma_semaphore, #tpu.memory_space<semaphore_mem>>) {add = true}
          } else {
          }
          %gt3A_657 = arith.constant 24 : i32
          %gt3A_658 = arith.cmpi sgt, %mul3A_614, %gt3A_657 : i32
          %convert_element_type3A_659 = arith.extui %gt3A_658 : i1 to i32
          %cond3A_660 = arith.constant 0 : i32
          %cond3A_661 = arith.cmpi ne, %convert_element_type3A_659, %cond3A_660 : i32
          scf.if %cond3A_661 {
            %dma_start3A_667 = arith.constant 6 : i32
            %dma_start3A_668 = arith.constant 6 : i32
            %dma_start3A_669 = arith.constant 0 : i32
            %dma_start3A_670 = tpu.memref_slice %arg20[%dma_start3A_667, %dma_start3A_669] : memref<8x128xf32, #tpu.memory_space<vmem>> -> memref<1x128xf32, #tpu.memory_space<vmem>>
            %dma_start3A_671 = tpu.memref_squeeze %dma_start3A_670 : memref<1x128xf32, #tpu.memory_space<vmem>> -> memref<128xf32, #tpu.memory_space<vmem>>
            %dma_start3A_672 = arith.constant 0 : i32
            %dma_start3A_673 = tpu.memref_slice %arg19[%dma_start3A_668, %dma_start3A_672] : memref<8x128xi32, #tpu.memory_space<vmem>> -> memref<1x128xi32, #tpu.memory_space<vmem>>
            %dma_start3A_674 = tpu.memref_squeeze %dma_start3A_673 : memref<1x128xi32, #tpu.memory_space<vmem>> -> memref<128xi32, #tpu.memory_space<vmem>>
            %dma_start3A_675 = arith.constant 0 : i32
            %dma_start3A_676 = tpu.memref_slice %arg24[%dma_start3A_675] : memref<33280xf32, #tpu.memory_space<vmem_shared>> -> memref<33280xf32, #tpu.memory_space<vmem_shared>>
            tpu.enqueue_indirect_dma source(%dma_start3A_671 : memref<128xf32, #tpu.memory_space<vmem>>) target(%dma_start3A_676 : memref<33280xf32, #tpu.memory_space<vmem_shared>>) offsets(%dma_start3A_674 : memref<128xi32, #tpu.memory_space<vmem>>) semaphore(%arg31 : memref<!tpu.dma_semaphore, #tpu.memory_space<semaphore_mem>>) {add = true}
          } else {
          }
          %gt3A_662 = arith.constant 28 : i32
          %gt3A_663 = arith.cmpi sgt, %mul3A_614, %gt3A_662 : i32
          %convert_element_type3A_664 = arith.extui %gt3A_663 : i1 to i32
          %cond3A_665 = arith.constant 0 : i32
          %cond3A_666 = arith.cmpi ne, %convert_element_type3A_664, %cond3A_665 : i32
          scf.if %cond3A_666 {
            %dma_start3A_667 = arith.constant 7 : i32
            %dma_start3A_668 = arith.constant 7 : i32
            %dma_start3A_669 = arith.constant 0 : i32
            %dma_start3A_670 = tpu.memref_slice %arg20[%dma_start3A_667, %dma_start3A_669] : memref<8x128xf32, #tpu.memory_space<vmem>> -> memref<1x128xf32, #tpu.memory_space<vmem>>
            %dma_start3A_671 = tpu.memref_squeeze %dma_start3A_670 : memref<1x128xf32, #tpu.memory_space<vmem>> -> memref<128xf32, #tpu.memory_space<vmem>>
            %dma_start3A_672 = arith.constant 0 : i32
            %dma_start3A_673 = tpu.memref_slice %arg19[%dma_start3A_668, %dma_start3A_672] : memref<8x128xi32, #tpu.memory_space<vmem>> -> memref<1x128xi32, #tpu.memory_space<vmem>>
            %dma_start3A_674 = tpu.memref_squeeze %dma_start3A_673 : memref<1x128xi32, #tpu.memory_space<vmem>> -> memref<128xi32, #tpu.memory_space<vmem>>
            %dma_start3A_675 = arith.constant 0 : i32
            %dma_start3A_676 = tpu.memref_slice %arg24[%dma_start3A_675] : memref<33280xf32, #tpu.memory_space<vmem_shared>> -> memref<33280xf32, #tpu.memory_space<vmem_shared>>
            tpu.enqueue_indirect_dma source(%dma_start3A_671 : memref<128xf32, #tpu.memory_space<vmem>>) target(%dma_start3A_676 : memref<33280xf32, #tpu.memory_space<vmem_shared>>) offsets(%dma_start3A_674 : memref<128xi32, #tpu.memory_space<vmem>>) semaphore(%arg31 : memref<!tpu.dma_semaphore, #tpu.memory_space<semaphore_mem>>) {add = true}
          } else {
          }
          scf.yield %mul3A_481, %mul3A_614 : i32, i32
        }
        %gt3A_195 = arith.constant 0 : i32
        %gt3A_196 = arith.cmpi sgt, %while3A_194#0, %gt3A_195 : i32
        %convert_element_type3A_197 = arith.extui %gt3A_196 : i1 to i32
        %cond3A_198 = arith.constant 0 : i32
        %cond3A_199 = arith.cmpi ne, %convert_element_type3A_197, %cond3A_198 : i32
        scf.if %cond3A_199 {
          %dma_wait3A_391 = arith.constant 0 : i32
          %dma_wait3A_392 = arith.constant 0 : i32
          %dma_wait3A_393 = arith.constant 0 : i32
          %dma_wait3A_394 = tpu.memref_slice %arg18[%dma_wait3A_391, %dma_wait3A_393] : memref<8x128xf32, #tpu.memory_space<vmem>> -> memref<1x128xf32, #tpu.memory_space<vmem>>
          %dma_wait3A_395 = tpu.memref_squeeze %dma_wait3A_394 : memref<1x128xf32, #tpu.memory_space<vmem>> -> memref<128xf32, #tpu.memory_space<vmem>>
          %dma_wait3A_396 = arith.constant 0 : i32
          %dma_wait3A_397 = tpu.memref_slice %arg17[%dma_wait3A_392, %dma_wait3A_396] : memref<8x128xi32, #tpu.memory_space<vmem>> -> memref<1x128xi32, #tpu.memory_space<vmem>>
          %dma_wait3A_398 = tpu.memref_squeeze %dma_wait3A_397 : memref<1x128xi32, #tpu.memory_space<vmem>> -> memref<128xi32, #tpu.memory_space<vmem>>
          %dma_wait3A_399 = arith.constant 0 : i32
          %dma_wait3A_400 = tpu.memref_slice %arg24[%dma_wait3A_399] : memref<33280xf32, #tpu.memory_space<vmem_shared>> -> memref<33280xf32, #tpu.memory_space<vmem_shared>>
          tpu.wait_indirect_dma semaphore(%arg30 : memref<!tpu.dma_semaphore, #tpu.memory_space<semaphore_mem>>) src(%dma_wait3A_395 : memref<128xf32, #tpu.memory_space<vmem>>) dst(%dma_wait3A_400 : memref<33280xf32, #tpu.memory_space<vmem_shared>>)
        } else {
        }
        %gt3A_200 = arith.constant 4 : i32
        %gt3A_201 = arith.cmpi sgt, %while3A_194#0, %gt3A_200 : i32
        %convert_element_type3A_202 = arith.extui %gt3A_201 : i1 to i32
        %cond3A_203 = arith.constant 0 : i32
        %cond3A_204 = arith.cmpi ne, %convert_element_type3A_202, %cond3A_203 : i32
        scf.if %cond3A_204 {
          %dma_wait3A_391 = arith.constant 1 : i32
          %dma_wait3A_392 = arith.constant 1 : i32
          %dma_wait3A_393 = arith.constant 0 : i32
          %dma_wait3A_394 = tpu.memref_slice %arg18[%dma_wait3A_391, %dma_wait3A_393] : memref<8x128xf32, #tpu.memory_space<vmem>> -> memref<1x128xf32, #tpu.memory_space<vmem>>
          %dma_wait3A_395 = tpu.memref_squeeze %dma_wait3A_394 : memref<1x128xf32, #tpu.memory_space<vmem>> -> memref<128xf32, #tpu.memory_space<vmem>>
          %dma_wait3A_396 = arith.constant 0 : i32
          %dma_wait3A_397 = tpu.memref_slice %arg17[%dma_wait3A_392, %dma_wait3A_396] : memref<8x128xi32, #tpu.memory_space<vmem>> -> memref<1x128xi32, #tpu.memory_space<vmem>>
          %dma_wait3A_398 = tpu.memref_squeeze %dma_wait3A_397 : memref<1x128xi32, #tpu.memory_space<vmem>> -> memref<128xi32, #tpu.memory_space<vmem>>
          %dma_wait3A_399 = arith.constant 0 : i32
          %dma_wait3A_400 = tpu.memref_slice %arg24[%dma_wait3A_399] : memref<33280xf32, #tpu.memory_space<vmem_shared>> -> memref<33280xf32, #tpu.memory_space<vmem_shared>>
          tpu.wait_indirect_dma semaphore(%arg30 : memref<!tpu.dma_semaphore, #tpu.memory_space<semaphore_mem>>) src(%dma_wait3A_395 : memref<128xf32, #tpu.memory_space<vmem>>) dst(%dma_wait3A_400 : memref<33280xf32, #tpu.memory_space<vmem_shared>>)
        } else {
        }
        %gt3A_205 = arith.constant 8 : i32
        %gt3A_206 = arith.cmpi sgt, %while3A_194#0, %gt3A_205 : i32
        %convert_element_type3A_207 = arith.extui %gt3A_206 : i1 to i32
        %cond3A_208 = arith.constant 0 : i32
        %cond3A_209 = arith.cmpi ne, %convert_element_type3A_207, %cond3A_208 : i32
        scf.if %cond3A_209 {
          %dma_wait3A_391 = arith.constant 2 : i32
          %dma_wait3A_392 = arith.constant 2 : i32
          %dma_wait3A_393 = arith.constant 0 : i32
          %dma_wait3A_394 = tpu.memref_slice %arg18[%dma_wait3A_391, %dma_wait3A_393] : memref<8x128xf32, #tpu.memory_space<vmem>> -> memref<1x128xf32, #tpu.memory_space<vmem>>
          %dma_wait3A_395 = tpu.memref_squeeze %dma_wait3A_394 : memref<1x128xf32, #tpu.memory_space<vmem>> -> memref<128xf32, #tpu.memory_space<vmem>>
          %dma_wait3A_396 = arith.constant 0 : i32
          %dma_wait3A_397 = tpu.memref_slice %arg17[%dma_wait3A_392, %dma_wait3A_396] : memref<8x128xi32, #tpu.memory_space<vmem>> -> memref<1x128xi32, #tpu.memory_space<vmem>>
          %dma_wait3A_398 = tpu.memref_squeeze %dma_wait3A_397 : memref<1x128xi32, #tpu.memory_space<vmem>> -> memref<128xi32, #tpu.memory_space<vmem>>
          %dma_wait3A_399 = arith.constant 0 : i32
          %dma_wait3A_400 = tpu.memref_slice %arg24[%dma_wait3A_399] : memref<33280xf32, #tpu.memory_space<vmem_shared>> -> memref<33280xf32, #tpu.memory_space<vmem_shared>>
          tpu.wait_indirect_dma semaphore(%arg30 : memref<!tpu.dma_semaphore, #tpu.memory_space<semaphore_mem>>) src(%dma_wait3A_395 : memref<128xf32, #tpu.memory_space<vmem>>) dst(%dma_wait3A_400 : memref<33280xf32, #tpu.memory_space<vmem_shared>>)
        } else {
        }
        %gt3A_210 = arith.constant 12 : i32
        %gt3A_211 = arith.cmpi sgt, %while3A_194#0, %gt3A_210 : i32
        %convert_element_type3A_212 = arith.extui %gt3A_211 : i1 to i32
        %cond3A_213 = arith.constant 0 : i32
        %cond3A_214 = arith.cmpi ne, %convert_element_type3A_212, %cond3A_213 : i32
        scf.if %cond3A_214 {
          %dma_wait3A_391 = arith.constant 3 : i32
          %dma_wait3A_392 = arith.constant 3 : i32
          %dma_wait3A_393 = arith.constant 0 : i32
          %dma_wait3A_394 = tpu.memref_slice %arg18[%dma_wait3A_391, %dma_wait3A_393] : memref<8x128xf32, #tpu.memory_space<vmem>> -> memref<1x128xf32, #tpu.memory_space<vmem>>
          %dma_wait3A_395 = tpu.memref_squeeze %dma_wait3A_394 : memref<1x128xf32, #tpu.memory_space<vmem>> -> memref<128xf32, #tpu.memory_space<vmem>>
          %dma_wait3A_396 = arith.constant 0 : i32
          %dma_wait3A_397 = tpu.memref_slice %arg17[%dma_wait3A_392, %dma_wait3A_396] : memref<8x128xi32, #tpu.memory_space<vmem>> -> memref<1x128xi32, #tpu.memory_space<vmem>>
          %dma_wait3A_398 = tpu.memref_squeeze %dma_wait3A_397 : memref<1x128xi32, #tpu.memory_space<vmem>> -> memref<128xi32, #tpu.memory_space<vmem>>
          %dma_wait3A_399 = arith.constant 0 : i32
          %dma_wait3A_400 = tpu.memref_slice %arg24[%dma_wait3A_399] : memref<33280xf32, #tpu.memory_space<vmem_shared>> -> memref<33280xf32, #tpu.memory_space<vmem_shared>>
          tpu.wait_indirect_dma semaphore(%arg30 : memref<!tpu.dma_semaphore, #tpu.memory_space<semaphore_mem>>) src(%dma_wait3A_395 : memref<128xf32, #tpu.memory_space<vmem>>) dst(%dma_wait3A_400 : memref<33280xf32, #tpu.memory_space<vmem_shared>>)
        } else {
        }
        %gt3A_215 = arith.constant 16 : i32
        %gt3A_216 = arith.cmpi sgt, %while3A_194#0, %gt3A_215 : i32
        %convert_element_type3A_217 = arith.extui %gt3A_216 : i1 to i32
        %cond3A_218 = arith.constant 0 : i32
        %cond3A_219 = arith.cmpi ne, %convert_element_type3A_217, %cond3A_218 : i32
        scf.if %cond3A_219 {
          %dma_wait3A_391 = arith.constant 4 : i32
          %dma_wait3A_392 = arith.constant 4 : i32
          %dma_wait3A_393 = arith.constant 0 : i32
          %dma_wait3A_394 = tpu.memref_slice %arg18[%dma_wait3A_391, %dma_wait3A_393] : memref<8x128xf32, #tpu.memory_space<vmem>> -> memref<1x128xf32, #tpu.memory_space<vmem>>
          %dma_wait3A_395 = tpu.memref_squeeze %dma_wait3A_394 : memref<1x128xf32, #tpu.memory_space<vmem>> -> memref<128xf32, #tpu.memory_space<vmem>>
          %dma_wait3A_396 = arith.constant 0 : i32
          %dma_wait3A_397 = tpu.memref_slice %arg17[%dma_wait3A_392, %dma_wait3A_396] : memref<8x128xi32, #tpu.memory_space<vmem>> -> memref<1x128xi32, #tpu.memory_space<vmem>>
          %dma_wait3A_398 = tpu.memref_squeeze %dma_wait3A_397 : memref<1x128xi32, #tpu.memory_space<vmem>> -> memref<128xi32, #tpu.memory_space<vmem>>
          %dma_wait3A_399 = arith.constant 0 : i32
          %dma_wait3A_400 = tpu.memref_slice %arg24[%dma_wait3A_399] : memref<33280xf32, #tpu.memory_space<vmem_shared>> -> memref<33280xf32, #tpu.memory_space<vmem_shared>>
          tpu.wait_indirect_dma semaphore(%arg30 : memref<!tpu.dma_semaphore, #tpu.memory_space<semaphore_mem>>) src(%dma_wait3A_395 : memref<128xf32, #tpu.memory_space<vmem>>) dst(%dma_wait3A_400 : memref<33280xf32, #tpu.memory_space<vmem_shared>>)
        } else {
        }
        %gt3A_220 = arith.constant 20 : i32
        %gt3A_221 = arith.cmpi sgt, %while3A_194#0, %gt3A_220 : i32
        %convert_element_type3A_222 = arith.extui %gt3A_221 : i1 to i32
        %cond3A_223 = arith.constant 0 : i32
        %cond3A_224 = arith.cmpi ne, %convert_element_type3A_222, %cond3A_223 : i32
        scf.if %cond3A_224 {
          %dma_wait3A_391 = arith.constant 5 : i32
          %dma_wait3A_392 = arith.constant 5 : i32
          %dma_wait3A_393 = arith.constant 0 : i32
          %dma_wait3A_394 = tpu.memref_slice %arg18[%dma_wait3A_391, %dma_wait3A_393] : memref<8x128xf32, #tpu.memory_space<vmem>> -> memref<1x128xf32, #tpu.memory_space<vmem>>
          %dma_wait3A_395 = tpu.memref_squeeze %dma_wait3A_394 : memref<1x128xf32, #tpu.memory_space<vmem>> -> memref<128xf32, #tpu.memory_space<vmem>>
          %dma_wait3A_396 = arith.constant 0 : i32
          %dma_wait3A_397 = tpu.memref_slice %arg17[%dma_wait3A_392, %dma_wait3A_396] : memref<8x128xi32, #tpu.memory_space<vmem>> -> memref<1x128xi32, #tpu.memory_space<vmem>>
          %dma_wait3A_398 = tpu.memref_squeeze %dma_wait3A_397 : memref<1x128xi32, #tpu.memory_space<vmem>> -> memref<128xi32, #tpu.memory_space<vmem>>
          %dma_wait3A_399 = arith.constant 0 : i32
          %dma_wait3A_400 = tpu.memref_slice %arg24[%dma_wait3A_399] : memref<33280xf32, #tpu.memory_space<vmem_shared>> -> memref<33280xf32, #tpu.memory_space<vmem_shared>>
          tpu.wait_indirect_dma semaphore(%arg30 : memref<!tpu.dma_semaphore, #tpu.memory_space<semaphore_mem>>) src(%dma_wait3A_395 : memref<128xf32, #tpu.memory_space<vmem>>) dst(%dma_wait3A_400 : memref<33280xf32, #tpu.memory_space<vmem_shared>>)
        } else {
        }
        %gt3A_225 = arith.constant 24 : i32
        %gt3A_226 = arith.cmpi sgt, %while3A_194#0, %gt3A_225 : i32
        %convert_element_type3A_227 = arith.extui %gt3A_226 : i1 to i32
        %cond3A_228 = arith.constant 0 : i32
        %cond3A_229 = arith.cmpi ne, %convert_element_type3A_227, %cond3A_228 : i32
        scf.if %cond3A_229 {
          %dma_wait3A_391 = arith.constant 6 : i32
          %dma_wait3A_392 = arith.constant 6 : i32
          %dma_wait3A_393 = arith.constant 0 : i32
          %dma_wait3A_394 = tpu.memref_slice %arg18[%dma_wait3A_391, %dma_wait3A_393] : memref<8x128xf32, #tpu.memory_space<vmem>> -> memref<1x128xf32, #tpu.memory_space<vmem>>
          %dma_wait3A_395 = tpu.memref_squeeze %dma_wait3A_394 : memref<1x128xf32, #tpu.memory_space<vmem>> -> memref<128xf32, #tpu.memory_space<vmem>>
          %dma_wait3A_396 = arith.constant 0 : i32
          %dma_wait3A_397 = tpu.memref_slice %arg17[%dma_wait3A_392, %dma_wait3A_396] : memref<8x128xi32, #tpu.memory_space<vmem>> -> memref<1x128xi32, #tpu.memory_space<vmem>>
          %dma_wait3A_398 = tpu.memref_squeeze %dma_wait3A_397 : memref<1x128xi32, #tpu.memory_space<vmem>> -> memref<128xi32, #tpu.memory_space<vmem>>
          %dma_wait3A_399 = arith.constant 0 : i32
          %dma_wait3A_400 = tpu.memref_slice %arg24[%dma_wait3A_399] : memref<33280xf32, #tpu.memory_space<vmem_shared>> -> memref<33280xf32, #tpu.memory_space<vmem_shared>>
          tpu.wait_indirect_dma semaphore(%arg30 : memref<!tpu.dma_semaphore, #tpu.memory_space<semaphore_mem>>) src(%dma_wait3A_395 : memref<128xf32, #tpu.memory_space<vmem>>) dst(%dma_wait3A_400 : memref<33280xf32, #tpu.memory_space<vmem_shared>>)
        } else {
        }
        %gt3A_230 = arith.constant 28 : i32
        %gt3A_231 = arith.cmpi sgt, %while3A_194#0, %gt3A_230 : i32
        %convert_element_type3A_232 = arith.extui %gt3A_231 : i1 to i32
        %cond3A_233 = arith.constant 0 : i32
        %cond3A_234 = arith.cmpi ne, %convert_element_type3A_232, %cond3A_233 : i32
        scf.if %cond3A_234 {
          %dma_wait3A_391 = arith.constant 7 : i32
          %dma_wait3A_392 = arith.constant 7 : i32
          %dma_wait3A_393 = arith.constant 0 : i32
          %dma_wait3A_394 = tpu.memref_slice %arg18[%dma_wait3A_391, %dma_wait3A_393] : memref<8x128xf32, #tpu.memory_space<vmem>> -> memref<1x128xf32, #tpu.memory_space<vmem>>
          %dma_wait3A_395 = tpu.memref_squeeze %dma_wait3A_394 : memref<1x128xf32, #tpu.memory_space<vmem>> -> memref<128xf32, #tpu.memory_space<vmem>>
          %dma_wait3A_396 = arith.constant 0 : i32
          %dma_wait3A_397 = tpu.memref_slice %arg17[%dma_wait3A_392, %dma_wait3A_396] : memref<8x128xi32, #tpu.memory_space<vmem>> -> memref<1x128xi32, #tpu.memory_space<vmem>>
          %dma_wait3A_398 = tpu.memref_squeeze %dma_wait3A_397 : memref<1x128xi32, #tpu.memory_space<vmem>> -> memref<128xi32, #tpu.memory_space<vmem>>
          %dma_wait3A_399 = arith.constant 0 : i32
          %dma_wait3A_400 = tpu.memref_slice %arg24[%dma_wait3A_399] : memref<33280xf32, #tpu.memory_space<vmem_shared>> -> memref<33280xf32, #tpu.memory_space<vmem_shared>>
          tpu.wait_indirect_dma semaphore(%arg30 : memref<!tpu.dma_semaphore, #tpu.memory_space<semaphore_mem>>) src(%dma_wait3A_395 : memref<128xf32, #tpu.memory_space<vmem>>) dst(%dma_wait3A_400 : memref<33280xf32, #tpu.memory_space<vmem_shared>>)
        } else {
        }
        %gt3A_235 = arith.constant 0 : i32
        %gt3A_236 = arith.cmpi sgt, %while3A_194#1, %gt3A_235 : i32
        %convert_element_type3A_237 = arith.extui %gt3A_236 : i1 to i32
        %cond3A_238 = arith.constant 0 : i32
        %cond3A_239 = arith.cmpi ne, %convert_element_type3A_237, %cond3A_238 : i32
        scf.if %cond3A_239 {
          %dma_wait3A_391 = arith.constant 0 : i32
          %dma_wait3A_392 = arith.constant 0 : i32
          %dma_wait3A_393 = arith.constant 0 : i32
          %dma_wait3A_394 = tpu.memref_slice %arg20[%dma_wait3A_391, %dma_wait3A_393] : memref<8x128xf32, #tpu.memory_space<vmem>> -> memref<1x128xf32, #tpu.memory_space<vmem>>
          %dma_wait3A_395 = tpu.memref_squeeze %dma_wait3A_394 : memref<1x128xf32, #tpu.memory_space<vmem>> -> memref<128xf32, #tpu.memory_space<vmem>>
          %dma_wait3A_396 = arith.constant 0 : i32
          %dma_wait3A_397 = tpu.memref_slice %arg19[%dma_wait3A_392, %dma_wait3A_396] : memref<8x128xi32, #tpu.memory_space<vmem>> -> memref<1x128xi32, #tpu.memory_space<vmem>>
          %dma_wait3A_398 = tpu.memref_squeeze %dma_wait3A_397 : memref<1x128xi32, #tpu.memory_space<vmem>> -> memref<128xi32, #tpu.memory_space<vmem>>
          %dma_wait3A_399 = arith.constant 0 : i32
          %dma_wait3A_400 = tpu.memref_slice %arg24[%dma_wait3A_399] : memref<33280xf32, #tpu.memory_space<vmem_shared>> -> memref<33280xf32, #tpu.memory_space<vmem_shared>>
          tpu.wait_indirect_dma semaphore(%arg31 : memref<!tpu.dma_semaphore, #tpu.memory_space<semaphore_mem>>) src(%dma_wait3A_395 : memref<128xf32, #tpu.memory_space<vmem>>) dst(%dma_wait3A_400 : memref<33280xf32, #tpu.memory_space<vmem_shared>>)
        } else {
        }
        %gt3A_240 = arith.constant 4 : i32
        %gt3A_241 = arith.cmpi sgt, %while3A_194#1, %gt3A_240 : i32
        %convert_element_type3A_242 = arith.extui %gt3A_241 : i1 to i32
        %cond3A_243 = arith.constant 0 : i32
        %cond3A_244 = arith.cmpi ne, %convert_element_type3A_242, %cond3A_243 : i32
        scf.if %cond3A_244 {
          %dma_wait3A_391 = arith.constant 1 : i32
          %dma_wait3A_392 = arith.constant 1 : i32
          %dma_wait3A_393 = arith.constant 0 : i32
          %dma_wait3A_394 = tpu.memref_slice %arg20[%dma_wait3A_391, %dma_wait3A_393] : memref<8x128xf32, #tpu.memory_space<vmem>> -> memref<1x128xf32, #tpu.memory_space<vmem>>
          %dma_wait3A_395 = tpu.memref_squeeze %dma_wait3A_394 : memref<1x128xf32, #tpu.memory_space<vmem>> -> memref<128xf32, #tpu.memory_space<vmem>>
          %dma_wait3A_396 = arith.constant 0 : i32
          %dma_wait3A_397 = tpu.memref_slice %arg19[%dma_wait3A_392, %dma_wait3A_396] : memref<8x128xi32, #tpu.memory_space<vmem>> -> memref<1x128xi32, #tpu.memory_space<vmem>>
          %dma_wait3A_398 = tpu.memref_squeeze %dma_wait3A_397 : memref<1x128xi32, #tpu.memory_space<vmem>> -> memref<128xi32, #tpu.memory_space<vmem>>
          %dma_wait3A_399 = arith.constant 0 : i32
          %dma_wait3A_400 = tpu.memref_slice %arg24[%dma_wait3A_399] : memref<33280xf32, #tpu.memory_space<vmem_shared>> -> memref<33280xf32, #tpu.memory_space<vmem_shared>>
          tpu.wait_indirect_dma semaphore(%arg31 : memref<!tpu.dma_semaphore, #tpu.memory_space<semaphore_mem>>) src(%dma_wait3A_395 : memref<128xf32, #tpu.memory_space<vmem>>) dst(%dma_wait3A_400 : memref<33280xf32, #tpu.memory_space<vmem_shared>>)
        } else {
        }
        %gt3A_245 = arith.constant 8 : i32
        %gt3A_246 = arith.cmpi sgt, %while3A_194#1, %gt3A_245 : i32
        %convert_element_type3A_247 = arith.extui %gt3A_246 : i1 to i32
        %cond3A_248 = arith.constant 0 : i32
        %cond3A_249 = arith.cmpi ne, %convert_element_type3A_247, %cond3A_248 : i32
        scf.if %cond3A_249 {
          %dma_wait3A_391 = arith.constant 2 : i32
          %dma_wait3A_392 = arith.constant 2 : i32
          %dma_wait3A_393 = arith.constant 0 : i32
          %dma_wait3A_394 = tpu.memref_slice %arg20[%dma_wait3A_391, %dma_wait3A_393] : memref<8x128xf32, #tpu.memory_space<vmem>> -> memref<1x128xf32, #tpu.memory_space<vmem>>
          %dma_wait3A_395 = tpu.memref_squeeze %dma_wait3A_394 : memref<1x128xf32, #tpu.memory_space<vmem>> -> memref<128xf32, #tpu.memory_space<vmem>>
          %dma_wait3A_396 = arith.constant 0 : i32
          %dma_wait3A_397 = tpu.memref_slice %arg19[%dma_wait3A_392, %dma_wait3A_396] : memref<8x128xi32, #tpu.memory_space<vmem>> -> memref<1x128xi32, #tpu.memory_space<vmem>>
          %dma_wait3A_398 = tpu.memref_squeeze %dma_wait3A_397 : memref<1x128xi32, #tpu.memory_space<vmem>> -> memref<128xi32, #tpu.memory_space<vmem>>
          %dma_wait3A_399 = arith.constant 0 : i32
          %dma_wait3A_400 = tpu.memref_slice %arg24[%dma_wait3A_399] : memref<33280xf32, #tpu.memory_space<vmem_shared>> -> memref<33280xf32, #tpu.memory_space<vmem_shared>>
          tpu.wait_indirect_dma semaphore(%arg31 : memref<!tpu.dma_semaphore, #tpu.memory_space<semaphore_mem>>) src(%dma_wait3A_395 : memref<128xf32, #tpu.memory_space<vmem>>) dst(%dma_wait3A_400 : memref<33280xf32, #tpu.memory_space<vmem_shared>>)
        } else {
        }
        %gt3A_250 = arith.constant 12 : i32
        %gt3A_251 = arith.cmpi sgt, %while3A_194#1, %gt3A_250 : i32
        %convert_element_type3A_252 = arith.extui %gt3A_251 : i1 to i32
        %cond3A_253 = arith.constant 0 : i32
        %cond3A_254 = arith.cmpi ne, %convert_element_type3A_252, %cond3A_253 : i32
        scf.if %cond3A_254 {
          %dma_wait3A_391 = arith.constant 3 : i32
          %dma_wait3A_392 = arith.constant 3 : i32
          %dma_wait3A_393 = arith.constant 0 : i32
          %dma_wait3A_394 = tpu.memref_slice %arg20[%dma_wait3A_391, %dma_wait3A_393] : memref<8x128xf32, #tpu.memory_space<vmem>> -> memref<1x128xf32, #tpu.memory_space<vmem>>
          %dma_wait3A_395 = tpu.memref_squeeze %dma_wait3A_394 : memref<1x128xf32, #tpu.memory_space<vmem>> -> memref<128xf32, #tpu.memory_space<vmem>>
          %dma_wait3A_396 = arith.constant 0 : i32
          %dma_wait3A_397 = tpu.memref_slice %arg19[%dma_wait3A_392, %dma_wait3A_396] : memref<8x128xi32, #tpu.memory_space<vmem>> -> memref<1x128xi32, #tpu.memory_space<vmem>>
          %dma_wait3A_398 = tpu.memref_squeeze %dma_wait3A_397 : memref<1x128xi32, #tpu.memory_space<vmem>> -> memref<128xi32, #tpu.memory_space<vmem>>
          %dma_wait3A_399 = arith.constant 0 : i32
          %dma_wait3A_400 = tpu.memref_slice %arg24[%dma_wait3A_399] : memref<33280xf32, #tpu.memory_space<vmem_shared>> -> memref<33280xf32, #tpu.memory_space<vmem_shared>>
          tpu.wait_indirect_dma semaphore(%arg31 : memref<!tpu.dma_semaphore, #tpu.memory_space<semaphore_mem>>) src(%dma_wait3A_395 : memref<128xf32, #tpu.memory_space<vmem>>) dst(%dma_wait3A_400 : memref<33280xf32, #tpu.memory_space<vmem_shared>>)
        } else {
        }
        %gt3A_255 = arith.constant 16 : i32
        %gt3A_256 = arith.cmpi sgt, %while3A_194#1, %gt3A_255 : i32
        %convert_element_type3A_257 = arith.extui %gt3A_256 : i1 to i32
        %cond3A_258 = arith.constant 0 : i32
        %cond3A_259 = arith.cmpi ne, %convert_element_type3A_257, %cond3A_258 : i32
        scf.if %cond3A_259 {
          %dma_wait3A_391 = arith.constant 4 : i32
          %dma_wait3A_392 = arith.constant 4 : i32
          %dma_wait3A_393 = arith.constant 0 : i32
          %dma_wait3A_394 = tpu.memref_slice %arg20[%dma_wait3A_391, %dma_wait3A_393] : memref<8x128xf32, #tpu.memory_space<vmem>> -> memref<1x128xf32, #tpu.memory_space<vmem>>
          %dma_wait3A_395 = tpu.memref_squeeze %dma_wait3A_394 : memref<1x128xf32, #tpu.memory_space<vmem>> -> memref<128xf32, #tpu.memory_space<vmem>>
          %dma_wait3A_396 = arith.constant 0 : i32
          %dma_wait3A_397 = tpu.memref_slice %arg19[%dma_wait3A_392, %dma_wait3A_396] : memref<8x128xi32, #tpu.memory_space<vmem>> -> memref<1x128xi32, #tpu.memory_space<vmem>>
          %dma_wait3A_398 = tpu.memref_squeeze %dma_wait3A_397 : memref<1x128xi32, #tpu.memory_space<vmem>> -> memref<128xi32, #tpu.memory_space<vmem>>
          %dma_wait3A_399 = arith.constant 0 : i32
          %dma_wait3A_400 = tpu.memref_slice %arg24[%dma_wait3A_399] : memref<33280xf32, #tpu.memory_space<vmem_shared>> -> memref<33280xf32, #tpu.memory_space<vmem_shared>>
          tpu.wait_indirect_dma semaphore(%arg31 : memref<!tpu.dma_semaphore, #tpu.memory_space<semaphore_mem>>) src(%dma_wait3A_395 : memref<128xf32, #tpu.memory_space<vmem>>) dst(%dma_wait3A_400 : memref<33280xf32, #tpu.memory_space<vmem_shared>>)
        } else {
        }
        %gt3A_260 = arith.constant 20 : i32
        %gt3A_261 = arith.cmpi sgt, %while3A_194#1, %gt3A_260 : i32
        %convert_element_type3A_262 = arith.extui %gt3A_261 : i1 to i32
        %cond3A_263 = arith.constant 0 : i32
        %cond3A_264 = arith.cmpi ne, %convert_element_type3A_262, %cond3A_263 : i32
        scf.if %cond3A_264 {
          %dma_wait3A_391 = arith.constant 5 : i32
          %dma_wait3A_392 = arith.constant 5 : i32
          %dma_wait3A_393 = arith.constant 0 : i32
          %dma_wait3A_394 = tpu.memref_slice %arg20[%dma_wait3A_391, %dma_wait3A_393] : memref<8x128xf32, #tpu.memory_space<vmem>> -> memref<1x128xf32, #tpu.memory_space<vmem>>
          %dma_wait3A_395 = tpu.memref_squeeze %dma_wait3A_394 : memref<1x128xf32, #tpu.memory_space<vmem>> -> memref<128xf32, #tpu.memory_space<vmem>>
          %dma_wait3A_396 = arith.constant 0 : i32
          %dma_wait3A_397 = tpu.memref_slice %arg19[%dma_wait3A_392, %dma_wait3A_396] : memref<8x128xi32, #tpu.memory_space<vmem>> -> memref<1x128xi32, #tpu.memory_space<vmem>>
          %dma_wait3A_398 = tpu.memref_squeeze %dma_wait3A_397 : memref<1x128xi32, #tpu.memory_space<vmem>> -> memref<128xi32, #tpu.memory_space<vmem>>
          %dma_wait3A_399 = arith.constant 0 : i32
          %dma_wait3A_400 = tpu.memref_slice %arg24[%dma_wait3A_399] : memref<33280xf32, #tpu.memory_space<vmem_shared>> -> memref<33280xf32, #tpu.memory_space<vmem_shared>>
          tpu.wait_indirect_dma semaphore(%arg31 : memref<!tpu.dma_semaphore, #tpu.memory_space<semaphore_mem>>) src(%dma_wait3A_395 : memref<128xf32, #tpu.memory_space<vmem>>) dst(%dma_wait3A_400 : memref<33280xf32, #tpu.memory_space<vmem_shared>>)
        } else {
        }
        %gt3A_265 = arith.constant 24 : i32
        %gt3A_266 = arith.cmpi sgt, %while3A_194#1, %gt3A_265 : i32
        %convert_element_type3A_267 = arith.extui %gt3A_266 : i1 to i32
        %cond3A_268 = arith.constant 0 : i32
        %cond3A_269 = arith.cmpi ne, %convert_element_type3A_267, %cond3A_268 : i32
        scf.if %cond3A_269 {
          %dma_wait3A_391 = arith.constant 6 : i32
          %dma_wait3A_392 = arith.constant 6 : i32
          %dma_wait3A_393 = arith.constant 0 : i32
          %dma_wait3A_394 = tpu.memref_slice %arg20[%dma_wait3A_391, %dma_wait3A_393] : memref<8x128xf32, #tpu.memory_space<vmem>> -> memref<1x128xf32, #tpu.memory_space<vmem>>
          %dma_wait3A_395 = tpu.memref_squeeze %dma_wait3A_394 : memref<1x128xf32, #tpu.memory_space<vmem>> -> memref<128xf32, #tpu.memory_space<vmem>>
          %dma_wait3A_396 = arith.constant 0 : i32
          %dma_wait3A_397 = tpu.memref_slice %arg19[%dma_wait3A_392, %dma_wait3A_396] : memref<8x128xi32, #tpu.memory_space<vmem>> -> memref<1x128xi32, #tpu.memory_space<vmem>>
          %dma_wait3A_398 = tpu.memref_squeeze %dma_wait3A_397 : memref<1x128xi32, #tpu.memory_space<vmem>> -> memref<128xi32, #tpu.memory_space<vmem>>
          %dma_wait3A_399 = arith.constant 0 : i32
          %dma_wait3A_400 = tpu.memref_slice %arg24[%dma_wait3A_399] : memref<33280xf32, #tpu.memory_space<vmem_shared>> -> memref<33280xf32, #tpu.memory_space<vmem_shared>>
          tpu.wait_indirect_dma semaphore(%arg31 : memref<!tpu.dma_semaphore, #tpu.memory_space<semaphore_mem>>) src(%dma_wait3A_395 : memref<128xf32, #tpu.memory_space<vmem>>) dst(%dma_wait3A_400 : memref<33280xf32, #tpu.memory_space<vmem_shared>>)
        } else {
        }
        %gt3A_270 = arith.constant 28 : i32
        %gt3A_271 = arith.cmpi sgt, %while3A_194#1, %gt3A_270 : i32
        %convert_element_type3A_272 = arith.extui %gt3A_271 : i1 to i32
        %cond3A_273 = arith.constant 0 : i32
        %cond3A_274 = arith.cmpi ne, %convert_element_type3A_272, %cond3A_273 : i32
        scf.if %cond3A_274 {
          %dma_wait3A_391 = arith.constant 7 : i32
          %dma_wait3A_392 = arith.constant 7 : i32
          %dma_wait3A_393 = arith.constant 0 : i32
          %dma_wait3A_394 = tpu.memref_slice %arg20[%dma_wait3A_391, %dma_wait3A_393] : memref<8x128xf32, #tpu.memory_space<vmem>> -> memref<1x128xf32, #tpu.memory_space<vmem>>
          %dma_wait3A_395 = tpu.memref_squeeze %dma_wait3A_394 : memref<1x128xf32, #tpu.memory_space<vmem>> -> memref<128xf32, #tpu.memory_space<vmem>>
          %dma_wait3A_396 = arith.constant 0 : i32
          %dma_wait3A_397 = tpu.memref_slice %arg19[%dma_wait3A_392, %dma_wait3A_396] : memref<8x128xi32, #tpu.memory_space<vmem>> -> memref<1x128xi32, #tpu.memory_space<vmem>>
          %dma_wait3A_398 = tpu.memref_squeeze %dma_wait3A_397 : memref<1x128xi32, #tpu.memory_space<vmem>> -> memref<128xi32, #tpu.memory_space<vmem>>
          %dma_wait3A_399 = arith.constant 0 : i32
          %dma_wait3A_400 = tpu.memref_slice %arg24[%dma_wait3A_399] : memref<33280xf32, #tpu.memory_space<vmem_shared>> -> memref<33280xf32, #tpu.memory_space<vmem_shared>>
          tpu.wait_indirect_dma semaphore(%arg31 : memref<!tpu.dma_semaphore, #tpu.memory_space<semaphore_mem>>) src(%dma_wait3A_395 : memref<128xf32, #tpu.memory_space<vmem>>) dst(%dma_wait3A_400 : memref<33280xf32, #tpu.memory_space<vmem_shared>>)
        } else {
        }
        %barrier3A_275 = arith.constant 0 : index
        tpu.barrier barrier_id(%barrier3A_275)
        "tpu.region"() ({
          %run_scoped3A = tpu.sem_alloc : memref<!tpu.dma_semaphore, #tpu.memory_space<semaphore_mem>>
          %dma_start3A_391 = tpu.memref_slice %arg24[%mul3A_2] : memref<33280xf32, #tpu.memory_space<vmem_shared>> -> memref<2080xf32, #tpu.memory_space<vmem_shared>>
          %dma_start3A_392 = tpu.memref_slice %arg24[%mul3A_2] : memref<33280xf32, #tpu.memory_space<vmem_shared>> -> memref<2080xf32, #tpu.memory_space<vmem_shared>>
          tpu.enqueue_dma source(%dma_start3A_392 : memref<2080xf32, #tpu.memory_space<vmem_shared>>) target(%arg7 : memref<2080xf32, #tpu.memory_space<vmem>>) target_semaphore(%run_scoped3A : memref<!tpu.dma_semaphore, #tpu.memory_space<semaphore_mem>>)
          %dma_wait3A_393 = tpu.memref_slice %arg24[%mul3A_2] : memref<33280xf32, #tpu.memory_space<vmem_shared>> -> memref<2080xf32, #tpu.memory_space<vmem_shared>>
          %dma_wait3A_394 = tpu.memref_slice %arg24[%mul3A_2] : memref<33280xf32, #tpu.memory_space<vmem_shared>> -> memref<2080xf32, #tpu.memory_space<vmem_shared>>
          tpu.wait_dma2 semaphore(%run_scoped3A : memref<!tpu.dma_semaphore, #tpu.memory_space<semaphore_mem>>) src(%dma_wait3A_394 : memref<2080xf32, #tpu.memory_space<vmem_shared>>) dst(%arg7 : memref<2080xf32, #tpu.memory_space<vmem>>)
          tpu.yield
        }) : () -> ()
        %scan3A_276 = arith.constant 0 : i32
        %scan3A_277 = arith.constant 0 : i32
        %scan3A_278 = arith.constant 65 : i32
        %scan3A_279 = arith.addi %scan3A_277, %scan3A_278 : i32
        %scan3A_280 = arith.constant 1 : i32
        %scan3A_281 = scf.for %scan3A_391 = %scan3A_277 to %scan3A_279 step %scan3A_280 iter_args(%scan3A_392 = %scan3A_276) -> (i32)  : i32 {
          %mul3A_393 = arith.constant 2 : i32
          %mul3A_394 = arith.muli %scan3A_391, %mul3A_393 : i32
          %add3A_395 = arith.constant 0 : i32
          %add3A_396 = arith.addi %mul3A_394, %add3A_395 : i32
          %mul3A_397 = arith.constant 16 : i32
          %mul3A_398 = arith.muli %add3A_396, %mul3A_397 : i32
          %add3A_399 = arith.addi %mul3A_2, %mul3A_398 : i32
          %mul3A_400 = arith.constant 16 : i32
          %mul3A_401 = arith.muli %add3A_396, %mul3A_400 : i32
          %get3A_402 = arith.index_cast %mul3A_401 : i32 to index
          %get3A_403 = tpu.vector_load %arg7[%get3A_402] {strides = array<i32>} : memref<2080xf32, #tpu.memory_space<vmem>>, vector<16xf32>,
          %get3A_404 = arith.index_cast %mul3A_401 : i32 to index
          %get3A_405 = tpu.vector_load %arg8[%get3A_404] {strides = array<i32>} : memref<2080xi32, #tpu.memory_space<vmem>>, vector<16xi32>,
          %ge3A = vector.broadcast %mul3A_132 : f32 to vector<16xf32>
          %ge3A_406 = arith.cmpf oge, %get3A_403, %ge3A : vector<16xf32>
          %eq3A_407 = arith.constant 0 : i32
          %eq3A_408 = vector.broadcast %eq3A_407 : i32 to vector<16xi32>
          %eq3A_409 = arith.cmpi eq, %get3A_405, %eq3A_408 : vector<16xi32>
          %and3A_410 = arith.andi %ge3A_406, %eq3A_409 : vector<16xi1>
          %jit3A_411 = arith.constant 1 : i32
          %jit3A_412 = arith.constant 0 : i32
          %broadcast_in_dim3A_413 = vector.broadcast %jit3A_411 : i32 to vector<16xi32>
          %broadcast_in_dim3A_414 = vector.broadcast %jit3A_412 : i32 to vector<16xi32>
          %select_n3A_415 = arith.select %and3A_410, %broadcast_in_dim3A_413, %broadcast_in_dim3A_414 : vector<16xi1>, vector<16xi32>
          %or3A = arith.ori %get3A_405, %select_n3A_415 : vector<16xi32>
          %swap3A_416 = arith.index_cast %mul3A_401 : i32 to index
          %swap3A_417 = tpu.vector_load %arg8[%swap3A_416] {strides = array<i32>} : memref<2080xi32, #tpu.memory_space<vmem>>, vector<16xi32>,
          tpu.vector_store %arg8[%swap3A_416], %or3A {strides = array<i32>} : memref<2080xi32, #tpu.memory_space<vmem>>, vector<16xi32>,
          %lt3A = arith.constant 32768 : i32
          %lt3A_418 = arith.cmpi slt, %add3A_399, %lt3A : i32
          %and3A_419 = vector.broadcast %lt3A_418 : i1 to vector<16xi1>
          %and3A_420 = arith.andi %and3A_410, %and3A_419 : vector<16xi1>
          %jit3A_421 = arith.constant 0.000000e+00 : f32
          %broadcast_in_dim3A_422 = vector.broadcast %jit3A_421 : f32 to vector<16xf32>
          %select_n3A_423 = arith.select %and3A_420, %broadcast_in_dim3A_422, %get3A_403 : vector<16xi1>, vector<16xf32>
          %swap3A_424 = arith.index_cast %mul3A_401 : i32 to index
          %swap3A_425 = tpu.vector_load %arg7[%swap3A_424] {strides = array<i32>} : memref<2080xf32, #tpu.memory_space<vmem>>, vector<16xf32>,
          tpu.vector_store %arg7[%swap3A_424], %select_n3A_423 {strides = array<i32>} : memref<2080xf32, #tpu.memory_space<vmem>>, vector<16xf32>,
          %ge3A_426 = arith.constant 32768 : i32
          %ge3A_427 = arith.cmpi sge, %add3A_399, %ge3A_426 : i32
          %convert_element_type3A_428 = arith.extui %ge3A_427 : i1 to i32
          %cond3A_429 = arith.constant 0 : i32
          %cond3A_430 = arith.cmpi ne, %convert_element_type3A_428, %cond3A_429 : i32
          scf.if %cond3A_430 {
            %sub3A_502 = arith.constant 32768 : i32
            %sub3A_503 = arith.subi %add3A_399, %sub3A_502 : i32
            %get3A_504 = arith.index_cast %sub3A_503 : i32 to index
            %get3A_505 = tpu.vector_load %arg21[%get3A_504] {strides = array<i32>} : memref<512xi32, #tpu.memory_space<vmem>>, vector<16xi32>,
            %broadcast_in_dim3A_506 = vector.broadcast %while3A_123 : i32 to vector<16xi32>
            %select_n3A_507 = arith.select %and3A_410, %broadcast_in_dim3A_506, %get3A_505 : vector<16xi1>, vector<16xi32>
            %swap3A_508 = arith.index_cast %sub3A_503 : i32 to index
            %swap3A_509 = tpu.vector_load %arg21[%swap3A_508] {strides = array<i32>} : memref<512xi32, #tpu.memory_space<vmem>>, vector<16xi32>,
            tpu.vector_store %arg21[%swap3A_508], %select_n3A_507 {strides = array<i32>} : memref<512xi32, #tpu.memory_space<vmem>>, vector<16xi32>,
          } else {
          }
          %iota3A = tpu.iota {dimensions = array<i32: 0>} : vector<16xi32>
          %add3A_431 = arith.constant 2048 : i32
          %add3A_432 = arith.addi %add3A_399, %add3A_431 : i32
          %add3A_433 = vector.broadcast %add3A_432 : i32 to vector<16xi32>
          %add3A_434 = arith.addi %iota3A, %add3A_433 : vector<16xi32>
          %broadcast_in_dim3A_435 = arith.constant true
          %broadcast_in_dim3A_436 = vector.broadcast %broadcast_in_dim3A_435 : i1 to vector<16xi1>
          %masked_cumsum3A = tpu.scan <sum>, %select_n3A_415 masked %broadcast_in_dim3A_436 : vector<16xi32>, vector<16xi1> -> vector<16xi32>
          %add3A_437 = vector.broadcast %scan3A_392 : i32 to vector<16xi32>
          %add3A_438 = arith.addi %add3A_437, %masked_cumsum3A : vector<16xi32>
          %sub3A_439 = arith.constant 1 : i32
          %sub3A_440 = vector.broadcast %sub3A_439 : i32 to vector<16xi32>
          %sub3A_441 = arith.subi %add3A_438, %sub3A_440 : vector<16xi32>
          tpu.vector_store_idx %arg9[%sub3A_441], %add3A_434 masked %and3A_410 : memref<2080xi32, #tpu.memory_space<vmem>>[vector<16xi32>], vector<16xi32>, vector<16xi1>
          %slice3A_442 = vector.extract_strided_slice %masked_cumsum3A {offsets = [15], sizes = [1], strides = [1]} : vector<16xi32> to vector<1xi32>
          %squeeze3A_443 = vector.extract %slice3A_442[0] : i32 from vector<1xi32>
          %add3A_444 = arith.addi %scan3A_392, %squeeze3A_443 : i32
          %mul3A_445 = arith.constant 2 : i32
          %mul3A_446 = arith.muli %scan3A_391, %mul3A_445 : i32
          %add3A_447 = arith.constant 1 : i32
          %add3A_448 = arith.addi %mul3A_446, %add3A_447 : i32
          %mul3A_449 = arith.constant 16 : i32
          %mul3A_450 = arith.muli %add3A_448, %mul3A_449 : i32
          %add3A_451 = arith.addi %mul3A_2, %mul3A_450 : i32
          %mul3A_452 = arith.constant 16 : i32
          %mul3A_453 = arith.muli %add3A_448, %mul3A_452 : i32
          %get3A_454 = arith.index_cast %mul3A_453 : i32 to index
          %get3A_455 = tpu.vector_load %arg7[%get3A_454] {strides = array<i32>} : memref<2080xf32, #tpu.memory_space<vmem>>, vector<16xf32>,
          %get3A_456 = arith.index_cast %mul3A_453 : i32 to index
          %get3A_457 = tpu.vector_load %arg8[%get3A_456] {strides = array<i32>} : memref<2080xi32, #tpu.memory_space<vmem>>, vector<16xi32>,
          %ge3A_458 = vector.broadcast %mul3A_132 : f32 to vector<16xf32>
          %ge3A_459 = arith.cmpf oge, %get3A_455, %ge3A_458 : vector<16xf32>
          %eq3A_460 = arith.constant 0 : i32
          %eq3A_461 = vector.broadcast %eq3A_460 : i32 to vector<16xi32>
          %eq3A_462 = arith.cmpi eq, %get3A_457, %eq3A_461 : vector<16xi32>
          %and3A_463 = arith.andi %ge3A_459, %eq3A_462 : vector<16xi1>
          %jit3A_464 = arith.constant 1 : i32
          %jit3A_465 = arith.constant 0 : i32
          %broadcast_in_dim3A_466 = vector.broadcast %jit3A_464 : i32 to vector<16xi32>
          %broadcast_in_dim3A_467 = vector.broadcast %jit3A_465 : i32 to vector<16xi32>
          %select_n3A_468 = arith.select %and3A_463, %broadcast_in_dim3A_466, %broadcast_in_dim3A_467 : vector<16xi1>, vector<16xi32>
          %or3A_469 = arith.ori %get3A_457, %select_n3A_468 : vector<16xi32>
          %swap3A_470 = arith.index_cast %mul3A_453 : i32 to index
          %swap3A_471 = tpu.vector_load %arg8[%swap3A_470] {strides = array<i32>} : memref<2080xi32, #tpu.memory_space<vmem>>, vector<16xi32>,
          tpu.vector_store %arg8[%swap3A_470], %or3A_469 {strides = array<i32>} : memref<2080xi32, #tpu.memory_space<vmem>>, vector<16xi32>,
          %lt3A_472 = arith.constant 32768 : i32
          %lt3A_473 = arith.cmpi slt, %add3A_451, %lt3A_472 : i32
          %and3A_474 = vector.broadcast %lt3A_473 : i1 to vector<16xi1>
          %and3A_475 = arith.andi %and3A_463, %and3A_474 : vector<16xi1>
          %jit3A_476 = arith.constant 0.000000e+00 : f32
          %broadcast_in_dim3A_477 = vector.broadcast %jit3A_476 : f32 to vector<16xf32>
          %select_n3A_478 = arith.select %and3A_475, %broadcast_in_dim3A_477, %get3A_455 : vector<16xi1>, vector<16xf32>
          %swap3A_479 = arith.index_cast %mul3A_453 : i32 to index
          %swap3A_480 = tpu.vector_load %arg7[%swap3A_479] {strides = array<i32>} : memref<2080xf32, #tpu.memory_space<vmem>>, vector<16xf32>,
          tpu.vector_store %arg7[%swap3A_479], %select_n3A_478 {strides = array<i32>} : memref<2080xf32, #tpu.memory_space<vmem>>, vector<16xf32>,
          %ge3A_481 = arith.constant 32768 : i32
          %ge3A_482 = arith.cmpi sge, %add3A_451, %ge3A_481 : i32
          %convert_element_type3A_483 = arith.extui %ge3A_482 : i1 to i32
          %cond3A_484 = arith.constant 0 : i32
          %cond3A_485 = arith.cmpi ne, %convert_element_type3A_483, %cond3A_484 : i32
          scf.if %cond3A_485 {
            %sub3A_502 = arith.constant 32768 : i32
            %sub3A_503 = arith.subi %add3A_451, %sub3A_502 : i32
            %get3A_504 = arith.index_cast %sub3A_503 : i32 to index
            %get3A_505 = tpu.vector_load %arg21[%get3A_504] {strides = array<i32>} : memref<512xi32, #tpu.memory_space<vmem>>, vector<16xi32>,
            %broadcast_in_dim3A_506 = vector.broadcast %while3A_123 : i32 to vector<16xi32>
            %select_n3A_507 = arith.select %and3A_463, %broadcast_in_dim3A_506, %get3A_505 : vector<16xi1>, vector<16xi32>
            %swap3A_508 = arith.index_cast %sub3A_503 : i32 to index
            %swap3A_509 = tpu.vector_load %arg21[%swap3A_508] {strides = array<i32>} : memref<512xi32, #tpu.memory_space<vmem>>, vector<16xi32>,
            tpu.vector_store %arg21[%swap3A_508], %select_n3A_507 {strides = array<i32>} : memref<512xi32, #tpu.memory_space<vmem>>, vector<16xi32>,
          } else {
          }
          %iota3A_486 = tpu.iota {dimensions = array<i32: 0>} : vector<16xi32>
          %add3A_487 = arith.constant 2048 : i32
          %add3A_488 = arith.addi %add3A_451, %add3A_487 : i32
          %add3A_489 = vector.broadcast %add3A_488 : i32 to vector<16xi32>
          %add3A_490 = arith.addi %iota3A_486, %add3A_489 : vector<16xi32>
          %broadcast_in_dim3A_491 = arith.constant true
          %broadcast_in_dim3A_492 = vector.broadcast %broadcast_in_dim3A_491 : i1 to vector<16xi1>
          %masked_cumsum3A_493 = tpu.scan <sum>, %select_n3A_468 masked %broadcast_in_dim3A_492 : vector<16xi32>, vector<16xi1> -> vector<16xi32>
          %add3A_494 = vector.broadcast %add3A_444 : i32 to vector<16xi32>
          %add3A_495 = arith.addi %add3A_494, %masked_cumsum3A_493 : vector<16xi32>
          %sub3A_496 = arith.constant 1 : i32
          %sub3A_497 = vector.broadcast %sub3A_496 : i32 to vector<16xi32>
          %sub3A_498 = arith.subi %add3A_495, %sub3A_497 : vector<16xi32>
          tpu.vector_store_idx %arg9[%sub3A_498], %add3A_490 masked %and3A_463 : memref<2080xi32, #tpu.memory_space<vmem>>[vector<16xi32>], vector<16xi32>, vector<16xi1>
          %slice3A_499 = vector.extract_strided_slice %masked_cumsum3A_493 {offsets = [15], sizes = [1], strides = [1]} : vector<16xi32> to vector<1xi32>
          %squeeze3A_500 = vector.extract %slice3A_499[0] : i32 from vector<1xi32>
          %add3A_501 = arith.addi %add3A_444, %squeeze3A_500 : i32
          scf.yield %add3A_501 : i32
        }
        %scan3A_282 = arith.constant 65 : i32
        %dma_start3A_283 = tpu.memref_slice %arg24[%mul3A_2] : memref<33280xf32, #tpu.memory_space<vmem_shared>> -> memref<2080xf32, #tpu.memory_space<vmem_shared>>
        %dma_start3A_284 = tpu.memref_slice %arg24[%mul3A_2] : memref<33280xf32, #tpu.memory_space<vmem_shared>> -> memref<2080xf32, #tpu.memory_space<vmem_shared>>
        tpu.enqueue_dma source(%arg7 : memref<2080xf32, #tpu.memory_space<vmem>>) target(%dma_start3A_284 : memref<2080xf32, #tpu.memory_space<vmem_shared>>) target_semaphore(%arg32 : memref<!tpu.dma_semaphore, #tpu.memory_space<semaphore_mem>>)
        %broadcast_in_dim3A_285 = vector.broadcast %scan3A_281 : i32 to vector<16xi32>
        %swap3A_286 = arith.constant 0 : index
        %swap3A_287 = tpu.vector_load %arg22[%swap3A_286] {strides = array<i32>} : memref<16xi32, #tpu.memory_space<vmem>>, vector<16xi32>,
        tpu.vector_store %arg22[%swap3A_286], %broadcast_in_dim3A_285 {strides = array<i32>} : memref<16xi32, #tpu.memory_space<vmem>>, vector<16xi32>,
        %dma_start3A_288 = arith.constant 0 : i32
        %dma_start3A_289 = tpu.memref_slice %arg25[%arg1, %dma_start3A_288] : memref<16x16xi32, #tpu.memory_space<vmem_shared>> -> memref<1x16xi32, #tpu.memory_space<vmem_shared>>
        %dma_start3A_290 = tpu.memref_squeeze %dma_start3A_289 : memref<1x16xi32, #tpu.memory_space<vmem_shared>> -> memref<16xi32, #tpu.memory_space<vmem_shared>>
        %dma_start3A_291 = arith.constant 0 : i32
        %dma_start3A_292 = tpu.memref_slice %arg25[%arg1, %dma_start3A_291] : memref<16x16xi32, #tpu.memory_space<vmem_shared>> -> memref<1x16xi32, #tpu.memory_space<vmem_shared>>
        %dma_start3A_293 = tpu.memref_squeeze %dma_start3A_292 : memref<1x16xi32, #tpu.memory_space<vmem_shared>> -> memref<16xi32, #tpu.memory_space<vmem_shared>>
        tpu.enqueue_dma source(%arg22 : memref<16xi32, #tpu.memory_space<vmem>>) target(%dma_start3A_293 : memref<16xi32, #tpu.memory_space<vmem_shared>>) target_semaphore(%arg33 : memref<!tpu.dma_semaphore, #tpu.memory_space<semaphore_mem>>)
        %dma_wait3A_294 = tpu.memref_slice %arg24[%mul3A_2] : memref<33280xf32, #tpu.memory_space<vmem_shared>> -> memref<2080xf32, #tpu.memory_space<vmem_shared>>
        %dma_wait3A_295 = tpu.memref_slice %arg24[%mul3A_2] : memref<33280xf32, #tpu.memory_space<vmem_shared>> -> memref<2080xf32, #tpu.memory_space<vmem_shared>>
        tpu.wait_dma2 semaphore(%arg32 : memref<!tpu.dma_semaphore, #tpu.memory_space<semaphore_mem>>) src(%arg7 : memref<2080xf32, #tpu.memory_space<vmem>>) dst(%dma_wait3A_295 : memref<2080xf32, #tpu.memory_space<vmem_shared>>)
        %dma_wait3A_296 = arith.constant 0 : i32
        %dma_wait3A_297 = tpu.memref_slice %arg25[%arg1, %dma_wait3A_296] : memref<16x16xi32, #tpu.memory_space<vmem_shared>> -> memref<1x16xi32, #tpu.memory_space<vmem_shared>>
        %dma_wait3A_298 = tpu.memref_squeeze %dma_wait3A_297 : memref<1x16xi32, #tpu.memory_space<vmem_shared>> -> memref<16xi32, #tpu.memory_space<vmem_shared>>
        %dma_wait3A_299 = arith.constant 0 : i32
        %dma_wait3A_300 = tpu.memref_slice %arg25[%arg1, %dma_wait3A_299] : memref<16x16xi32, #tpu.memory_space<vmem_shared>> -> memref<1x16xi32, #tpu.memory_space<vmem_shared>>
        %dma_wait3A_301 = tpu.memref_squeeze %dma_wait3A_300 : memref<1x16xi32, #tpu.memory_space<vmem_shared>> -> memref<16xi32, #tpu.memory_space<vmem_shared>>
        tpu.wait_dma2 semaphore(%arg33 : memref<!tpu.dma_semaphore, #tpu.memory_space<semaphore_mem>>) src(%arg22 : memref<16xi32, #tpu.memory_space<vmem>>) dst(%dma_wait3A_301 : memref<16xi32, #tpu.memory_space<vmem_shared>>)
        %barrier3A_302 = arith.constant 0 : index
        tpu.barrier barrier_id(%barrier3A_302)
        "tpu.region"() ({
          %run_scoped3A = tpu.sem_alloc : memref<!tpu.dma_semaphore, #tpu.memory_space<semaphore_mem>>
          tpu.enqueue_dma source(%arg25 : memref<16x16xi32, #tpu.memory_space<vmem_shared>>) target(%arg23 : memref<16x16xi32, #tpu.memory_space<vmem>>) target_semaphore(%run_scoped3A : memref<!tpu.dma_semaphore, #tpu.memory_space<semaphore_mem>>)
          tpu.wait_dma2 semaphore(%run_scoped3A : memref<!tpu.dma_semaphore, #tpu.memory_space<semaphore_mem>>) src(%arg25 : memref<16x16xi32, #tpu.memory_space<vmem_shared>>) dst(%arg23 : memref<16x16xi32, #tpu.memory_space<vmem>>)
          tpu.yield
        }) : () -> ()
        %broadcast_in_dim3A_303 = arith.constant 0 : i32
        %broadcast_in_dim3A_304 = vector.broadcast %broadcast_in_dim3A_303 : i32 to vector<16xi32>
        %get3A_305 = arith.constant 0 : i32
        %get3A_306 = arith.index_cast %get3A_305 : i32 to index
        %get3A_307 = arith.constant 0 : index
        %get3A_308 = tpu.vector_load %arg23[%get3A_306, %get3A_307] {strides = array<i32>} : memref<16x16xi32, #tpu.memory_space<vmem>>, vector<16xi32>,
        %add3A_309 = arith.addi %broadcast_in_dim3A_304, %get3A_308 : vector<16xi32>
        %get3A_310 = arith.constant 1 : i32
        %get3A_311 = arith.index_cast %get3A_310 : i32 to index
        %get3A_312 = arith.constant 0 : index
        %get3A_313 = tpu.vector_load %arg23[%get3A_311, %get3A_312] {strides = array<i32>} : memref<16x16xi32, #tpu.memory_space<vmem>>, vector<16xi32>,
        %add3A_314 = arith.addi %add3A_309, %get3A_313 : vector<16xi32>
        %get3A_315 = arith.constant 2 : i32
        %get3A_316 = arith.index_cast %get3A_315 : i32 to index
        %get3A_317 = arith.constant 0 : index
        %get3A_318 = tpu.vector_load %arg23[%get3A_316, %get3A_317] {strides = array<i32>} : memref<16x16xi32, #tpu.memory_space<vmem>>, vector<16xi32>,
        %add3A_319 = arith.addi %add3A_314, %get3A_318 : vector<16xi32>
        %get3A_320 = arith.constant 3 : i32
        %get3A_321 = arith.index_cast %get3A_320 : i32 to index
        %get3A_322 = arith.constant 0 : index
        %get3A_323 = tpu.vector_load %arg23[%get3A_321, %get3A_322] {strides = array<i32>} : memref<16x16xi32, #tpu.memory_space<vmem>>, vector<16xi32>,
        %add3A_324 = arith.addi %add3A_319, %get3A_323 : vector<16xi32>
        %get3A_325 = arith.constant 4 : i32
        %get3A_326 = arith.index_cast %get3A_325 : i32 to index
        %get3A_327 = arith.constant 0 : index
        %get3A_328 = tpu.vector_load %arg23[%get3A_326, %get3A_327] {strides = array<i32>} : memref<16x16xi32, #tpu.memory_space<vmem>>, vector<16xi32>,
        %add3A_329 = arith.addi %add3A_324, %get3A_328 : vector<16xi32>
        %get3A_330 = arith.constant 5 : i32
        %get3A_331 = arith.index_cast %get3A_330 : i32 to index
        %get3A_332 = arith.constant 0 : index
        %get3A_333 = tpu.vector_load %arg23[%get3A_331, %get3A_332] {strides = array<i32>} : memref<16x16xi32, #tpu.memory_space<vmem>>, vector<16xi32>,
        %add3A_334 = arith.addi %add3A_329, %get3A_333 : vector<16xi32>
        %get3A_335 = arith.constant 6 : i32
        %get3A_336 = arith.index_cast %get3A_335 : i32 to index
        %get3A_337 = arith.constant 0 : index
        %get3A_338 = tpu.vector_load %arg23[%get3A_336, %get3A_337] {strides = array<i32>} : memref<16x16xi32, #tpu.memory_space<vmem>>, vector<16xi32>,
        %add3A_339 = arith.addi %add3A_334, %get3A_338 : vector<16xi32>
        %get3A_340 = arith.constant 7 : i32
        %get3A_341 = arith.index_cast %get3A_340 : i32 to index
        %get3A_342 = arith.constant 0 : index
        %get3A_343 = tpu.vector_load %arg23[%get3A_341, %get3A_342] {strides = array<i32>} : memref<16x16xi32, #tpu.memory_space<vmem>>, vector<16xi32>,
        %add3A_344 = arith.addi %add3A_339, %get3A_343 : vector<16xi32>
        %get3A_345 = arith.constant 8 : i32
        %get3A_346 = arith.index_cast %get3A_345 : i32 to index
        %get3A_347 = arith.constant 0 : index
        %get3A_348 = tpu.vector_load %arg23[%get3A_346, %get3A_347] {strides = array<i32>} : memref<16x16xi32, #tpu.memory_space<vmem>>, vector<16xi32>,
        %add3A_349 = arith.addi %add3A_344, %get3A_348 : vector<16xi32>
        %get3A_350 = arith.constant 9 : i32
        %get3A_351 = arith.index_cast %get3A_350 : i32 to index
        %get3A_352 = arith.constant 0 : index
        %get3A_353 = tpu.vector_load %arg23[%get3A_351, %get3A_352] {strides = array<i32>} : memref<16x16xi32, #tpu.memory_space<vmem>>, vector<16xi32>,
        %add3A_354 = arith.addi %add3A_349, %get3A_353 : vector<16xi32>
        %get3A_355 = arith.constant 10 : i32
        %get3A_356 = arith.index_cast %get3A_355 : i32 to index
        %get3A_357 = arith.constant 0 : index
        %get3A_358 = tpu.vector_load %arg23[%get3A_356, %get3A_357] {strides = array<i32>} : memref<16x16xi32, #tpu.memory_space<vmem>>, vector<16xi32>,
        %add3A_359 = arith.addi %add3A_354, %get3A_358 : vector<16xi32>
        %get3A_360 = arith.constant 11 : i32
        %get3A_361 = arith.index_cast %get3A_360 : i32 to index
        %get3A_362 = arith.constant 0 : index
        %get3A_363 = tpu.vector_load %arg23[%get3A_361, %get3A_362] {strides = array<i32>} : memref<16x16xi32, #tpu.memory_space<vmem>>, vector<16xi32>,
        %add3A_364 = arith.addi %add3A_359, %get3A_363 : vector<16xi32>
        %get3A_365 = arith.constant 12 : i32
        %get3A_366 = arith.index_cast %get3A_365 : i32 to index
        %get3A_367 = arith.constant 0 : index
        %get3A_368 = tpu.vector_load %arg23[%get3A_366, %get3A_367] {strides = array<i32>} : memref<16x16xi32, #tpu.memory_space<vmem>>, vector<16xi32>,
        %add3A_369 = arith.addi %add3A_364, %get3A_368 : vector<16xi32>
        %get3A_370 = arith.constant 13 : i32
        %get3A_371 = arith.index_cast %get3A_370 : i32 to index
        %get3A_372 = arith.constant 0 : index
        %get3A_373 = tpu.vector_load %arg23[%get3A_371, %get3A_372] {strides = array<i32>} : memref<16x16xi32, #tpu.memory_space<vmem>>, vector<16xi32>,
        %add3A_374 = arith.addi %add3A_369, %get3A_373 : vector<16xi32>
        %get3A_375 = arith.constant 14 : i32
        %get3A_376 = arith.index_cast %get3A_375 : i32 to index
        %get3A_377 = arith.constant 0 : index
        %get3A_378 = tpu.vector_load %arg23[%get3A_376, %get3A_377] {strides = array<i32>} : memref<16x16xi32, #tpu.memory_space<vmem>>, vector<16xi32>,
        %add3A_379 = arith.addi %add3A_374, %get3A_378 : vector<16xi32>
        %get3A_380 = arith.constant 15 : i32
        %get3A_381 = arith.index_cast %get3A_380 : i32 to index
        %get3A_382 = arith.constant 0 : index
        %get3A_383 = tpu.vector_load %arg23[%get3A_381, %get3A_382] {strides = array<i32>} : memref<16x16xi32, #tpu.memory_space<vmem>>, vector<16xi32>,
        %add3A_384 = arith.addi %add3A_379, %get3A_383 : vector<16xi32>
        %slice3A_385 = vector.extract_strided_slice %add3A_384 {offsets = [0], sizes = [1], strides = [1]} : vector<16xi32> to vector<1xi32>
        %squeeze3A_386 = vector.extract %slice3A_385[0] : i32 from vector<1xi32>
        %add3A_387 = arith.constant 1 : i32
        %add3A_388 = arith.addi %while3A_123, %add3A_387 : i32
        %mul3A_389 = arith.constant 1.05127108 : f32
        %mul3A_390 = arith.mulf %while3A_126, %mul3A_389 : f32
        scf.yield %add3A_388, %scan3A_281, %squeeze3A_386, %mul3A_390 : i32, i32, i32, f32
      }
      %eq3A_118 = arith.constant 15 : i32
      %eq3A_119 = arith.cmpi eq, %arg1, %eq3A_118 : i32
      %convert_element_type3A_120 = arith.extui %eq3A_119 : i1 to i32
      %cond3A_121 = arith.constant 0 : i32
      %cond3A_122 = arith.cmpi ne, %convert_element_type3A_120, %cond3A_121 : i32
      scf.if %cond3A_122 {
        "tpu.region"() ({
          %run_scoped3A = tpu.sem_alloc : memref<!tpu.dma_semaphore, #tpu.memory_space<semaphore_mem>>
          tpu.enqueue_dma source(%arg21 : memref<512xi32, #tpu.memory_space<vmem>>) target(%arg5 : memref<512xi32, #tpu.memory_space<hbm>>) target_semaphore(%run_scoped3A : memref<!tpu.dma_semaphore, #tpu.memory_space<semaphore_mem>>)
          tpu.wait_dma2 semaphore(%run_scoped3A : memref<!tpu.dma_semaphore, #tpu.memory_space<semaphore_mem>>) src(%arg21 : memref<512xi32, #tpu.memory_space<vmem>>) dst(%arg5 : memref<512xi32, #tpu.memory_space<hbm>>)
          tpu.yield
        }) : () -> ()
        "tpu.region"() ({
          %run_scoped3A = tpu.sem_alloc : memref<!tpu.dma_semaphore, #tpu.memory_space<semaphore_mem>>
          %dma_start3A_123 = arith.constant 1568 : i32
          %dma_start3A_124 = tpu.memref_slice %arg7[%dma_start3A_123] : memref<2080xf32, #tpu.memory_space<vmem>> -> memref<512xf32, #tpu.memory_space<vmem>>
          %dma_start3A_125 = arith.constant 1568 : i32
          %dma_start3A_126 = tpu.memref_slice %arg7[%dma_start3A_125] : memref<2080xf32, #tpu.memory_space<vmem>> -> memref<512xf32, #tpu.memory_space<vmem>>
          tpu.enqueue_dma source(%dma_start3A_126 : memref<512xf32, #tpu.memory_space<vmem>>) target(%arg6 : memref<512xf32, #tpu.memory_space<hbm>>) target_semaphore(%run_scoped3A : memref<!tpu.dma_semaphore, #tpu.memory_space<semaphore_mem>>)
          %dma_wait3A_127 = arith.constant 1568 : i32
          %dma_wait3A_128 = tpu.memref_slice %arg7[%dma_wait3A_127] : memref<2080xf32, #tpu.memory_space<vmem>> -> memref<512xf32, #tpu.memory_space<vmem>>
          %dma_wait3A_129 = arith.constant 1568 : i32
          %dma_wait3A_130 = tpu.memref_slice %arg7[%dma_wait3A_129] : memref<2080xf32, #tpu.memory_space<vmem>> -> memref<512xf32, #tpu.memory_space<vmem>>
          tpu.wait_dma2 semaphore(%run_scoped3A : memref<!tpu.dma_semaphore, #tpu.memory_space<semaphore_mem>>) src(%dma_wait3A_130 : memref<512xf32, #tpu.memory_space<vmem>>) dst(%arg6 : memref<512xf32, #tpu.memory_space<hbm>>)
          tpu.yield
        }) : () -> ()
      } else {
      }
    } else {
    }
    return
  }
}

</mosaic_0001>

<sc_bundles>
// kernel: kernel.3.cloned.1.call-start
scs
__scs_entry_jumppad:
0x0: {  	(pc) =	sbr.rel $0x88, $3  }
0x1: {  	(tag) =	ssettag $0x0;
	lr =	simm.s32 $0x1  }
0x2: {  	[smem:$0x3F9D] =	sst lr;
	_ =	strace $0xD0000000  }
0x3: {  	_ = 	snop  }
0x4: {  	_ = 	snop  }
0x5: {  	_ = 	snop  }
0x6: {  	_ = 	snop  }
0x7: {  	_ = 	snop  }
__scs_overlays_trampoline_lowered:
0x8: {  	[smem:$0x3FAC] =	sst s0  }
0x9: {  	[smem:$0x3FAD] =	sst s1  }
0xa: {  	[smem:$0x3FAE] =	sst s2  }
0xb: {  	[smem:$0x3FAF] =	sst s3  }
0xc: {  	[smem:$0x3FB0] =	sst s4  }
0xd: {  	[smem:$0x3FB1] =	sst s5  }
0xe: {  	[smem:$0x3FB2] =	sst s6  }
0xf: {  	[smem:$0x3FB3] =	sst s7  }
0x10: {  	[smem:$0x3FB4] =	sst s8  }
0x11: {  	[smem:$0x3FB5] =	sst s9;
	s0 =	simm.s32 @!p0 $0x0  }
0x12: {  	s1 =	sld [smem:$0x3F9B];
	s0 =	simm.s32 @p0 $0x1  }
0x13: {  	[smem:$0x3FB6] =	sst s0;
	s0 =	simm.s32 @!p1 $0x0  }
0x14: {  	s2 =	sld [smem:$0x3F9A];
	s0 =	simm.s32 @p1 $0x1  }
0x15: {  	[smem:$0x3FB7] =	sst s0;
	s0 =	simm.s32 @!p2 $0x0  }
0x16: {  	s3 =	sld [smem:$0x3FDB];
	s0 =	simm.s32 @p2 $0x1  }
0x17: {  	s4 =	simm.s32 $0x1BF5;
	[smem:$0x3FB9] =	sst s0  }
0x18: {  	s0 =	sld [smem:$0x3F9C];
	_ =	swait.ge [sflag:s4], $0x0  }
0x19: {  	s7 =	sld [smem:$0x3F9D]  }
0x1a: {  	s8 =	sadd.s32 $0xFFFFE003, lr  }
0x1b: {  	s9 =	sadd.s32 $0xFFFFFEF7, lr;
	s5 =	simm.s32 $0xFFFFFFFF;
	p2 =	slt.u32 s8, $0xFFFFF086  }
0x1c: {  	p1 =	slt.u32 s9, $0xF7A;
	s5 =	simm.s32 @!p2 $0x0  }
0x1d: {  	s5 =	simm.s32 @p1 $0x1;
	p0 =	seq.s32 s7, s2  }
0x1e: {  	s7 =	smul.u32 @!p0 $0xF7A, s2;
	p2 =	seq.s32 @!p0 s5, $0x0  }
0x1f: {  	s9 =	smul.u32 $0xF7A, s1;
	s8 =	simm.s32 @!p0 $0x1BF5;
	p2 =	por !p2, p0  }
0x20: {  	[sflag:s8] =	ssyncset.s32 @!p0 $0xFFFFF086;
	s6 =	sadd.s32 @!p0 s3, s7;
	s7 =	simm.s32 @!p0 $0x108  }
0x21: {  	s3 =	sadd.s32 s3, s9;
	s6 =	sadd.s32 @!p0 $0x88, s6;
	s7 =	simm.s32 @p2 $0x1082  }
0x22: {  	[simem:s7], [sflag:s8] =	dma.local @!p0 [hbm:s6], $0xF7A  }
0x23: {  	s9 =	sor.u32 $0xD0000000, s2;
	s6 =	simm.s32 $0x108;
	_ =	swait.ge @!p0 [sflag:s8], $0x0  }
0x24: {  	s3 =	sadd.s32 $0x88, s3;
	s6 =	simm.s32 @!p1 $0x1082;
	[sflag:s4] =	ssyncset.s32 $0xFFFFF086  }
0x25: {  	[simem:s6], [sflag:s4] =	dma.local [hbm:s3], $0xF7A  }
0x26: {  	[smem:$0x3F9D] =	sst s1;
	(tag) =	ssettag s2;
	_ =	strace s9  }
0x27: {  	s1 =	sld [smem:$0x3FAD]  }
0x28: {  	s2 =	sld [smem:$0x3FAE]  }
0x29: {  	s4 =	sld [smem:$0x3FB0]  }
0x2a: {  	p0 =	seq.s32 s5, $0x0;
	s5 =	sld [smem:$0x3FB1]  }
0x2b: {  	s6 =	sld [smem:$0x3FB2]  }
0x2c: {  	s7 =	sld [smem:$0x3FB3]  }
0x2d: {  	s3 =	simm.s32 $0x108;
	s8 =	sld [smem:$0x3FB4]  }
0x2e: {  	s3 =	simm.s32 @!p0 $0x1082;
	s9 =	sld [smem:$0x3FB5]  }
0x2f: {  	lr =	sadd.s32 s0, s3;
	s0 =	sld [smem:$0x3FAC]  }
0x30: {  	s3 =	sld [smem:$0x3FAF]  }
0x31: {  	[smem:$0x3FB8] =	sst s10  }
0x32: {  	s10 =	sld [smem:$0x3FB6];
	_ =	sdelay $0x3  }
0x33: {  	p0 =	seq.s32 s10, $0x1;
	s10 =	sld [smem:$0x3FB8];
	_ =	sdelay $0x3  }
0x34: {  	[smem:$0x3FB8] =	sst s10  }
0x35: {  	s10 =	sld [smem:$0x3FB7];
	_ =	sdelay $0x3  }
0x36: {  	p1 =	seq.s32 s10, $0x1;
	s10 =	sld [smem:$0x3FB8];
	_ =	sdelay $0x3  }
0x37: {  	[smem:$0x3FB8] =	sst s10  }
0x38: {  	s10 =	sld [smem:$0x3FB9]  }
0x39: {  	_ = 	snop;
	(pc) =	sbr.ind lr, $3  }
0x3a: {  	_ = 	snop  }
0x3b: {  	_ = 	snop  }
0x3c: {  	p2 =	seq.s32 s10, $0x1;
	s10 =	sld [smem:$0x3FB8]  }
0x3d: {  	_ =	shalt  }
0x3e: {  	_ =	shalt  }
0x3f: {  	_ =	shalt  }
0x40: {  	_ =	shalt  }
0x41: {  	_ =	shalt  }
0x42: {  	_ =	shalt  }
0x43: {  	_ =	shalt  }
0x44: {  	_ =	shalt  }
0x45: {  	_ =	shalt  }
0x46: {  	_ =	shalt  }
0x47: {  	_ =	shalt  }
0x48: {  	_ =	shalt  }
0x49: {  	_ =	shalt  }
0x4a: {  	_ =	shalt  }
0x4b: {  	_ =	shalt  }
0x4c: {  	_ =	shalt  }
0x4d: {  	_ =	shalt  }
0x4e: {  	_ =	shalt  }
0x4f: {  	_ =	shalt  }
0x50: {  	_ =	shalt  }
0x51: {  	_ =	shalt  }
0x52: {  	_ =	shalt  }
0x53: {  	_ =	shalt  }
0x54: {  	_ =	shalt  }
0x55: {  	_ =	shalt  }
0x56: {  	_ =	shalt  }
0x57: {  	_ =	shalt  }
0x58: {  	_ =	shalt  }
0x59: {  	_ =	shalt  }
0x5a: {  	_ =	shalt  }
0x5b: {  	_ =	shalt  }
0x5c: {  	_ =	shalt  }
0x5d: {  	_ =	shalt  }
0x5e: {  	_ =	shalt  }
0x5f: {  	_ =	shalt  }
0x60: {  	_ =	shalt  }
0x61: {  	_ =	shalt  }
0x62: {  	_ =	shalt  }
0x63: {  	_ =	shalt  }
0x64: {  	_ =	shalt  }
0x65: {  	_ =	shalt  }
0x66: {  	_ =	shalt  }
0x67: {  	_ =	shalt  }
0x68: {  	_ =	shalt  }
0x69: {  	_ =	shalt  }
0x6a: {  	_ =	shalt  }
0x6b: {  	_ =	shalt  }
0x6c: {  	_ =	shalt  }
0x6d: {  	_ =	shalt  }
0x6e: {  	_ =	shalt  }
0x6f: {  	_ =	shalt  }
0x70: {  	_ =	shalt  }
0x71: {  	_ =	shalt  }
0x72: {  	_ =	shalt  }
0x73: {  	_ =	shalt  }
0x74: {  	_ =	shalt  }
0x75: {  	_ =	shalt  }
0x76: {  	_ =	shalt  }
0x77: {  	_ =	shalt  }
0x78: {  	_ =	shalt  }
0x79: {  	_ =	shalt  }
0x7a: {  	_ =	shalt  }
0x7b: {  	_ =	shalt  }
0x7c: {  	_ =	shalt  }
0x7d: {  	_ =	shalt  }
0x7e: {  	_ =	shalt  }
0x7f: {  	_ =	shalt  }
0x80: {  	_ =	shalt  }
0x81: {  	_ =	shalt  }
0x82: {  	_ =	shalt  }
0x83: {  	_ =	shalt  }
0x84: {  	_ =	shalt  }
0x85: {  	_ =	shalt  }
0x86: {  	_ =	shalt  }
0x87: {  	_ =	shalt  }
.Lfunc_end0:
.L_simem_size_0:
called_computation_lowered:
.L_overlay_start_0:
0x88: {  	s2 =	sld [smem:$0x3FD9]  }
0x89: {  	s3 =	sld [smem:$0x3FFE];
	_ =	sdelay $0x1  }
0x8a: {  	s1 =	srdreg.scid  }
0x8b: {  	s0 =	sand.u32 $0x1, s1  }
0x8c: {  	s14 =	sshll.u32 s0, $0xA;
	s2 =	sadd.s32 s3, s2  }
0x8d: {  	s2 =	sadd.s32 s2, s14  }
0x8e: {  	[smem:$0x3FC4] =	sst s2  }
0x8f: {  	_ = 	snop  }
0x90: {  	s2 =	sld [smem:$0x3FD0];
	_ =	sdelay $0x2  }
0x91: {  	s15 =	simm.s32 $0xA;
	s4 =	simm.s32 $0x10  }
0x92: {  	[smem:s4], [sflag:s15] =	dma.local [hbm:s2], $0x1  }
0x93: {  	_ =	swait.eq [sflag:s15], $0x1  }
0x94: {  	[sflag:s15] =	ssyncset.done $0x0  }
0x95: {  	s16 =	sld [smem:$0x10];
	[sflag:s15] =	ssyncadd.s32 $0xFFFFFFFF  }
0x96: {  	s17 =	sld [smem:$0x11];
	(tm) =	ssettm $0x1  }
0x97: {  	s18 =	sld [smem:$0x3FFB];
	_ =	sdelay $0x3  }
0x98: {  	_ =	strace s18  }
0x99: {  	s4 =	sld [smem:$0x3FFC];
	_ =	sdelay $0x3  }
0x9a: {  	_ =	strace s4  }
0x9b: {  	s4 =	sld [smem:$0x3FFD];
	_ =	sdelay $0x3  }
0x9c: {  	_ =	strace s4  }
0x9d: {  	_ =	strace $0x8FFFFFFF  }
0x9e: {  	s19 =	sld [smem:$0x3FDB];
	_ =	sdelay $0x1  }
0x9f: {  	s5 =	simm.s32 $_scs_section_size  }
0xa0: {  	s6 =	simm.s32 $_size__tile_overlayer_lowered;
	s7 =	simm.s32 $_tile_overlayer_lowered  }
0xa1: {  	s22 =	simm.s32 $0x1BFF;
	s21 =	sshll.u32 s7, $0x1;
	s4 =	sadd.s32 s5, s19  }
0xa2: {  	s8 =	simm.s32 $0x0;
	s20 =	sshll.u32 s6, $0x1;
	s6 =	sadd.s32 s21, s4  }
0xa3: {  	[timem:s8], [sflag:s22] =	dma.local [hbm:s6], s20  }
0xa4: {  	_ =	swait.ge [sflag:s22], s20  }
0xa5: {  	s5 =	ssub.s32 $0x0, s20;
	[sflag:s22] =	ssyncset.done $0x0  }
0xa6: {  	[sflag:s22] =	ssyncadd.s32 s5;
	_ =	sdelay $0x1  }
0xa7: {  	s23 =	simm.s32 $0x1B8B  }
0xa8: {  	_ =	swait.ge [sflag:s23], $0x1  }
0xa9: {  	[sflag:s23] =	ssyncset.done $0x0  }
0xaa: {  	s25 =	simm.s32 $0x1B8E;
	s24 =	sld [smem:$0x3FFE];
	[sflag:s23] =	ssyncadd.s32 $0xFFFFFFFF  }
0xab: {  	s26 =	simm.s32 $execute0_lowered;
	[smem:$0x3FD2] =	sst s25  }
0xac: {  	s6 =	sshll.u32 s26, $0x1;
	_ =	strace $0x80000046;
	[dreg:$0x1] =	wrdreg $0xFFFFFFFF  }
0xad: {  	s28 =	simm.s32 $_size_execute0_lowered;
	s4 =	sadd.s32 s4, s6;
	[dreg:$0x0] =	wrdreg $0x0  }
0xae: {  	s6 =	sshll.u32 s28, $0x1;
	[dreg:$0x2] =	wrdreg s4  }
0xaf: {  	[dreg:$0x3] =	wrdreg s6  }
0xb0: {  	[dreg:$0x4] =	wrdreg $0xC0  }
0xb1: {  	_ =	task [dreg:s8], $0x5FFFF  }
0xb2: {  	[dreg:$0x1] =	wrdreg $0xFFFFFFFF  }
0xb3: {  	[dreg:$0x0] =	wrdreg $0x60  }
0xb4: {  	[dreg:$0x2] =	wrdreg s24  }
0xb5: {  	[dreg:$0x3] =	wrdreg s16  }
0xb6: {  	[dreg:$0x4] =	wrdreg s17  }
0xb7: {  	[dreg:$0x5] =	wrdreg $0x3C300  }
0xb8: {  	[dreg:$0x6] =	wrdreg $0x44500  }
0xb9: {  	[dreg:$0x7] =	wrdreg $0x9  }
0xba: {  	_ =	task.clear_ibuf [dreg:s8], $0x8FFFF;
	_ =	strace $0x90000046  }
0xbb: {  	s29 =	simm.s32 $0x9;
	_ =	strace $0x80000048  }
0xbc: {  	_ =	swait.ge [sflag:s29], $0x1  }
0xbd: {  	[sflag:s29] =	ssyncadd.s32 $0xFFFFFFFF  }
0xbe: {  	_ =	strace $0x90000048  }
0xbf: {  	_ =	sfence  }
0xc0: {  	s30 =	sld [smem:$0x0];
	_ =	sdelay $0x2  }
0xc1: {  	s31 =	sshll.u32 s1, $0xD;
	s1 =	sshrl.u32 s1, $0x2  }
0xc2: {  	s3 =	sand.u32 $0x4000, s31;
	s1 =	sadd.s32 s1, s30  }
0xc3: {  	s0 =	sor.u32 s3, s0;
	s1 =	sshll.u32 s1, $0x11  }
0xc4: {  	s0 =	sor.u32 s1, s0  }
0xc5: {  	s0 =	sadd.s32 $0x8F2B, s0  }
0xc6: {  	[sflag:s0] =	ssyncadd.remote.s32 $0x1  }
0xc7: {  	_ =	sfence.sel $0xFFFF  }
0xc8: {  	[dreg:$0x0] =	wrdreg $0xFFFFFFFF;
	(pc) =	sbr.abs _section_cstart, $3  }
0xc9: {  	[dreg:$0x1] =	wrdreg $0xFFFFFFFF  }
0xca: {  	_ =	task.clear_ibuf [dreg:s8], $0x2FFFF;
	_ =	strace $0x9FFFFFFF  }
0xcb: {  	(tm) =	ssettm $0x7FFFFFFF  }
tec
execute0_lowered:
.L_overlay_start_1:
0x0: {  	(tag) =	ssettag $0x1  }
0x1: {  	s1 =	srdreg.scid  }
0x2: {  	s1 =	sand.u32 $0x1, s1  }
0x3: {  	p0 =	seq.s32 s1, $0x1  }
.Ltmp0:
0x4: {  	s0 =	rddreg [dreg:$0x0];
	(pc) =	sbr.rel @p0 .LBB2_32-.Ltmp0, $4  }
0x5: {  	s4 =	rddreg [dreg:$0x3]  }
0x6: {  	s16 =	rddreg [dreg:$0x4];
	s2 =	simm.s32 $0x0  }
0x7: {  	[smem:$0x7FF] =	sst s2  }
0x8: {  	s3 =	rddreg [dreg:$0x5];
	s5 =	stileid.u32;
	_ =	strace $0x80000047  }
0x9: {  	s1 =	sshll.u32 s5, $0x4  }
0xa: {  	s6 =	smul.u32 $0x820, s5;
	s7 =	sadd.s32 $0x23A00, s0;
	s8 =	sadd.s32 $0x1200, s0  }
0xb: {  	s9 =	stileid.u32;
	s3 =	simm.s32 $0x0;
	s2 =	sadd.s32 s1, s0  }
0xc: {  	s0 =	sshll.u32 s5, $0x7;
	s1 =	sadd.s32 s1, s16;
	s23 =	sadd.s32 s6, s4  }
0xd: {  	v0 =	vimm.f32 $0.0e+00;
	v1 =	vimm.s32 $0x0;
	s2 =	sadd.s32 $0x46200, s2;
	[dreg:$0x7] =	wrdreg s1;
	s1 =	simm.s32 $0x40  }
.LBB2_2:
0xe: {  	p0 =	sne.s32 s1, $0x2040;
	[tilespmem:s3+$0x1040] =	vst v1;
	s5 =	smov.u32 s1;
	s1 =	sadd.s32 $0x40, s1  }
.Ltmp1:
0xf: {  	[tilespmem:s3+$0x0] =	vst v0;
	(pc) =	sbr.rel @p0 .LBB2_2-.Ltmp1, $2  }
0x10: {  	[tilespmem:s3+$0x820] =	vst v1;
	_ =	sdelay $0x2  }
0x11: {  	s3 =	sshra.s32 s5, $0x2  }
0x12: {  	[tilespmem:s3+$0x1040] =	vst v1  }
0x13: {  	[tilespmem:s3+$0x0] =	vst v0  }
0x14: {  	[tilespmem:s3+$0x820] =	vst v1;
	v0 =	vimm.s32 $0xFFFFFFFF  }
0x15: {  	[tilespmem:$0x3920] =	vst v0  }
0x16: {  	[tilespmem:$0x3930] =	vst v0  }
0x17: {  	[tilespmem:$0x3940] =	vst v0  }
0x18: {  	[tilespmem:$0x3950] =	vst v0  }
0x19: {  	[tilespmem:$0x3960] =	vst v0  }
0x1a: {  	[tilespmem:$0x3970] =	vst v0  }
0x1b: {  	[tilespmem:$0x3980] =	vst v0  }
0x1c: {  	[tilespmem:$0x3990] =	vst v0  }
0x1d: {  	[tilespmem:$0x39A0] =	vst v0  }
0x1e: {  	[tilespmem:$0x39B0] =	vst v0  }
0x1f: {  	[tilespmem:$0x39C0] =	vst v0  }
0x20: {  	[tilespmem:$0x39D0] =	vst v0  }
0x21: {  	[tilespmem:$0x39E0] =	vst v0  }
0x22: {  	[tilespmem:$0x39F0] =	vst v0  }
0x23: {  	[tilespmem:$0x3A00] =	vst v0  }
0x24: {  	[tilespmem:$0x3A10] =	vst v0  }
0x25: {  	[tilespmem:$0x3A20] =	vst v0  }
0x26: {  	[tilespmem:$0x3A30] =	vst v0  }
0x27: {  	[tilespmem:$0x3A40] =	vst v0  }
0x28: {  	[tilespmem:$0x3A50] =	vst v0  }
0x29: {  	[tilespmem:$0x3A60] =	vst v0  }
0x2a: {  	[tilespmem:$0x3A70] =	vst v0  }
0x2b: {  	[tilespmem:$0x3A80] =	vst v0  }
0x2c: {  	[tilespmem:$0x3A90] =	vst v0  }
0x2d: {  	[tilespmem:$0x3AA0] =	vst v0  }
0x2e: {  	[tilespmem:$0x3AB0] =	vst v0  }
0x2f: {  	[tilespmem:$0x3AC0] =	vst v0  }
0x30: {  	[tilespmem:$0x3AD0] =	vst v0  }
0x31: {  	[tilespmem:$0x3AE0] =	vst v0  }
0x32: {  	[tilespmem:$0x3AF0] =	vst v0  }
0x33: {  	[tilespmem:$0x3B00] =	vst v0  }
0x34: {  	s1 =	simm.s32 $0x0;
	s30 =	simm.s32 $0x9;
	[tilespmem:$0x3B10] =	vst v0  }
0x35: {  	[spmem:s23] =	stream.linear.scatter [tilespmem:s1], [sflag:$0x9], $0x820, $0x38;
	[tilespmem:$0x4460] =	vst v63  }
0x36: {  	_ =	swait.ge [sflag:s30], $0x820  }
0x37: {  	[sflag:s30] =	ssyncset.done $0x0  }
0x38: {  	s5 =	simm.s32 $0x1860;
	[sflag:s30] =	ssyncadd.s32 $0xFFFFF7E0  }
0x39: {  	[tilespmem:s5], [sflag:$0x9] =	stream.linear.gather [hbm4b:s2+s1], $0x80, $0x38;
	[tilespmem:$0x4460] =	vst v63  }
0x3a: {  	_ =	swait.ge [sflag:s30], $0x80  }
0x3b: {  	[sflag:s30] =	ssyncset.done $0x0  }
0x3c: {  	s31 =	simm.s32 $0x0;
	[sflag:s30] =	ssyncadd.s32 $0xFFFFFF80  }
0x3d: {  	v0 =	vld [tilespmem:s31+$0x1860];
	_ =	sdelay $0x4  }
0x3e: {  	v1 =	vimm.s32 $0x0;
	vm0 =	vgt.s32 v0, $0x0  }
0x3f: {  	v0 =	vsel vm0, $0x1, v1  }
0x40: {  	(xrf0) =	vadd.scan.msk.s32 $0xffff, v0;
	_ =	sdelay $0x3  }
0x41: {  	v0 =	vmov s1  }
0x42: {  	v0 =	vadd.s32 $0xFFFFFFFF, v0  }
0x43: {  	v0 =	vbroadcast v0, $0x0;
	v2, _, _ =	vpop (xrf0)  }
0x44: {  	(v2sf) =	vpush v2, $0xF  }
0x45: {  	v3 =	vadd.s32 v2, v0;
	_ =	sdelay $0x2  }
0x46: {  	v0 =	vlaneseq.u32  }
0x47: {  	s2 =	simm.s32 $0x1040;
	v4 =	vor.u32 s0, v0  }
0x48: {  	s3 =	simm.s32 $0x80;
	s5 =	simm.s32 $0x10;
	[tilespmem:v3+s2+$0x0] =	vst.idx.msk vm0, v4  }
.LBB2_4:
0x49: {  	p0 =	sne.s32 s3, $0x1C0;
	v2 =	vld [tilespmem:s5+$0x1860];
	_ =	sdelay $0x4  }
0x4a: {  	vm0 =	vgt.s32 v2, $0x0  }
0x4b: {  	v2 =	vsel vm0, $0x1, v1  }
0x4c: {  	(xrf0) =	vadd.scan.msk.s32 $0xffff, v2  }
0x4d: {  	s5 =	spop (v2sf)  }
0x4e: {  	s1 =	sadd.s32 s1, s5  }
0x4f: {  	v2 =	vmov s1  }
0x50: {  	v2 =	vadd.s32 $0xFFFFFFFF, v2  }
0x51: {  	v2 =	vbroadcast v2, $0x0  }
0x52: {  	v3, _, _ =	vpop (xrf0)  }
0x53: {  	v2 =	vadd.s32 v3, v2;
	(v2sf) =	vpush v3, $0xF;
	_ =	sdelay $0x1  }
.Ltmp2:
0x54: {  	(pc) =	sbr.rel @p0 .LBB2_4-.Ltmp2, $4  }
0x55: {  	s0 =	sadd.s32 $0x10, s0  }
0x56: {  	v3 =	vor.u32 s0, v0  }
0x57: {  	[tilespmem:v2+s2+$0x0] =	vst.idx.msk vm0, v3  }
0x58: {  	s5 =	sshra.s32 s3, $0x2;
	s3 =	sadd.s32 $0x40, s3  }
0x59: {  	v2 =	vld [tilespmem:s5+$0x1860];
	_ =	sdelay $0x4  }
0x5a: {  	vm0 =	vgt.s32 v2, $0x0  }
0x5b: {  	v1 =	vsel vm0, $0x1, v1  }
0x5c: {  	(xrf0) =	vadd.scan.msk.s32 $0xffff, v1;
	_ =	sdelay $0x5  }
0x5d: {  	v1, _, _ =	vpop (xrf0)  }
0x5e: {  	(v2sf) =	vpush v1, $0xF;
	_ =	sdelay $0x5  }
0x5f: {  	s3 =	spop (v2sf)  }
0x60: {  	s1 =	sadd.s32 s1, s3  }
0x61: {  	v49 =	vmov s1  }
0x62: {  	v2 =	vadd.s32 $0xFFFFFFFF, v49  }
0x63: {  	v2 =	vbroadcast v2, $0x0;
	_ =	sdelay $0x1  }
0x64: {  	v1 =	vadd.s32 v1, v2;
	_ =	sdelay $0x2  }
0x65: {  	s0 =	sadd.s32 $0x10, s0;
	s31 =	spop (v2sf)  }
0x66: {  	v0 =	vor.u32 s0, v0;
	s12 =	sadd.s32 s1, s31  }
0x67: {  	[tilespmem:v1+s2+$0x0] =	vst.idx.msk vm0, v0;
	v50 =	vmov s12  }
0x68: {  	s5 =	simm.s32 $0x8;
	s3 =	rddreg [dreg:$0x7];
	s2 =	simm.s32 $0x3B20;
	[tilespmem:$0x3B20] =	vst v50  }
0x69: {  	[spmem:s3] =	stream.linear.scatter [tilespmem:s2], [sflag:$0x8], $0x10, $0x38;
	[tilespmem:$0x4460] =	vst v63  }
0x6a: {  	_ =	swait.ge [sflag:s5], $0x10  }
0x6b: {  	[sflag:s5] =	ssyncset.done $0x0  }
0x6c: {  	[sflag:s5] =	ssyncadd.s32 $0xFFFFFFF0  }
0x6d: {  	s10 =	simm.s32 $0x3B30;
	s24 =	simm.s32 $0x9;
	[bflag:$0x0] =	sbarrier.arrive $0xFFFF  }
0x6e: {  	[tilespmem:s10], [sflag:$0x9] =	stream.linear.gather [spmem:s16], $0x100, $0x38;
	[tilespmem:$0x4460] =	vst v63  }
0x6f: {  	_ =	swait.ge [sflag:s24], $0x100  }
0x70: {  	[sflag:s24] =	ssyncset.done $0x0  }
0x71: {  	[sflag:s24] =	ssyncadd.s32 $0xFFFFFF00  }
0x72: {  	v51 =	vld [tilespmem:$0x3B30]  }
0x73: {  	v52 =	vld [tilespmem:$0x3B40]  }
0x74: {  	v53 =	vld [tilespmem:$0x3B50]  }
0x75: {  	v3 =	vld [tilespmem:$0x3B60]  }
0x76: {  	v4 =	vld [tilespmem:$0x3B70]  }
0x77: {  	v5 =	vld [tilespmem:$0x3B80];
	(v2sf) =	vpush v51, $0x0  }
0x78: {  	v54 =	vld [tilespmem:$0x3B90];
	(v2sf) =	vpush v52, $0x0  }
0x79: {  	v55 =	vld [tilespmem:$0x3BA0];
	(v2sf) =	vpush v53, $0x0  }
0x7a: {  	v56 =	vld [tilespmem:$0x3BB0];
	(v2sf) =	vpush v3, $0x0  }
0x7b: {  	v57 =	vld [tilespmem:$0x3BC0];
	(v2sf) =	vpush v4, $0x0  }
0x7c: {  	v58 =	vld [tilespmem:$0x3BD0];
	(v2sf) =	vpush v5, $0x0  }
0x7d: {  	v59 =	vld [tilespmem:$0x3BE0];
	(v2sf) =	vpush v54, $0x0  }
0x7e: {  	v60 =	vld [tilespmem:$0x3BF0];
	(v2sf) =	vpush v55, $0x0  }
0x7f: {  	v61 =	vld [tilespmem:$0x3C00];
	(v2sf) =	vpush v56, $0x0  }
0x80: {  	v62 =	vld [tilespmem:$0x3C10];
	(v2sf) =	vpush v57, $0x0  }
0x81: {  	v63 =	vld [tilespmem:$0x3C20];
	(v2sf) =	vpush v58, $0x0  }
0x82: {  	(v2sf) =	vpush v59, $0x0  }
0x83: {  	(v2sf) =	vpush v60, $0x0  }
0x84: {  	(v2sf) =	vpush v61, $0x0  }
0x85: {  	(v2sf) =	vpush v62, $0x0  }
0x86: {  	s11 =	spop (v2sf);
	(v2sf) =	vpush v63, $0x0  }
0x87: {  	s13 =	spop (v2sf)  }
0x88: {  	s0 =	sadd.s32 s11, s13;
	s14 =	spop (v2sf)  }
0x89: {  	s0 =	sadd.s32 s14, s0;
	s15 =	spop (v2sf)  }
0x8a: {  	s0 =	sadd.s32 s15, s0;
	s17 =	spop (v2sf)  }
0x8b: {  	s0 =	sadd.s32 s17, s0;
	s18 =	spop (v2sf)  }
0x8c: {  	s0 =	sadd.s32 s18, s0;
	s19 =	spop (v2sf)  }
0x8d: {  	s0 =	sadd.s32 s19, s0;
	s20 =	spop (v2sf)  }
0x8e: {  	s0 =	sadd.s32 s20, s0;
	s21 =	spop (v2sf)  }
0x8f: {  	s0 =	sadd.s32 s21, s0;
	s22 =	spop (v2sf)  }
0x90: {  	s0 =	sadd.s32 s22, s0;
	s25 =	spop (v2sf)  }
0x91: {  	s0 =	sadd.s32 s25, s0;
	s26 =	spop (v2sf)  }
0x92: {  	s0 =	sadd.s32 s26, s0;
	s28 =	spop (v2sf)  }
0x93: {  	s0 =	sadd.s32 s28, s0;
	s29 =	spop (v2sf)  }
0x94: {  	s0 =	sadd.s32 s29, s0;
	s30 =	spop (v2sf)  }
0x95: {  	s0 =	sadd.s32 s30, s0;
	s31 =	spop (v2sf)  }
0x96: {  	s0 =	sadd.s32 s31, s0  }
0x97: {  	p0 =	slt.s32 s0, $0x1  }
.Ltmp3:
0x98: {  	_ = 	snop;
	(pc) =	sbr.rel @p0 .LBB2_31-.Ltmp3, $1  }
0x99: {  	_ =	sdelay $0x3  }
0x9a: {  	s0 =	smul.u32 $0x2080, s9  }
0x9b: {  	s17 =	simm.f32 $1.000000000e+00;
	s18 =	simm.s32 $0x1;
	s19 =	simm.s32 $0x2  }
0x9c: {  	s20 =	simm.s32 $0x5;
	s21 =	simm.s32 $0x6;
	s0 =	sshrl.u32 s0, $0x2  }
0x9d: {  	s22 =	simm.s32 $0x80;
	[dreg:$0x6] =	wrdreg s23;
	s0 =	sadd.s32 $0xFFFFB920, s0  }
0x9e: {  	v0 =	vimm.s32 $0x0;
	vm0 =	vmxor vm0, vm0;
	v1 =	vlaneseq.u32;
	s1 =	simm.s32 $0x1040;
	[dreg:$0x8] =	wrdreg s0;
	s0 =	simm.s32 $0x0  }
.LBB2_7:
0x9f: {  	s2 =	sadd.s32 $0x1F, s12  }
0xa0: {  	s3 =	sand.u32 $0x1F, s2  }
0xa1: {  	p0 =	slt.s32 s2, $0x1;
	p1 =	sne.s32 s3, $0x0  }
0xa2: {  	s5 =	sshra.s32 s2, $0x1F;
	p1 =	por !p0, !p1;
	p0 =	slt.s32 s12, $0x1  }
0xa3: {  	s29 =	sshrl.u32 s5, $0x1B;
	v2 =	vld @!p0 [tilespmem:$0x1040]  }
0xa4: {  	s3 =	simm.s32 $0x1;
	s2 =	sadd.s32 s29, s2;
	p1 =	por !p1, !p1;
	v3 =	vld @!p0 [tilespmem:$0x1050]  }
0xa5: {  	s2 =	sshra.s32 s2, $0x5;
	s3 =	simm.s32 @!p1 $0x0  }
0xa6: {  	s2 =	ssub.s32 s2, s3  }
0xa7: {  	s3 =	sadd.s32 $0x1, s2  }
0xa8: {  	s5 =	simm.s32 @!p0 $0x18E0;
	s9 =	simm.s32 @!p0 $0x1920;
	s30 =	sand.u32 $0x1, s3;
	[tilespmem:$0x18E0] =	vst @!p0 v2  }
0xa9: {  	p6 =	slt.s32 s2, $0x0;
	s2 =	simm.s32 @!p0 $0x20;
	p2 =	seq.s32 s30, $0x1;
	[tilespmem:$0x18F0] =	vst @!p0 v3  }
0xaa: {  	[tilespmem:s9], [sflag:$0x1] =	stream.indirect.gather @!p0 [hbm4b:s7+s2], $0x20, s5, s2, $0xb8;
	[tilespmem:$0x4460] =	vst v63  }
0xab: {  	s31 =	sshrl.u32 s3, $0x1F;
	p1 =	por !p6, !p2  }
0xac: {  	s3 =	sadd.s32 s31, s3;
	s9 =	simm.s32 $0x1;
	p1 =	por !p1, !p1  }
0xad: {  	s3 =	sshra.s32 s3, $0x1;
	s9 =	simm.s32 @!p1 $0x0  }
0xae: {  	s11 =	ssub.s32 s3, s9;
	s3 =	simm.s32 @!p0 $0x2120  }
0xaf: {  	[tilespmem:s3], [sflag:$0x2] =	stream.indirect.gather @!p0 [hbm4b:s8+s2], $0x20, s5, s2, $0xb8;
	[tilespmem:$0x4460] =	vst v63  }
0xb0: {  	p0 =	slt.s32 s11, $0x1  }
.Ltmp4:
0xb1: {  	_ = 	snop;
	(pc) =	sbr.rel @p0 .LBB2_28-.Ltmp4, $1  }
0xb2: {  	_ =	sdelay $0x3  }
.Ltmp5:
0xb3: {  	s2 =	sadd.f32 s17, s17;
	(pc) =	sbr.rel .LBB2_9-.Ltmp5, $4  }
0xb4: {  	p0 =	sgt.s32 s12, $0x1;
	s3 =	smov.u32 s12;
	p1 =	seq.s32 s0, $0x0  }
0xb5: {  	s5 =	smov.u32 s17;
	s10 =	sadd.s32 $0xFFFFFFE0, s12;
	s3 =	simm.s32 @!p0 $0x1  }
0xb6: {  	s13 =	simm.s32 $0x0;
	s5 =	smov.u32 @p1 s2;
	s16 =	sadd.s32 $0xFFFFFFFF, s3  }
0xb7: {  	s2 =	smov.u32 s12;
	s3 =	simm.s32 $0x0;
	v2 =	vmov s5;
	s5 =	simm.s32 $0x0  }
.LBB2_23:
0xb8: {  	s3 =	sadd.s32 $0x1, s3  }
0xb9: {  	p0 =	sne.s32 s3, s11  }
.Ltmp6:
0xba: {  	_ = 	snop;
	(pc) =	sbr.rel @!p0 .LBB2_24-.Ltmp6, $2  }
0xbb: {  	_ =	sdelay $0x2  }
0xbc: {  	s2 =	sadd.s32 $0xFFFFFFC0, s2;
	s10 =	sadd.s32 $0xFFFFFFC0, s10  }
.LBB2_9:
0xbd: {  	s14 =	sshll.u32 s3, $0x6  }
0xbe: {  	s9 =	sor.u32 $0x20, s14  }
0xbf: {  	p1 =	sle.s32 s12, s9  }
0xc0: {  	_ =	swait.ge [sflag:s18], $0x400;
	p0 =	slt.s32 @!p1 s9, s16  }
0xc1: {  	[sflag:s18] =	ssyncset.done $0x0;
	s15 =	smov.u32 s9;
	p0 =	por !p0, p1  }
0xc2: {  	[sflag:s18] =	ssyncadd.s32 $0xFFFFFC00;
	s15 =	smov.u32 @p0 s16  }
0xc3: {  	_ =	swait.ge [sflag:s19], $0x400;
	p0 =	slt.s32 @!p1 s15, $0x800  }
0xc4: {  	[sflag:s19] =	ssyncset.done $0x0;
	p0 =	por !p0, p1  }
0xc5: {  	[sflag:s19] =	ssyncadd.s32 $0xFFFFFC00;
	s15 =	simm.s32 @p0 $0x800  }
0xc6: {  	v3 =	vld @!p1 [tilespmem:s15+$0x1040];
	_ =	sdelay $0x4  }
0xc7: {  	[tilespmem:$0x1900] =	vst @!p1 v3  }
0xc8: {  	v3 =	vld @!p1 [tilespmem:s15+$0x1050];
	_ =	sdelay $0x4  }
0xc9: {  	s23 =	simm.s32 @!p1 $0x1900;
	s24 =	simm.s32 @!p1 $0x1D20;
	s15 =	simm.s32 @!p1 $0x20;
	[tilespmem:$0x1910] =	vst @!p1 v3  }
0xca: {  	[tilespmem:s24], [sflag:$0x3] =	stream.indirect.gather @!p1 [hbm4b:s7+s15], $0x20, s23, s15, $0xb8;
	[tilespmem:$0x4460] =	vst v63  }
0xcb: {  	p0 =	seq.s32 s13, $0x0;
	s24 =	simm.s32 @!p1 $0x2520  }
0xcc: {  	[tilespmem:s24], [sflag:$0x4] =	stream.indirect.gather @!p1 [hbm4b:s8+s15], $0x20, s23, s15, $0xb8;
	[tilespmem:$0x4460] =	vst v63  }
0xcd: {  	s15 =	simm.s32 @!p0 $0x5  }
0xce: {  	p2 =	slt.u32 @!p0 s13, $0x5;
	_ =	swait.ge @!p0 [sflag:s15], $0x80  }
0xcf: {  	p2 =	por p0, p2;
	[sflag:s15] =	ssyncset.done @!p0 $0x0  }
0xd0: {  	[sflag:s15] =	ssyncadd.s32 @!p0 $0xFFFFFF80;
	p0 =	slt.u32 @!p2 s13, $0x9  }
0xd1: {  	p0 =	por p2, p0  }
.Ltmp7:
0xd2: {  	_ = 	snop;
	(pc) =	sbr.rel @p0 .LBB2_11-.Ltmp7, $4  }
0xd3: {  	s15 =	simm.s32 @!p2 $0x5  }
0xd4: {  	_ =	swait.ge @!p2 [sflag:s15], $0x80  }
0xd5: {  	[sflag:s15] =	ssyncset.done @!p2 $0x0  }
0xd6: {  	[sflag:s15] =	ssyncadd.s32 @!p2 $0xFFFFFF80  }
0xd7: {  	p0 =	slt.u32 s13, $0xD  }
0xd8: {  	p4 =	slt.u32 @!p0 s13, $0x11  }
0xd9: {  	p3 =	por p4, p0  }
0xda: {  	_ =	swait.ge [sflag:s20], $0x80;
	p2 =	slt.u32 @!p3 s13, $0x15  }
0xdb: {  	[sflag:s20] =	ssyncset.done $0x0;
	s15 =	simm.s32 @!p0 $0x5;
	s23 =	simm.s32 @!p2 $0x0  }
0xdc: {  	[sflag:s20] =	ssyncadd.s32 $0xFFFFFF80;
	p5 =	por @!p0 p2, p4;
	s23 =	simm.s32 @p2 $0x1  }
0xdd: {  	p5 =	por p5, p0;
	[smem:$0x7FC] =	sst s23;
	s23 =	simm.s32 @!p4 $0x0  }
0xde: {  	p6 =	slt.u32 @!p5 s13, $0x19;
	_ =	swait.ge @!p0 [sflag:s15], $0x80;
	s23 =	simm.s32 @p4 $0x1  }
0xdf: {  	[smem:$0x7FD] =	sst s23;
	s23 =	simm.s32 @!p6 $0x0  }
0xe0: {  	[sflag:s15] =	ssyncset.done @!p0 $0x0;
	s23 =	simm.s32 @p6 $0x1  }
0xe1: {  	[sflag:s15] =	ssyncadd.s32 @!p0 $0xFFFFFF80;
	s15 =	simm.s32 @!p3 $0x5;
	[smem:$0x7FB] =	sst s23  }
0xe2: {  	_ =	swait.ge @!p3 [sflag:s15], $0x80  }
0xe3: {  	p2 =	por @!p3 p6, p2;
	[sflag:s15] =	ssyncset.done @!p3 $0x0  }
0xe4: {  	p2 =	por @!p0 p2, p4;
	[sflag:s15] =	ssyncadd.s32 @!p3 $0xFFFFFF80;
	s15 =	simm.s32 @!p5 $0x5  }
0xe5: {  	p2 =	por p2, p0;
	_ =	swait.ge @!p5 [sflag:s15], $0x80  }
0xe6: {  	p6 =	slt.u32 @!p2 s13, $0x1D;
	[sflag:s15] =	ssyncset.done @!p5 $0x0  }
0xe7: {  	s13 =	simm.s32 @!p2 $0x5;
	s29 =	sld [smem:$0x7FB];
	[sflag:s15] =	ssyncadd.s32 @!p5 $0xFFFFFF80  }
0xe8: {  	s30 =	sld [smem:$0x7FC];
	_ =	swait.ge @!p2 [sflag:s13], $0x80  }
0xe9: {  	s31 =	sld [smem:$0x7FD]  }
0xea: {  	p4 =	seq.s32 s29, $0x1  }
0xeb: {  	p6 =	por @!p5 p6, p4;
	p5 =	seq.s32 s30, $0x1  }
0xec: {  	p3 =	por @!p3 p6, p5;
	p4 =	seq.s32 s31, $0x1  }
0xed: {  	p3 =	por @!p0 p3, p4  }
0xee: {  	[sflag:s13] =	ssyncset.done @!p2 $0x0;
	p0 =	por p3, p0  }
0xef: {  	[sflag:s13] =	ssyncadd.s32 @!p2 $0xFFFFFF80;
	s13 =	simm.s32 @!p0 $0x5  }
0xf0: {  	_ =	swait.ge @!p0 [sflag:s13], $0x80  }
0xf1: {  	[sflag:s13] =	ssyncset.done @!p0 $0x0  }
0xf2: {  	[sflag:s13] =	ssyncadd.s32 @!p0 $0xFFFFFF80  }
.LBB2_11:
0xf3: {  	s13 =	ssub.s32 s12, s14  }
0xf4: {  	p0 =	sgt.s32 s13, $0x0  }
0xf5: {  	s13 =	simm.s32 @!p0 $0x0  }
0xf6: {  	s25 =	smin.u32 s13, $0x20  }
0xf7: {  	s13 =	sadd.s32 $0x3, s25  }
0xf8: {  	s13 =	sand.u32 $0x7C, s13  }
0xf9: {  	p0 =	seq.s32 s13, $0x0  }
.Ltmp8:
0xfa: {  	_ = 	snop;
	(pc) =	sbr.rel @p0 .LBB2_16-.Ltmp8, $4  }
0xfb: {  	_ = 	snop  }
0xfc: {  	s15 =	simm.s32 @!p0 $0x0  }
0xfd: {  	s15 =	simm.s32 @p0 $0x1  }
0xfe: {  	[smem:$0x7FA] =	sst s15  }
0xff: {  	s15 =	simm.s32 $0x2130  }
0x100: {  	s23 =	simm.s32 $0x1930;
	v3 =	vld [tilespmem:s15+$0xFFFFFFF0]  }
0x101: {  	v4 =	vld [tilespmem:s23+$0xFFFFFFF0];
	_ =	sdelay $0x4  }
0x102: {  	p2 =	sgt.u32 s25, $0x0;
	v3 =	vmul.f32 v3, v2;
	v4 =	vadd.s32 $0xFFFFF800, v4  }
0x103: {  	s26 =	simm.s32 $0x2930;
	v4 =	vpsel !p2, $0x0, v4  }
0x104: {  	s30 =	simm.s32 $0x2D30;
	v3 =	vpsel !p2, $0x0, v3;
	[tilespmem:s26+$0xFFFFFFF0] =	vst v4  }
0x105: {  	[tilespmem:s30+$0xFFFFFFF0] =	vst v3  }
0x106: {  	p3 =	sgt.s32 s2, $0x0;
	v3 =	vld [tilespmem:s15+$0x0];
	s15 =	smov.u32 s2  }
0x107: {  	s15 =	simm.s32 @!p3 $0x0  }
0x108: {  	s15 =	smin.u32 s15, $0x20  }
0x109: {  	s15 =	sadd.s32 $0x3, s15  }
0x10a: {  	v4 =	vld [tilespmem:s23+$0x0];
	s31 =	sand.u32 $0x7C, s15  }
0x10b: {  	p3 =	sne.s32 s31, $0x1  }
.Ltmp9:
0x10c: {  	_ = 	snop;
	(pc) =	sbr.rel @!p3 .LBB2_14-.Ltmp9, $4  }
0x10d: {  	_ = 	snop  }
0x10e: {  	v3 =	vmul.f32 v3, v2  }
0x10f: {  	s24 =	simm.s32 $0x1950;
	v4 =	vadd.s32 $0xFFFFF800, v4  }
0x110: {  	s28 =	simm.s32 $0x2D30;
	s23 =	simm.s32 $0x2150;
	s15 =	simm.s32 $0x1;
	v4 =	vpsel !p2, $0x0, v4;
	v3 =	vpsel !p2, $0x0, v3  }
.LBB2_13:
0x111: {  	[tilespmem:s26+$0x0] =	vst v4;
	s26 =	sadd.s32 $0x20, s26  }
0x112: {  	s28 =	sadd.s32 $0x20, s28;
	s29 =	smov.u32 s15;
	s15 =	sadd.s32 $0x1, s15  }
0x113: {  	p2 =	sne.s32 s31, s15;
	[tilespmem:s30+$0x0] =	vst v3;
	s30 =	smov.u32 s28  }
0x114: {  	v3 =	vld [tilespmem:s23+$0xFFFFFFF0]  }
0x115: {  	v4 =	vld [tilespmem:s24+$0xFFFFFFF0];
	_ =	sdelay $0x3  }
0x116: {  	v3 =	vmul.f32 v3, v2  }
0x117: {  	p3 =	slt.u32 s29, s25;
	v4 =	vadd.s32 $0xFFFFF800, v4  }
0x118: {  	v4 =	vpsel !p3, $0x0, v4  }
0x119: {  	v3 =	vpsel !p3, $0x0, v3;
	[tilespmem:s26+$0xFFFFFFF0] =	vst v4  }
0x11a: {  	[tilespmem:s28+$0xFFFFFFF0] =	vst v3  }
0x11b: {  	v3 =	vld [tilespmem:s23+$0x0]  }
0x11c: {  	v4 =	vld [tilespmem:s24+$0x0];
	_ =	sdelay $0x1  }
.Ltmp10:
0x11d: {  	(pc) =	sbr.rel @p2 .LBB2_13-.Ltmp10, $4  }
0x11e: {  	_ = 	snop  }
0x11f: {  	v3 =	vmul.f32 v3, v2  }
0x120: {  	v4 =	vadd.s32 $0xFFFFF800, v4  }
0x121: {  	s23 =	sadd.s32 $0x20, s23;
	s24 =	sadd.s32 $0x20, s24;
	v4 =	vpsel !p3, $0x0, v4;
	v3 =	vpsel !p3, $0x0, v3  }
.LBB2_14:
0x122: {  	[tilespmem:s26+$0x0] =	vst v4;
	p2 =	slt.u32 s13, $0x5  }
0x123: {  	s15 =	simm.s32 $0x2920;
	s23 =	simm.s32 $0x2D20;
	[tilespmem:s30+$0x0] =	vst v3;
	s24 =	simm.s32 @!p2 $0x2DA0  }
0x124: {  	[spmem:s4] =	stream.indirect.scatter.add.f32 [tilespmem:s23], [sflag:$0x5], $0x1, s15, s22, $0xb8;
	[tilespmem:$0x4460] =	vst v63  }
0x125: {  	p3 =	slt.u32 @!p2 s13, $0x9;
	s15 =	simm.s32 @!p2 $0x80;
	s23 =	simm.s32 @!p2 $0x29A0  }
0x126: {  	[spmem:s4] =	stream.indirect.scatter.add.f32 @!p2 [tilespmem:s24], [sflag:$0x5], $0x1, s23, s15, $0xb8;
	[tilespmem:$0x4460] =	vst v63  }
0x127: {  	p2 =	por p2, p3  }
.Ltmp11:
0x128: {  	_ = 	snop;
	(pc) =	sbr.rel @p2 .LBB2_16-.Ltmp11, $1  }
0x129: {  	_ =	sdelay $0x3  }
0x12a: {  	s15 =	simm.s32 $0x2A20;
	s23 =	simm.s32 $0x2E20;
	p2 =	slt.u32 s13, $0xD  }
0x12b: {  	[spmem:s4] =	stream.indirect.scatter.add.f32 [tilespmem:s23], [sflag:$0x5], $0x1, s15, s22, $0xb8;
	[tilespmem:$0x4460] =	vst v63  }
0x12c: {  	s15 =	simm.s32 @!p2 $0x80;
	p5 =	slt.u32 @!p2 s13, $0x11  }
0x12d: {  	s23 =	simm.s32 @!p2 $0x2AA0;
	s24 =	simm.s32 @!p2 $0x2EA0;
	p4 =	por p5, p2  }
0x12e: {  	[spmem:s4] =	stream.indirect.scatter.add.f32 @!p2 [tilespmem:s24], [sflag:$0x5], $0x1, s23, s15, $0xb8;
	[tilespmem:$0x4460] =	vst v63  }
0x12f: {  	s15 =	simm.s32 @!p4 $0x80  }
0x130: {  	s23 =	simm.s32 @!p4 $0x2B20;
	s24 =	simm.s32 @!p4 $0x2F20;
	p0 =	slt.u32 @!p4 s13, $0x15  }
0x131: {  	[spmem:s4] =	stream.indirect.scatter.add.f32 @!p4 [tilespmem:s24], [sflag:$0x5], $0x1, s23, s15, $0xb8;
	[tilespmem:$0x4460] =	vst v63  }
0x132: {  	s15 =	simm.s32 @!p0 $0x0  }
0x133: {  	s15 =	simm.s32 @p0 $0x1  }
0x134: {  	p6 =	por @!p2 p0, p5;
	[smem:$0x7F9] =	sst s15  }
0x135: {  	p6 =	por p6, p2;
	s30 =	sld [smem:$0x7F9]  }
0x136: {  	s23 =	simm.s32 @!p6 $0x2BA0;
	s24 =	simm.s32 @!p6 $0x2FA0;
	s15 =	simm.s32 @!p6 $0x80  }
0x137: {  	[spmem:s4] =	stream.indirect.scatter.add.f32 @!p6 [tilespmem:s24], [sflag:$0x5], $0x1, s23, s15, $0xb8;
	[tilespmem:$0x4460] =	vst v63  }
0x138: {  	p3 =	slt.u32 @!p6 s13, $0x19;
	p0 =	seq.s32 s30, $0x1  }
0x139: {  	p0 =	por @!p4 p3, p0  }
0x13a: {  	p0 =	por @!p2 p0, p5  }
0x13b: {  	s31 =	sld [smem:$0x7F9];
	p0 =	por p0, p2  }
0x13c: {  	s15 =	simm.s32 @!p0 $0x80;
	s23 =	simm.s32 @!p0 $0x2C20;
	s24 =	simm.s32 @!p0 $0x3020  }
0x13d: {  	[spmem:s4] =	stream.indirect.scatter.add.f32 @!p0 [tilespmem:s24], [sflag:$0x5], $0x1, s23, s15, $0xb8;
	[tilespmem:$0x4460] =	vst v63  }
0x13e: {  	p0 =	slt.u32 @!p0 s13, $0x1D  }
0x13f: {  	p0 =	por @!p6 p0, p3;
	p3 =	seq.s32 s31, $0x1  }
0x140: {  	p0 =	por @!p4 p0, p3  }
0x141: {  	p0 =	por @!p2 p0, p5  }
0x142: {  	p0 =	por p0, p2  }
0x143: {  	s15 =	simm.s32 @!p0 $0x80;
	s23 =	simm.s32 @!p0 $0x2CA0;
	s24 =	simm.s32 @!p0 $0x30A0  }
0x144: {  	[spmem:s4] =	stream.indirect.scatter.add.f32 @!p0 [tilespmem:s24], [sflag:$0x5], $0x1, s23, s15, $0xb8;
	[tilespmem:$0x4460] =	vst v63  }
.LBB2_16:
0x145: {  	s14 =	sadd.s32 $0x40, s14  }
0x146: {  	p2 =	sge.s32 s14, s12  }
0x147: {  	p0 =	slt.s32 @!p2 s14, s16  }
0x148: {  	p0 =	por !p0, p2  }
0x149: {  	s14 =	smov.u32 @p0 s16  }
0x14a: {  	p0 =	slt.s32 @!p2 s14, $0x800  }
0x14b: {  	p0 =	por !p0, p2  }
0x14c: {  	s14 =	simm.s32 @p0 $0x800  }
0x14d: {  	v3 =	vld @!p2 [tilespmem:s14+$0x1040];
	_ =	sdelay $0x4  }
0x14e: {  	[tilespmem:$0x18E0] =	vst @!p2 v3  }
0x14f: {  	v3 =	vld @!p2 [tilespmem:s14+$0x1050];
	_ =	sdelay $0x4  }
0x150: {  	s15 =	simm.s32 @!p2 $0x18E0;
	s23 =	simm.s32 @!p2 $0x1920;
	s14 =	simm.s32 @!p2 $0x20;
	[tilespmem:$0x18F0] =	vst @!p2 v3  }
0x151: {  	[tilespmem:s23], [sflag:$0x1] =	stream.indirect.gather @!p2 [hbm4b:s7+s14], $0x20, s15, s14, $0xb8;
	[tilespmem:$0x4460] =	vst v63  }
0x152: {  	s23 =	simm.s32 @!p2 $0x2120  }
0x153: {  	[tilespmem:s23], [sflag:$0x2] =	stream.indirect.gather @!p2 [hbm4b:s8+s14], $0x20, s15, s14, $0xb8;
	[tilespmem:$0x4460] =	vst v63  }
0x154: {  	s14 =	simm.s32 @!p1 $0x3  }
0x155: {  	_ =	swait.ge @!p1 [sflag:s14], $0x400  }
0x156: {  	[sflag:s14] =	ssyncset.done @!p1 $0x0  }
0x157: {  	[sflag:s14] =	ssyncadd.s32 @!p1 $0xFFFFFC00;
	s14 =	simm.s32 @!p1 $0x4  }
0x158: {  	_ =	swait.ge @!p1 [sflag:s14], $0x400  }
0x159: {  	p0 =	seq.s32 s5, $0x0;
	[sflag:s14] =	ssyncset.done @!p1 $0x0  }
0x15a: {  	[sflag:s14] =	ssyncadd.s32 @!p1 $0xFFFFFC00;
	s14 =	simm.s32 @!p0 $0x6  }
0x15b: {  	p1 =	slt.u32 @!p0 s5, $0x5;
	_ =	swait.ge @!p0 [sflag:s14], $0x80  }
0x15c: {  	p1 =	por p0, p1;
	[sflag:s14] =	ssyncset.done @!p0 $0x0  }
0x15d: {  	[sflag:s14] =	ssyncadd.s32 @!p0 $0xFFFFFF80;
	p0 =	slt.u32 @!p1 s5, $0x9  }
0x15e: {  	p0 =	por p1, p0  }
.Ltmp12:
0x15f: {  	_ = 	snop;
	(pc) =	sbr.rel @p0 .LBB2_18-.Ltmp12, $4  }
0x160: {  	s14 =	simm.s32 @!p1 $0x6  }
0x161: {  	_ =	swait.ge @!p1 [sflag:s14], $0x80  }
0x162: {  	[sflag:s14] =	ssyncset.done @!p1 $0x0  }
0x163: {  	[sflag:s14] =	ssyncadd.s32 @!p1 $0xFFFFFF80  }
0x164: {  	p1 =	slt.u32 s5, $0xD  }
0x165: {  	p2 =	slt.u32 @!p1 s5, $0x11  }
0x166: {  	p3 =	por p2, p1  }
0x167: {  	_ =	swait.ge [sflag:s21], $0x80;
	p4 =	slt.u32 @!p3 s5, $0x15  }
0x168: {  	[sflag:s21] =	ssyncset.done $0x0;
	s15 =	simm.s32 @!p4 $0x0;
	p0 =	por @!p1 p4, p2  }
0x169: {  	s14 =	simm.s32 @!p1 $0x6;
	s15 =	simm.s32 @p4 $0x1;
	p5 =	por p0, p1  }
0x16a: {  	[sflag:s21] =	ssyncadd.s32 $0xFFFFFF80;
	[smem:$0x7F8] =	sst s15;
	p0 =	slt.u32 @!p5 s5, $0x19  }
0x16b: {  	_ =	swait.ge @!p1 [sflag:s14], $0x80;
	s15 =	simm.s32 @!p0 $0x0  }
0x16c: {  	[sflag:s14] =	ssyncset.done @!p1 $0x0;
	s15 =	simm.s32 @p0 $0x1  }
0x16d: {  	[sflag:s14] =	ssyncadd.s32 @!p1 $0xFFFFFF80;
	s14 =	simm.s32 @!p3 $0x6;
	[smem:$0x7F7] =	sst s15  }
0x16e: {  	_ =	swait.ge @!p3 [sflag:s14], $0x80  }
0x16f: {  	[sflag:s14] =	ssyncset.done @!p3 $0x0  }
0x170: {  	[sflag:s14] =	ssyncadd.s32 @!p3 $0xFFFFFF80;
	s14 =	simm.s32 @!p5 $0x6  }
0x171: {  	_ =	swait.ge @!p5 [sflag:s14], $0x80  }
0x172: {  	p6 =	por @!p3 p0, p4;
	s30 =	sld [smem:$0x7F7]  }
0x173: {  	p6 =	por @!p1 p6, p2;
	s31 =	sld [smem:$0x7F8]  }
0x174: {  	p6 =	por p6, p1  }
0x175: {  	p0 =	slt.u32 @!p6 s5, $0x1D;
	p4 =	seq.s32 s30, $0x1  }
0x176: {  	[sflag:s14] =	ssyncset.done @!p5 $0x0;
	p0 =	por @!p5 p0, p4;
	p4 =	seq.s32 s31, $0x1  }
0x177: {  	s5 =	simm.s32 @!p6 $0x6;
	[sflag:s14] =	ssyncadd.s32 @!p5 $0xFFFFFF80;
	p0 =	por @!p3 p0, p4  }
0x178: {  	_ =	swait.ge @!p6 [sflag:s5], $0x80;
	p0 =	por @!p1 p0, p2  }
0x179: {  	[sflag:s5] =	ssyncset.done @!p6 $0x0;
	p0 =	por p0, p1  }
0x17a: {  	[sflag:s5] =	ssyncadd.s32 @!p6 $0xFFFFFF80;
	s5 =	simm.s32 @!p0 $0x6  }
0x17b: {  	_ =	swait.ge @!p0 [sflag:s5], $0x80  }
0x17c: {  	[sflag:s5] =	ssyncset.done @!p0 $0x0  }
0x17d: {  	[sflag:s5] =	ssyncadd.s32 @!p0 $0xFFFFFF80  }
.LBB2_18:
0x17e: {  	s5 =	ssub.s32 s12, s9  }
0x17f: {  	p0 =	sgt.s32 s5, $0x0  }
0x180: {  	s5 =	simm.s32 @!p0 $0x0  }
0x181: {  	s9 =	smin.u32 s5, $0x20  }
0x182: {  	s5 =	sadd.s32 $0x3, s9  }
0x183: {  	s5 =	sand.u32 $0x7C, s5  }
0x184: {  	p4 =	seq.s32 s5, $0x0  }
.Ltmp13:
0x185: {  	_ = 	snop;
	(pc) =	sbr.rel @p4 .LBB2_23-.Ltmp13, $1  }
0x186: {  	_ =	sdelay $0x3  }
0x187: {  	s15 =	simm.s32 $0x2530  }
0x188: {  	s23 =	simm.s32 $0x1D30;
	v3 =	vld [tilespmem:s15+$0xFFFFFFF0]  }
0x189: {  	v4 =	vld [tilespmem:s23+$0xFFFFFFF0];
	_ =	sdelay $0x4  }
0x18a: {  	p2 =	sgt.u32 s9, $0x0;
	v3 =	vmul.f32 v3, v2;
	v4 =	vadd.s32 $0xFFFFF800, v4  }
0x18b: {  	s14 =	simm.s32 $0x3130;
	v4 =	vpsel !p2, $0x0, v4  }
0x18c: {  	s25 =	simm.s32 $0x3530;
	v3 =	vpsel !p2, $0x0, v3;
	[tilespmem:s14+$0xFFFFFFF0] =	vst v4  }
0x18d: {  	[tilespmem:s25+$0xFFFFFFF0] =	vst v3  }
0x18e: {  	p0 =	sgt.s32 s10, $0x0;
	v3 =	vld [tilespmem:s15+$0x0];
	s15 =	smov.u32 s10  }
0x18f: {  	s15 =	simm.s32 @!p0 $0x0  }
0x190: {  	s15 =	smin.u32 s15, $0x20  }
0x191: {  	s15 =	sadd.s32 $0x3, s15  }
0x192: {  	v4 =	vld [tilespmem:s23+$0x0];
	s26 =	sand.u32 $0x7C, s15  }
0x193: {  	p0 =	sne.s32 s26, $0x1  }
.Ltmp14:
0x194: {  	_ = 	snop;
	(pc) =	sbr.rel @!p0 .LBB2_21-.Ltmp14, $4  }
0x195: {  	_ = 	snop  }
0x196: {  	v3 =	vmul.f32 v3, v2  }
0x197: {  	s24 =	simm.s32 $0x1D50;
	v4 =	vadd.s32 $0xFFFFF800, v4  }
0x198: {  	s28 =	simm.s32 $0x3530;
	s23 =	simm.s32 $0x2550;
	s15 =	simm.s32 $0x1;
	v4 =	vpsel !p2, $0x0, v4;
	v3 =	vpsel !p2, $0x0, v3  }
.LBB2_20:
0x199: {  	[tilespmem:s14+$0x0] =	vst v4;
	s14 =	sadd.s32 $0x20, s14  }
0x19a: {  	s28 =	sadd.s32 $0x20, s28;
	s29 =	smov.u32 s15;
	s15 =	sadd.s32 $0x1, s15  }
0x19b: {  	p2 =	sne.s32 s26, s15;
	[tilespmem:s25+$0x0] =	vst v3;
	s25 =	smov.u32 s28  }
0x19c: {  	v3 =	vld [tilespmem:s23+$0xFFFFFFF0]  }
0x19d: {  	v4 =	vld [tilespmem:s24+$0xFFFFFFF0];
	_ =	sdelay $0x3  }
0x19e: {  	v3 =	vmul.f32 v3, v2  }
0x19f: {  	p3 =	slt.u32 s29, s9;
	v4 =	vadd.s32 $0xFFFFF800, v4  }
0x1a0: {  	v4 =	vpsel !p3, $0x0, v4  }
0x1a1: {  	v3 =	vpsel !p3, $0x0, v3;
	[tilespmem:s14+$0xFFFFFFF0] =	vst v4  }
0x1a2: {  	[tilespmem:s28+$0xFFFFFFF0] =	vst v3  }
0x1a3: {  	v3 =	vld [tilespmem:s23+$0x0]  }
0x1a4: {  	v4 =	vld [tilespmem:s24+$0x0];
	_ =	sdelay $0x1  }
.Ltmp15:
0x1a5: {  	(pc) =	sbr.rel @p2 .LBB2_20-.Ltmp15, $4  }
0x1a6: {  	_ = 	snop  }
0x1a7: {  	v3 =	vmul.f32 v3, v2  }
0x1a8: {  	v4 =	vadd.s32 $0xFFFFF800, v4  }
0x1a9: {  	s23 =	sadd.s32 $0x20, s23;
	s24 =	sadd.s32 $0x20, s24;
	v4 =	vpsel !p3, $0x0, v4;
	v3 =	vpsel !p3, $0x0, v3  }
.LBB2_21:
0x1aa: {  	[tilespmem:s14+$0x0] =	vst v4;
	p0 =	slt.u32 s5, $0x5  }
0x1ab: {  	s9 =	simm.s32 $0x3120;
	s31 =	simm.s32 $0x3520;
	[tilespmem:s25+$0x0] =	vst v3;
	s14 =	simm.s32 @!p0 $0x31A0  }
0x1ac: {  	[spmem:s4] =	stream.indirect.scatter.add.f32 [tilespmem:s31], [sflag:$0x6], $0x1, s9, s22, $0xb8;
	[tilespmem:$0x4460] =	vst v63  }
0x1ad: {  	s15 =	simm.s32 @!p0 $0x35A0;
	p2 =	slt.u32 @!p0 s5, $0x9;
	s9 =	simm.s32 @!p0 $0x80  }
0x1ae: {  	[spmem:s4] =	stream.indirect.scatter.add.f32 @!p0 [tilespmem:s15], [sflag:$0x6], $0x1, s14, s9, $0xb8;
	[tilespmem:$0x4460] =	vst v63  }
0x1af: {  	p0 =	por p0, p2  }
.Ltmp16:
0x1b0: {  	_ = 	snop;
	(pc) =	sbr.rel @p0 .LBB2_23-.Ltmp16, $1  }
0x1b1: {  	_ =	sdelay $0x3  }
0x1b2: {  	s9 =	simm.s32 $0x3220;
	s14 =	simm.s32 $0x3620;
	p2 =	slt.u32 s5, $0xD  }
0x1b3: {  	[spmem:s4] =	stream.indirect.scatter.add.f32 [tilespmem:s14], [sflag:$0x6], $0x1, s9, s22, $0xb8;
	[tilespmem:$0x4460] =	vst v63  }
0x1b4: {  	s9 =	simm.s32 @!p2 $0x80;
	s14 =	simm.s32 @!p2 $0x32A0;
	s15 =	simm.s32 @!p2 $0x36A0  }
0x1b5: {  	[spmem:s4] =	stream.indirect.scatter.add.f32 @!p2 [tilespmem:s15], [sflag:$0x6], $0x1, s14, s9, $0xb8;
	[tilespmem:$0x4460] =	vst v63  }
0x1b6: {  	p3 =	slt.u32 @!p2 s5, $0x11;
	s9 =	simm.s32 @!p4 $0x0  }
0x1b7: {  	s9 =	simm.s32 @p4 $0x1;
	p4 =	por p3, p2  }
0x1b8: {  	[smem:$0x7F6] =	sst s9;
	s9 =	simm.s32 @!p4 $0x80  }
0x1b9: {  	s14 =	simm.s32 @!p4 $0x3320;
	s15 =	simm.s32 @!p4 $0x3720;
	p5 =	slt.u32 @!p4 s5, $0x15  }
0x1ba: {  	[spmem:s4] =	stream.indirect.scatter.add.f32 @!p4 [tilespmem:s15], [sflag:$0x6], $0x1, s14, s9, $0xb8;
	[tilespmem:$0x4460] =	vst v63  }
0x1bb: {  	p0 =	por @!p2 p5, p3  }
0x1bc: {  	p0 =	por p0, p2  }
0x1bd: {  	s9 =	simm.s32 @!p0 $0x80  }
0x1be: {  	s14 =	simm.s32 @!p0 $0x33A0;
	s15 =	simm.s32 @!p0 $0x37A0;
	p6 =	slt.u32 @!p0 s5, $0x19  }
0x1bf: {  	[spmem:s4] =	stream.indirect.scatter.add.f32 @!p0 [tilespmem:s15], [sflag:$0x6], $0x1, s14, s9, $0xb8;
	[tilespmem:$0x4460] =	vst v63  }
0x1c0: {  	p1 =	por @!p4 p6, p5  }
0x1c1: {  	p1 =	por @!p2 p1, p3  }
0x1c2: {  	p1 =	por p1, p2  }
0x1c3: {  	s9 =	simm.s32 @!p1 $0x80;
	s14 =	simm.s32 @!p1 $0x3420;
	s15 =	simm.s32 @!p1 $0x3820  }
0x1c4: {  	[spmem:s4] =	stream.indirect.scatter.add.f32 @!p1 [tilespmem:s15], [sflag:$0x6], $0x1, s14, s9, $0xb8;
	[tilespmem:$0x4460] =	vst v63  }
0x1c5: {  	p1 =	slt.u32 @!p1 s5, $0x1D  }
0x1c6: {  	s31 =	sld [smem:$0x7F6];
	p0 =	por @!p0 p1, p6  }
.Ltmp17:
0x1c7: {  	p0 =	por @!p4 p0, p5;
	(pc) =	sbr.rel .LBB2_23-.Ltmp17, $4  }
0x1c8: {  	p0 =	por @!p2 p0, p3  }
0x1c9: {  	p4 =	seq.s32 s31, $0x1;
	p0 =	por p0, p2  }
0x1ca: {  	s9 =	simm.s32 @!p0 $0x80;
	s14 =	simm.s32 @!p0 $0x34A0;
	s15 =	simm.s32 @!p0 $0x38A0  }
0x1cb: {  	[spmem:s4] =	stream.indirect.scatter.add.f32 @!p0 [tilespmem:s15], [sflag:$0x6], $0x1, s14, s9, $0xb8;
	[tilespmem:$0x4460] =	vst v63  }
.LBB2_24:
0x1cc: {  	s2 =	sld [smem:$0x7FA];
	_ =	sdelay $0x2  }
0x1cd: {  	p1 =	seq.s32 s2, $0x1  }
0x1ce: {  	s2 =	simm.s32 @!p1 $0x5  }
0x1cf: {  	p0 =	slt.u32 @!p1 s13, $0x5;
	_ =	swait.ge @!p1 [sflag:s2], $0x80  }
0x1d0: {  	p0 =	por p1, p0;
	[sflag:s2] =	ssyncset.done @!p1 $0x0  }
0x1d1: {  	[sflag:s2] =	ssyncadd.s32 @!p1 $0xFFFFFF80;
	p1 =	slt.u32 @!p0 s13, $0x9  }
0x1d2: {  	p1 =	por p0, p1  }
.Ltmp18:
0x1d3: {  	_ = 	snop;
	(pc) =	sbr.rel @p1 .LBB2_26-.Ltmp18, $4  }
0x1d4: {  	s2 =	simm.s32 @!p0 $0x5  }
0x1d5: {  	_ =	swait.ge @!p0 [sflag:s2], $0x80  }
0x1d6: {  	[sflag:s2] =	ssyncset.done @!p0 $0x0  }
0x1d7: {  	[sflag:s2] =	ssyncadd.s32 @!p0 $0xFFFFFF80  }
0x1d8: {  	p0 =	slt.u32 s13, $0xD  }
0x1d9: {  	p2 =	slt.u32 @!p0 s13, $0x11  }
0x1da: {  	_ =	swait.ge [sflag:s20], $0x80;
	s3 =	simm.s32 @!p4 $0x0;
	p3 =	por p2, p0  }
0x1db: {  	[sflag:s20] =	ssyncset.done $0x0;
	s3 =	simm.s32 @p4 $0x1;
	p4 =	slt.u32 @!p3 s13, $0x15  }
0x1dc: {  	[smem:$0x7F6] =	sst s3;
	s3 =	simm.s32 @!p4 $0x0;
	p1 =	por @!p0 p4, p2  }
0x1dd: {  	s2 =	simm.s32 @!p0 $0x5;
	s3 =	simm.s32 @p4 $0x1;
	p5 =	por p1, p0  }
0x1de: {  	[sflag:s20] =	ssyncadd.s32 $0xFFFFFF80;
	[smem:$0x7F5] =	sst s3;
	p1 =	slt.u32 @!p5 s13, $0x19  }
0x1df: {  	_ =	swait.ge @!p0 [sflag:s2], $0x80;
	s3 =	simm.s32 @!p1 $0x0  }
0x1e0: {  	[sflag:s2] =	ssyncset.done @!p0 $0x0;
	s3 =	simm.s32 @p1 $0x1  }
0x1e1: {  	[sflag:s2] =	ssyncadd.s32 @!p0 $0xFFFFFF80;
	s2 =	simm.s32 @!p3 $0x5;
	[smem:$0x7F4] =	sst s3  }
0x1e2: {  	_ =	swait.ge @!p3 [sflag:s2], $0x80  }
0x1e3: {  	[sflag:s2] =	ssyncset.done @!p3 $0x0  }
0x1e4: {  	[sflag:s2] =	ssyncadd.s32 @!p3 $0xFFFFFF80;
	s2 =	simm.s32 @!p5 $0x5  }
0x1e5: {  	_ =	swait.ge @!p5 [sflag:s2], $0x80  }
0x1e6: {  	p6 =	por @!p3 p1, p4;
	s29 =	sld [smem:$0x7F4]  }
0x1e7: {  	p6 =	por @!p0 p6, p2;
	s30 =	sld [smem:$0x7F5]  }
0x1e8: {  	p6 =	por p6, p0  }
0x1e9: {  	p1 =	slt.u32 @!p6 s13, $0x1D;
	p4 =	seq.s32 s29, $0x1  }
0x1ea: {  	[sflag:s2] =	ssyncset.done @!p5 $0x0;
	p1 =	por @!p5 p1, p4;
	p4 =	seq.s32 s30, $0x1  }
0x1eb: {  	[sflag:s2] =	ssyncadd.s32 @!p5 $0xFFFFFF80;
	s2 =	simm.s32 @!p6 $0x5;
	p1 =	por @!p3 p1, p4  }
0x1ec: {  	s31 =	sld [smem:$0x7F6];
	_ =	swait.ge @!p6 [sflag:s2], $0x80;
	p1 =	por @!p0 p1, p2  }
0x1ed: {  	[sflag:s2] =	ssyncset.done @!p6 $0x0;
	p0 =	por p1, p0  }
0x1ee: {  	[sflag:s2] =	ssyncadd.s32 @!p6 $0xFFFFFF80;
	s2 =	simm.s32 @!p0 $0x5  }
0x1ef: {  	_ =	swait.ge @!p0 [sflag:s2], $0x80  }
0x1f0: {  	[sflag:s2] =	ssyncset.done @!p0 $0x0  }
0x1f1: {  	p4 =	seq.s32 s31, $0x1;
	[sflag:s2] =	ssyncadd.s32 @!p0 $0xFFFFFF80  }
.LBB2_26:
0x1f2: {  	p0 =	slt.u32 @!p4 s5, $0x5  }
0x1f3: {  	s2 =	simm.s32 @!p4 $0x6;
	p0 =	por p4, p0  }
0x1f4: {  	_ =	swait.ge @!p4 [sflag:s2], $0x80;
	p1 =	slt.u32 @!p0 s5, $0x9  }
0x1f5: {  	[sflag:s2] =	ssyncset.done @!p4 $0x0;
	p1 =	por p0, p1  }
.Ltmp19:
0x1f6: {  	[sflag:s2] =	ssyncadd.s32 @!p4 $0xFFFFFF80;
	s2 =	simm.s32 @!p0 $0x6;
	(pc) =	sbr.rel @p1 .LBB2_28-.Ltmp19, $4  }
0x1f7: {  	_ =	swait.ge @!p0 [sflag:s2], $0x80  }
0x1f8: {  	[sflag:s2] =	ssyncset.done @!p0 $0x0  }
0x1f9: {  	s23 =	rddreg [dreg:$0x6];
	[sflag:s2] =	ssyncadd.s32 @!p0 $0xFFFFFF80  }
0x1fa: {  	s24 =	simm.s32 $0x9;
	s16 =	rddreg [dreg:$0x4]  }
0x1fb: {  	p0 =	slt.u32 s5, $0xD  }
0x1fc: {  	p1 =	slt.u32 @!p0 s5, $0x11  }
0x1fd: {  	p2 =	por p1, p0  }
0x1fe: {  	_ =	swait.ge [sflag:s21], $0x80;
	p3 =	slt.u32 @!p2 s5, $0x15  }
0x1ff: {  	[sflag:s21] =	ssyncset.done $0x0;
	s3 =	simm.s32 @!p3 $0x0;
	p4 =	por @!p0 p3, p1  }
0x200: {  	s2 =	simm.s32 @!p0 $0x6;
	s3 =	simm.s32 @p3 $0x1;
	p4 =	por p4, p0  }
0x201: {  	[sflag:s21] =	ssyncadd.s32 $0xFFFFFF80;
	[smem:$0x7F3] =	sst s3;
	p5 =	slt.u32 @!p4 s5, $0x19  }
0x202: {  	_ =	swait.ge @!p0 [sflag:s2], $0x80;
	s3 =	simm.s32 @!p5 $0x0  }
0x203: {  	[sflag:s2] =	ssyncset.done @!p0 $0x0;
	s3 =	simm.s32 @p5 $0x1  }
0x204: {  	[sflag:s2] =	ssyncadd.s32 @!p0 $0xFFFFFF80;
	s2 =	simm.s32 @!p2 $0x6;
	[smem:$0x7F2] =	sst s3  }
0x205: {  	_ =	swait.ge @!p2 [sflag:s2], $0x80  }
0x206: {  	[sflag:s2] =	ssyncset.done @!p2 $0x0  }
0x207: {  	[sflag:s2] =	ssyncadd.s32 @!p2 $0xFFFFFF80;
	s2 =	simm.s32 @!p4 $0x6  }
0x208: {  	_ =	swait.ge @!p4 [sflag:s2], $0x80  }
0x209: {  	p6 =	por @!p2 p5, p3;
	s30 =	sld [smem:$0x7F2]  }
0x20a: {  	p6 =	por @!p0 p6, p1;
	s31 =	sld [smem:$0x7F3]  }
0x20b: {  	p6 =	por p6, p0  }
0x20c: {  	p5 =	slt.u32 @!p6 s5, $0x1D;
	p3 =	seq.s32 s30, $0x1  }
0x20d: {  	[sflag:s2] =	ssyncset.done @!p4 $0x0;
	p5 =	por @!p4 p5, p3;
	p3 =	seq.s32 s31, $0x1  }
0x20e: {  	[sflag:s2] =	ssyncadd.s32 @!p4 $0xFFFFFF80;
	s2 =	simm.s32 @!p6 $0x6;
	p2 =	por @!p2 p5, p3  }
0x20f: {  	_ =	swait.ge @!p6 [sflag:s2], $0x80;
	p1 =	por @!p0 p2, p1  }
0x210: {  	[sflag:s2] =	ssyncset.done @!p6 $0x0;
	p0 =	por p1, p0  }
0x211: {  	[sflag:s2] =	ssyncadd.s32 @!p6 $0xFFFFFF80;
	s2 =	simm.s32 @!p0 $0x6  }
0x212: {  	_ =	swait.ge @!p0 [sflag:s2], $0x80  }
0x213: {  	[sflag:s2] =	ssyncset.done @!p0 $0x0  }
0x214: {  	[sflag:s2] =	ssyncadd.s32 @!p0 $0xFFFFFF80  }
.LBB2_28:
0x215: {  	[bflag:$0x0] =	sbarrier.arrive $0xFFFF;
	s2 =	simm.s32 $0x0  }
0x216: {  	[tilespmem:s2], [sflag:$0x9] =	stream.linear.gather [spmem:s23], $0x820, $0x38;
	[tilespmem:$0x4460] =	vst v63  }
0x217: {  	_ =	swait.ge [sflag:s24], $0x820  }
0x218: {  	[sflag:s24] =	ssyncset.done $0x0  }
0x219: {  	s3 =	simm.s32 $0x830;
	[sflag:s24] =	ssyncadd.s32 $0xFFFFF7E0  }
0x21a: {  	s5 =	simm.s32 $0x10;
	v3 =	vld [tilespmem:s3+$0xFFFFFFF0]  }
0x21b: {  	v4 =	vld [tilespmem:s5+$0xFFFFFFF0];
	_ =	sdelay $0x1  }
0x21c: {  	s9 =	smul.f32 $3.000000120e-01, s17;
	_ =	sdelay $0x1  }
0x21d: {  	v2 =	vmov s9  }
0x21e: {  	vm1 =	vge.f32 v4, v2;
	vm2 =	veq.s32 v3, $0x0  }
0x21f: {  	vm1 =	vmand vm1, vm2  }
0x220: {  	s25 =	sadd.s32 $0x0, s6;
	v5 =	vsel vm1, $0x1, v0  }
0x221: {  	p0 =	slt.u32 s25, $0x8000;
	vm2 =	vmmov vm0;
	(xrf0) =	vadd.scan.msk.s32 $0xffff, v5  }
0x222: {  	vm2 =	vmneg @p0 vm2  }
0x223: {  	vm2 =	vmand vm2, vm1;
	v3 =	vor.u32 v5, v3;
	v5 =	vmov s2  }
0x224: {  	[tilespmem:s3+$0xFFFFFFF0] =	vst v3;
	v3 =	vsel vm2, $0x0, v4;
	v4 =	vadd.s32 $0xFFFFFFFF, v5  }
0x225: {  	s13 =	rddreg [dreg:$0x8];
	[tilespmem:s5+$0xFFFFFFF0] =	vst v3  }
0x226: {  	v3 =	vbroadcast v4, $0x0;
	v5 =	vld @!p0 [tilespmem:s13+$0x0]  }
0x227: {  	v4, _, _ =	vpop (xrf0)  }
0x228: {  	v6 =	vadd.s32 v4, v3  }
0x229: {  	(v2sf) =	vpush v4, $0xF  }
0x22a: {  	v3 =	vmov s0  }
0x22b: {  	s26 =	sadd.s32 $0x800, s25;
	v4 =	vsel @!p0 vm1, v3, v5  }
0x22c: {  	[tilespmem:s13+$0x0] =	vst @!p0 v4;
	v4 =	vor.u32 s26, v1  }
0x22d: {  	[tilespmem:v6+s1+$0x0] =	vst.idx.msk vm1, v4  }
0x22e: {  	v4 =	vld [tilespmem:s5+$0x0]  }
0x22f: {  	v5 =	vld [tilespmem:s3+$0x0];
	_ =	sdelay $0x4  }
0x230: {  	vm1 =	vge.f32 v4, v2;
	vm2 =	veq.s32 v5, $0x0  }
0x231: {  	vm1 =	vmand vm1, vm2  }
0x232: {  	s28 =	sadd.s32 $0x10, s25;
	v6 =	vsel vm1, $0x1, v0  }
0x233: {  	p0 =	slt.u32 s28, $0x8000;
	vm2 =	vmmov vm0;
	(xrf0) =	vadd.scan.msk.s32 $0xffff, v6  }
0x234: {  	vm2 =	vmneg @p0 vm2;
	s29 =	spop (v2sf)  }
0x235: {  	vm2 =	vmand vm2, vm1;
	v5 =	vor.u32 v6, v5;
	s11 =	sadd.s32 $0x0, s29  }
0x236: {  	v4 =	vsel vm2, $0x0, v4;
	[tilespmem:s3+$0x0] =	vst v5;
	v5 =	vmov s11  }
0x237: {  	[tilespmem:s5+$0x0] =	vst v4;
	v4 =	vadd.s32 $0xFFFFFFFF, v5  }
0x238: {  	v5 =	vld @!p0 [tilespmem:s13+$0x10];
	v4 =	vbroadcast v4, $0x0  }
0x239: {  	v6, _, _ =	vpop (xrf0)  }
0x23a: {  	v4 =	vadd.s32 v6, v4  }
0x23b: {  	(v2sf) =	vpush v6, $0xF;
	_ =	sdelay $0x1  }
0x23c: {  	s30 =	sadd.s32 $0x810, s25;
	v5 =	vsel @!p0 vm1, v3, v5  }
0x23d: {  	[tilespmem:s13+$0x10] =	vst @!p0 v5;
	v5 =	vor.u32 s30, v1  }
0x23e: {  	s2 =	simm.s32 $0x850;
	[tilespmem:v4+s1+$0x0] =	vst.idx.msk vm1, v5  }
0x23f: {  	s3 =	simm.s32 $0x30;
	v5 =	vld [tilespmem:s2+$0xFFFFFFF0]  }
0x240: {  	v4 =	vld [tilespmem:s3+$0xFFFFFFF0];
	_ =	sdelay $0x3  }
0x241: {  	s31 =	sadd.s32 $0x20, s6  }
0x242: {  	vm3 =	vmmov vm0;
	p1 =	slt.u32 s31, $0x8000;
	vm1 =	vge.f32 v4, v2;
	vm2 =	veq.s32 v5, $0x0  }
0x243: {  	s10 =	simm.s32 $0x40;
	s14 =	sadd.s32 $0x800, s31;
	vm3 =	vmneg @p1 vm3;
	vm1 =	vmand vm1, vm2  }
0x244: {  	s12 =	sadd.s32 $0x10, s31;
	s9 =	smov.u32 s13;
	s5 =	sadd.s32 $0x810, s31;
	v6 =	vsel vm1, $0x1, v0;
	vm2 =	vmand vm3, vm1  }
.LBB2_29:
0x245: {  	s9 =	sadd.s32 $0x20, s9  }
0x246: {  	(xrf0) =	vadd.scan.msk.s32 $0xffff, v6;
	s15 =	spop (v2sf);
	s13 =	smov.u32 s10;
	s10 =	sadd.s32 $0x20, s10  }
0x247: {  	p0 =	sne.s32 s10, $0x820;
	s11 =	sadd.s32 s11, s15  }
0x248: {  	v5 =	vor.u32 v6, v5;
	v6 =	vmov s11  }
0x249: {  	v4 =	vsel vm2, $0x0, v4;
	[tilespmem:s2+$0xFFFFFFF0] =	vst v5;
	v5 =	vadd.s32 $0xFFFFFFFF, v6  }
0x24a: {  	[tilespmem:s3+$0xFFFFFFF0] =	vst v4  }
0x24b: {  	v5 =	vbroadcast v5, $0x0;
	v4 =	vld @!p1 [tilespmem:s9+$0x0]  }
0x24c: {  	v6, _, _ =	vpop (xrf0)  }
0x24d: {  	v5 =	vadd.s32 v6, v5;
	(v2sf) =	vpush v6, $0xF;
	_ =	sdelay $0x2  }
0x24e: {  	v4 =	vsel @!p1 vm1, v3, v4  }
0x24f: {  	[tilespmem:s9+$0x0] =	vst @!p1 v4;
	v4 =	vor.u32 s14, v1  }
0x250: {  	[tilespmem:v5+s1+$0x0] =	vst.idx.msk vm1, v4  }
0x251: {  	v4 =	vld [tilespmem:s3+$0x0]  }
0x252: {  	v5 =	vld [tilespmem:s2+$0x0];
	_ =	sdelay $0x4  }
0x253: {  	vm1 =	vge.f32 v4, v2;
	vm2 =	veq.s32 v5, $0x0  }
0x254: {  	p1 =	slt.u32 s12, $0x8000;
	vm1 =	vmand vm1, vm2;
	vm2 =	vmmov vm0  }
0x255: {  	vm2 =	vmneg @p1 vm2  }
0x256: {  	v6 =	vsel vm1, $0x1, v0;
	vm2 =	vmand vm2, vm1  }
0x257: {  	v5 =	vor.u32 v6, v5;
	v4 =	vsel vm2, $0x0, v4;
	s12 =	spop (v2sf);
	(xrf0) =	vadd.scan.msk.s32 $0xffff, v6  }
0x258: {  	s11 =	sadd.s32 s11, s12;
	[tilespmem:s2+$0x0] =	vst v5  }
0x259: {  	[tilespmem:s3+$0x0] =	vst v4;
	v4 =	vmov s11  }
0x25a: {  	v5 =	vld @!p1 [tilespmem:s9+$0x10];
	v4 =	vadd.s32 $0xFFFFFFFF, v4  }
0x25b: {  	v4 =	vbroadcast v4, $0x0;
	_ =	sdelay $0x1  }
0x25c: {  	v6, _, _ =	vpop (xrf0)  }
0x25d: {  	v4 =	vadd.s32 v6, v4;
	(v2sf) =	vpush v6, $0xF  }
0x25e: {  	v5 =	vsel @!p1 vm1, v3, v5  }
0x25f: {  	[tilespmem:s9+$0x10] =	vst @!p1 v5  }
0x260: {  	v5 =	vor.u32 s5, v1  }
0x261: {  	s2 =	sadd.s32 $0x20, s2  }
0x262: {  	[tilespmem:v4+s1+$0x0] =	vst.idx.msk vm1, v5  }
0x263: {  	s3 =	sadd.s32 $0x20, s3;
	v5 =	vld [tilespmem:s2+$0xFFFFFFF0]  }
0x264: {  	v4 =	vld [tilespmem:s3+$0xFFFFFFF0];
	_ =	sdelay $0x3  }
.Ltmp20:
0x265: {  	(pc) =	sbr.rel @p0 .LBB2_29-.Ltmp20, $4  }
0x266: {  	s5 =	sadd.s32 s13, s6;
	vm2 =	veq.s32 v5, $0x0;
	vm1 =	vge.f32 v4, v2  }
0x267: {  	p1 =	slt.u32 s5, $0x8000;
	s14 =	sadd.s32 $0x800, s5;
	s12 =	sadd.s32 $0x10, s5;
	vm1 =	vmand vm1, vm2;
	vm2 =	vmmov vm0  }
0x268: {  	s5 =	sadd.s32 $0x810, s5;
	vm2 =	vmneg @p1 vm2  }
0x269: {  	v6 =	vsel vm1, $0x1, v0;
	vm2 =	vmand vm2, vm1  }
0x26a: {  	(xrf0) =	vadd.scan.msk.s32 $0xffff, v6  }
0x26b: {  	s10 =	spop (v2sf)  }
0x26c: {  	v5 =	vor.u32 v6, v5;
	s10 =	sadd.s32 s11, s10  }
0x26d: {  	v4 =	vsel vm2, $0x0, v4;
	[tilespmem:s2+$0xFFFFFFF0] =	vst v5;
	v50 =	vmov s10  }
0x26e: {  	s9 =	sadd.s32 $0x20, s9;
	[tilespmem:s3+$0xFFFFFFF0] =	vst v4;
	v51 =	vadd.s32 $0xFFFFFFFF, v50  }
0x26f: {  	v4 =	vld @!p1 [tilespmem:s9+$0x0];
	v5 =	vbroadcast v51, $0x0  }
0x270: {  	v52, _, _ =	vpop (xrf0)  }
0x271: {  	v5 =	vadd.s32 v52, v5;
	_ =	sdelay $0x2  }
0x272: {  	v4 =	vsel @!p1 vm1, v3, v4  }
0x273: {  	v53 =	vor.u32 s14, v1;
	[tilespmem:s9+$0x0] =	vst @!p1 v4  }
0x274: {  	[tilespmem:v5+s1+$0x0] =	vst.idx.msk vm1, v53  }
0x275: {  	v4 =	vld [tilespmem:s3+$0x0]  }
0x276: {  	v5 =	vld [tilespmem:s2+$0x0];
	_ =	sdelay $0x4  }
0x277: {  	(v2sf) =	vpush v52, $0xF;
	vm1 =	vge.f32 v4, v2;
	vm2 =	veq.s32 v5, $0x0  }
0x278: {  	vm1 =	vmand vm1, vm2  }
0x279: {  	v2 =	vsel vm1, $0x1, v0  }
0x27a: {  	(xrf0) =	vadd.scan.msk.s32 $0xffff, v2;
	_ =	sdelay $0x5  }
0x27b: {  	v54, _, _ =	vpop (xrf0)  }
0x27c: {  	(v2sf) =	vpush v54, $0xF;
	_ =	sdelay $0x3  }
0x27d: {  	p0 =	slt.u32 s12, $0x8000;
	vm2 =	vmmov vm0  }
0x27e: {  	vm2 =	vmneg @p0 vm2;
	s31 =	spop (v2sf)  }
0x27f: {  	vm2 =	vmand vm2, vm1;
	v2 =	vor.u32 v2, v5;
	s10 =	sadd.s32 s10, s31  }
0x280: {  	v4 =	vsel vm2, $0x0, v4;
	[tilespmem:s2+$0x0] =	vst v2;
	v2 =	vmov s10  }
0x281: {  	[tilespmem:s3+$0x0] =	vst v4;
	v2 =	vadd.s32 $0xFFFFFFFF, v2  }
0x282: {  	v4 =	vld @!p0 [tilespmem:s9+$0x10];
	v2 =	vbroadcast v2, $0x0;
	_ =	sdelay $0x1  }
0x283: {  	v2 =	vadd.s32 v54, v2;
	_ =	sdelay $0x2  }
0x284: {  	v3 =	vsel @!p0 vm1, v3, v4  }
0x285: {  	[tilespmem:s9+$0x10] =	vst @!p0 v3;
	v3 =	vor.u32 s5, v1;
	s9 =	spop (v2sf)  }
0x286: {  	s11 =	simm.s32 $0x0;
	[tilespmem:v2+s1+$0x0] =	vst.idx.msk vm1, v3;
	s12 =	sadd.s32 s10, s9  }
0x287: {  	[spmem:s23] =	stream.linear.scatter [tilespmem:s11], [sflag:$0x7], $0x820, $0x38;
	v2 =	vmov s12;
	[tilespmem:$0x4460] =	vst v63  }
0x288: {  	s13 =	rddreg [dreg:$0x7];
	s14 =	simm.s32 $0x3B20;
	s15 =	simm.s32 $0x7;
	[tilespmem:$0x3B20] =	vst v2  }
0x289: {  	[spmem:s13] =	stream.linear.scatter [tilespmem:s14], [sflag:$0x8], $0x10, $0x38;
	[tilespmem:$0x4460] =	vst v63  }
0x28a: {  	_ =	swait.ge [sflag:s15], $0x820  }
0x28b: {  	[sflag:s15] =	ssyncset.done $0x0  }
0x28c: {  	s25 =	simm.s32 $0x8;
	[sflag:s15] =	ssyncadd.s32 $0xFFFFF7E0  }
0x28d: {  	_ =	swait.ge [sflag:s25], $0x10  }
0x28e: {  	[sflag:s25] =	ssyncset.done $0x0  }
0x28f: {  	[sflag:s25] =	ssyncadd.s32 $0xFFFFFFF0  }
0x290: {  	s26 =	simm.s32 $0x3B30;
	[bflag:$0x0] =	sbarrier.arrive $0xFFFF  }
0x291: {  	[tilespmem:s26], [sflag:$0x9] =	stream.linear.gather [spmem:s16], $0x100, $0x38;
	[tilespmem:$0x4460] =	vst v63  }
0x292: {  	_ =	swait.ge [sflag:s24], $0x100  }
0x293: {  	[sflag:s24] =	ssyncset.done $0x0  }
0x294: {  	[sflag:s24] =	ssyncadd.s32 $0xFFFFFF00  }
0x295: {  	v2 =	vld [tilespmem:$0x3B30]  }
0x296: {  	v3 =	vld [tilespmem:$0x3B40]  }
0x297: {  	v55 =	vld [tilespmem:$0x3B50]  }
0x298: {  	v56 =	vld [tilespmem:$0x3B60]  }
0x299: {  	v57 =	vld [tilespmem:$0x3B70]  }
0x29a: {  	v7 =	vld [tilespmem:$0x3B80];
	(v2sf) =	vpush v2, $0x0  }
0x29b: {  	v2 =	vld [tilespmem:$0x3B90];
	(v2sf) =	vpush v3, $0x0  }
0x29c: {  	v3 =	vld [tilespmem:$0x3BA0];
	(v2sf) =	vpush v55, $0x0  }
0x29d: {  	v58 =	vld [tilespmem:$0x3BB0];
	(v2sf) =	vpush v56, $0x0  }
0x29e: {  	v59 =	vld [tilespmem:$0x3BC0];
	(v2sf) =	vpush v57, $0x0  }
0x29f: {  	v60 =	vld [tilespmem:$0x3BD0];
	(v2sf) =	vpush v7, $0x0  }
0x2a0: {  	v61 =	vld [tilespmem:$0x3BE0];
	(v2sf) =	vpush v2, $0x0  }
0x2a1: {  	v2 =	vld [tilespmem:$0x3BF0];
	(v2sf) =	vpush v3, $0x0  }
0x2a2: {  	v3 =	vld [tilespmem:$0x3C00];
	(v2sf) =	vpush v58, $0x0  }
0x2a3: {  	v62 =	vld [tilespmem:$0x3C10];
	(v2sf) =	vpush v59, $0x0  }
0x2a4: {  	v63 =	vld [tilespmem:$0x3C20];
	(v2sf) =	vpush v60, $0x0  }
0x2a5: {  	(v2sf) =	vpush v61, $0x0  }
0x2a6: {  	(v2sf) =	vpush v2, $0x0  }
0x2a7: {  	(v2sf) =	vpush v3, $0x0  }
0x2a8: {  	(v2sf) =	vpush v62, $0x0  }
0x2a9: {  	s28 =	spop (v2sf);
	(v2sf) =	vpush v63, $0x0  }
0x2aa: {  	s29 =	spop (v2sf)  }
0x2ab: {  	s30 =	spop (v2sf);
	s2 =	sadd.s32 s28, s29  }
0x2ac: {  	s31 =	spop (v2sf);
	s2 =	sadd.s32 s30, s2  }
0x2ad: {  	s9 =	spop (v2sf);
	s2 =	sadd.s32 s31, s2  }
0x2ae: {  	s10 =	spop (v2sf);
	s2 =	sadd.s32 s9, s2  }
0x2af: {  	s11 =	spop (v2sf);
	s2 =	sadd.s32 s10, s2  }
0x2b0: {  	s13 =	spop (v2sf);
	s2 =	sadd.s32 s11, s2  }
0x2b1: {  	s14 =	spop (v2sf);
	s2 =	sadd.s32 s13, s2  }
0x2b2: {  	s15 =	spop (v2sf);
	s2 =	sadd.s32 s14, s2  }
0x2b3: {  	s25 =	spop (v2sf);
	s2 =	sadd.s32 s15, s2  }
0x2b4: {  	s26 =	spop (v2sf);
	s2 =	sadd.s32 s25, s2  }
0x2b5: {  	s28 =	spop (v2sf);
	s2 =	sadd.s32 s26, s2  }
0x2b6: {  	s29 =	spop (v2sf);
	s2 =	sadd.s32 s28, s2  }
0x2b7: {  	s30 =	spop (v2sf);
	s2 =	sadd.s32 s29, s2  }
0x2b8: {  	s2 =	sadd.s32 s30, s2;
	s31 =	spop (v2sf)  }
0x2b9: {  	p0 =	sgt.u32 s0, $0x12;
	s2 =	sadd.s32 s31, s2  }
0x2ba: {  	p1 =	sgt.s32 @!p0 s2, $0x0  }
0x2bb: {  	p0 =	por p0, !p1  }
.Ltmp21:
0x2bc: {  	_ = 	snop;
	(pc) =	sbr.rel @!p0 .LBB2_7-.Ltmp21, $2  }
0x2bd: {  	_ =	sdelay $0x2  }
0x2be: {  	s17 =	smul.f32 $1.051271080e+00, s17;
	s0 =	sadd.s32 $0x1, s0  }
.LBB2_31:
0x2bf: {  	s5 =	stileid.u32  }
0x2c0: {  	p0 =	sne.s32 s5, $0xF  }
0x2c1: {  	s2 =	rddreg [dreg:$0x1];
	s0 =	simm.s32 @!p0 $0x0;
	s1 =	simm.s32 @!p0 $0x3920  }
0x2c2: {  	[hbm4b:s2+s0] =	stream.linear.scatter @!p0 [tilespmem:s1], [sflag:$0x9], $0x200, $0x38;
	[tilespmem:$0x4460] =	vst v63  }
0x2c3: {  	s1 =	simm.s32 @!p0 $0x9  }
0x2c4: {  	_ =	swait.ge @!p0 [sflag:s1], $0x200  }
0x2c5: {  	[sflag:s1] =	ssyncset.done @!p0 $0x0  }
0x2c6: {  	[sflag:s1] =	ssyncadd.s32 @!p0 $0xFFFFFE00  }
0x2c7: {  	s2 =	simm.s32 @!p0 $0x620;
	s3 =	rddreg [dreg:$0x2]  }
0x2c8: {  	[hbm4b:s3+s0] =	stream.linear.scatter @!p0 [tilespmem:s2], [sflag:$0x9], $0x200, $0x38;
	[tilespmem:$0x4460] =	vst v63  }
0x2c9: {  	_ =	swait.ge @!p0 [sflag:s1], $0x200  }
0x2ca: {  	[sflag:s1] =	ssyncset.done @!p0 $0x0  }
0x2cb: {  	[sflag:s1] =	ssyncadd.s32 @!p0 $0xFFFFFE00  }
0x2cc: {  	s3 =	rddreg [dreg:$0x5]  }
.LBB2_32:
0x2cd: {  	_ =	sfence.sel $0x180000  }
0x2ce: {  	[bflag:$0x0] =	sbarrier.arrive $0xFFFF  }
0x2cf: {  	p0 =	sne.s32 s5, $0x0;
	_ =	strace $0x90000047  }
0x2d0: {  	s0 =	sadd.s32 @!p0 $0x100000, s3;
	[bflag:$0x2] =	sbarrier.arrive $0xFFFF  }
0x2d1: {  	[sflag:s0] =	ssyncadd.tile.s32 @!p0 $0x1;
	_ =	shalt  }
.Lfunc_end2:
_tile_overlayer_lowered:
.L_overlay_start_2:
0x2d2: {  	(tag) =	ssettag $0x2  }
0x2d3: {  	s0 =	rddreg [dreg:$0x0];
	s2 =	stileid.u32  }
0x2d4: {  	s1 =	rddreg [dreg:$0x1];
	p0 =	sne.s32 s2, $0x0  }
0x2d5: {  	s3 =	rddreg [dreg:$0x2];
	[bflag:$0x3] =	sbarrier.arrive $0xFFFF;
	s2 =	simm.s32 @!p0 $0x1C09  }
0x2d6: {  	[timem:s3], [sflag:s2] =	dma.local @!p0 [hbm:s0], s1  }
0x2d7: {  	s0 =	simm.s32 @!p0 $0x9  }
0x2d8: {  	_ =	swait.ge @!p0 [sflag:s0], s1  }
0x2d9: {  	s1 =	ssub.s32 @!p0 $0x0, s1;
	[sflag:s0] =	ssyncset.done @!p0 $0x0  }
0x2da: {  	[sflag:s0] =	ssyncadd.s32 @!p0 s1  }
0x2db: {  	[bflag:$0x3] =	sbarrier.arrive $0xFFFF  }
0x2dc: {  	_ =	shalt  }

</sc_bundles>
